<compile_context>
chip_gen: v7x
topology: tpu7x:2x2x1
jax: 0.10.2.dev20260603
libtpu: 0.0.44.dev20260713+nightly
codegen_flags: <defaults>
</compile_context>

<pallas_src>
import functools

import jax
import jax.numpy as jnp
from jax import lax
from jax.experimental import pallas as pl
from jax.experimental.pallas import tpu as pltpu
from jax.experimental.pallas import tpu_sc as plsc

N = 4096
NNZ = 1677721
NS = 16
L = 16
BLK = 32768
NBLK = 52
NNZ_PAD = NBLK * BLK
TOTAL_PAD = 3 * NNZ_PAD
W = 2048
WROWS = W // 128
C = TOTAL_PAD // NS
NFLAT = N * N
RANGE = 1703936
TW = RANGE // NS
LAST_WORDS = NFLAT - 9 * RANGE
TW_LAST = LAST_WORDS // NS
DUMP_MASK = (1 << 20) - 1
ZB = 1024
XB = 1024


def _prep_body(r0, c0, v0, r1, c1, v1, r2, c2, v2, ar, flat_ref, vals_ref):
    op = pl.program_id(0)
    j = pl.program_id(1)
    r = jnp.where(op == 0, r0[...], jnp.where(op == 1, r1[...], r2[...]))
    c = jnp.where(op == 0, c0[...], jnp.where(op == 1, c1[...], c2[...]))
    v = jnp.where(op == 0, v0[...], jnp.where(op == 1, v1[...], v2[...]))
    p = j * BLK + ar[...]
    valid = p < NNZ
    flat_ref[...] = jnp.where(valid, (r << 12) | c, p)
    vals_ref[...] = jnp.where(valid, v, 0.0)


def _in_spec(i):
    return pl.BlockSpec((BLK,), lambda op, j, i=i: (jnp.where(op == i, j, 0),))


_tc_prep = pl.pallas_call(
    _prep_body,
    grid=(3, NBLK),
    in_specs=[s for i in range(3) for s in (_in_spec(i),) * 3]
    + [pl.BlockSpec((BLK,), lambda op, j: (0,))],
    out_specs=[
        pl.BlockSpec((BLK,), lambda op, j: (op * NBLK + j,)),
        pl.BlockSpec((BLK,), lambda op, j: (op * NBLK + j,)),
    ],
    out_shape=[
        jax.ShapeDtypeStruct((TOTAL_PAD,), jnp.int32),
        jax.ShapeDtypeStruct((TOTAL_PAD,), jnp.float32),
    ],
)


@functools.partial(
    pl.kernel,
    out_type=jax.ShapeDtypeStruct((NFLAT,), jnp.float32),
    mesh=plsc.VectorSubcoreMesh(core_axis_name="c", subcore_axis_name="s"),
    scratch_types=[
        pltpu.VMEM((2, W), jnp.int32),
        pltpu.VMEM((4, W), jnp.float32),
        pltpu.VMEM((4, WROWS, 128), jnp.int32),
        pltpu.VMEM((ZB,), jnp.float32),
        pltpu.VMEM((2, XB), jnp.float32),
        pltpu.VMEM_SHARED((RANGE,), jnp.float32),
        pltpu.SemaphoreType.DMA,
        pltpu.SemaphoreType.DMA,
        pltpu.SemaphoreType.DMA,
        pltpu.SemaphoreType.DMA,
        pltpu.SemaphoreType.DMA,
        pltpu.SemaphoreType.DMA,
        pltpu.SemaphoreType.DMA,
        pltpu.SemaphoreType.DMA,
        pltpu.SemaphoreType.DMA,
        pltpu.SemaphoreType.DMA,
        pltpu.SemaphoreType.DMA,
        pltpu.SemaphoreType.DMA,
    ],
)
def _sc_scatter(flat_hbm, vals_hbm, zeros_hbm, out_hbm,
                flat_v, vals_v, idx_v, zv, xb, acc,
                f0, f1, v0, v1, v2, v3, s0, s1, s2, s3, sem_x, sem_o):
    sem_f = (f0, f1)
    sem_v = (v0, v1, v2, v3)
    sem_sc = (s0, s1, s2, s3)
    core = lax.axis_index("c")
    tid = lax.axis_index("s")
    chunk0 = tid * C
    pltpu.sync_copy(zeros_hbm, zv)

    def fire_in(start, b, v):
        start = pl.multiple_of(start, 128)
        pltpu.async_copy(flat_hbm.at[pl.ds(start, W)], flat_v.at[b],
                         sem_f[b])
        pltpu.async_copy(vals_hbm.at[pl.ds(start, W)], vals_v.at[v],
                         sem_v[v])

    def wait_in(b, v):
        pltpu.make_async_copy(flat_hbm.at[pl.ds(0, W)], flat_v.at[b],
                              sem_f[b]).wait()
        pltpu.make_async_copy(vals_hbm.at[pl.ds(0, W)], vals_v.at[v],
                              sem_v[v]).wait()

    def drain_scatter(v):
        pltpu.make_async_copy(vals_hbm.at[pl.ds(0, W)], vals_v.at[v],
                              sem_sc[v]).wait()

    def one_pass(range_id):
        base_u = (range_id * RANGE).astype(jnp.uint32)
        tw = jnp.where(range_id == 9, TW_LAST, TW)
        @pl.loop(0, TW, step=ZB)
        def _zf(k):
            pltpu.async_copy(
                zv, acc.at[pl.ds(pl.multiple_of(tid * TW + k, 8), ZB)],
                sem_x)

        @pl.loop(0, TW, step=ZB)
        def _zw(k):
            pltpu.make_async_copy(zeros_hbm, zv, sem_x).wait()
        plsc.subcore_barrier()

        fire_in(chunk0, 0, 0)
        fire_in(chunk0 + W, 1, 1)

        @pl.loop(0, C, step=4 * W)
        def _g(w):
            for u in range(4):
                b = u % 2
                wu = w + u * W
                wait_in(b, u)

                @pl.loop(0, WROWS)
                def _row(j):
                    for i in range(0, 128, L):
                        f = flat_v[b, pl.ds(j * 128 + i, L)]
                        rel = f.astype(jnp.uint32) - base_u
                        msk = rel < jnp.uint32(RANGE)
                        alt = rel & jnp.uint32(DUMP_MASK)
                        idx_v[u, j, pl.ds(i, L)] = jnp.where(
                            msk, rel, alt).astype(jnp.int32)
                        v = vals_v[u, pl.ds(j * 128 + i, L)]
                        vals_v[u, pl.ds(j * 128 + i, L)] = jnp.where(
                            msk, v, 0.0)

                @pl.loop(0, WROWS)
                def _fire(j):
                    pltpu.async_copy(
                        vals_v.at[u, pl.ds(pl.multiple_of(j * 128, 128), 128)],
                        acc.at[idx_v.at[u, j]], sem_sc[u], add=True)

                nv = (u + 2) % 4
                if u < 2:
                    @pl.when(w > 0)
                    def _():
                        drain_scatter(nv)
                else:
                    drain_scatter(nv)

                @pl.when(wu + 2 * W < C)
                def _():
                    fire_in(chunk0 + wu + 2 * W, b, nv)

        drain_scatter(2)
        drain_scatter(3)
        plsc.subcore_barrier()

        @pl.loop(0, tw, step=2 * XB)
        def _exp(k):
            for b in (0, 1):
                kb = k + b * XB
                kb = pl.multiple_of(kb, 8)

                @pl.when(kb >= 2 * XB)
                def _():
                    pltpu.make_async_copy(xb.at[b], out_hbm.at[pl.ds(0, XB)],
                                          sem_o).wait()

                srco = pl.multiple_of(tid * tw + kb, 8)
                pltpu.async_copy(acc.at[pl.ds(srco, XB)], xb.at[b], sem_x)
                pltpu.make_async_copy(zeros_hbm, xb.at[b], sem_x).wait()
                dst = pl.multiple_of(
                    (base_u + jnp.uint32(tid * tw + kb)).astype(jnp.int32), 8)
                pltpu.async_copy(xb.at[b], out_hbm.at[pl.ds(dst, XB)], sem_o)

        for k in range(2):
            pltpu.make_async_copy(xb.at[k], out_hbm.at[pl.ds(0, XB)],
                                  sem_o).wait()

    @pl.loop(0, 5)
    def _p(p):
        one_pass(core * 5 + p)


def kernel(rows0, cols0, vals0, rows1, cols1, vals1, rows2, cols2, vals2):
    ar = jnp.arange(BLK, dtype=jnp.int32)
    flat_all, vals_all = _tc_prep(rows0, cols0, vals0, rows1, cols1, vals1,
                                  rows2, cols2, vals2, ar)
    zeros = jnp.zeros((ZB,), jnp.float32)
    flat = _sc_scatter(flat_all, vals_all, zeros)
    return flat.reshape(N, N)

# --- scband reference (transcript-rebuilt; emitter-appended) ---
"""Pipeline reference for scband-add-sparse-29008209117478 (READ-ONLY COPY).

The authoritative reference and input builder live on the scoring server;
editing this copy changes nothing except your own understanding.
"""

import jax, jax.numpy as jnp
import numpy as np

N = 4096
NNZ = 1677721

def setup_inputs(seed: int = 0) -> dict:
    key = jax.random.key(seed)
    ks = jax.random.split(key, 9)
    inp = {}
    for i in range(3):
        inp[f"rows{i}"] = jax.random.randint(ks[3 * i + 0], (NNZ,), 0, N, dtype=jnp.int32)
        inp[f"cols{i}"] = jax.random.randint(ks[3 * i + 1], (NNZ,), 0, N, dtype=jnp.int32)
        inp[f"vals{i}"] = jax.random.normal(ks[3 * i + 2], (NNZ,), dtype=jnp.float32)
    return inp

def reference(rows0, cols0, vals0, rows1, cols1, vals1, rows2, cols2, vals2):
    # AddSparse: tf.sparse.add of a list of sparse matrices.
    # Represented here as COO (rows, cols, vals) scatter-added into a dense
    # accumulator; elementwise sum of the sparse operands (duplicate indices
    # accumulate, matching tf.sparse.add semantics on the value level).
    dense = jnp.zeros((N, N), dtype=jnp.float32)
    dense = dense.at[rows0, cols0].add(vals0)
    dense = dense.at[rows1, cols1].add(vals1)
    dense = dense.at[rows2, cols2].add(vals2)
    return dense

if __name__ == "__main__":
    import jax
    _d = setup_inputs()
    print(jax.jit(kernel)(*tuple(_d.values())))

</pallas_src>

<mosaic_0001>
#map = affine_map<(d0, d1) -> (0)>
module attributes {stable_mosaic.version = 14 : i64} {
  func.func @_sc_scatter(%arg0: i32, %arg1: i32, %arg2: memref<5111808xi32, #tpu.memory_space<hbm>>, %arg3: memref<5111808xf32, #tpu.memory_space<hbm>>, %arg4: memref<1024xf32, #tpu.memory_space<hbm>>, %arg5: memref<16777216xf32, #tpu.memory_space<hbm>>, %arg6: memref<2x2048xi32, #tpu.memory_space<vmem>>, %arg7: memref<4x2048xf32, #tpu.memory_space<vmem>>, %arg8: memref<4x16x128xi32, #tpu.memory_space<vmem>>, %arg9: memref<1024xf32, #tpu.memory_space<vmem>>, %arg10: memref<2x1024xf32, #tpu.memory_space<vmem>>, %arg11: memref<1703936xf32, #tpu.memory_space<vmem_shared>>, %arg12: memref<!tpu.dma_semaphore, #tpu.memory_space<semaphore_mem>>, %arg13: memref<!tpu.dma_semaphore, #tpu.memory_space<semaphore_mem>>, %arg14: memref<!tpu.dma_semaphore, #tpu.memory_space<semaphore_mem>>, %arg15: memref<!tpu.dma_semaphore, #tpu.memory_space<semaphore_mem>>, %arg16: memref<!tpu.dma_semaphore, #tpu.memory_space<semaphore_mem>>, %arg17: memref<!tpu.dma_semaphore, #tpu.memory_space<semaphore_mem>>, %arg18: memref<!tpu.dma_semaphore, #tpu.memory_space<semaphore_mem>>, %arg19: memref<!tpu.dma_semaphore, #tpu.memory_space<semaphore_mem>>, %arg20: memref<!tpu.dma_semaphore, #tpu.memory_space<semaphore_mem>>, %arg21: memref<!tpu.dma_semaphore, #tpu.memory_space<semaphore_mem>>, %arg22: memref<!tpu.dma_semaphore, #tpu.memory_space<semaphore_mem>>, %arg23: memref<!tpu.dma_semaphore, #tpu.memory_space<semaphore_mem>>) attributes {dimension_semantics = [#tpu.dimension_semantics<core_parallel>, #tpu.dimension_semantics<subcore_parallel>], iteration_bounds = array<i64: 2, 16>, scalar_prefetch = 0 : i64, scratch_operands = 18 : i64, tpu.core_type = #tpu.core_type<sc_vector_subcore>, window_params = [{transform_indices = #map}, {transform_indices = #map}, {transform_indices = #map}, {transform_indices = #map}]} {
    %mul3A = arith.constant 319488 : i32
    %mul3A_0 = arith.muli %arg1, %mul3A : i32
    "tpu.region"() ({
      %run_scoped3A = tpu.sem_alloc : memref<!tpu.dma_semaphore, #tpu.memory_space<semaphore_mem>>
      tpu.enqueue_dma source(%arg4 : memref<1024xf32, #tpu.memory_space<hbm>>) target(%arg9 : memref<1024xf32, #tpu.memory_space<vmem>>) target_semaphore(%run_scoped3A : memref<!tpu.dma_semaphore, #tpu.memory_space<semaphore_mem>>)
      tpu.wait_dma2 semaphore(%run_scoped3A : memref<!tpu.dma_semaphore, #tpu.memory_space<semaphore_mem>>) src(%arg4 : memref<1024xf32, #tpu.memory_space<hbm>>) dst(%arg9 : memref<1024xf32, #tpu.memory_space<vmem>>)
      tpu.yield
    }) : () -> ()
    %scan3A = arith.constant 0 : i32
    %scan3A_1 = arith.constant 5 : i32
    %scan3A_2 = arith.addi %scan3A, %scan3A_1 : i32
    %scan3A_3 = arith.constant 1 : i32
    scf.for %scan3A_5 = %scan3A to %scan3A_2 step %scan3A_3  : i32 {
      %mul3A_6 = arith.constant 1 : i32
      %mul3A_7 = arith.muli %scan3A_5, %mul3A_6 : i32
      %add3A = arith.constant 0 : i32
      %add3A_8 = arith.addi %add3A, %mul3A_7 : i32
      %mul3A_9 = arith.constant 5 : i32
      %mul3A_10 = arith.muli %arg0, %mul3A_9 : i32
      %add3A_11 = arith.addi %mul3A_10, %add3A_8 : i32
      %mul3A_12 = arith.constant 1703936 : i32
      %mul3A_13 = arith.muli %add3A_11, %mul3A_12 : i32
      %eq3A = arith.constant 9 : i32
      %eq3A_14 = arith.cmpi eq, %add3A_11, %eq3A : i32
      %jit3A = arith.constant 90112 : i32
      %jit3A_15 = arith.constant 106496 : i32
      %select_n3A = arith.select %eq3A_14, %jit3A, %jit3A_15 : i32
      %scan3A_16 = arith.constant 0 : i32
      %scan3A_17 = arith.constant 104 : i32
      %scan3A_18 = arith.addi %scan3A_16, %scan3A_17 : i32
      %scan3A_19 = arith.constant 1 : i32
      scf.for %scan3A_129 = %scan3A_16 to %scan3A_18 step %scan3A_19  : i32 {
        %mul3A_130 = arith.constant 1024 : i32
        %mul3A_131 = arith.muli %scan3A_129, %mul3A_130 : i32
        %add3A_132 = arith.constant 0 : i32
        %add3A_133 = arith.addi %add3A_132, %mul3A_131 : i32
        %mul3A_134 = arith.constant 106496 : i32
        %mul3A_135 = arith.muli %arg1, %mul3A_134 : i32
        %add3A_136 = arith.addi %mul3A_135, %add3A_133 : i32
        %multiple_of3A_137 = tpu.assume_multiple %add3A_136, 8 : i32
        %dma_start3A_138 = tpu.memref_slice %arg11[%multiple_of3A_137] : memref<1703936xf32, #tpu.memory_space<vmem_shared>> -> memref<1024xf32, #tpu.memory_space<vmem_shared>>
        %dma_start3A_139 = tpu.memref_slice %arg11[%multiple_of3A_137] : memref<1703936xf32, #tpu.memory_space<vmem_shared>> -> memref<1024xf32, #tpu.memory_space<vmem_shared>>
        tpu.enqueue_dma source(%arg9 : memref<1024xf32, #tpu.memory_space<vmem>>) target(%dma_start3A_139 : memref<1024xf32, #tpu.memory_space<vmem_shared>>) target_semaphore(%arg22 : memref<!tpu.dma_semaphore, #tpu.memory_space<semaphore_mem>>)
      }
      %scan3A_20 = arith.constant 104 : i32
      %scan3A_21 = arith.constant 0 : i32
      %scan3A_22 = arith.constant 104 : i32
      %scan3A_23 = arith.addi %scan3A_21, %scan3A_22 : i32
      %scan3A_24 = arith.constant 1 : i32
      scf.for %scan3A_129 = %scan3A_21 to %scan3A_23 step %scan3A_24  : i32 {
        %mul3A_130 = arith.constant 1024 : i32
        %mul3A_131 = arith.muli %scan3A_129, %mul3A_130 : i32
        %add3A_132 = arith.constant 0 : i32
        %add3A_133 = arith.addi %add3A_132, %mul3A_131 : i32
        tpu.wait_dma2 semaphore(%arg22 : memref<!tpu.dma_semaphore, #tpu.memory_space<semaphore_mem>>) src(%arg4 : memref<1024xf32, #tpu.memory_space<hbm>>) dst(%arg9 : memref<1024xf32, #tpu.memory_space<vmem>>)
      }
      %scan3A_25 = arith.constant 104 : i32
      %barrier3A = arith.constant 0 : index
      tpu.barrier barrier_id(%barrier3A)
      %multiple_of3A = tpu.assume_multiple %mul3A_0, 128 : i32
      %dma_start3A = arith.constant 0 : i32
      %dma_start3A_26 = arith.constant 0 : i32
      %dma_start3A_27 = tpu.memref_slice %arg6[%dma_start3A, %dma_start3A_26] : memref<2x2048xi32, #tpu.memory_space<vmem>> -> memref<1x2048xi32, #tpu.memory_space<vmem>>
      %dma_start3A_28 = tpu.memref_squeeze %dma_start3A_27 : memref<1x2048xi32, #tpu.memory_space<vmem>> -> memref<2048xi32, #tpu.memory_space<vmem>>
      %dma_start3A_29 = tpu.memref_slice %arg2[%multiple_of3A] : memref<5111808xi32, #tpu.memory_space<hbm>> -> memref<2048xi32, #tpu.memory_space<hbm>>
      %dma_start3A_30 = arith.constant 0 : i32
      %dma_start3A_31 = tpu.memref_slice %arg6[%dma_start3A, %dma_start3A_30] : memref<2x2048xi32, #tpu.memory_space<vmem>> -> memref<1x2048xi32, #tpu.memory_space<vmem>>
      %dma_start3A_32 = tpu.memref_squeeze %dma_start3A_31 : memref<1x2048xi32, #tpu.memory_space<vmem>> -> memref<2048xi32, #tpu.memory_space<vmem>>
      %dma_start3A_33 = tpu.memref_slice %arg2[%multiple_of3A] : memref<5111808xi32, #tpu.memory_space<hbm>> -> memref<2048xi32, #tpu.memory_space<hbm>>
      tpu.enqueue_dma source(%dma_start3A_33 : memref<2048xi32, #tpu.memory_space<hbm>>) target(%dma_start3A_32 : memref<2048xi32, #tpu.memory_space<vmem>>) target_semaphore(%arg12 : memref<!tpu.dma_semaphore, #tpu.memory_space<semaphore_mem>>)
      %dma_start3A_34 = arith.constant 0 : i32
      %dma_start3A_35 = arith.constant 0 : i32
      %dma_start3A_36 = tpu.memref_slice %arg7[%dma_start3A_34, %dma_start3A_35] : memref<4x2048xf32, #tpu.memory_space<vmem>> -> memref<1x2048xf32, #tpu.memory_space<vmem>>
      %dma_start3A_37 = tpu.memref_squeeze %dma_start3A_36 : memref<1x2048xf32, #tpu.memory_space<vmem>> -> memref<2048xf32, #tpu.memory_space<vmem>>
      %dma_start3A_38 = tpu.memref_slice %arg3[%multiple_of3A] : memref<5111808xf32, #tpu.memory_space<hbm>> -> memref<2048xf32, #tpu.memory_space<hbm>>
      %dma_start3A_39 = arith.constant 0 : i32
      %dma_start3A_40 = tpu.memref_slice %arg7[%dma_start3A_34, %dma_start3A_39] : memref<4x2048xf32, #tpu.memory_space<vmem>> -> memref<1x2048xf32, #tpu.memory_space<vmem>>
      %dma_start3A_41 = tpu.memref_squeeze %dma_start3A_40 : memref<1x2048xf32, #tpu.memory_space<vmem>> -> memref<2048xf32, #tpu.memory_space<vmem>>
      %dma_start3A_42 = tpu.memref_slice %arg3[%multiple_of3A] : memref<5111808xf32, #tpu.memory_space<hbm>> -> memref<2048xf32, #tpu.memory_space<hbm>>
      tpu.enqueue_dma source(%dma_start3A_42 : memref<2048xf32, #tpu.memory_space<hbm>>) target(%dma_start3A_41 : memref<2048xf32, #tpu.memory_space<vmem>>) target_semaphore(%arg14 : memref<!tpu.dma_semaphore, #tpu.memory_space<semaphore_mem>>)
      %add3A_43 = arith.constant 2048 : i32
      %add3A_44 = arith.addi %mul3A_0, %add3A_43 : i32
      %multiple_of3A_45 = tpu.assume_multiple %add3A_44, 128 : i32
      %dma_start3A_46 = arith.constant 1 : i32
      %dma_start3A_47 = arith.constant 0 : i32
      %dma_start3A_48 = tpu.memref_slice %arg6[%dma_start3A_46, %dma_start3A_47] : memref<2x2048xi32, #tpu.memory_space<vmem>> -> memref<1x2048xi32, #tpu.memory_space<vmem>>
      %dma_start3A_49 = tpu.memref_squeeze %dma_start3A_48 : memref<1x2048xi32, #tpu.memory_space<vmem>> -> memref<2048xi32, #tpu.memory_space<vmem>>
      %dma_start3A_50 = tpu.memref_slice %arg2[%multiple_of3A_45] : memref<5111808xi32, #tpu.memory_space<hbm>> -> memref<2048xi32, #tpu.memory_space<hbm>>
      %dma_start3A_51 = arith.constant 0 : i32
      %dma_start3A_52 = tpu.memref_slice %arg6[%dma_start3A_46, %dma_start3A_51] : memref<2x2048xi32, #tpu.memory_space<vmem>> -> memref<1x2048xi32, #tpu.memory_space<vmem>>
      %dma_start3A_53 = tpu.memref_squeeze %dma_start3A_52 : memref<1x2048xi32, #tpu.memory_space<vmem>> -> memref<2048xi32, #tpu.memory_space<vmem>>
      %dma_start3A_54 = tpu.memref_slice %arg2[%multiple_of3A_45] : memref<5111808xi32, #tpu.memory_space<hbm>> -> memref<2048xi32, #tpu.memory_space<hbm>>
      tpu.enqueue_dma source(%dma_start3A_54 : memref<2048xi32, #tpu.memory_space<hbm>>) target(%dma_start3A_53 : memref<2048xi32, #tpu.memory_space<vmem>>) target_semaphore(%arg13 : memref<!tpu.dma_semaphore, #tpu.memory_space<semaphore_mem>>)
      %dma_start3A_55 = arith.constant 1 : i32
      %dma_start3A_56 = arith.constant 0 : i32
      %dma_start3A_57 = tpu.memref_slice %arg7[%dma_start3A_55, %dma_start3A_56] : memref<4x2048xf32, #tpu.memory_space<vmem>> -> memref<1x2048xf32, #tpu.memory_space<vmem>>
      %dma_start3A_58 = tpu.memref_squeeze %dma_start3A_57 : memref<1x2048xf32, #tpu.memory_space<vmem>> -> memref<2048xf32, #tpu.memory_space<vmem>>
      %dma_start3A_59 = tpu.memref_slice %arg3[%multiple_of3A_45] : memref<5111808xf32, #tpu.memory_space<hbm>> -> memref<2048xf32, #tpu.memory_space<hbm>>
      %dma_start3A_60 = arith.constant 0 : i32
      %dma_start3A_61 = tpu.memref_slice %arg7[%dma_start3A_55, %dma_start3A_60] : memref<4x2048xf32, #tpu.memory_space<vmem>> -> memref<1x2048xf32, #tpu.memory_space<vmem>>
      %dma_start3A_62 = tpu.memref_squeeze %dma_start3A_61 : memref<1x2048xf32, #tpu.memory_space<vmem>> -> memref<2048xf32, #tpu.memory_space<vmem>>
      %dma_start3A_63 = tpu.memref_slice %arg3[%multiple_of3A_45] : memref<5111808xf32, #tpu.memory_space<hbm>> -> memref<2048xf32, #tpu.memory_space<hbm>>
      tpu.enqueue_dma source(%dma_start3A_63 : memref<2048xf32, #tpu.memory_space<hbm>>) target(%dma_start3A_62 : memref<2048xf32, #tpu.memory_space<vmem>>) target_semaphore(%arg15 : memref<!tpu.dma_semaphore, #tpu.memory_space<semaphore_mem>>)
      %scan3A_64 = arith.constant 0 : i32
      %scan3A_65 = arith.constant 39 : i32
      %scan3A_66 = arith.addi %scan3A_64, %scan3A_65 : i32
      %scan3A_67 = arith.constant 1 : i32
      scf.for %scan3A_129 = %scan3A_64 to %scan3A_66 step %scan3A_67  : i32 {
        %mul3A_130 = arith.constant 8192 : i32
        %mul3A_131 = arith.muli %scan3A_129, %mul3A_130 : i32
        %add3A_132 = arith.constant 0 : i32
        %add3A_133 = arith.addi %add3A_132, %mul3A_131 : i32
        %add3A_134 = arith.constant 0 : i32
        %add3A_135 = arith.addi %add3A_133, %add3A_134 : i32
        %dma_wait3A_136 = arith.constant 0 : i32
        %dma_wait3A_137 = arith.constant 0 : i32
        %dma_wait3A_138 = tpu.memref_slice %arg6[%dma_wait3A_136, %dma_wait3A_137] : memref<2x2048xi32, #tpu.memory_space<vmem>> -> memref<1x2048xi32, #tpu.memory_space<vmem>>
        %dma_wait3A_139 = tpu.memref_squeeze %dma_wait3A_138 : memref<1x2048xi32, #tpu.memory_space<vmem>> -> memref<2048xi32, #tpu.memory_space<vmem>>
        %dma_wait3A_140 = arith.constant 0 : i32
        %dma_wait3A_141 = tpu.memref_slice %arg2[%dma_wait3A_140] : memref<5111808xi32, #tpu.memory_space<hbm>> -> memref<2048xi32, #tpu.memory_space<hbm>>
        %dma_wait3A_142 = arith.constant 0 : i32
        %dma_wait3A_143 = tpu.memref_slice %arg6[%dma_wait3A_136, %dma_wait3A_142] : memref<2x2048xi32, #tpu.memory_space<vmem>> -> memref<1x2048xi32, #tpu.memory_space<vmem>>
        %dma_wait3A_144 = tpu.memref_squeeze %dma_wait3A_143 : memref<1x2048xi32, #tpu.memory_space<vmem>> -> memref<2048xi32, #tpu.memory_space<vmem>>
        %dma_wait3A_145 = arith.constant 0 : i32
        %dma_wait3A_146 = tpu.memref_slice %arg2[%dma_wait3A_145] : memref<5111808xi32, #tpu.memory_space<hbm>> -> memref<2048xi32, #tpu.memory_space<hbm>>
        tpu.wait_dma2 semaphore(%arg12 : memref<!tpu.dma_semaphore, #tpu.memory_space<semaphore_mem>>) src(%dma_wait3A_146 : memref<2048xi32, #tpu.memory_space<hbm>>) dst(%dma_wait3A_144 : memref<2048xi32, #tpu.memory_space<vmem>>)
        %dma_wait3A_147 = arith.constant 0 : i32
        %dma_wait3A_148 = arith.constant 0 : i32
        %dma_wait3A_149 = tpu.memref_slice %arg7[%dma_wait3A_147, %dma_wait3A_148] : memref<4x2048xf32, #tpu.memory_space<vmem>> -> memref<1x2048xf32, #tpu.memory_space<vmem>>
        %dma_wait3A_150 = tpu.memref_squeeze %dma_wait3A_149 : memref<1x2048xf32, #tpu.memory_space<vmem>> -> memref<2048xf32, #tpu.memory_space<vmem>>
        %dma_wait3A_151 = arith.constant 0 : i32
        %dma_wait3A_152 = tpu.memref_slice %arg3[%dma_wait3A_151] : memref<5111808xf32, #tpu.memory_space<hbm>> -> memref<2048xf32, #tpu.memory_space<hbm>>
        %dma_wait3A_153 = arith.constant 0 : i32
        %dma_wait3A_154 = tpu.memref_slice %arg7[%dma_wait3A_147, %dma_wait3A_153] : memref<4x2048xf32, #tpu.memory_space<vmem>> -> memref<1x2048xf32, #tpu.memory_space<vmem>>
        %dma_wait3A_155 = tpu.memref_squeeze %dma_wait3A_154 : memref<1x2048xf32, #tpu.memory_space<vmem>> -> memref<2048xf32, #tpu.memory_space<vmem>>
        %dma_wait3A_156 = arith.constant 0 : i32
        %dma_wait3A_157 = tpu.memref_slice %arg3[%dma_wait3A_156] : memref<5111808xf32, #tpu.memory_space<hbm>> -> memref<2048xf32, #tpu.memory_space<hbm>>
        tpu.wait_dma2 semaphore(%arg14 : memref<!tpu.dma_semaphore, #tpu.memory_space<semaphore_mem>>) src(%dma_wait3A_157 : memref<2048xf32, #tpu.memory_space<hbm>>) dst(%dma_wait3A_155 : memref<2048xf32, #tpu.memory_space<vmem>>)
        %scan3A_158 = arith.constant 0 : i32
        %scan3A_159 = arith.constant 16 : i32
        %scan3A_160 = arith.addi %scan3A_158, %scan3A_159 : i32
        %scan3A_161 = arith.constant 1 : i32
        scf.for %scan3A_326 = %scan3A_158 to %scan3A_160 step %scan3A_161  : i32 {
          %mul3A_327 = arith.constant 1 : i32
          %mul3A_328 = arith.muli %scan3A_326, %mul3A_327 : i32
          %add3A_329 = arith.constant 0 : i32
          %add3A_330 = arith.addi %add3A_329, %mul3A_328 : i32
          %mul3A_331 = arith.constant 128 : i32
          %mul3A_332 = arith.muli %add3A_330, %mul3A_331 : i32
          %add3A_333 = arith.constant 0 : i32
          %add3A_334 = arith.addi %mul3A_332, %add3A_333 : i32
          %get3A = arith.constant 0 : i32
          %get3A_335 = arith.index_cast %get3A : i32 to index
          %get3A_336 = arith.index_cast %add3A_334 : i32 to index
          %get3A_337 = tpu.vector_load %arg6[%get3A_335, %get3A_336] {strides = array<i32>} : memref<2x2048xi32, #tpu.memory_space<vmem>>, vector<1x16xi32>,
          %get3A_338 = vector.shape_cast %get3A_337 : vector<1x16xi32> to vector<16xi32>
          %sub3A_339 = vector.broadcast %mul3A_13 : i32 to vector<16xi32>
          %sub3A_340 = arith.subi %get3A_338, %sub3A_339 : vector<16xi32>
          %lt3A_341 = arith.constant 1703936 : i32
          %lt3A_342 = vector.broadcast %lt3A_341 : i32 to vector<16xi32>
          %lt3A_343 = arith.cmpi ult, %sub3A_340, %lt3A_342 : vector<16xi32>
          %and3A = arith.constant 1048575 : i32
          %and3A_344 = vector.broadcast %and3A : i32 to vector<16xi32>
          %and3A_345 = arith.andi %sub3A_340, %and3A_344 : vector<16xi32>
          %select_n3A_346 = arith.select %lt3A_343, %sub3A_340, %and3A_345 : vector<16xi1>, vector<16xi32>
          %swap3A = arith.constant 0 : i32
          %swap3A_347 = arith.index_cast %swap3A : i32 to index
          %swap3A_348 = arith.index_cast %add3A_330 : i32 to index
          %swap3A_349 = arith.constant 0 : index
          %swap3A_350 = tpu.vector_load %arg8[%swap3A_347, %swap3A_348, %swap3A_349] {strides = array<i32>} : memref<4x16x128xi32, #tpu.memory_space<vmem>>, vector<1x1x16xi32>,
          %swap3A_351 = vector.shape_cast %swap3A_350 : vector<1x1x16xi32> to vector<16xi32>
          %swap3A_352 = vector.shape_cast %select_n3A_346 : vector<16xi32> to vector<1x1x16xi32>
          tpu.vector_store %arg8[%swap3A_347, %swap3A_348, %swap3A_349], %swap3A_352 {strides = array<i32>} : memref<4x16x128xi32, #tpu.memory_space<vmem>>, vector<1x1x16xi32>,
          %mul3A_353 = arith.constant 128 : i32
          %mul3A_354 = arith.muli %add3A_330, %mul3A_353 : i32
          %add3A_355 = arith.constant 0 : i32
          %add3A_356 = arith.addi %mul3A_354, %add3A_355 : i32
          %get3A_357 = arith.constant 0 : i32
          %get3A_358 = arith.index_cast %get3A_357 : i32 to index
          %get3A_359 = arith.index_cast %add3A_356 : i32 to index
          %get3A_360 = tpu.vector_load %arg7[%get3A_358, %get3A_359] {strides = array<i32>} : memref<4x2048xf32, #tpu.memory_space<vmem>>, vector<1x16xf32>,
          %get3A_361 = vector.shape_cast %get3A_360 : vector<1x16xf32> to vector<16xf32>
          %jit3A_362 = arith.constant 0.000000e+00 : f32
          %broadcast_in_dim3A = vector.broadcast %jit3A_362 : f32 to vector<16xf32>
          %select_n3A_363 = arith.select %lt3A_343, %get3A_361, %broadcast_in_dim3A : vector<16xi1>, vector<16xf32>
          %mul3A_364 = arith.constant 128 : i32
          %mul3A_365 = arith.muli %add3A_330, %mul3A_364 : i32
          %add3A_366 = arith.constant 0 : i32
          %add3A_367 = arith.addi %mul3A_365, %add3A_366 : i32
          %swap3A_368 = arith.constant 0 : i32
          %swap3A_369 = arith.index_cast %swap3A_368 : i32 to index
          %swap3A_370 = arith.index_cast %add3A_367 : i32 to index
          %swap3A_371 = tpu.vector_load %arg7[%swap3A_369, %swap3A_370] {strides = array<i32>} : memref<4x2048xf32, #tpu.memory_space<vmem>>, vector<1x16xf32>,
          %swap3A_372 = vector.shape_cast %swap3A_371 : vector<1x16xf32> to vector<16xf32>
          %swap3A_373 = vector.shape_cast %select_n3A_363 : vector<16xf32> to vector<1x16xf32>
          tpu.vector_store %arg7[%swap3A_369, %swap3A_370], %swap3A_373 {strides = array<i32>} : memref<4x2048xf32, #tpu.memory_space<vmem>>, vector<1x16xf32>,
          %mul3A_374 = arith.constant 128 : i32
          %mul3A_375 = arith.muli %add3A_330, %mul3A_374 : i32
          %add3A_376 = arith.constant 16 : i32
          %add3A_377 = arith.addi %mul3A_375, %add3A_376 : i32
          %get3A_378 = arith.constant 0 : i32
          %get3A_379 = arith.index_cast %get3A_378 : i32 to index
          %get3A_380 = arith.index_cast %add3A_377 : i32 to index
          %get3A_381 = tpu.vector_load %arg6[%get3A_379, %get3A_380] {strides = array<i32>} : memref<2x2048xi32, #tpu.memory_space<vmem>>, vector<1x16xi32>,
          %get3A_382 = vector.shape_cast %get3A_381 : vector<1x16xi32> to vector<16xi32>
          %sub3A_383 = vector.broadcast %mul3A_13 : i32 to vector<16xi32>
          %sub3A_384 = arith.subi %get3A_382, %sub3A_383 : vector<16xi32>
          %lt3A_385 = arith.constant 1703936 : i32
          %lt3A_386 = vector.broadcast %lt3A_385 : i32 to vector<16xi32>
          %lt3A_387 = arith.cmpi ult, %sub3A_384, %lt3A_386 : vector<16xi32>
          %and3A_388 = arith.constant 1048575 : i32
          %and3A_389 = vector.broadcast %and3A_388 : i32 to vector<16xi32>
          %and3A_390 = arith.andi %sub3A_384, %and3A_389 : vector<16xi32>
          %select_n3A_391 = arith.select %lt3A_387, %sub3A_384, %and3A_390 : vector<16xi1>, vector<16xi32>
          %swap3A_392 = arith.constant 0 : i32
          %swap3A_393 = arith.index_cast %swap3A_392 : i32 to index
          %swap3A_394 = arith.index_cast %add3A_330 : i32 to index
          %swap3A_395 = arith.constant 16 : index
          %swap3A_396 = tpu.vector_load %arg8[%swap3A_393, %swap3A_394, %swap3A_395] {strides = array<i32>} : memref<4x16x128xi32, #tpu.memory_space<vmem>>, vector<1x1x16xi32>,
          %swap3A_397 = vector.shape_cast %swap3A_396 : vector<1x1x16xi32> to vector<16xi32>
          %swap3A_398 = vector.shape_cast %select_n3A_391 : vector<16xi32> to vector<1x1x16xi32>
          tpu.vector_store %arg8[%swap3A_393, %swap3A_394, %swap3A_395], %swap3A_398 {strides = array<i32>} : memref<4x16x128xi32, #tpu.memory_space<vmem>>, vector<1x1x16xi32>,
          %mul3A_399 = arith.constant 128 : i32
          %mul3A_400 = arith.muli %add3A_330, %mul3A_399 : i32
          %add3A_401 = arith.constant 16 : i32
          %add3A_402 = arith.addi %mul3A_400, %add3A_401 : i32
          %get3A_403 = arith.constant 0 : i32
          %get3A_404 = arith.index_cast %get3A_403 : i32 to index
          %get3A_405 = arith.index_cast %add3A_402 : i32 to index
          %get3A_406 = tpu.vector_load %arg7[%get3A_404, %get3A_405] {strides = array<i32>} : memref<4x2048xf32, #tpu.memory_space<vmem>>, vector<1x16xf32>,
          %get3A_407 = vector.shape_cast %get3A_406 : vector<1x16xf32> to vector<16xf32>
          %jit3A_408 = arith.constant 0.000000e+00 : f32
          %broadcast_in_dim3A_409 = vector.broadcast %jit3A_408 : f32 to vector<16xf32>
          %select_n3A_410 = arith.select %lt3A_387, %get3A_407, %broadcast_in_dim3A_409 : vector<16xi1>, vector<16xf32>
          %mul3A_411 = arith.constant 128 : i32
          %mul3A_412 = arith.muli %add3A_330, %mul3A_411 : i32
          %add3A_413 = arith.constant 16 : i32
          %add3A_414 = arith.addi %mul3A_412, %add3A_413 : i32
          %swap3A_415 = arith.constant 0 : i32
          %swap3A_416 = arith.index_cast %swap3A_415 : i32 to index
          %swap3A_417 = arith.index_cast %add3A_414 : i32 to index
          %swap3A_418 = tpu.vector_load %arg7[%swap3A_416, %swap3A_417] {strides = array<i32>} : memref<4x2048xf32, #tpu.memory_space<vmem>>, vector<1x16xf32>,
          %swap3A_419 = vector.shape_cast %swap3A_418 : vector<1x16xf32> to vector<16xf32>
          %swap3A_420 = vector.shape_cast %select_n3A_410 : vector<16xf32> to vector<1x16xf32>
          tpu.vector_store %arg7[%swap3A_416, %swap3A_417], %swap3A_420 {strides = array<i32>} : memref<4x2048xf32, #tpu.memory_space<vmem>>, vector<1x16xf32>,
          %mul3A_421 = arith.constant 128 : i32
          %mul3A_422 = arith.muli %add3A_330, %mul3A_421 : i32
          %add3A_423 = arith.constant 32 : i32
          %add3A_424 = arith.addi %mul3A_422, %add3A_423 : i32
          %get3A_425 = arith.constant 0 : i32
          %get3A_426 = arith.index_cast %get3A_425 : i32 to index
          %get3A_427 = arith.index_cast %add3A_424 : i32 to index
          %get3A_428 = tpu.vector_load %arg6[%get3A_426, %get3A_427] {strides = array<i32>} : memref<2x2048xi32, #tpu.memory_space<vmem>>, vector<1x16xi32>,
          %get3A_429 = vector.shape_cast %get3A_428 : vector<1x16xi32> to vector<16xi32>
          %sub3A_430 = vector.broadcast %mul3A_13 : i32 to vector<16xi32>
          %sub3A_431 = arith.subi %get3A_429, %sub3A_430 : vector<16xi32>
          %lt3A_432 = arith.constant 1703936 : i32
          %lt3A_433 = vector.broadcast %lt3A_432 : i32 to vector<16xi32>
          %lt3A_434 = arith.cmpi ult, %sub3A_431, %lt3A_433 : vector<16xi32>
          %and3A_435 = arith.constant 1048575 : i32
          %and3A_436 = vector.broadcast %and3A_435 : i32 to vector<16xi32>
          %and3A_437 = arith.andi %sub3A_431, %and3A_436 : vector<16xi32>
          %select_n3A_438 = arith.select %lt3A_434, %sub3A_431, %and3A_437 : vector<16xi1>, vector<16xi32>
          %swap3A_439 = arith.constant 0 : i32
          %swap3A_440 = arith.index_cast %swap3A_439 : i32 to index
          %swap3A_441 = arith.index_cast %add3A_330 : i32 to index
          %swap3A_442 = arith.constant 32 : index
          %swap3A_443 = tpu.vector_load %arg8[%swap3A_440, %swap3A_441, %swap3A_442] {strides = array<i32>} : memref<4x16x128xi32, #tpu.memory_space<vmem>>, vector<1x1x16xi32>,
          %swap3A_444 = vector.shape_cast %swap3A_443 : vector<1x1x16xi32> to vector<16xi32>
          %swap3A_445 = vector.shape_cast %select_n3A_438 : vector<16xi32> to vector<1x1x16xi32>
          tpu.vector_store %arg8[%swap3A_440, %swap3A_441, %swap3A_442], %swap3A_445 {strides = array<i32>} : memref<4x16x128xi32, #tpu.memory_space<vmem>>, vector<1x1x16xi32>,
          %mul3A_446 = arith.constant 128 : i32
          %mul3A_447 = arith.muli %add3A_330, %mul3A_446 : i32
          %add3A_448 = arith.constant 32 : i32
          %add3A_449 = arith.addi %mul3A_447, %add3A_448 : i32
          %get3A_450 = arith.constant 0 : i32
          %get3A_451 = arith.index_cast %get3A_450 : i32 to index
          %get3A_452 = arith.index_cast %add3A_449 : i32 to index
          %get3A_453 = tpu.vector_load %arg7[%get3A_451, %get3A_452] {strides = array<i32>} : memref<4x2048xf32, #tpu.memory_space<vmem>>, vector<1x16xf32>,
          %get3A_454 = vector.shape_cast %get3A_453 : vector<1x16xf32> to vector<16xf32>
          %jit3A_455 = arith.constant 0.000000e+00 : f32
          %broadcast_in_dim3A_456 = vector.broadcast %jit3A_455 : f32 to vector<16xf32>
          %select_n3A_457 = arith.select %lt3A_434, %get3A_454, %broadcast_in_dim3A_456 : vector<16xi1>, vector<16xf32>
          %mul3A_458 = arith.constant 128 : i32
          %mul3A_459 = arith.muli %add3A_330, %mul3A_458 : i32
          %add3A_460 = arith.constant 32 : i32
          %add3A_461 = arith.addi %mul3A_459, %add3A_460 : i32
          %swap3A_462 = arith.constant 0 : i32
          %swap3A_463 = arith.index_cast %swap3A_462 : i32 to index
          %swap3A_464 = arith.index_cast %add3A_461 : i32 to index
          %swap3A_465 = tpu.vector_load %arg7[%swap3A_463, %swap3A_464] {strides = array<i32>} : memref<4x2048xf32, #tpu.memory_space<vmem>>, vector<1x16xf32>,
          %swap3A_466 = vector.shape_cast %swap3A_465 : vector<1x16xf32> to vector<16xf32>
          %swap3A_467 = vector.shape_cast %select_n3A_457 : vector<16xf32> to vector<1x16xf32>
          tpu.vector_store %arg7[%swap3A_463, %swap3A_464], %swap3A_467 {strides = array<i32>} : memref<4x2048xf32, #tpu.memory_space<vmem>>, vector<1x16xf32>,
          %mul3A_468 = arith.constant 128 : i32
          %mul3A_469 = arith.muli %add3A_330, %mul3A_468 : i32
          %add3A_470 = arith.constant 48 : i32
          %add3A_471 = arith.addi %mul3A_469, %add3A_470 : i32
          %get3A_472 = arith.constant 0 : i32
          %get3A_473 = arith.index_cast %get3A_472 : i32 to index
          %get3A_474 = arith.index_cast %add3A_471 : i32 to index
          %get3A_475 = tpu.vector_load %arg6[%get3A_473, %get3A_474] {strides = array<i32>} : memref<2x2048xi32, #tpu.memory_space<vmem>>, vector<1x16xi32>,
          %get3A_476 = vector.shape_cast %get3A_475 : vector<1x16xi32> to vector<16xi32>
          %sub3A_477 = vector.broadcast %mul3A_13 : i32 to vector<16xi32>
          %sub3A_478 = arith.subi %get3A_476, %sub3A_477 : vector<16xi32>
          %lt3A_479 = arith.constant 1703936 : i32
          %lt3A_480 = vector.broadcast %lt3A_479 : i32 to vector<16xi32>
          %lt3A_481 = arith.cmpi ult, %sub3A_478, %lt3A_480 : vector<16xi32>
          %and3A_482 = arith.constant 1048575 : i32
          %and3A_483 = vector.broadcast %and3A_482 : i32 to vector<16xi32>
          %and3A_484 = arith.andi %sub3A_478, %and3A_483 : vector<16xi32>
          %select_n3A_485 = arith.select %lt3A_481, %sub3A_478, %and3A_484 : vector<16xi1>, vector<16xi32>
          %swap3A_486 = arith.constant 0 : i32
          %swap3A_487 = arith.index_cast %swap3A_486 : i32 to index
          %swap3A_488 = arith.index_cast %add3A_330 : i32 to index
          %swap3A_489 = arith.constant 48 : index
          %swap3A_490 = tpu.vector_load %arg8[%swap3A_487, %swap3A_488, %swap3A_489] {strides = array<i32>} : memref<4x16x128xi32, #tpu.memory_space<vmem>>, vector<1x1x16xi32>,
          %swap3A_491 = vector.shape_cast %swap3A_490 : vector<1x1x16xi32> to vector<16xi32>
          %swap3A_492 = vector.shape_cast %select_n3A_485 : vector<16xi32> to vector<1x1x16xi32>
          tpu.vector_store %arg8[%swap3A_487, %swap3A_488, %swap3A_489], %swap3A_492 {strides = array<i32>} : memref<4x16x128xi32, #tpu.memory_space<vmem>>, vector<1x1x16xi32>,
          %mul3A_493 = arith.constant 128 : i32
          %mul3A_494 = arith.muli %add3A_330, %mul3A_493 : i32
          %add3A_495 = arith.constant 48 : i32
          %add3A_496 = arith.addi %mul3A_494, %add3A_495 : i32
          %get3A_497 = arith.constant 0 : i32
          %get3A_498 = arith.index_cast %get3A_497 : i32 to index
          %get3A_499 = arith.index_cast %add3A_496 : i32 to index
          %get3A_500 = tpu.vector_load %arg7[%get3A_498, %get3A_499] {strides = array<i32>} : memref<4x2048xf32, #tpu.memory_space<vmem>>, vector<1x16xf32>,
          %get3A_501 = vector.shape_cast %get3A_500 : vector<1x16xf32> to vector<16xf32>
          %jit3A_502 = arith.constant 0.000000e+00 : f32
          %broadcast_in_dim3A_503 = vector.broadcast %jit3A_502 : f32 to vector<16xf32>
          %select_n3A_504 = arith.select %lt3A_481, %get3A_501, %broadcast_in_dim3A_503 : vector<16xi1>, vector<16xf32>
          %mul3A_505 = arith.constant 128 : i32
          %mul3A_506 = arith.muli %add3A_330, %mul3A_505 : i32
          %add3A_507 = arith.constant 48 : i32
          %add3A_508 = arith.addi %mul3A_506, %add3A_507 : i32
          %swap3A_509 = arith.constant 0 : i32
          %swap3A_510 = arith.index_cast %swap3A_509 : i32 to index
          %swap3A_511 = arith.index_cast %add3A_508 : i32 to index
          %swap3A_512 = tpu.vector_load %arg7[%swap3A_510, %swap3A_511] {strides = array<i32>} : memref<4x2048xf32, #tpu.memory_space<vmem>>, vector<1x16xf32>,
          %swap3A_513 = vector.shape_cast %swap3A_512 : vector<1x16xf32> to vector<16xf32>
          %swap3A_514 = vector.shape_cast %select_n3A_504 : vector<16xf32> to vector<1x16xf32>
          tpu.vector_store %arg7[%swap3A_510, %swap3A_511], %swap3A_514 {strides = array<i32>} : memref<4x2048xf32, #tpu.memory_space<vmem>>, vector<1x16xf32>,
          %mul3A_515 = arith.constant 128 : i32
          %mul3A_516 = arith.muli %add3A_330, %mul3A_515 : i32
          %add3A_517 = arith.constant 64 : i32
          %add3A_518 = arith.addi %mul3A_516, %add3A_517 : i32
          %get3A_519 = arith.constant 0 : i32
          %get3A_520 = arith.index_cast %get3A_519 : i32 to index
          %get3A_521 = arith.index_cast %add3A_518 : i32 to index
          %get3A_522 = tpu.vector_load %arg6[%get3A_520, %get3A_521] {strides = array<i32>} : memref<2x2048xi32, #tpu.memory_space<vmem>>, vector<1x16xi32>,
          %get3A_523 = vector.shape_cast %get3A_522 : vector<1x16xi32> to vector<16xi32>
          %sub3A_524 = vector.broadcast %mul3A_13 : i32 to vector<16xi32>
          %sub3A_525 = arith.subi %get3A_523, %sub3A_524 : vector<16xi32>
          %lt3A_526 = arith.constant 1703936 : i32
          %lt3A_527 = vector.broadcast %lt3A_526 : i32 to vector<16xi32>
          %lt3A_528 = arith.cmpi ult, %sub3A_525, %lt3A_527 : vector<16xi32>
          %and3A_529 = arith.constant 1048575 : i32
          %and3A_530 = vector.broadcast %and3A_529 : i32 to vector<16xi32>
          %and3A_531 = arith.andi %sub3A_525, %and3A_530 : vector<16xi32>
          %select_n3A_532 = arith.select %lt3A_528, %sub3A_525, %and3A_531 : vector<16xi1>, vector<16xi32>
          %swap3A_533 = arith.constant 0 : i32
          %swap3A_534 = arith.index_cast %swap3A_533 : i32 to index
          %swap3A_535 = arith.index_cast %add3A_330 : i32 to index
          %swap3A_536 = arith.constant 64 : index
          %swap3A_537 = tpu.vector_load %arg8[%swap3A_534, %swap3A_535, %swap3A_536] {strides = array<i32>} : memref<4x16x128xi32, #tpu.memory_space<vmem>>, vector<1x1x16xi32>,
          %swap3A_538 = vector.shape_cast %swap3A_537 : vector<1x1x16xi32> to vector<16xi32>
          %swap3A_539 = vector.shape_cast %select_n3A_532 : vector<16xi32> to vector<1x1x16xi32>
          tpu.vector_store %arg8[%swap3A_534, %swap3A_535, %swap3A_536], %swap3A_539 {strides = array<i32>} : memref<4x16x128xi32, #tpu.memory_space<vmem>>, vector<1x1x16xi32>,
          %mul3A_540 = arith.constant 128 : i32
          %mul3A_541 = arith.muli %add3A_330, %mul3A_540 : i32
          %add3A_542 = arith.constant 64 : i32
          %add3A_543 = arith.addi %mul3A_541, %add3A_542 : i32
          %get3A_544 = arith.constant 0 : i32
          %get3A_545 = arith.index_cast %get3A_544 : i32 to index
          %get3A_546 = arith.index_cast %add3A_543 : i32 to index
          %get3A_547 = tpu.vector_load %arg7[%get3A_545, %get3A_546] {strides = array<i32>} : memref<4x2048xf32, #tpu.memory_space<vmem>>, vector<1x16xf32>,
          %get3A_548 = vector.shape_cast %get3A_547 : vector<1x16xf32> to vector<16xf32>
          %jit3A_549 = arith.constant 0.000000e+00 : f32
          %broadcast_in_dim3A_550 = vector.broadcast %jit3A_549 : f32 to vector<16xf32>
          %select_n3A_551 = arith.select %lt3A_528, %get3A_548, %broadcast_in_dim3A_550 : vector<16xi1>, vector<16xf32>
          %mul3A_552 = arith.constant 128 : i32
          %mul3A_553 = arith.muli %add3A_330, %mul3A_552 : i32
          %add3A_554 = arith.constant 64 : i32
          %add3A_555 = arith.addi %mul3A_553, %add3A_554 : i32
          %swap3A_556 = arith.constant 0 : i32
          %swap3A_557 = arith.index_cast %swap3A_556 : i32 to index
          %swap3A_558 = arith.index_cast %add3A_555 : i32 to index
          %swap3A_559 = tpu.vector_load %arg7[%swap3A_557, %swap3A_558] {strides = array<i32>} : memref<4x2048xf32, #tpu.memory_space<vmem>>, vector<1x16xf32>,
          %swap3A_560 = vector.shape_cast %swap3A_559 : vector<1x16xf32> to vector<16xf32>
          %swap3A_561 = vector.shape_cast %select_n3A_551 : vector<16xf32> to vector<1x16xf32>
          tpu.vector_store %arg7[%swap3A_557, %swap3A_558], %swap3A_561 {strides = array<i32>} : memref<4x2048xf32, #tpu.memory_space<vmem>>, vector<1x16xf32>,
          %mul3A_562 = arith.constant 128 : i32
          %mul3A_563 = arith.muli %add3A_330, %mul3A_562 : i32
          %add3A_564 = arith.constant 80 : i32
          %add3A_565 = arith.addi %mul3A_563, %add3A_564 : i32
          %get3A_566 = arith.constant 0 : i32
          %get3A_567 = arith.index_cast %get3A_566 : i32 to index
          %get3A_568 = arith.index_cast %add3A_565 : i32 to index
          %get3A_569 = tpu.vector_load %arg6[%get3A_567, %get3A_568] {strides = array<i32>} : memref<2x2048xi32, #tpu.memory_space<vmem>>, vector<1x16xi32>,
          %get3A_570 = vector.shape_cast %get3A_569 : vector<1x16xi32> to vector<16xi32>
          %sub3A_571 = vector.broadcast %mul3A_13 : i32 to vector<16xi32>
          %sub3A_572 = arith.subi %get3A_570, %sub3A_571 : vector<16xi32>
          %lt3A_573 = arith.constant 1703936 : i32
          %lt3A_574 = vector.broadcast %lt3A_573 : i32 to vector<16xi32>
          %lt3A_575 = arith.cmpi ult, %sub3A_572, %lt3A_574 : vector<16xi32>
          %and3A_576 = arith.constant 1048575 : i32
          %and3A_577 = vector.broadcast %and3A_576 : i32 to vector<16xi32>
          %and3A_578 = arith.andi %sub3A_572, %and3A_577 : vector<16xi32>
          %select_n3A_579 = arith.select %lt3A_575, %sub3A_572, %and3A_578 : vector<16xi1>, vector<16xi32>
          %swap3A_580 = arith.constant 0 : i32
          %swap3A_581 = arith.index_cast %swap3A_580 : i32 to index
          %swap3A_582 = arith.index_cast %add3A_330 : i32 to index
          %swap3A_583 = arith.constant 80 : index
          %swap3A_584 = tpu.vector_load %arg8[%swap3A_581, %swap3A_582, %swap3A_583] {strides = array<i32>} : memref<4x16x128xi32, #tpu.memory_space<vmem>>, vector<1x1x16xi32>,
          %swap3A_585 = vector.shape_cast %swap3A_584 : vector<1x1x16xi32> to vector<16xi32>
          %swap3A_586 = vector.shape_cast %select_n3A_579 : vector<16xi32> to vector<1x1x16xi32>
          tpu.vector_store %arg8[%swap3A_581, %swap3A_582, %swap3A_583], %swap3A_586 {strides = array<i32>} : memref<4x16x128xi32, #tpu.memory_space<vmem>>, vector<1x1x16xi32>,
          %mul3A_587 = arith.constant 128 : i32
          %mul3A_588 = arith.muli %add3A_330, %mul3A_587 : i32
          %add3A_589 = arith.constant 80 : i32
          %add3A_590 = arith.addi %mul3A_588, %add3A_589 : i32
          %get3A_591 = arith.constant 0 : i32
          %get3A_592 = arith.index_cast %get3A_591 : i32 to index
          %get3A_593 = arith.index_cast %add3A_590 : i32 to index
          %get3A_594 = tpu.vector_load %arg7[%get3A_592, %get3A_593] {strides = array<i32>} : memref<4x2048xf32, #tpu.memory_space<vmem>>, vector<1x16xf32>,
          %get3A_595 = vector.shape_cast %get3A_594 : vector<1x16xf32> to vector<16xf32>
          %jit3A_596 = arith.constant 0.000000e+00 : f32
          %broadcast_in_dim3A_597 = vector.broadcast %jit3A_596 : f32 to vector<16xf32>
          %select_n3A_598 = arith.select %lt3A_575, %get3A_595, %broadcast_in_dim3A_597 : vector<16xi1>, vector<16xf32>
          %mul3A_599 = arith.constant 128 : i32
          %mul3A_600 = arith.muli %add3A_330, %mul3A_599 : i32
          %add3A_601 = arith.constant 80 : i32
          %add3A_602 = arith.addi %mul3A_600, %add3A_601 : i32
          %swap3A_603 = arith.constant 0 : i32
          %swap3A_604 = arith.index_cast %swap3A_603 : i32 to index
          %swap3A_605 = arith.index_cast %add3A_602 : i32 to index
          %swap3A_606 = tpu.vector_load %arg7[%swap3A_604, %swap3A_605] {strides = array<i32>} : memref<4x2048xf32, #tpu.memory_space<vmem>>, vector<1x16xf32>,
          %swap3A_607 = vector.shape_cast %swap3A_606 : vector<1x16xf32> to vector<16xf32>
          %swap3A_608 = vector.shape_cast %select_n3A_598 : vector<16xf32> to vector<1x16xf32>
          tpu.vector_store %arg7[%swap3A_604, %swap3A_605], %swap3A_608 {strides = array<i32>} : memref<4x2048xf32, #tpu.memory_space<vmem>>, vector<1x16xf32>,
          %mul3A_609 = arith.constant 128 : i32
          %mul3A_610 = arith.muli %add3A_330, %mul3A_609 : i32
          %add3A_611 = arith.constant 96 : i32
          %add3A_612 = arith.addi %mul3A_610, %add3A_611 : i32
          %get3A_613 = arith.constant 0 : i32
          %get3A_614 = arith.index_cast %get3A_613 : i32 to index
          %get3A_615 = arith.index_cast %add3A_612 : i32 to index
          %get3A_616 = tpu.vector_load %arg6[%get3A_614, %get3A_615] {strides = array<i32>} : memref<2x2048xi32, #tpu.memory_space<vmem>>, vector<1x16xi32>,
          %get3A_617 = vector.shape_cast %get3A_616 : vector<1x16xi32> to vector<16xi32>
          %sub3A_618 = vector.broadcast %mul3A_13 : i32 to vector<16xi32>
          %sub3A_619 = arith.subi %get3A_617, %sub3A_618 : vector<16xi32>
          %lt3A_620 = arith.constant 1703936 : i32
          %lt3A_621 = vector.broadcast %lt3A_620 : i32 to vector<16xi32>
          %lt3A_622 = arith.cmpi ult, %sub3A_619, %lt3A_621 : vector<16xi32>
          %and3A_623 = arith.constant 1048575 : i32
          %and3A_624 = vector.broadcast %and3A_623 : i32 to vector<16xi32>
          %and3A_625 = arith.andi %sub3A_619, %and3A_624 : vector<16xi32>
          %select_n3A_626 = arith.select %lt3A_622, %sub3A_619, %and3A_625 : vector<16xi1>, vector<16xi32>
          %swap3A_627 = arith.constant 0 : i32
          %swap3A_628 = arith.index_cast %swap3A_627 : i32 to index
          %swap3A_629 = arith.index_cast %add3A_330 : i32 to index
          %swap3A_630 = arith.constant 96 : index
          %swap3A_631 = tpu.vector_load %arg8[%swap3A_628, %swap3A_629, %swap3A_630] {strides = array<i32>} : memref<4x16x128xi32, #tpu.memory_space<vmem>>, vector<1x1x16xi32>,
          %swap3A_632 = vector.shape_cast %swap3A_631 : vector<1x1x16xi32> to vector<16xi32>
          %swap3A_633 = vector.shape_cast %select_n3A_626 : vector<16xi32> to vector<1x1x16xi32>
          tpu.vector_store %arg8[%swap3A_628, %swap3A_629, %swap3A_630], %swap3A_633 {strides = array<i32>} : memref<4x16x128xi32, #tpu.memory_space<vmem>>, vector<1x1x16xi32>,
          %mul3A_634 = arith.constant 128 : i32
          %mul3A_635 = arith.muli %add3A_330, %mul3A_634 : i32
          %add3A_636 = arith.constant 96 : i32
          %add3A_637 = arith.addi %mul3A_635, %add3A_636 : i32
          %get3A_638 = arith.constant 0 : i32
          %get3A_639 = arith.index_cast %get3A_638 : i32 to index
          %get3A_640 = arith.index_cast %add3A_637 : i32 to index
          %get3A_641 = tpu.vector_load %arg7[%get3A_639, %get3A_640] {strides = array<i32>} : memref<4x2048xf32, #tpu.memory_space<vmem>>, vector<1x16xf32>,
          %get3A_642 = vector.shape_cast %get3A_641 : vector<1x16xf32> to vector<16xf32>
          %jit3A_643 = arith.constant 0.000000e+00 : f32
          %broadcast_in_dim3A_644 = vector.broadcast %jit3A_643 : f32 to vector<16xf32>
          %select_n3A_645 = arith.select %lt3A_622, %get3A_642, %broadcast_in_dim3A_644 : vector<16xi1>, vector<16xf32>
          %mul3A_646 = arith.constant 128 : i32
          %mul3A_647 = arith.muli %add3A_330, %mul3A_646 : i32
          %add3A_648 = arith.constant 96 : i32
          %add3A_649 = arith.addi %mul3A_647, %add3A_648 : i32
          %swap3A_650 = arith.constant 0 : i32
          %swap3A_651 = arith.index_cast %swap3A_650 : i32 to index
          %swap3A_652 = arith.index_cast %add3A_649 : i32 to index
          %swap3A_653 = tpu.vector_load %arg7[%swap3A_651, %swap3A_652] {strides = array<i32>} : memref<4x2048xf32, #tpu.memory_space<vmem>>, vector<1x16xf32>,
          %swap3A_654 = vector.shape_cast %swap3A_653 : vector<1x16xf32> to vector<16xf32>
          %swap3A_655 = vector.shape_cast %select_n3A_645 : vector<16xf32> to vector<1x16xf32>
          tpu.vector_store %arg7[%swap3A_651, %swap3A_652], %swap3A_655 {strides = array<i32>} : memref<4x2048xf32, #tpu.memory_space<vmem>>, vector<1x16xf32>,
          %mul3A_656 = arith.constant 128 : i32
          %mul3A_657 = arith.muli %add3A_330, %mul3A_656 : i32
          %add3A_658 = arith.constant 112 : i32
          %add3A_659 = arith.addi %mul3A_657, %add3A_658 : i32
          %get3A_660 = arith.constant 0 : i32
          %get3A_661 = arith.index_cast %get3A_660 : i32 to index
          %get3A_662 = arith.index_cast %add3A_659 : i32 to index
          %get3A_663 = tpu.vector_load %arg6[%get3A_661, %get3A_662] {strides = array<i32>} : memref<2x2048xi32, #tpu.memory_space<vmem>>, vector<1x16xi32>,
          %get3A_664 = vector.shape_cast %get3A_663 : vector<1x16xi32> to vector<16xi32>
          %sub3A_665 = vector.broadcast %mul3A_13 : i32 to vector<16xi32>
          %sub3A_666 = arith.subi %get3A_664, %sub3A_665 : vector<16xi32>
          %lt3A_667 = arith.constant 1703936 : i32
          %lt3A_668 = vector.broadcast %lt3A_667 : i32 to vector<16xi32>
          %lt3A_669 = arith.cmpi ult, %sub3A_666, %lt3A_668 : vector<16xi32>
          %and3A_670 = arith.constant 1048575 : i32
          %and3A_671 = vector.broadcast %and3A_670 : i32 to vector<16xi32>
          %and3A_672 = arith.andi %sub3A_666, %and3A_671 : vector<16xi32>
          %select_n3A_673 = arith.select %lt3A_669, %sub3A_666, %and3A_672 : vector<16xi1>, vector<16xi32>
          %swap3A_674 = arith.constant 0 : i32
          %swap3A_675 = arith.index_cast %swap3A_674 : i32 to index
          %swap3A_676 = arith.index_cast %add3A_330 : i32 to index
          %swap3A_677 = arith.constant 112 : index
          %swap3A_678 = tpu.vector_load %arg8[%swap3A_675, %swap3A_676, %swap3A_677] {strides = array<i32>} : memref<4x16x128xi32, #tpu.memory_space<vmem>>, vector<1x1x16xi32>,
          %swap3A_679 = vector.shape_cast %swap3A_678 : vector<1x1x16xi32> to vector<16xi32>
          %swap3A_680 = vector.shape_cast %select_n3A_673 : vector<16xi32> to vector<1x1x16xi32>
          tpu.vector_store %arg8[%swap3A_675, %swap3A_676, %swap3A_677], %swap3A_680 {strides = array<i32>} : memref<4x16x128xi32, #tpu.memory_space<vmem>>, vector<1x1x16xi32>,
          %mul3A_681 = arith.constant 128 : i32
          %mul3A_682 = arith.muli %add3A_330, %mul3A_681 : i32
          %add3A_683 = arith.constant 112 : i32
          %add3A_684 = arith.addi %mul3A_682, %add3A_683 : i32
          %get3A_685 = arith.constant 0 : i32
          %get3A_686 = arith.index_cast %get3A_685 : i32 to index
          %get3A_687 = arith.index_cast %add3A_684 : i32 to index
          %get3A_688 = tpu.vector_load %arg7[%get3A_686, %get3A_687] {strides = array<i32>} : memref<4x2048xf32, #tpu.memory_space<vmem>>, vector<1x16xf32>,
          %get3A_689 = vector.shape_cast %get3A_688 : vector<1x16xf32> to vector<16xf32>
          %jit3A_690 = arith.constant 0.000000e+00 : f32
          %broadcast_in_dim3A_691 = vector.broadcast %jit3A_690 : f32 to vector<16xf32>
          %select_n3A_692 = arith.select %lt3A_669, %get3A_689, %broadcast_in_dim3A_691 : vector<16xi1>, vector<16xf32>
          %mul3A_693 = arith.constant 128 : i32
          %mul3A_694 = arith.muli %add3A_330, %mul3A_693 : i32
          %add3A_695 = arith.constant 112 : i32
          %add3A_696 = arith.addi %mul3A_694, %add3A_695 : i32
          %swap3A_697 = arith.constant 0 : i32
          %swap3A_698 = arith.index_cast %swap3A_697 : i32 to index
          %swap3A_699 = arith.index_cast %add3A_696 : i32 to index
          %swap3A_700 = tpu.vector_load %arg7[%swap3A_698, %swap3A_699] {strides = array<i32>} : memref<4x2048xf32, #tpu.memory_space<vmem>>, vector<1x16xf32>,
          %swap3A_701 = vector.shape_cast %swap3A_700 : vector<1x16xf32> to vector<16xf32>
          %swap3A_702 = vector.shape_cast %select_n3A_692 : vector<16xf32> to vector<1x16xf32>
          tpu.vector_store %arg7[%swap3A_698, %swap3A_699], %swap3A_702 {strides = array<i32>} : memref<4x2048xf32, #tpu.memory_space<vmem>>, vector<1x16xf32>,
        }
        %scan3A_162 = arith.constant 16 : i32
        %scan3A_163 = arith.constant 0 : i32
        %scan3A_164 = arith.constant 16 : i32
        %scan3A_165 = arith.addi %scan3A_163, %scan3A_164 : i32
        %scan3A_166 = arith.constant 1 : i32
        scf.for %scan3A_326 = %scan3A_163 to %scan3A_165 step %scan3A_166  : i32 {
          %mul3A_327 = arith.constant 1 : i32
          %mul3A_328 = arith.muli %scan3A_326, %mul3A_327 : i32
          %add3A_329 = arith.constant 0 : i32
          %add3A_330 = arith.addi %add3A_329, %mul3A_328 : i32
          %mul3A_331 = arith.constant 128 : i32
          %mul3A_332 = arith.muli %add3A_330, %mul3A_331 : i32
          %multiple_of3A_333 = tpu.assume_multiple %mul3A_332, 128 : i32
          %dma_start3A_334 = arith.constant 0 : i32
          %dma_start3A_335 = arith.constant 0 : i32
          %dma_start3A_336 = tpu.memref_slice %arg7[%dma_start3A_334, %multiple_of3A_333] : memref<4x2048xf32, #tpu.memory_space<vmem>> -> memref<1x128xf32, #tpu.memory_space<vmem>>
          %dma_start3A_337 = tpu.memref_squeeze %dma_start3A_336 : memref<1x128xf32, #tpu.memory_space<vmem>> -> memref<128xf32, #tpu.memory_space<vmem>>
          %dma_start3A_338 = arith.constant 0 : i32
          %dma_start3A_339 = tpu.memref_slice %arg8[%dma_start3A_335, %add3A_330, %dma_start3A_338] : memref<4x16x128xi32, #tpu.memory_space<vmem>> -> memref<1x1x128xi32, #tpu.memory_space<vmem>>
          %dma_start3A_340 = tpu.memref_squeeze %dma_start3A_339 : memref<1x1x128xi32, #tpu.memory_space<vmem>> -> memref<128xi32, #tpu.memory_space<vmem>>
          %dma_start3A_341 = arith.constant 0 : i32
          %dma_start3A_342 = tpu.memref_slice %arg11[%dma_start3A_341] : memref<1703936xf32, #tpu.memory_space<vmem_shared>> -> memref<1703936xf32, #tpu.memory_space<vmem_shared>>
          tpu.enqueue_indirect_dma source(%dma_start3A_337 : memref<128xf32, #tpu.memory_space<vmem>>) target(%dma_start3A_342 : memref<1703936xf32, #tpu.memory_space<vmem_shared>>) offsets(%dma_start3A_340 : memref<128xi32, #tpu.memory_space<vmem>>) semaphore(%arg18 : memref<!tpu.dma_semaphore, #tpu.memory_space<semaphore_mem>>) {add = true}
        }
        %scan3A_167 = arith.constant 16 : i32
        %gt3A = arith.constant 0 : i32
        %gt3A_168 = arith.cmpi sgt, %add3A_133, %gt3A : i32
        %convert_element_type3A = arith.extui %gt3A_168 : i1 to i32
        %cond3A = arith.constant 0 : i32
        %cond3A_169 = arith.cmpi ne, %convert_element_type3A, %cond3A : i32
        scf.if %cond3A_169 {
          %dma_wait3A_326 = arith.constant 2 : i32
          %dma_wait3A_327 = arith.constant 0 : i32
          %dma_wait3A_328 = tpu.memref_slice %arg7[%dma_wait3A_326, %dma_wait3A_327] : memref<4x2048xf32, #tpu.memory_space<vmem>> -> memref<1x2048xf32, #tpu.memory_space<vmem>>
          %dma_wait3A_329 = tpu.memref_squeeze %dma_wait3A_328 : memref<1x2048xf32, #tpu.memory_space<vmem>> -> memref<2048xf32, #tpu.memory_space<vmem>>
          %dma_wait3A_330 = arith.constant 0 : i32
          %dma_wait3A_331 = tpu.memref_slice %arg3[%dma_wait3A_330] : memref<5111808xf32, #tpu.memory_space<hbm>> -> memref<2048xf32, #tpu.memory_space<hbm>>
          %dma_wait3A_332 = arith.constant 0 : i32
          %dma_wait3A_333 = tpu.memref_slice %arg7[%dma_wait3A_326, %dma_wait3A_332] : memref<4x2048xf32, #tpu.memory_space<vmem>> -> memref<1x2048xf32, #tpu.memory_space<vmem>>
          %dma_wait3A_334 = tpu.memref_squeeze %dma_wait3A_333 : memref<1x2048xf32, #tpu.memory_space<vmem>> -> memref<2048xf32, #tpu.memory_space<vmem>>
          %dma_wait3A_335 = arith.constant 0 : i32
          %dma_wait3A_336 = tpu.memref_slice %arg3[%dma_wait3A_335] : memref<5111808xf32, #tpu.memory_space<hbm>> -> memref<2048xf32, #tpu.memory_space<hbm>>
          tpu.wait_dma2 semaphore(%arg20 : memref<!tpu.dma_semaphore, #tpu.memory_space<semaphore_mem>>) src(%dma_wait3A_336 : memref<2048xf32, #tpu.memory_space<hbm>>) dst(%dma_wait3A_334 : memref<2048xf32, #tpu.memory_space<vmem>>)
        } else {
        }
        %add3A_170 = arith.constant 4096 : i32
        %add3A_171 = arith.addi %add3A_135, %add3A_170 : i32
        %lt3A = arith.constant 319488 : i32
        %lt3A_172 = arith.cmpi slt, %add3A_171, %lt3A : i32
        %convert_element_type3A_173 = arith.extui %lt3A_172 : i1 to i32
        %cond3A_174 = arith.constant 0 : i32
        %cond3A_175 = arith.cmpi ne, %convert_element_type3A_173, %cond3A_174 : i32
        scf.if %cond3A_175 {
          %add3A_326 = arith.addi %mul3A_0, %add3A_135 : i32
          %add3A_327 = arith.constant 4096 : i32
          %add3A_328 = arith.addi %add3A_326, %add3A_327 : i32
          %multiple_of3A_329 = tpu.assume_multiple %add3A_328, 128 : i32
          %dma_start3A_330 = arith.constant 0 : i32
          %dma_start3A_331 = arith.constant 0 : i32
          %dma_start3A_332 = tpu.memref_slice %arg6[%dma_start3A_330, %dma_start3A_331] : memref<2x2048xi32, #tpu.memory_space<vmem>> -> memref<1x2048xi32, #tpu.memory_space<vmem>>
          %dma_start3A_333 = tpu.memref_squeeze %dma_start3A_332 : memref<1x2048xi32, #tpu.memory_space<vmem>> -> memref<2048xi32, #tpu.memory_space<vmem>>
          %dma_start3A_334 = tpu.memref_slice %arg2[%multiple_of3A_329] : memref<5111808xi32, #tpu.memory_space<hbm>> -> memref<2048xi32, #tpu.memory_space<hbm>>
          %dma_start3A_335 = arith.constant 0 : i32
          %dma_start3A_336 = tpu.memref_slice %arg6[%dma_start3A_330, %dma_start3A_335] : memref<2x2048xi32, #tpu.memory_space<vmem>> -> memref<1x2048xi32, #tpu.memory_space<vmem>>
          %dma_start3A_337 = tpu.memref_squeeze %dma_start3A_336 : memref<1x2048xi32, #tpu.memory_space<vmem>> -> memref<2048xi32, #tpu.memory_space<vmem>>
          %dma_start3A_338 = tpu.memref_slice %arg2[%multiple_of3A_329] : memref<5111808xi32, #tpu.memory_space<hbm>> -> memref<2048xi32, #tpu.memory_space<hbm>>
          tpu.enqueue_dma source(%dma_start3A_338 : memref<2048xi32, #tpu.memory_space<hbm>>) target(%dma_start3A_337 : memref<2048xi32, #tpu.memory_space<vmem>>) target_semaphore(%arg12 : memref<!tpu.dma_semaphore, #tpu.memory_space<semaphore_mem>>)
          %dma_start3A_339 = arith.constant 2 : i32
          %dma_start3A_340 = arith.constant 0 : i32
          %dma_start3A_341 = tpu.memref_slice %arg7[%dma_start3A_339, %dma_start3A_340] : memref<4x2048xf32, #tpu.memory_space<vmem>> -> memref<1x2048xf32, #tpu.memory_space<vmem>>
          %dma_start3A_342 = tpu.memref_squeeze %dma_start3A_341 : memref<1x2048xf32, #tpu.memory_space<vmem>> -> memref<2048xf32, #tpu.memory_space<vmem>>
          %dma_start3A_343 = tpu.memref_slice %arg3[%multiple_of3A_329] : memref<5111808xf32, #tpu.memory_space<hbm>> -> memref<2048xf32, #tpu.memory_space<hbm>>
          %dma_start3A_344 = arith.constant 0 : i32
          %dma_start3A_345 = tpu.memref_slice %arg7[%dma_start3A_339, %dma_start3A_344] : memref<4x2048xf32, #tpu.memory_space<vmem>> -> memref<1x2048xf32, #tpu.memory_space<vmem>>
          %dma_start3A_346 = tpu.memref_squeeze %dma_start3A_345 : memref<1x2048xf32, #tpu.memory_space<vmem>> -> memref<2048xf32, #tpu.memory_space<vmem>>
          %dma_start3A_347 = tpu.memref_slice %arg3[%multiple_of3A_329] : memref<5111808xf32, #tpu.memory_space<hbm>> -> memref<2048xf32, #tpu.memory_space<hbm>>
          tpu.enqueue_dma source(%dma_start3A_347 : memref<2048xf32, #tpu.memory_space<hbm>>) target(%dma_start3A_346 : memref<2048xf32, #tpu.memory_space<vmem>>) target_semaphore(%arg16 : memref<!tpu.dma_semaphore, #tpu.memory_space<semaphore_mem>>)
        } else {
        }
        %add3A_176 = arith.constant 2048 : i32
        %add3A_177 = arith.addi %add3A_133, %add3A_176 : i32
        %dma_wait3A_178 = arith.constant 1 : i32
        %dma_wait3A_179 = arith.constant 0 : i32
        %dma_wait3A_180 = tpu.memref_slice %arg6[%dma_wait3A_178, %dma_wait3A_179] : memref<2x2048xi32, #tpu.memory_space<vmem>> -> memref<1x2048xi32, #tpu.memory_space<vmem>>
        %dma_wait3A_181 = tpu.memref_squeeze %dma_wait3A_180 : memref<1x2048xi32, #tpu.memory_space<vmem>> -> memref<2048xi32, #tpu.memory_space<vmem>>
        %dma_wait3A_182 = arith.constant 0 : i32
        %dma_wait3A_183 = tpu.memref_slice %arg2[%dma_wait3A_182] : memref<5111808xi32, #tpu.memory_space<hbm>> -> memref<2048xi32, #tpu.memory_space<hbm>>
        %dma_wait3A_184 = arith.constant 0 : i32
        %dma_wait3A_185 = tpu.memref_slice %arg6[%dma_wait3A_178, %dma_wait3A_184] : memref<2x2048xi32, #tpu.memory_space<vmem>> -> memref<1x2048xi32, #tpu.memory_space<vmem>>
        %dma_wait3A_186 = tpu.memref_squeeze %dma_wait3A_185 : memref<1x2048xi32, #tpu.memory_space<vmem>> -> memref<2048xi32, #tpu.memory_space<vmem>>
        %dma_wait3A_187 = arith.constant 0 : i32
        %dma_wait3A_188 = tpu.memref_slice %arg2[%dma_wait3A_187] : memref<5111808xi32, #tpu.memory_space<hbm>> -> memref<2048xi32, #tpu.memory_space<hbm>>
        tpu.wait_dma2 semaphore(%arg13 : memref<!tpu.dma_semaphore, #tpu.memory_space<semaphore_mem>>) src(%dma_wait3A_188 : memref<2048xi32, #tpu.memory_space<hbm>>) dst(%dma_wait3A_186 : memref<2048xi32, #tpu.memory_space<vmem>>)
        %dma_wait3A_189 = arith.constant 1 : i32
        %dma_wait3A_190 = arith.constant 0 : i32
        %dma_wait3A_191 = tpu.memref_slice %arg7[%dma_wait3A_189, %dma_wait3A_190] : memref<4x2048xf32, #tpu.memory_space<vmem>> -> memref<1x2048xf32, #tpu.memory_space<vmem>>
        %dma_wait3A_192 = tpu.memref_squeeze %dma_wait3A_191 : memref<1x2048xf32, #tpu.memory_space<vmem>> -> memref<2048xf32, #tpu.memory_space<vmem>>
        %dma_wait3A_193 = arith.constant 0 : i32
        %dma_wait3A_194 = tpu.memref_slice %arg3[%dma_wait3A_193] : memref<5111808xf32, #tpu.memory_space<hbm>> -> memref<2048xf32, #tpu.memory_space<hbm>>
        %dma_wait3A_195 = arith.constant 0 : i32
        %dma_wait3A_196 = tpu.memref_slice %arg7[%dma_wait3A_189, %dma_wait3A_195] : memref<4x2048xf32, #tpu.memory_space<vmem>> -> memref<1x2048xf32, #tpu.memory_space<vmem>>
        %dma_wait3A_197 = tpu.memref_squeeze %dma_wait3A_196 : memref<1x2048xf32, #tpu.memory_space<vmem>> -> memref<2048xf32, #tpu.memory_space<vmem>>
        %dma_wait3A_198 = arith.constant 0 : i32
        %dma_wait3A_199 = tpu.memref_slice %arg3[%dma_wait3A_198] : memref<5111808xf32, #tpu.memory_space<hbm>> -> memref<2048xf32, #tpu.memory_space<hbm>>
        tpu.wait_dma2 semaphore(%arg15 : memref<!tpu.dma_semaphore, #tpu.memory_space<semaphore_mem>>) src(%dma_wait3A_199 : memref<2048xf32, #tpu.memory_space<hbm>>) dst(%dma_wait3A_197 : memref<2048xf32, #tpu.memory_space<vmem>>)
        %scan3A_200 = arith.constant 0 : i32
        %scan3A_201 = arith.constant 16 : i32
        %scan3A_202 = arith.addi %scan3A_200, %scan3A_201 : i32
        %scan3A_203 = arith.constant 1 : i32
        scf.for %scan3A_326 = %scan3A_200 to %scan3A_202 step %scan3A_203  : i32 {
          %mul3A_327 = arith.constant 1 : i32
          %mul3A_328 = arith.muli %scan3A_326, %mul3A_327 : i32
          %add3A_329 = arith.constant 0 : i32
          %add3A_330 = arith.addi %add3A_329, %mul3A_328 : i32
          %mul3A_331 = arith.constant 128 : i32
          %mul3A_332 = arith.muli %add3A_330, %mul3A_331 : i32
          %add3A_333 = arith.constant 0 : i32
          %add3A_334 = arith.addi %mul3A_332, %add3A_333 : i32
          %get3A = arith.constant 1 : i32
          %get3A_335 = arith.index_cast %get3A : i32 to index
          %get3A_336 = arith.index_cast %add3A_334 : i32 to index
          %get3A_337 = tpu.vector_load %arg6[%get3A_335, %get3A_336] {strides = array<i32>} : memref<2x2048xi32, #tpu.memory_space<vmem>>, vector<1x16xi32>,
          %get3A_338 = vector.shape_cast %get3A_337 : vector<1x16xi32> to vector<16xi32>
          %sub3A_339 = vector.broadcast %mul3A_13 : i32 to vector<16xi32>
          %sub3A_340 = arith.subi %get3A_338, %sub3A_339 : vector<16xi32>
          %lt3A_341 = arith.constant 1703936 : i32
          %lt3A_342 = vector.broadcast %lt3A_341 : i32 to vector<16xi32>
          %lt3A_343 = arith.cmpi ult, %sub3A_340, %lt3A_342 : vector<16xi32>
          %and3A = arith.constant 1048575 : i32
          %and3A_344 = vector.broadcast %and3A : i32 to vector<16xi32>
          %and3A_345 = arith.andi %sub3A_340, %and3A_344 : vector<16xi32>
          %select_n3A_346 = arith.select %lt3A_343, %sub3A_340, %and3A_345 : vector<16xi1>, vector<16xi32>
          %swap3A = arith.constant 1 : i32
          %swap3A_347 = arith.index_cast %swap3A : i32 to index
          %swap3A_348 = arith.index_cast %add3A_330 : i32 to index
          %swap3A_349 = arith.constant 0 : index
          %swap3A_350 = tpu.vector_load %arg8[%swap3A_347, %swap3A_348, %swap3A_349] {strides = array<i32>} : memref<4x16x128xi32, #tpu.memory_space<vmem>>, vector<1x1x16xi32>,
          %swap3A_351 = vector.shape_cast %swap3A_350 : vector<1x1x16xi32> to vector<16xi32>
          %swap3A_352 = vector.shape_cast %select_n3A_346 : vector<16xi32> to vector<1x1x16xi32>
          tpu.vector_store %arg8[%swap3A_347, %swap3A_348, %swap3A_349], %swap3A_352 {strides = array<i32>} : memref<4x16x128xi32, #tpu.memory_space<vmem>>, vector<1x1x16xi32>,
          %mul3A_353 = arith.constant 128 : i32
          %mul3A_354 = arith.muli %add3A_330, %mul3A_353 : i32
          %add3A_355 = arith.constant 0 : i32
          %add3A_356 = arith.addi %mul3A_354, %add3A_355 : i32
          %get3A_357 = arith.constant 1 : i32
          %get3A_358 = arith.index_cast %get3A_357 : i32 to index
          %get3A_359 = arith.index_cast %add3A_356 : i32 to index
          %get3A_360 = tpu.vector_load %arg7[%get3A_358, %get3A_359] {strides = array<i32>} : memref<4x2048xf32, #tpu.memory_space<vmem>>, vector<1x16xf32>,
          %get3A_361 = vector.shape_cast %get3A_360 : vector<1x16xf32> to vector<16xf32>
          %jit3A_362 = arith.constant 0.000000e+00 : f32
          %broadcast_in_dim3A = vector.broadcast %jit3A_362 : f32 to vector<16xf32>
          %select_n3A_363 = arith.select %lt3A_343, %get3A_361, %broadcast_in_dim3A : vector<16xi1>, vector<16xf32>
          %mul3A_364 = arith.constant 128 : i32
          %mul3A_365 = arith.muli %add3A_330, %mul3A_364 : i32
          %add3A_366 = arith.constant 0 : i32
          %add3A_367 = arith.addi %mul3A_365, %add3A_366 : i32
          %swap3A_368 = arith.constant 1 : i32
          %swap3A_369 = arith.index_cast %swap3A_368 : i32 to index
          %swap3A_370 = arith.index_cast %add3A_367 : i32 to index
          %swap3A_371 = tpu.vector_load %arg7[%swap3A_369, %swap3A_370] {strides = array<i32>} : memref<4x2048xf32, #tpu.memory_space<vmem>>, vector<1x16xf32>,
          %swap3A_372 = vector.shape_cast %swap3A_371 : vector<1x16xf32> to vector<16xf32>
          %swap3A_373 = vector.shape_cast %select_n3A_363 : vector<16xf32> to vector<1x16xf32>
          tpu.vector_store %arg7[%swap3A_369, %swap3A_370], %swap3A_373 {strides = array<i32>} : memref<4x2048xf32, #tpu.memory_space<vmem>>, vector<1x16xf32>,
          %mul3A_374 = arith.constant 128 : i32
          %mul3A_375 = arith.muli %add3A_330, %mul3A_374 : i32
          %add3A_376 = arith.constant 16 : i32
          %add3A_377 = arith.addi %mul3A_375, %add3A_376 : i32
          %get3A_378 = arith.constant 1 : i32
          %get3A_379 = arith.index_cast %get3A_378 : i32 to index
          %get3A_380 = arith.index_cast %add3A_377 : i32 to index
          %get3A_381 = tpu.vector_load %arg6[%get3A_379, %get3A_380] {strides = array<i32>} : memref<2x2048xi32, #tpu.memory_space<vmem>>, vector<1x16xi32>,
          %get3A_382 = vector.shape_cast %get3A_381 : vector<1x16xi32> to vector<16xi32>
          %sub3A_383 = vector.broadcast %mul3A_13 : i32 to vector<16xi32>
          %sub3A_384 = arith.subi %get3A_382, %sub3A_383 : vector<16xi32>
          %lt3A_385 = arith.constant 1703936 : i32
          %lt3A_386 = vector.broadcast %lt3A_385 : i32 to vector<16xi32>
          %lt3A_387 = arith.cmpi ult, %sub3A_384, %lt3A_386 : vector<16xi32>
          %and3A_388 = arith.constant 1048575 : i32
          %and3A_389 = vector.broadcast %and3A_388 : i32 to vector<16xi32>
          %and3A_390 = arith.andi %sub3A_384, %and3A_389 : vector<16xi32>
          %select_n3A_391 = arith.select %lt3A_387, %sub3A_384, %and3A_390 : vector<16xi1>, vector<16xi32>
          %swap3A_392 = arith.constant 1 : i32
          %swap3A_393 = arith.index_cast %swap3A_392 : i32 to index
          %swap3A_394 = arith.index_cast %add3A_330 : i32 to index
          %swap3A_395 = arith.constant 16 : index
          %swap3A_396 = tpu.vector_load %arg8[%swap3A_393, %swap3A_394, %swap3A_395] {strides = array<i32>} : memref<4x16x128xi32, #tpu.memory_space<vmem>>, vector<1x1x16xi32>,
          %swap3A_397 = vector.shape_cast %swap3A_396 : vector<1x1x16xi32> to vector<16xi32>
          %swap3A_398 = vector.shape_cast %select_n3A_391 : vector<16xi32> to vector<1x1x16xi32>
          tpu.vector_store %arg8[%swap3A_393, %swap3A_394, %swap3A_395], %swap3A_398 {strides = array<i32>} : memref<4x16x128xi32, #tpu.memory_space<vmem>>, vector<1x1x16xi32>,
          %mul3A_399 = arith.constant 128 : i32
          %mul3A_400 = arith.muli %add3A_330, %mul3A_399 : i32
          %add3A_401 = arith.constant 16 : i32
          %add3A_402 = arith.addi %mul3A_400, %add3A_401 : i32
          %get3A_403 = arith.constant 1 : i32
          %get3A_404 = arith.index_cast %get3A_403 : i32 to index
          %get3A_405 = arith.index_cast %add3A_402 : i32 to index
          %get3A_406 = tpu.vector_load %arg7[%get3A_404, %get3A_405] {strides = array<i32>} : memref<4x2048xf32, #tpu.memory_space<vmem>>, vector<1x16xf32>,
          %get3A_407 = vector.shape_cast %get3A_406 : vector<1x16xf32> to vector<16xf32>
          %jit3A_408 = arith.constant 0.000000e+00 : f32
          %broadcast_in_dim3A_409 = vector.broadcast %jit3A_408 : f32 to vector<16xf32>
          %select_n3A_410 = arith.select %lt3A_387, %get3A_407, %broadcast_in_dim3A_409 : vector<16xi1>, vector<16xf32>
          %mul3A_411 = arith.constant 128 : i32
          %mul3A_412 = arith.muli %add3A_330, %mul3A_411 : i32
          %add3A_413 = arith.constant 16 : i32
          %add3A_414 = arith.addi %mul3A_412, %add3A_413 : i32
          %swap3A_415 = arith.constant 1 : i32
          %swap3A_416 = arith.index_cast %swap3A_415 : i32 to index
          %swap3A_417 = arith.index_cast %add3A_414 : i32 to index
          %swap3A_418 = tpu.vector_load %arg7[%swap3A_416, %swap3A_417] {strides = array<i32>} : memref<4x2048xf32, #tpu.memory_space<vmem>>, vector<1x16xf32>,
          %swap3A_419 = vector.shape_cast %swap3A_418 : vector<1x16xf32> to vector<16xf32>
          %swap3A_420 = vector.shape_cast %select_n3A_410 : vector<16xf32> to vector<1x16xf32>
          tpu.vector_store %arg7[%swap3A_416, %swap3A_417], %swap3A_420 {strides = array<i32>} : memref<4x2048xf32, #tpu.memory_space<vmem>>, vector<1x16xf32>,
          %mul3A_421 = arith.constant 128 : i32
          %mul3A_422 = arith.muli %add3A_330, %mul3A_421 : i32
          %add3A_423 = arith.constant 32 : i32
          %add3A_424 = arith.addi %mul3A_422, %add3A_423 : i32
          %get3A_425 = arith.constant 1 : i32
          %get3A_426 = arith.index_cast %get3A_425 : i32 to index
          %get3A_427 = arith.index_cast %add3A_424 : i32 to index
          %get3A_428 = tpu.vector_load %arg6[%get3A_426, %get3A_427] {strides = array<i32>} : memref<2x2048xi32, #tpu.memory_space<vmem>>, vector<1x16xi32>,
          %get3A_429 = vector.shape_cast %get3A_428 : vector<1x16xi32> to vector<16xi32>
          %sub3A_430 = vector.broadcast %mul3A_13 : i32 to vector<16xi32>
          %sub3A_431 = arith.subi %get3A_429, %sub3A_430 : vector<16xi32>
          %lt3A_432 = arith.constant 1703936 : i32
          %lt3A_433 = vector.broadcast %lt3A_432 : i32 to vector<16xi32>
          %lt3A_434 = arith.cmpi ult, %sub3A_431, %lt3A_433 : vector<16xi32>
          %and3A_435 = arith.constant 1048575 : i32
          %and3A_436 = vector.broadcast %and3A_435 : i32 to vector<16xi32>
          %and3A_437 = arith.andi %sub3A_431, %and3A_436 : vector<16xi32>
          %select_n3A_438 = arith.select %lt3A_434, %sub3A_431, %and3A_437 : vector<16xi1>, vector<16xi32>
          %swap3A_439 = arith.constant 1 : i32
          %swap3A_440 = arith.index_cast %swap3A_439 : i32 to index
          %swap3A_441 = arith.index_cast %add3A_330 : i32 to index
          %swap3A_442 = arith.constant 32 : index
          %swap3A_443 = tpu.vector_load %arg8[%swap3A_440, %swap3A_441, %swap3A_442] {strides = array<i32>} : memref<4x16x128xi32, #tpu.memory_space<vmem>>, vector<1x1x16xi32>,
          %swap3A_444 = vector.shape_cast %swap3A_443 : vector<1x1x16xi32> to vector<16xi32>
          %swap3A_445 = vector.shape_cast %select_n3A_438 : vector<16xi32> to vector<1x1x16xi32>
          tpu.vector_store %arg8[%swap3A_440, %swap3A_441, %swap3A_442], %swap3A_445 {strides = array<i32>} : memref<4x16x128xi32, #tpu.memory_space<vmem>>, vector<1x1x16xi32>,
          %mul3A_446 = arith.constant 128 : i32
          %mul3A_447 = arith.muli %add3A_330, %mul3A_446 : i32
          %add3A_448 = arith.constant 32 : i32
          %add3A_449 = arith.addi %mul3A_447, %add3A_448 : i32
          %get3A_450 = arith.constant 1 : i32
          %get3A_451 = arith.index_cast %get3A_450 : i32 to index
          %get3A_452 = arith.index_cast %add3A_449 : i32 to index
          %get3A_453 = tpu.vector_load %arg7[%get3A_451, %get3A_452] {strides = array<i32>} : memref<4x2048xf32, #tpu.memory_space<vmem>>, vector<1x16xf32>,
          %get3A_454 = vector.shape_cast %get3A_453 : vector<1x16xf32> to vector<16xf32>
          %jit3A_455 = arith.constant 0.000000e+00 : f32
          %broadcast_in_dim3A_456 = vector.broadcast %jit3A_455 : f32 to vector<16xf32>
          %select_n3A_457 = arith.select %lt3A_434, %get3A_454, %broadcast_in_dim3A_456 : vector<16xi1>, vector<16xf32>
          %mul3A_458 = arith.constant 128 : i32
          %mul3A_459 = arith.muli %add3A_330, %mul3A_458 : i32
          %add3A_460 = arith.constant 32 : i32
          %add3A_461 = arith.addi %mul3A_459, %add3A_460 : i32
          %swap3A_462 = arith.constant 1 : i32
          %swap3A_463 = arith.index_cast %swap3A_462 : i32 to index
          %swap3A_464 = arith.index_cast %add3A_461 : i32 to index
          %swap3A_465 = tpu.vector_load %arg7[%swap3A_463, %swap3A_464] {strides = array<i32>} : memref<4x2048xf32, #tpu.memory_space<vmem>>, vector<1x16xf32>,
          %swap3A_466 = vector.shape_cast %swap3A_465 : vector<1x16xf32> to vector<16xf32>
          %swap3A_467 = vector.shape_cast %select_n3A_457 : vector<16xf32> to vector<1x16xf32>
          tpu.vector_store %arg7[%swap3A_463, %swap3A_464], %swap3A_467 {strides = array<i32>} : memref<4x2048xf32, #tpu.memory_space<vmem>>, vector<1x16xf32>,
          %mul3A_468 = arith.constant 128 : i32
          %mul3A_469 = arith.muli %add3A_330, %mul3A_468 : i32
          %add3A_470 = arith.constant 48 : i32
          %add3A_471 = arith.addi %mul3A_469, %add3A_470 : i32
          %get3A_472 = arith.constant 1 : i32
          %get3A_473 = arith.index_cast %get3A_472 : i32 to index
          %get3A_474 = arith.index_cast %add3A_471 : i32 to index
          %get3A_475 = tpu.vector_load %arg6[%get3A_473, %get3A_474] {strides = array<i32>} : memref<2x2048xi32, #tpu.memory_space<vmem>>, vector<1x16xi32>,
          %get3A_476 = vector.shape_cast %get3A_475 : vector<1x16xi32> to vector<16xi32>
          %sub3A_477 = vector.broadcast %mul3A_13 : i32 to vector<16xi32>
          %sub3A_478 = arith.subi %get3A_476, %sub3A_477 : vector<16xi32>
          %lt3A_479 = arith.constant 1703936 : i32
          %lt3A_480 = vector.broadcast %lt3A_479 : i32 to vector<16xi32>
          %lt3A_481 = arith.cmpi ult, %sub3A_478, %lt3A_480 : vector<16xi32>
          %and3A_482 = arith.constant 1048575 : i32
          %and3A_483 = vector.broadcast %and3A_482 : i32 to vector<16xi32>
          %and3A_484 = arith.andi %sub3A_478, %and3A_483 : vector<16xi32>
          %select_n3A_485 = arith.select %lt3A_481, %sub3A_478, %and3A_484 : vector<16xi1>, vector<16xi32>
          %swap3A_486 = arith.constant 1 : i32
          %swap3A_487 = arith.index_cast %swap3A_486 : i32 to index
          %swap3A_488 = arith.index_cast %add3A_330 : i32 to index
          %swap3A_489 = arith.constant 48 : index
          %swap3A_490 = tpu.vector_load %arg8[%swap3A_487, %swap3A_488, %swap3A_489] {strides = array<i32>} : memref<4x16x128xi32, #tpu.memory_space<vmem>>, vector<1x1x16xi32>,
          %swap3A_491 = vector.shape_cast %swap3A_490 : vector<1x1x16xi32> to vector<16xi32>
          %swap3A_492 = vector.shape_cast %select_n3A_485 : vector<16xi32> to vector<1x1x16xi32>
          tpu.vector_store %arg8[%swap3A_487, %swap3A_488, %swap3A_489], %swap3A_492 {strides = array<i32>} : memref<4x16x128xi32, #tpu.memory_space<vmem>>, vector<1x1x16xi32>,
          %mul3A_493 = arith.constant 128 : i32
          %mul3A_494 = arith.muli %add3A_330, %mul3A_493 : i32
          %add3A_495 = arith.constant 48 : i32
          %add3A_496 = arith.addi %mul3A_494, %add3A_495 : i32
          %get3A_497 = arith.constant 1 : i32
          %get3A_498 = arith.index_cast %get3A_497 : i32 to index
          %get3A_499 = arith.index_cast %add3A_496 : i32 to index
          %get3A_500 = tpu.vector_load %arg7[%get3A_498, %get3A_499] {strides = array<i32>} : memref<4x2048xf32, #tpu.memory_space<vmem>>, vector<1x16xf32>,
          %get3A_501 = vector.shape_cast %get3A_500 : vector<1x16xf32> to vector<16xf32>
          %jit3A_502 = arith.constant 0.000000e+00 : f32
          %broadcast_in_dim3A_503 = vector.broadcast %jit3A_502 : f32 to vector<16xf32>
          %select_n3A_504 = arith.select %lt3A_481, %get3A_501, %broadcast_in_dim3A_503 : vector<16xi1>, vector<16xf32>
          %mul3A_505 = arith.constant 128 : i32
          %mul3A_506 = arith.muli %add3A_330, %mul3A_505 : i32
          %add3A_507 = arith.constant 48 : i32
          %add3A_508 = arith.addi %mul3A_506, %add3A_507 : i32
          %swap3A_509 = arith.constant 1 : i32
          %swap3A_510 = arith.index_cast %swap3A_509 : i32 to index
          %swap3A_511 = arith.index_cast %add3A_508 : i32 to index
          %swap3A_512 = tpu.vector_load %arg7[%swap3A_510, %swap3A_511] {strides = array<i32>} : memref<4x2048xf32, #tpu.memory_space<vmem>>, vector<1x16xf32>,
          %swap3A_513 = vector.shape_cast %swap3A_512 : vector<1x16xf32> to vector<16xf32>
          %swap3A_514 = vector.shape_cast %select_n3A_504 : vector<16xf32> to vector<1x16xf32>
          tpu.vector_store %arg7[%swap3A_510, %swap3A_511], %swap3A_514 {strides = array<i32>} : memref<4x2048xf32, #tpu.memory_space<vmem>>, vector<1x16xf32>,
          %mul3A_515 = arith.constant 128 : i32
          %mul3A_516 = arith.muli %add3A_330, %mul3A_515 : i32
          %add3A_517 = arith.constant 64 : i32
          %add3A_518 = arith.addi %mul3A_516, %add3A_517 : i32
          %get3A_519 = arith.constant 1 : i32
          %get3A_520 = arith.index_cast %get3A_519 : i32 to index
          %get3A_521 = arith.index_cast %add3A_518 : i32 to index
          %get3A_522 = tpu.vector_load %arg6[%get3A_520, %get3A_521] {strides = array<i32>} : memref<2x2048xi32, #tpu.memory_space<vmem>>, vector<1x16xi32>,
          %get3A_523 = vector.shape_cast %get3A_522 : vector<1x16xi32> to vector<16xi32>
          %sub3A_524 = vector.broadcast %mul3A_13 : i32 to vector<16xi32>
          %sub3A_525 = arith.subi %get3A_523, %sub3A_524 : vector<16xi32>
          %lt3A_526 = arith.constant 1703936 : i32
          %lt3A_527 = vector.broadcast %lt3A_526 : i32 to vector<16xi32>
          %lt3A_528 = arith.cmpi ult, %sub3A_525, %lt3A_527 : vector<16xi32>
          %and3A_529 = arith.constant 1048575 : i32
          %and3A_530 = vector.broadcast %and3A_529 : i32 to vector<16xi32>
          %and3A_531 = arith.andi %sub3A_525, %and3A_530 : vector<16xi32>
          %select_n3A_532 = arith.select %lt3A_528, %sub3A_525, %and3A_531 : vector<16xi1>, vector<16xi32>
          %swap3A_533 = arith.constant 1 : i32
          %swap3A_534 = arith.index_cast %swap3A_533 : i32 to index
          %swap3A_535 = arith.index_cast %add3A_330 : i32 to index
          %swap3A_536 = arith.constant 64 : index
          %swap3A_537 = tpu.vector_load %arg8[%swap3A_534, %swap3A_535, %swap3A_536] {strides = array<i32>} : memref<4x16x128xi32, #tpu.memory_space<vmem>>, vector<1x1x16xi32>,
          %swap3A_538 = vector.shape_cast %swap3A_537 : vector<1x1x16xi32> to vector<16xi32>
          %swap3A_539 = vector.shape_cast %select_n3A_532 : vector<16xi32> to vector<1x1x16xi32>
          tpu.vector_store %arg8[%swap3A_534, %swap3A_535, %swap3A_536], %swap3A_539 {strides = array<i32>} : memref<4x16x128xi32, #tpu.memory_space<vmem>>, vector<1x1x16xi32>,
          %mul3A_540 = arith.constant 128 : i32
          %mul3A_541 = arith.muli %add3A_330, %mul3A_540 : i32
          %add3A_542 = arith.constant 64 : i32
          %add3A_543 = arith.addi %mul3A_541, %add3A_542 : i32
          %get3A_544 = arith.constant 1 : i32
          %get3A_545 = arith.index_cast %get3A_544 : i32 to index
          %get3A_546 = arith.index_cast %add3A_543 : i32 to index
          %get3A_547 = tpu.vector_load %arg7[%get3A_545, %get3A_546] {strides = array<i32>} : memref<4x2048xf32, #tpu.memory_space<vmem>>, vector<1x16xf32>,
          %get3A_548 = vector.shape_cast %get3A_547 : vector<1x16xf32> to vector<16xf32>
          %jit3A_549 = arith.constant 0.000000e+00 : f32
          %broadcast_in_dim3A_550 = vector.broadcast %jit3A_549 : f32 to vector<16xf32>
          %select_n3A_551 = arith.select %lt3A_528, %get3A_548, %broadcast_in_dim3A_550 : vector<16xi1>, vector<16xf32>
          %mul3A_552 = arith.constant 128 : i32
          %mul3A_553 = arith.muli %add3A_330, %mul3A_552 : i32
          %add3A_554 = arith.constant 64 : i32
          %add3A_555 = arith.addi %mul3A_553, %add3A_554 : i32
          %swap3A_556 = arith.constant 1 : i32
          %swap3A_557 = arith.index_cast %swap3A_556 : i32 to index
          %swap3A_558 = arith.index_cast %add3A_555 : i32 to index
          %swap3A_559 = tpu.vector_load %arg7[%swap3A_557, %swap3A_558] {strides = array<i32>} : memref<4x2048xf32, #tpu.memory_space<vmem>>, vector<1x16xf32>,
          %swap3A_560 = vector.shape_cast %swap3A_559 : vector<1x16xf32> to vector<16xf32>
          %swap3A_561 = vector.shape_cast %select_n3A_551 : vector<16xf32> to vector<1x16xf32>
          tpu.vector_store %arg7[%swap3A_557, %swap3A_558], %swap3A_561 {strides = array<i32>} : memref<4x2048xf32, #tpu.memory_space<vmem>>, vector<1x16xf32>,
          %mul3A_562 = arith.constant 128 : i32
          %mul3A_563 = arith.muli %add3A_330, %mul3A_562 : i32
          %add3A_564 = arith.constant 80 : i32
          %add3A_565 = arith.addi %mul3A_563, %add3A_564 : i32
          %get3A_566 = arith.constant 1 : i32
          %get3A_567 = arith.index_cast %get3A_566 : i32 to index
          %get3A_568 = arith.index_cast %add3A_565 : i32 to index
          %get3A_569 = tpu.vector_load %arg6[%get3A_567, %get3A_568] {strides = array<i32>} : memref<2x2048xi32, #tpu.memory_space<vmem>>, vector<1x16xi32>,
          %get3A_570 = vector.shape_cast %get3A_569 : vector<1x16xi32> to vector<16xi32>
          %sub3A_571 = vector.broadcast %mul3A_13 : i32 to vector<16xi32>
          %sub3A_572 = arith.subi %get3A_570, %sub3A_571 : vector<16xi32>
          %lt3A_573 = arith.constant 1703936 : i32
          %lt3A_574 = vector.broadcast %lt3A_573 : i32 to vector<16xi32>
          %lt3A_575 = arith.cmpi ult, %sub3A_572, %lt3A_574 : vector<16xi32>
          %and3A_576 = arith.constant 1048575 : i32
          %and3A_577 = vector.broadcast %and3A_576 : i32 to vector<16xi32>
          %and3A_578 = arith.andi %sub3A_572, %and3A_577 : vector<16xi32>
          %select_n3A_579 = arith.select %lt3A_575, %sub3A_572, %and3A_578 : vector<16xi1>, vector<16xi32>
          %swap3A_580 = arith.constant 1 : i32
          %swap3A_581 = arith.index_cast %swap3A_580 : i32 to index
          %swap3A_582 = arith.index_cast %add3A_330 : i32 to index
          %swap3A_583 = arith.constant 80 : index
          %swap3A_584 = tpu.vector_load %arg8[%swap3A_581, %swap3A_582, %swap3A_583] {strides = array<i32>} : memref<4x16x128xi32, #tpu.memory_space<vmem>>, vector<1x1x16xi32>,
          %swap3A_585 = vector.shape_cast %swap3A_584 : vector<1x1x16xi32> to vector<16xi32>
          %swap3A_586 = vector.shape_cast %select_n3A_579 : vector<16xi32> to vector<1x1x16xi32>
          tpu.vector_store %arg8[%swap3A_581, %swap3A_582, %swap3A_583], %swap3A_586 {strides = array<i32>} : memref<4x16x128xi32, #tpu.memory_space<vmem>>, vector<1x1x16xi32>,
          %mul3A_587 = arith.constant 128 : i32
          %mul3A_588 = arith.muli %add3A_330, %mul3A_587 : i32
          %add3A_589 = arith.constant 80 : i32
          %add3A_590 = arith.addi %mul3A_588, %add3A_589 : i32
          %get3A_591 = arith.constant 1 : i32
          %get3A_592 = arith.index_cast %get3A_591 : i32 to index
          %get3A_593 = arith.index_cast %add3A_590 : i32 to index
          %get3A_594 = tpu.vector_load %arg7[%get3A_592, %get3A_593] {strides = array<i32>} : memref<4x2048xf32, #tpu.memory_space<vmem>>, vector<1x16xf32>,
          %get3A_595 = vector.shape_cast %get3A_594 : vector<1x16xf32> to vector<16xf32>
          %jit3A_596 = arith.constant 0.000000e+00 : f32
          %broadcast_in_dim3A_597 = vector.broadcast %jit3A_596 : f32 to vector<16xf32>
          %select_n3A_598 = arith.select %lt3A_575, %get3A_595, %broadcast_in_dim3A_597 : vector<16xi1>, vector<16xf32>
          %mul3A_599 = arith.constant 128 : i32
          %mul3A_600 = arith.muli %add3A_330, %mul3A_599 : i32
          %add3A_601 = arith.constant 80 : i32
          %add3A_602 = arith.addi %mul3A_600, %add3A_601 : i32
          %swap3A_603 = arith.constant 1 : i32
          %swap3A_604 = arith.index_cast %swap3A_603 : i32 to index
          %swap3A_605 = arith.index_cast %add3A_602 : i32 to index
          %swap3A_606 = tpu.vector_load %arg7[%swap3A_604, %swap3A_605] {strides = array<i32>} : memref<4x2048xf32, #tpu.memory_space<vmem>>, vector<1x16xf32>,
          %swap3A_607 = vector.shape_cast %swap3A_606 : vector<1x16xf32> to vector<16xf32>
          %swap3A_608 = vector.shape_cast %select_n3A_598 : vector<16xf32> to vector<1x16xf32>
          tpu.vector_store %arg7[%swap3A_604, %swap3A_605], %swap3A_608 {strides = array<i32>} : memref<4x2048xf32, #tpu.memory_space<vmem>>, vector<1x16xf32>,
          %mul3A_609 = arith.constant 128 : i32
          %mul3A_610 = arith.muli %add3A_330, %mul3A_609 : i32
          %add3A_611 = arith.constant 96 : i32
          %add3A_612 = arith.addi %mul3A_610, %add3A_611 : i32
          %get3A_613 = arith.constant 1 : i32
          %get3A_614 = arith.index_cast %get3A_613 : i32 to index
          %get3A_615 = arith.index_cast %add3A_612 : i32 to index
          %get3A_616 = tpu.vector_load %arg6[%get3A_614, %get3A_615] {strides = array<i32>} : memref<2x2048xi32, #tpu.memory_space<vmem>>, vector<1x16xi32>,
          %get3A_617 = vector.shape_cast %get3A_616 : vector<1x16xi32> to vector<16xi32>
          %sub3A_618 = vector.broadcast %mul3A_13 : i32 to vector<16xi32>
          %sub3A_619 = arith.subi %get3A_617, %sub3A_618 : vector<16xi32>
          %lt3A_620 = arith.constant 1703936 : i32
          %lt3A_621 = vector.broadcast %lt3A_620 : i32 to vector<16xi32>
          %lt3A_622 = arith.cmpi ult, %sub3A_619, %lt3A_621 : vector<16xi32>
          %and3A_623 = arith.constant 1048575 : i32
          %and3A_624 = vector.broadcast %and3A_623 : i32 to vector<16xi32>
          %and3A_625 = arith.andi %sub3A_619, %and3A_624 : vector<16xi32>
          %select_n3A_626 = arith.select %lt3A_622, %sub3A_619, %and3A_625 : vector<16xi1>, vector<16xi32>
          %swap3A_627 = arith.constant 1 : i32
          %swap3A_628 = arith.index_cast %swap3A_627 : i32 to index
          %swap3A_629 = arith.index_cast %add3A_330 : i32 to index
          %swap3A_630 = arith.constant 96 : index
          %swap3A_631 = tpu.vector_load %arg8[%swap3A_628, %swap3A_629, %swap3A_630] {strides = array<i32>} : memref<4x16x128xi32, #tpu.memory_space<vmem>>, vector<1x1x16xi32>,
          %swap3A_632 = vector.shape_cast %swap3A_631 : vector<1x1x16xi32> to vector<16xi32>
          %swap3A_633 = vector.shape_cast %select_n3A_626 : vector<16xi32> to vector<1x1x16xi32>
          tpu.vector_store %arg8[%swap3A_628, %swap3A_629, %swap3A_630], %swap3A_633 {strides = array<i32>} : memref<4x16x128xi32, #tpu.memory_space<vmem>>, vector<1x1x16xi32>,
          %mul3A_634 = arith.constant 128 : i32
          %mul3A_635 = arith.muli %add3A_330, %mul3A_634 : i32
          %add3A_636 = arith.constant 96 : i32
          %add3A_637 = arith.addi %mul3A_635, %add3A_636 : i32
          %get3A_638 = arith.constant 1 : i32
          %get3A_639 = arith.index_cast %get3A_638 : i32 to index
          %get3A_640 = arith.index_cast %add3A_637 : i32 to index
          %get3A_641 = tpu.vector_load %arg7[%get3A_639, %get3A_640] {strides = array<i32>} : memref<4x2048xf32, #tpu.memory_space<vmem>>, vector<1x16xf32>,
          %get3A_642 = vector.shape_cast %get3A_641 : vector<1x16xf32> to vector<16xf32>
          %jit3A_643 = arith.constant 0.000000e+00 : f32
          %broadcast_in_dim3A_644 = vector.broadcast %jit3A_643 : f32 to vector<16xf32>
          %select_n3A_645 = arith.select %lt3A_622, %get3A_642, %broadcast_in_dim3A_644 : vector<16xi1>, vector<16xf32>
          %mul3A_646 = arith.constant 128 : i32
          %mul3A_647 = arith.muli %add3A_330, %mul3A_646 : i32
          %add3A_648 = arith.constant 96 : i32
          %add3A_649 = arith.addi %mul3A_647, %add3A_648 : i32
          %swap3A_650 = arith.constant 1 : i32
          %swap3A_651 = arith.index_cast %swap3A_650 : i32 to index
          %swap3A_652 = arith.index_cast %add3A_649 : i32 to index
          %swap3A_653 = tpu.vector_load %arg7[%swap3A_651, %swap3A_652] {strides = array<i32>} : memref<4x2048xf32, #tpu.memory_space<vmem>>, vector<1x16xf32>,
          %swap3A_654 = vector.shape_cast %swap3A_653 : vector<1x16xf32> to vector<16xf32>
          %swap3A_655 = vector.shape_cast %select_n3A_645 : vector<16xf32> to vector<1x16xf32>
          tpu.vector_store %arg7[%swap3A_651, %swap3A_652], %swap3A_655 {strides = array<i32>} : memref<4x2048xf32, #tpu.memory_space<vmem>>, vector<1x16xf32>,
          %mul3A_656 = arith.constant 128 : i32
          %mul3A_657 = arith.muli %add3A_330, %mul3A_656 : i32
          %add3A_658 = arith.constant 112 : i32
          %add3A_659 = arith.addi %mul3A_657, %add3A_658 : i32
          %get3A_660 = arith.constant 1 : i32
          %get3A_661 = arith.index_cast %get3A_660 : i32 to index
          %get3A_662 = arith.index_cast %add3A_659 : i32 to index
          %get3A_663 = tpu.vector_load %arg6[%get3A_661, %get3A_662] {strides = array<i32>} : memref<2x2048xi32, #tpu.memory_space<vmem>>, vector<1x16xi32>,
          %get3A_664 = vector.shape_cast %get3A_663 : vector<1x16xi32> to vector<16xi32>
          %sub3A_665 = vector.broadcast %mul3A_13 : i32 to vector<16xi32>
          %sub3A_666 = arith.subi %get3A_664, %sub3A_665 : vector<16xi32>
          %lt3A_667 = arith.constant 1703936 : i32
          %lt3A_668 = vector.broadcast %lt3A_667 : i32 to vector<16xi32>
          %lt3A_669 = arith.cmpi ult, %sub3A_666, %lt3A_668 : vector<16xi32>
          %and3A_670 = arith.constant 1048575 : i32
          %and3A_671 = vector.broadcast %and3A_670 : i32 to vector<16xi32>
          %and3A_672 = arith.andi %sub3A_666, %and3A_671 : vector<16xi32>
          %select_n3A_673 = arith.select %lt3A_669, %sub3A_666, %and3A_672 : vector<16xi1>, vector<16xi32>
          %swap3A_674 = arith.constant 1 : i32
          %swap3A_675 = arith.index_cast %swap3A_674 : i32 to index
          %swap3A_676 = arith.index_cast %add3A_330 : i32 to index
          %swap3A_677 = arith.constant 112 : index
          %swap3A_678 = tpu.vector_load %arg8[%swap3A_675, %swap3A_676, %swap3A_677] {strides = array<i32>} : memref<4x16x128xi32, #tpu.memory_space<vmem>>, vector<1x1x16xi32>,
          %swap3A_679 = vector.shape_cast %swap3A_678 : vector<1x1x16xi32> to vector<16xi32>
          %swap3A_680 = vector.shape_cast %select_n3A_673 : vector<16xi32> to vector<1x1x16xi32>
          tpu.vector_store %arg8[%swap3A_675, %swap3A_676, %swap3A_677], %swap3A_680 {strides = array<i32>} : memref<4x16x128xi32, #tpu.memory_space<vmem>>, vector<1x1x16xi32>,
          %mul3A_681 = arith.constant 128 : i32
          %mul3A_682 = arith.muli %add3A_330, %mul3A_681 : i32
          %add3A_683 = arith.constant 112 : i32
          %add3A_684 = arith.addi %mul3A_682, %add3A_683 : i32
          %get3A_685 = arith.constant 1 : i32
          %get3A_686 = arith.index_cast %get3A_685 : i32 to index
          %get3A_687 = arith.index_cast %add3A_684 : i32 to index
          %get3A_688 = tpu.vector_load %arg7[%get3A_686, %get3A_687] {strides = array<i32>} : memref<4x2048xf32, #tpu.memory_space<vmem>>, vector<1x16xf32>,
          %get3A_689 = vector.shape_cast %get3A_688 : vector<1x16xf32> to vector<16xf32>
          %jit3A_690 = arith.constant 0.000000e+00 : f32
          %broadcast_in_dim3A_691 = vector.broadcast %jit3A_690 : f32 to vector<16xf32>
          %select_n3A_692 = arith.select %lt3A_669, %get3A_689, %broadcast_in_dim3A_691 : vector<16xi1>, vector<16xf32>
          %mul3A_693 = arith.constant 128 : i32
          %mul3A_694 = arith.muli %add3A_330, %mul3A_693 : i32
          %add3A_695 = arith.constant 112 : i32
          %add3A_696 = arith.addi %mul3A_694, %add3A_695 : i32
          %swap3A_697 = arith.constant 1 : i32
          %swap3A_698 = arith.index_cast %swap3A_697 : i32 to index
          %swap3A_699 = arith.index_cast %add3A_696 : i32 to index
          %swap3A_700 = tpu.vector_load %arg7[%swap3A_698, %swap3A_699] {strides = array<i32>} : memref<4x2048xf32, #tpu.memory_space<vmem>>, vector<1x16xf32>,
          %swap3A_701 = vector.shape_cast %swap3A_700 : vector<1x16xf32> to vector<16xf32>
          %swap3A_702 = vector.shape_cast %select_n3A_692 : vector<16xf32> to vector<1x16xf32>
          tpu.vector_store %arg7[%swap3A_698, %swap3A_699], %swap3A_702 {strides = array<i32>} : memref<4x2048xf32, #tpu.memory_space<vmem>>, vector<1x16xf32>,
        }
        %scan3A_204 = arith.constant 16 : i32
        %scan3A_205 = arith.constant 0 : i32
        %scan3A_206 = arith.constant 16 : i32
        %scan3A_207 = arith.addi %scan3A_205, %scan3A_206 : i32
        %scan3A_208 = arith.constant 1 : i32
        scf.for %scan3A_326 = %scan3A_205 to %scan3A_207 step %scan3A_208  : i32 {
          %mul3A_327 = arith.constant 1 : i32
          %mul3A_328 = arith.muli %scan3A_326, %mul3A_327 : i32
          %add3A_329 = arith.constant 0 : i32
          %add3A_330 = arith.addi %add3A_329, %mul3A_328 : i32
          %mul3A_331 = arith.constant 128 : i32
          %mul3A_332 = arith.muli %add3A_330, %mul3A_331 : i32
          %multiple_of3A_333 = tpu.assume_multiple %mul3A_332, 128 : i32
          %dma_start3A_334 = arith.constant 1 : i32
          %dma_start3A_335 = arith.constant 1 : i32
          %dma_start3A_336 = tpu.memref_slice %arg7[%dma_start3A_334, %multiple_of3A_333] : memref<4x2048xf32, #tpu.memory_space<vmem>> -> memref<1x128xf32, #tpu.memory_space<vmem>>
          %dma_start3A_337 = tpu.memref_squeeze %dma_start3A_336 : memref<1x128xf32, #tpu.memory_space<vmem>> -> memref<128xf32, #tpu.memory_space<vmem>>
          %dma_start3A_338 = arith.constant 0 : i32
          %dma_start3A_339 = tpu.memref_slice %arg8[%dma_start3A_335, %add3A_330, %dma_start3A_338] : memref<4x16x128xi32, #tpu.memory_space<vmem>> -> memref<1x1x128xi32, #tpu.memory_space<vmem>>
          %dma_start3A_340 = tpu.memref_squeeze %dma_start3A_339 : memref<1x1x128xi32, #tpu.memory_space<vmem>> -> memref<128xi32, #tpu.memory_space<vmem>>
          %dma_start3A_341 = arith.constant 0 : i32
          %dma_start3A_342 = tpu.memref_slice %arg11[%dma_start3A_341] : memref<1703936xf32, #tpu.memory_space<vmem_shared>> -> memref<1703936xf32, #tpu.memory_space<vmem_shared>>
          tpu.enqueue_indirect_dma source(%dma_start3A_337 : memref<128xf32, #tpu.memory_space<vmem>>) target(%dma_start3A_342 : memref<1703936xf32, #tpu.memory_space<vmem_shared>>) offsets(%dma_start3A_340 : memref<128xi32, #tpu.memory_space<vmem>>) semaphore(%arg19 : memref<!tpu.dma_semaphore, #tpu.memory_space<semaphore_mem>>) {add = true}
        }
        %scan3A_209 = arith.constant 16 : i32
        %gt3A_210 = arith.constant 0 : i32
        %gt3A_211 = arith.cmpi sgt, %add3A_133, %gt3A_210 : i32
        %convert_element_type3A_212 = arith.extui %gt3A_211 : i1 to i32
        %cond3A_213 = arith.constant 0 : i32
        %cond3A_214 = arith.cmpi ne, %convert_element_type3A_212, %cond3A_213 : i32
        scf.if %cond3A_214 {
          %dma_wait3A_326 = arith.constant 3 : i32
          %dma_wait3A_327 = arith.constant 0 : i32
          %dma_wait3A_328 = tpu.memref_slice %arg7[%dma_wait3A_326, %dma_wait3A_327] : memref<4x2048xf32, #tpu.memory_space<vmem>> -> memref<1x2048xf32, #tpu.memory_space<vmem>>
          %dma_wait3A_329 = tpu.memref_squeeze %dma_wait3A_328 : memref<1x2048xf32, #tpu.memory_space<vmem>> -> memref<2048xf32, #tpu.memory_space<vmem>>
          %dma_wait3A_330 = arith.constant 0 : i32
          %dma_wait3A_331 = tpu.memref_slice %arg3[%dma_wait3A_330] : memref<5111808xf32, #tpu.memory_space<hbm>> -> memref<2048xf32, #tpu.memory_space<hbm>>
          %dma_wait3A_332 = arith.constant 0 : i32
          %dma_wait3A_333 = tpu.memref_slice %arg7[%dma_wait3A_326, %dma_wait3A_332] : memref<4x2048xf32, #tpu.memory_space<vmem>> -> memref<1x2048xf32, #tpu.memory_space<vmem>>
          %dma_wait3A_334 = tpu.memref_squeeze %dma_wait3A_333 : memref<1x2048xf32, #tpu.memory_space<vmem>> -> memref<2048xf32, #tpu.memory_space<vmem>>
          %dma_wait3A_335 = arith.constant 0 : i32
          %dma_wait3A_336 = tpu.memref_slice %arg3[%dma_wait3A_335] : memref<5111808xf32, #tpu.memory_space<hbm>> -> memref<2048xf32, #tpu.memory_space<hbm>>
          tpu.wait_dma2 semaphore(%arg21 : memref<!tpu.dma_semaphore, #tpu.memory_space<semaphore_mem>>) src(%dma_wait3A_336 : memref<2048xf32, #tpu.memory_space<hbm>>) dst(%dma_wait3A_334 : memref<2048xf32, #tpu.memory_space<vmem>>)
        } else {
        }
        %add3A_215 = arith.constant 4096 : i32
        %add3A_216 = arith.addi %add3A_177, %add3A_215 : i32
        %lt3A_217 = arith.constant 319488 : i32
        %lt3A_218 = arith.cmpi slt, %add3A_216, %lt3A_217 : i32
        %convert_element_type3A_219 = arith.extui %lt3A_218 : i1 to i32
        %cond3A_220 = arith.constant 0 : i32
        %cond3A_221 = arith.cmpi ne, %convert_element_type3A_219, %cond3A_220 : i32
        scf.if %cond3A_221 {
          %add3A_326 = arith.addi %mul3A_0, %add3A_177 : i32
          %add3A_327 = arith.constant 4096 : i32
          %add3A_328 = arith.addi %add3A_326, %add3A_327 : i32
          %multiple_of3A_329 = tpu.assume_multiple %add3A_328, 128 : i32
          %dma_start3A_330 = arith.constant 1 : i32
          %dma_start3A_331 = arith.constant 0 : i32
          %dma_start3A_332 = tpu.memref_slice %arg6[%dma_start3A_330, %dma_start3A_331] : memref<2x2048xi32, #tpu.memory_space<vmem>> -> memref<1x2048xi32, #tpu.memory_space<vmem>>
          %dma_start3A_333 = tpu.memref_squeeze %dma_start3A_332 : memref<1x2048xi32, #tpu.memory_space<vmem>> -> memref<2048xi32, #tpu.memory_space<vmem>>
          %dma_start3A_334 = tpu.memref_slice %arg2[%multiple_of3A_329] : memref<5111808xi32, #tpu.memory_space<hbm>> -> memref<2048xi32, #tpu.memory_space<hbm>>
          %dma_start3A_335 = arith.constant 0 : i32
          %dma_start3A_336 = tpu.memref_slice %arg6[%dma_start3A_330, %dma_start3A_335] : memref<2x2048xi32, #tpu.memory_space<vmem>> -> memref<1x2048xi32, #tpu.memory_space<vmem>>
          %dma_start3A_337 = tpu.memref_squeeze %dma_start3A_336 : memref<1x2048xi32, #tpu.memory_space<vmem>> -> memref<2048xi32, #tpu.memory_space<vmem>>
          %dma_start3A_338 = tpu.memref_slice %arg2[%multiple_of3A_329] : memref<5111808xi32, #tpu.memory_space<hbm>> -> memref<2048xi32, #tpu.memory_space<hbm>>
          tpu.enqueue_dma source(%dma_start3A_338 : memref<2048xi32, #tpu.memory_space<hbm>>) target(%dma_start3A_337 : memref<2048xi32, #tpu.memory_space<vmem>>) target_semaphore(%arg13 : memref<!tpu.dma_semaphore, #tpu.memory_space<semaphore_mem>>)
          %dma_start3A_339 = arith.constant 3 : i32
          %dma_start3A_340 = arith.constant 0 : i32
          %dma_start3A_341 = tpu.memref_slice %arg7[%dma_start3A_339, %dma_start3A_340] : memref<4x2048xf32, #tpu.memory_space<vmem>> -> memref<1x2048xf32, #tpu.memory_space<vmem>>
          %dma_start3A_342 = tpu.memref_squeeze %dma_start3A_341 : memref<1x2048xf32, #tpu.memory_space<vmem>> -> memref<2048xf32, #tpu.memory_space<vmem>>
          %dma_start3A_343 = tpu.memref_slice %arg3[%multiple_of3A_329] : memref<5111808xf32, #tpu.memory_space<hbm>> -> memref<2048xf32, #tpu.memory_space<hbm>>
          %dma_start3A_344 = arith.constant 0 : i32
          %dma_start3A_345 = tpu.memref_slice %arg7[%dma_start3A_339, %dma_start3A_344] : memref<4x2048xf32, #tpu.memory_space<vmem>> -> memref<1x2048xf32, #tpu.memory_space<vmem>>
          %dma_start3A_346 = tpu.memref_squeeze %dma_start3A_345 : memref<1x2048xf32, #tpu.memory_space<vmem>> -> memref<2048xf32, #tpu.memory_space<vmem>>
          %dma_start3A_347 = tpu.memref_slice %arg3[%multiple_of3A_329] : memref<5111808xf32, #tpu.memory_space<hbm>> -> memref<2048xf32, #tpu.memory_space<hbm>>
          tpu.enqueue_dma source(%dma_start3A_347 : memref<2048xf32, #tpu.memory_space<hbm>>) target(%dma_start3A_346 : memref<2048xf32, #tpu.memory_space<vmem>>) target_semaphore(%arg17 : memref<!tpu.dma_semaphore, #tpu.memory_space<semaphore_mem>>)
        } else {
        }
        %add3A_222 = arith.constant 4096 : i32
        %add3A_223 = arith.addi %add3A_133, %add3A_222 : i32
        %dma_wait3A_224 = arith.constant 0 : i32
        %dma_wait3A_225 = arith.constant 0 : i32
        %dma_wait3A_226 = tpu.memref_slice %arg6[%dma_wait3A_224, %dma_wait3A_225] : memref<2x2048xi32, #tpu.memory_space<vmem>> -> memref<1x2048xi32, #tpu.memory_space<vmem>>
        %dma_wait3A_227 = tpu.memref_squeeze %dma_wait3A_226 : memref<1x2048xi32, #tpu.memory_space<vmem>> -> memref<2048xi32, #tpu.memory_space<vmem>>
        %dma_wait3A_228 = arith.constant 0 : i32
        %dma_wait3A_229 = tpu.memref_slice %arg2[%dma_wait3A_228] : memref<5111808xi32, #tpu.memory_space<hbm>> -> memref<2048xi32, #tpu.memory_space<hbm>>
        %dma_wait3A_230 = arith.constant 0 : i32
        %dma_wait3A_231 = tpu.memref_slice %arg6[%dma_wait3A_224, %dma_wait3A_230] : memref<2x2048xi32, #tpu.memory_space<vmem>> -> memref<1x2048xi32, #tpu.memory_space<vmem>>
        %dma_wait3A_232 = tpu.memref_squeeze %dma_wait3A_231 : memref<1x2048xi32, #tpu.memory_space<vmem>> -> memref<2048xi32, #tpu.memory_space<vmem>>
        %dma_wait3A_233 = arith.constant 0 : i32
        %dma_wait3A_234 = tpu.memref_slice %arg2[%dma_wait3A_233] : memref<5111808xi32, #tpu.memory_space<hbm>> -> memref<2048xi32, #tpu.memory_space<hbm>>
        tpu.wait_dma2 semaphore(%arg12 : memref<!tpu.dma_semaphore, #tpu.memory_space<semaphore_mem>>) src(%dma_wait3A_234 : memref<2048xi32, #tpu.memory_space<hbm>>) dst(%dma_wait3A_232 : memref<2048xi32, #tpu.memory_space<vmem>>)
        %dma_wait3A_235 = arith.constant 2 : i32
        %dma_wait3A_236 = arith.constant 0 : i32
        %dma_wait3A_237 = tpu.memref_slice %arg7[%dma_wait3A_235, %dma_wait3A_236] : memref<4x2048xf32, #tpu.memory_space<vmem>> -> memref<1x2048xf32, #tpu.memory_space<vmem>>
        %dma_wait3A_238 = tpu.memref_squeeze %dma_wait3A_237 : memref<1x2048xf32, #tpu.memory_space<vmem>> -> memref<2048xf32, #tpu.memory_space<vmem>>
        %dma_wait3A_239 = arith.constant 0 : i32
        %dma_wait3A_240 = tpu.memref_slice %arg3[%dma_wait3A_239] : memref<5111808xf32, #tpu.memory_space<hbm>> -> memref<2048xf32, #tpu.memory_space<hbm>>
        %dma_wait3A_241 = arith.constant 0 : i32
        %dma_wait3A_242 = tpu.memref_slice %arg7[%dma_wait3A_235, %dma_wait3A_241] : memref<4x2048xf32, #tpu.memory_space<vmem>> -> memref<1x2048xf32, #tpu.memory_space<vmem>>
        %dma_wait3A_243 = tpu.memref_squeeze %dma_wait3A_242 : memref<1x2048xf32, #tpu.memory_space<vmem>> -> memref<2048xf32, #tpu.memory_space<vmem>>
        %dma_wait3A_244 = arith.constant 0 : i32
        %dma_wait3A_245 = tpu.memref_slice %arg3[%dma_wait3A_244] : memref<5111808xf32, #tpu.memory_space<hbm>> -> memref<2048xf32, #tpu.memory_space<hbm>>
        tpu.wait_dma2 semaphore(%arg16 : memref<!tpu.dma_semaphore, #tpu.memory_space<semaphore_mem>>) src(%dma_wait3A_245 : memref<2048xf32, #tpu.memory_space<hbm>>) dst(%dma_wait3A_243 : memref<2048xf32, #tpu.memory_space<vmem>>)
        %scan3A_246 = arith.constant 0 : i32
        %scan3A_247 = arith.constant 16 : i32
        %scan3A_248 = arith.addi %scan3A_246, %scan3A_247 : i32
        %scan3A_249 = arith.constant 1 : i32
        scf.for %scan3A_326 = %scan3A_246 to %scan3A_248 step %scan3A_249  : i32 {
          %mul3A_327 = arith.constant 1 : i32
          %mul3A_328 = arith.muli %scan3A_326, %mul3A_327 : i32
          %add3A_329 = arith.constant 0 : i32
          %add3A_330 = arith.addi %add3A_329, %mul3A_328 : i32
          %mul3A_331 = arith.constant 128 : i32
          %mul3A_332 = arith.muli %add3A_330, %mul3A_331 : i32
          %add3A_333 = arith.constant 0 : i32
          %add3A_334 = arith.addi %mul3A_332, %add3A_333 : i32
          %get3A = arith.constant 0 : i32
          %get3A_335 = arith.index_cast %get3A : i32 to index
          %get3A_336 = arith.index_cast %add3A_334 : i32 to index
          %get3A_337 = tpu.vector_load %arg6[%get3A_335, %get3A_336] {strides = array<i32>} : memref<2x2048xi32, #tpu.memory_space<vmem>>, vector<1x16xi32>,
          %get3A_338 = vector.shape_cast %get3A_337 : vector<1x16xi32> to vector<16xi32>
          %sub3A_339 = vector.broadcast %mul3A_13 : i32 to vector<16xi32>
          %sub3A_340 = arith.subi %get3A_338, %sub3A_339 : vector<16xi32>
          %lt3A_341 = arith.constant 1703936 : i32
          %lt3A_342 = vector.broadcast %lt3A_341 : i32 to vector<16xi32>
          %lt3A_343 = arith.cmpi ult, %sub3A_340, %lt3A_342 : vector<16xi32>
          %and3A = arith.constant 1048575 : i32
          %and3A_344 = vector.broadcast %and3A : i32 to vector<16xi32>
          %and3A_345 = arith.andi %sub3A_340, %and3A_344 : vector<16xi32>
          %select_n3A_346 = arith.select %lt3A_343, %sub3A_340, %and3A_345 : vector<16xi1>, vector<16xi32>
          %swap3A = arith.constant 2 : i32
          %swap3A_347 = arith.index_cast %swap3A : i32 to index
          %swap3A_348 = arith.index_cast %add3A_330 : i32 to index
          %swap3A_349 = arith.constant 0 : index
          %swap3A_350 = tpu.vector_load %arg8[%swap3A_347, %swap3A_348, %swap3A_349] {strides = array<i32>} : memref<4x16x128xi32, #tpu.memory_space<vmem>>, vector<1x1x16xi32>,
          %swap3A_351 = vector.shape_cast %swap3A_350 : vector<1x1x16xi32> to vector<16xi32>
          %swap3A_352 = vector.shape_cast %select_n3A_346 : vector<16xi32> to vector<1x1x16xi32>
          tpu.vector_store %arg8[%swap3A_347, %swap3A_348, %swap3A_349], %swap3A_352 {strides = array<i32>} : memref<4x16x128xi32, #tpu.memory_space<vmem>>, vector<1x1x16xi32>,
          %mul3A_353 = arith.constant 128 : i32
          %mul3A_354 = arith.muli %add3A_330, %mul3A_353 : i32
          %add3A_355 = arith.constant 0 : i32
          %add3A_356 = arith.addi %mul3A_354, %add3A_355 : i32
          %get3A_357 = arith.constant 2 : i32
          %get3A_358 = arith.index_cast %get3A_357 : i32 to index
          %get3A_359 = arith.index_cast %add3A_356 : i32 to index
          %get3A_360 = tpu.vector_load %arg7[%get3A_358, %get3A_359] {strides = array<i32>} : memref<4x2048xf32, #tpu.memory_space<vmem>>, vector<1x16xf32>,
          %get3A_361 = vector.shape_cast %get3A_360 : vector<1x16xf32> to vector<16xf32>
          %jit3A_362 = arith.constant 0.000000e+00 : f32
          %broadcast_in_dim3A = vector.broadcast %jit3A_362 : f32 to vector<16xf32>
          %select_n3A_363 = arith.select %lt3A_343, %get3A_361, %broadcast_in_dim3A : vector<16xi1>, vector<16xf32>
          %mul3A_364 = arith.constant 128 : i32
          %mul3A_365 = arith.muli %add3A_330, %mul3A_364 : i32
          %add3A_366 = arith.constant 0 : i32
          %add3A_367 = arith.addi %mul3A_365, %add3A_366 : i32
          %swap3A_368 = arith.constant 2 : i32
          %swap3A_369 = arith.index_cast %swap3A_368 : i32 to index
          %swap3A_370 = arith.index_cast %add3A_367 : i32 to index
          %swap3A_371 = tpu.vector_load %arg7[%swap3A_369, %swap3A_370] {strides = array<i32>} : memref<4x2048xf32, #tpu.memory_space<vmem>>, vector<1x16xf32>,
          %swap3A_372 = vector.shape_cast %swap3A_371 : vector<1x16xf32> to vector<16xf32>
          %swap3A_373 = vector.shape_cast %select_n3A_363 : vector<16xf32> to vector<1x16xf32>
          tpu.vector_store %arg7[%swap3A_369, %swap3A_370], %swap3A_373 {strides = array<i32>} : memref<4x2048xf32, #tpu.memory_space<vmem>>, vector<1x16xf32>,
          %mul3A_374 = arith.constant 128 : i32
          %mul3A_375 = arith.muli %add3A_330, %mul3A_374 : i32
          %add3A_376 = arith.constant 16 : i32
          %add3A_377 = arith.addi %mul3A_375, %add3A_376 : i32
          %get3A_378 = arith.constant 0 : i32
          %get3A_379 = arith.index_cast %get3A_378 : i32 to index
          %get3A_380 = arith.index_cast %add3A_377 : i32 to index
          %get3A_381 = tpu.vector_load %arg6[%get3A_379, %get3A_380] {strides = array<i32>} : memref<2x2048xi32, #tpu.memory_space<vmem>>, vector<1x16xi32>,
          %get3A_382 = vector.shape_cast %get3A_381 : vector<1x16xi32> to vector<16xi32>
          %sub3A_383 = vector.broadcast %mul3A_13 : i32 to vector<16xi32>
          %sub3A_384 = arith.subi %get3A_382, %sub3A_383 : vector<16xi32>
          %lt3A_385 = arith.constant 1703936 : i32
          %lt3A_386 = vector.broadcast %lt3A_385 : i32 to vector<16xi32>
          %lt3A_387 = arith.cmpi ult, %sub3A_384, %lt3A_386 : vector<16xi32>
          %and3A_388 = arith.constant 1048575 : i32
          %and3A_389 = vector.broadcast %and3A_388 : i32 to vector<16xi32>
          %and3A_390 = arith.andi %sub3A_384, %and3A_389 : vector<16xi32>
          %select_n3A_391 = arith.select %lt3A_387, %sub3A_384, %and3A_390 : vector<16xi1>, vector<16xi32>
          %swap3A_392 = arith.constant 2 : i32
          %swap3A_393 = arith.index_cast %swap3A_392 : i32 to index
          %swap3A_394 = arith.index_cast %add3A_330 : i32 to index
          %swap3A_395 = arith.constant 16 : index
          %swap3A_396 = tpu.vector_load %arg8[%swap3A_393, %swap3A_394, %swap3A_395] {strides = array<i32>} : memref<4x16x128xi32, #tpu.memory_space<vmem>>, vector<1x1x16xi32>,
          %swap3A_397 = vector.shape_cast %swap3A_396 : vector<1x1x16xi32> to vector<16xi32>
          %swap3A_398 = vector.shape_cast %select_n3A_391 : vector<16xi32> to vector<1x1x16xi32>
          tpu.vector_store %arg8[%swap3A_393, %swap3A_394, %swap3A_395], %swap3A_398 {strides = array<i32>} : memref<4x16x128xi32, #tpu.memory_space<vmem>>, vector<1x1x16xi32>,
          %mul3A_399 = arith.constant 128 : i32
          %mul3A_400 = arith.muli %add3A_330, %mul3A_399 : i32
          %add3A_401 = arith.constant 16 : i32
          %add3A_402 = arith.addi %mul3A_400, %add3A_401 : i32
          %get3A_403 = arith.constant 2 : i32
          %get3A_404 = arith.index_cast %get3A_403 : i32 to index
          %get3A_405 = arith.index_cast %add3A_402 : i32 to index
          %get3A_406 = tpu.vector_load %arg7[%get3A_404, %get3A_405] {strides = array<i32>} : memref<4x2048xf32, #tpu.memory_space<vmem>>, vector<1x16xf32>,
          %get3A_407 = vector.shape_cast %get3A_406 : vector<1x16xf32> to vector<16xf32>
          %jit3A_408 = arith.constant 0.000000e+00 : f32
          %broadcast_in_dim3A_409 = vector.broadcast %jit3A_408 : f32 to vector<16xf32>
          %select_n3A_410 = arith.select %lt3A_387, %get3A_407, %broadcast_in_dim3A_409 : vector<16xi1>, vector<16xf32>
          %mul3A_411 = arith.constant 128 : i32
          %mul3A_412 = arith.muli %add3A_330, %mul3A_411 : i32
          %add3A_413 = arith.constant 16 : i32
          %add3A_414 = arith.addi %mul3A_412, %add3A_413 : i32
          %swap3A_415 = arith.constant 2 : i32
          %swap3A_416 = arith.index_cast %swap3A_415 : i32 to index
          %swap3A_417 = arith.index_cast %add3A_414 : i32 to index
          %swap3A_418 = tpu.vector_load %arg7[%swap3A_416, %swap3A_417] {strides = array<i32>} : memref<4x2048xf32, #tpu.memory_space<vmem>>, vector<1x16xf32>,
          %swap3A_419 = vector.shape_cast %swap3A_418 : vector<1x16xf32> to vector<16xf32>
          %swap3A_420 = vector.shape_cast %select_n3A_410 : vector<16xf32> to vector<1x16xf32>
          tpu.vector_store %arg7[%swap3A_416, %swap3A_417], %swap3A_420 {strides = array<i32>} : memref<4x2048xf32, #tpu.memory_space<vmem>>, vector<1x16xf32>,
          %mul3A_421 = arith.constant 128 : i32
          %mul3A_422 = arith.muli %add3A_330, %mul3A_421 : i32
          %add3A_423 = arith.constant 32 : i32
          %add3A_424 = arith.addi %mul3A_422, %add3A_423 : i32
          %get3A_425 = arith.constant 0 : i32
          %get3A_426 = arith.index_cast %get3A_425 : i32 to index
          %get3A_427 = arith.index_cast %add3A_424 : i32 to index
          %get3A_428 = tpu.vector_load %arg6[%get3A_426, %get3A_427] {strides = array<i32>} : memref<2x2048xi32, #tpu.memory_space<vmem>>, vector<1x16xi32>,
          %get3A_429 = vector.shape_cast %get3A_428 : vector<1x16xi32> to vector<16xi32>
          %sub3A_430 = vector.broadcast %mul3A_13 : i32 to vector<16xi32>
          %sub3A_431 = arith.subi %get3A_429, %sub3A_430 : vector<16xi32>
          %lt3A_432 = arith.constant 1703936 : i32
          %lt3A_433 = vector.broadcast %lt3A_432 : i32 to vector<16xi32>
          %lt3A_434 = arith.cmpi ult, %sub3A_431, %lt3A_433 : vector<16xi32>
          %and3A_435 = arith.constant 1048575 : i32
          %and3A_436 = vector.broadcast %and3A_435 : i32 to vector<16xi32>
          %and3A_437 = arith.andi %sub3A_431, %and3A_436 : vector<16xi32>
          %select_n3A_438 = arith.select %lt3A_434, %sub3A_431, %and3A_437 : vector<16xi1>, vector<16xi32>
          %swap3A_439 = arith.constant 2 : i32
          %swap3A_440 = arith.index_cast %swap3A_439 : i32 to index
          %swap3A_441 = arith.index_cast %add3A_330 : i32 to index
          %swap3A_442 = arith.constant 32 : index
          %swap3A_443 = tpu.vector_load %arg8[%swap3A_440, %swap3A_441, %swap3A_442] {strides = array<i32>} : memref<4x16x128xi32, #tpu.memory_space<vmem>>, vector<1x1x16xi32>,
          %swap3A_444 = vector.shape_cast %swap3A_443 : vector<1x1x16xi32> to vector<16xi32>
          %swap3A_445 = vector.shape_cast %select_n3A_438 : vector<16xi32> to vector<1x1x16xi32>
          tpu.vector_store %arg8[%swap3A_440, %swap3A_441, %swap3A_442], %swap3A_445 {strides = array<i32>} : memref<4x16x128xi32, #tpu.memory_space<vmem>>, vector<1x1x16xi32>,
          %mul3A_446 = arith.constant 128 : i32
          %mul3A_447 = arith.muli %add3A_330, %mul3A_446 : i32
          %add3A_448 = arith.constant 32 : i32
          %add3A_449 = arith.addi %mul3A_447, %add3A_448 : i32
          %get3A_450 = arith.constant 2 : i32
          %get3A_451 = arith.index_cast %get3A_450 : i32 to index
          %get3A_452 = arith.index_cast %add3A_449 : i32 to index
          %get3A_453 = tpu.vector_load %arg7[%get3A_451, %get3A_452] {strides = array<i32>} : memref<4x2048xf32, #tpu.memory_space<vmem>>, vector<1x16xf32>,
          %get3A_454 = vector.shape_cast %get3A_453 : vector<1x16xf32> to vector<16xf32>
          %jit3A_455 = arith.constant 0.000000e+00 : f32
          %broadcast_in_dim3A_456 = vector.broadcast %jit3A_455 : f32 to vector<16xf32>
          %select_n3A_457 = arith.select %lt3A_434, %get3A_454, %broadcast_in_dim3A_456 : vector<16xi1>, vector<16xf32>
          %mul3A_458 = arith.constant 128 : i32
          %mul3A_459 = arith.muli %add3A_330, %mul3A_458 : i32
          %add3A_460 = arith.constant 32 : i32
          %add3A_461 = arith.addi %mul3A_459, %add3A_460 : i32
          %swap3A_462 = arith.constant 2 : i32
          %swap3A_463 = arith.index_cast %swap3A_462 : i32 to index
          %swap3A_464 = arith.index_cast %add3A_461 : i32 to index
          %swap3A_465 = tpu.vector_load %arg7[%swap3A_463, %swap3A_464] {strides = array<i32>} : memref<4x2048xf32, #tpu.memory_space<vmem>>, vector<1x16xf32>,
          %swap3A_466 = vector.shape_cast %swap3A_465 : vector<1x16xf32> to vector<16xf32>
          %swap3A_467 = vector.shape_cast %select_n3A_457 : vector<16xf32> to vector<1x16xf32>
          tpu.vector_store %arg7[%swap3A_463, %swap3A_464], %swap3A_467 {strides = array<i32>} : memref<4x2048xf32, #tpu.memory_space<vmem>>, vector<1x16xf32>,
          %mul3A_468 = arith.constant 128 : i32
          %mul3A_469 = arith.muli %add3A_330, %mul3A_468 : i32
          %add3A_470 = arith.constant 48 : i32
          %add3A_471 = arith.addi %mul3A_469, %add3A_470 : i32
          %get3A_472 = arith.constant 0 : i32
          %get3A_473 = arith.index_cast %get3A_472 : i32 to index
          %get3A_474 = arith.index_cast %add3A_471 : i32 to index
          %get3A_475 = tpu.vector_load %arg6[%get3A_473, %get3A_474] {strides = array<i32>} : memref<2x2048xi32, #tpu.memory_space<vmem>>, vector<1x16xi32>,
          %get3A_476 = vector.shape_cast %get3A_475 : vector<1x16xi32> to vector<16xi32>
          %sub3A_477 = vector.broadcast %mul3A_13 : i32 to vector<16xi32>
          %sub3A_478 = arith.subi %get3A_476, %sub3A_477 : vector<16xi32>
          %lt3A_479 = arith.constant 1703936 : i32
          %lt3A_480 = vector.broadcast %lt3A_479 : i32 to vector<16xi32>
          %lt3A_481 = arith.cmpi ult, %sub3A_478, %lt3A_480 : vector<16xi32>
          %and3A_482 = arith.constant 1048575 : i32
          %and3A_483 = vector.broadcast %and3A_482 : i32 to vector<16xi32>
          %and3A_484 = arith.andi %sub3A_478, %and3A_483 : vector<16xi32>
          %select_n3A_485 = arith.select %lt3A_481, %sub3A_478, %and3A_484 : vector<16xi1>, vector<16xi32>
          %swap3A_486 = arith.constant 2 : i32
          %swap3A_487 = arith.index_cast %swap3A_486 : i32 to index
          %swap3A_488 = arith.index_cast %add3A_330 : i32 to index
          %swap3A_489 = arith.constant 48 : index
          %swap3A_490 = tpu.vector_load %arg8[%swap3A_487, %swap3A_488, %swap3A_489] {strides = array<i32>} : memref<4x16x128xi32, #tpu.memory_space<vmem>>, vector<1x1x16xi32>,
          %swap3A_491 = vector.shape_cast %swap3A_490 : vector<1x1x16xi32> to vector<16xi32>
          %swap3A_492 = vector.shape_cast %select_n3A_485 : vector<16xi32> to vector<1x1x16xi32>
          tpu.vector_store %arg8[%swap3A_487, %swap3A_488, %swap3A_489], %swap3A_492 {strides = array<i32>} : memref<4x16x128xi32, #tpu.memory_space<vmem>>, vector<1x1x16xi32>,
          %mul3A_493 = arith.constant 128 : i32
          %mul3A_494 = arith.muli %add3A_330, %mul3A_493 : i32
          %add3A_495 = arith.constant 48 : i32
          %add3A_496 = arith.addi %mul3A_494, %add3A_495 : i32
          %get3A_497 = arith.constant 2 : i32
          %get3A_498 = arith.index_cast %get3A_497 : i32 to index
          %get3A_499 = arith.index_cast %add3A_496 : i32 to index
          %get3A_500 = tpu.vector_load %arg7[%get3A_498, %get3A_499] {strides = array<i32>} : memref<4x2048xf32, #tpu.memory_space<vmem>>, vector<1x16xf32>,
          %get3A_501 = vector.shape_cast %get3A_500 : vector<1x16xf32> to vector<16xf32>
          %jit3A_502 = arith.constant 0.000000e+00 : f32
          %broadcast_in_dim3A_503 = vector.broadcast %jit3A_502 : f32 to vector<16xf32>
          %select_n3A_504 = arith.select %lt3A_481, %get3A_501, %broadcast_in_dim3A_503 : vector<16xi1>, vector<16xf32>
          %mul3A_505 = arith.constant 128 : i32
          %mul3A_506 = arith.muli %add3A_330, %mul3A_505 : i32
          %add3A_507 = arith.constant 48 : i32
          %add3A_508 = arith.addi %mul3A_506, %add3A_507 : i32
          %swap3A_509 = arith.constant 2 : i32
          %swap3A_510 = arith.index_cast %swap3A_509 : i32 to index
          %swap3A_511 = arith.index_cast %add3A_508 : i32 to index
          %swap3A_512 = tpu.vector_load %arg7[%swap3A_510, %swap3A_511] {strides = array<i32>} : memref<4x2048xf32, #tpu.memory_space<vmem>>, vector<1x16xf32>,
          %swap3A_513 = vector.shape_cast %swap3A_512 : vector<1x16xf32> to vector<16xf32>
          %swap3A_514 = vector.shape_cast %select_n3A_504 : vector<16xf32> to vector<1x16xf32>
          tpu.vector_store %arg7[%swap3A_510, %swap3A_511], %swap3A_514 {strides = array<i32>} : memref<4x2048xf32, #tpu.memory_space<vmem>>, vector<1x16xf32>,
          %mul3A_515 = arith.constant 128 : i32
          %mul3A_516 = arith.muli %add3A_330, %mul3A_515 : i32
          %add3A_517 = arith.constant 64 : i32
          %add3A_518 = arith.addi %mul3A_516, %add3A_517 : i32
          %get3A_519 = arith.constant 0 : i32
          %get3A_520 = arith.index_cast %get3A_519 : i32 to index
          %get3A_521 = arith.index_cast %add3A_518 : i32 to index
          %get3A_522 = tpu.vector_load %arg6[%get3A_520, %get3A_521] {strides = array<i32>} : memref<2x2048xi32, #tpu.memory_space<vmem>>, vector<1x16xi32>,
          %get3A_523 = vector.shape_cast %get3A_522 : vector<1x16xi32> to vector<16xi32>
          %sub3A_524 = vector.broadcast %mul3A_13 : i32 to vector<16xi32>
          %sub3A_525 = arith.subi %get3A_523, %sub3A_524 : vector<16xi32>
          %lt3A_526 = arith.constant 1703936 : i32
          %lt3A_527 = vector.broadcast %lt3A_526 : i32 to vector<16xi32>
          %lt3A_528 = arith.cmpi ult, %sub3A_525, %lt3A_527 : vector<16xi32>
          %and3A_529 = arith.constant 1048575 : i32
          %and3A_530 = vector.broadcast %and3A_529 : i32 to vector<16xi32>
          %and3A_531 = arith.andi %sub3A_525, %and3A_530 : vector<16xi32>
          %select_n3A_532 = arith.select %lt3A_528, %sub3A_525, %and3A_531 : vector<16xi1>, vector<16xi32>
          %swap3A_533 = arith.constant 2 : i32
          %swap3A_534 = arith.index_cast %swap3A_533 : i32 to index
          %swap3A_535 = arith.index_cast %add3A_330 : i32 to index
          %swap3A_536 = arith.constant 64 : index
          %swap3A_537 = tpu.vector_load %arg8[%swap3A_534, %swap3A_535, %swap3A_536] {strides = array<i32>} : memref<4x16x128xi32, #tpu.memory_space<vmem>>, vector<1x1x16xi32>,
          %swap3A_538 = vector.shape_cast %swap3A_537 : vector<1x1x16xi32> to vector<16xi32>
          %swap3A_539 = vector.shape_cast %select_n3A_532 : vector<16xi32> to vector<1x1x16xi32>
          tpu.vector_store %arg8[%swap3A_534, %swap3A_535, %swap3A_536], %swap3A_539 {strides = array<i32>} : memref<4x16x128xi32, #tpu.memory_space<vmem>>, vector<1x1x16xi32>,
          %mul3A_540 = arith.constant 128 : i32
          %mul3A_541 = arith.muli %add3A_330, %mul3A_540 : i32
          %add3A_542 = arith.constant 64 : i32
          %add3A_543 = arith.addi %mul3A_541, %add3A_542 : i32
          %get3A_544 = arith.constant 2 : i32
          %get3A_545 = arith.index_cast %get3A_544 : i32 to index
          %get3A_546 = arith.index_cast %add3A_543 : i32 to index
          %get3A_547 = tpu.vector_load %arg7[%get3A_545, %get3A_546] {strides = array<i32>} : memref<4x2048xf32, #tpu.memory_space<vmem>>, vector<1x16xf32>,
          %get3A_548 = vector.shape_cast %get3A_547 : vector<1x16xf32> to vector<16xf32>
          %jit3A_549 = arith.constant 0.000000e+00 : f32
          %broadcast_in_dim3A_550 = vector.broadcast %jit3A_549 : f32 to vector<16xf32>
          %select_n3A_551 = arith.select %lt3A_528, %get3A_548, %broadcast_in_dim3A_550 : vector<16xi1>, vector<16xf32>
          %mul3A_552 = arith.constant 128 : i32
          %mul3A_553 = arith.muli %add3A_330, %mul3A_552 : i32
          %add3A_554 = arith.constant 64 : i32
          %add3A_555 = arith.addi %mul3A_553, %add3A_554 : i32
          %swap3A_556 = arith.constant 2 : i32
          %swap3A_557 = arith.index_cast %swap3A_556 : i32 to index
          %swap3A_558 = arith.index_cast %add3A_555 : i32 to index
          %swap3A_559 = tpu.vector_load %arg7[%swap3A_557, %swap3A_558] {strides = array<i32>} : memref<4x2048xf32, #tpu.memory_space<vmem>>, vector<1x16xf32>,
          %swap3A_560 = vector.shape_cast %swap3A_559 : vector<1x16xf32> to vector<16xf32>
          %swap3A_561 = vector.shape_cast %select_n3A_551 : vector<16xf32> to vector<1x16xf32>
          tpu.vector_store %arg7[%swap3A_557, %swap3A_558], %swap3A_561 {strides = array<i32>} : memref<4x2048xf32, #tpu.memory_space<vmem>>, vector<1x16xf32>,
          %mul3A_562 = arith.constant 128 : i32
          %mul3A_563 = arith.muli %add3A_330, %mul3A_562 : i32
          %add3A_564 = arith.constant 80 : i32
          %add3A_565 = arith.addi %mul3A_563, %add3A_564 : i32
          %get3A_566 = arith.constant 0 : i32
          %get3A_567 = arith.index_cast %get3A_566 : i32 to index
          %get3A_568 = arith.index_cast %add3A_565 : i32 to index
          %get3A_569 = tpu.vector_load %arg6[%get3A_567, %get3A_568] {strides = array<i32>} : memref<2x2048xi32, #tpu.memory_space<vmem>>, vector<1x16xi32>,
          %get3A_570 = vector.shape_cast %get3A_569 : vector<1x16xi32> to vector<16xi32>
          %sub3A_571 = vector.broadcast %mul3A_13 : i32 to vector<16xi32>
          %sub3A_572 = arith.subi %get3A_570, %sub3A_571 : vector<16xi32>
          %lt3A_573 = arith.constant 1703936 : i32
          %lt3A_574 = vector.broadcast %lt3A_573 : i32 to vector<16xi32>
          %lt3A_575 = arith.cmpi ult, %sub3A_572, %lt3A_574 : vector<16xi32>
          %and3A_576 = arith.constant 1048575 : i32
          %and3A_577 = vector.broadcast %and3A_576 : i32 to vector<16xi32>
          %and3A_578 = arith.andi %sub3A_572, %and3A_577 : vector<16xi32>
          %select_n3A_579 = arith.select %lt3A_575, %sub3A_572, %and3A_578 : vector<16xi1>, vector<16xi32>
          %swap3A_580 = arith.constant 2 : i32
          %swap3A_581 = arith.index_cast %swap3A_580 : i32 to index
          %swap3A_582 = arith.index_cast %add3A_330 : i32 to index
          %swap3A_583 = arith.constant 80 : index
          %swap3A_584 = tpu.vector_load %arg8[%swap3A_581, %swap3A_582, %swap3A_583] {strides = array<i32>} : memref<4x16x128xi32, #tpu.memory_space<vmem>>, vector<1x1x16xi32>,
          %swap3A_585 = vector.shape_cast %swap3A_584 : vector<1x1x16xi32> to vector<16xi32>
          %swap3A_586 = vector.shape_cast %select_n3A_579 : vector<16xi32> to vector<1x1x16xi32>
          tpu.vector_store %arg8[%swap3A_581, %swap3A_582, %swap3A_583], %swap3A_586 {strides = array<i32>} : memref<4x16x128xi32, #tpu.memory_space<vmem>>, vector<1x1x16xi32>,
          %mul3A_587 = arith.constant 128 : i32
          %mul3A_588 = arith.muli %add3A_330, %mul3A_587 : i32
          %add3A_589 = arith.constant 80 : i32
          %add3A_590 = arith.addi %mul3A_588, %add3A_589 : i32
          %get3A_591 = arith.constant 2 : i32
          %get3A_592 = arith.index_cast %get3A_591 : i32 to index
          %get3A_593 = arith.index_cast %add3A_590 : i32 to index
          %get3A_594 = tpu.vector_load %arg7[%get3A_592, %get3A_593] {strides = array<i32>} : memref<4x2048xf32, #tpu.memory_space<vmem>>, vector<1x16xf32>,
          %get3A_595 = vector.shape_cast %get3A_594 : vector<1x16xf32> to vector<16xf32>
          %jit3A_596 = arith.constant 0.000000e+00 : f32
          %broadcast_in_dim3A_597 = vector.broadcast %jit3A_596 : f32 to vector<16xf32>
          %select_n3A_598 = arith.select %lt3A_575, %get3A_595, %broadcast_in_dim3A_597 : vector<16xi1>, vector<16xf32>
          %mul3A_599 = arith.constant 128 : i32
          %mul3A_600 = arith.muli %add3A_330, %mul3A_599 : i32
          %add3A_601 = arith.constant 80 : i32
          %add3A_602 = arith.addi %mul3A_600, %add3A_601 : i32
          %swap3A_603 = arith.constant 2 : i32
          %swap3A_604 = arith.index_cast %swap3A_603 : i32 to index
          %swap3A_605 = arith.index_cast %add3A_602 : i32 to index
          %swap3A_606 = tpu.vector_load %arg7[%swap3A_604, %swap3A_605] {strides = array<i32>} : memref<4x2048xf32, #tpu.memory_space<vmem>>, vector<1x16xf32>,
          %swap3A_607 = vector.shape_cast %swap3A_606 : vector<1x16xf32> to vector<16xf32>
          %swap3A_608 = vector.shape_cast %select_n3A_598 : vector<16xf32> to vector<1x16xf32>
          tpu.vector_store %arg7[%swap3A_604, %swap3A_605], %swap3A_608 {strides = array<i32>} : memref<4x2048xf32, #tpu.memory_space<vmem>>, vector<1x16xf32>,
          %mul3A_609 = arith.constant 128 : i32
          %mul3A_610 = arith.muli %add3A_330, %mul3A_609 : i32
          %add3A_611 = arith.constant 96 : i32
          %add3A_612 = arith.addi %mul3A_610, %add3A_611 : i32
          %get3A_613 = arith.constant 0 : i32
          %get3A_614 = arith.index_cast %get3A_613 : i32 to index
          %get3A_615 = arith.index_cast %add3A_612 : i32 to index
          %get3A_616 = tpu.vector_load %arg6[%get3A_614, %get3A_615] {strides = array<i32>} : memref<2x2048xi32, #tpu.memory_space<vmem>>, vector<1x16xi32>,
          %get3A_617 = vector.shape_cast %get3A_616 : vector<1x16xi32> to vector<16xi32>
          %sub3A_618 = vector.broadcast %mul3A_13 : i32 to vector<16xi32>
          %sub3A_619 = arith.subi %get3A_617, %sub3A_618 : vector<16xi32>
          %lt3A_620 = arith.constant 1703936 : i32
          %lt3A_621 = vector.broadcast %lt3A_620 : i32 to vector<16xi32>
          %lt3A_622 = arith.cmpi ult, %sub3A_619, %lt3A_621 : vector<16xi32>
          %and3A_623 = arith.constant 1048575 : i32
          %and3A_624 = vector.broadcast %and3A_623 : i32 to vector<16xi32>
          %and3A_625 = arith.andi %sub3A_619, %and3A_624 : vector<16xi32>
          %select_n3A_626 = arith.select %lt3A_622, %sub3A_619, %and3A_625 : vector<16xi1>, vector<16xi32>
          %swap3A_627 = arith.constant 2 : i32
          %swap3A_628 = arith.index_cast %swap3A_627 : i32 to index
          %swap3A_629 = arith.index_cast %add3A_330 : i32 to index
          %swap3A_630 = arith.constant 96 : index
          %swap3A_631 = tpu.vector_load %arg8[%swap3A_628, %swap3A_629, %swap3A_630] {strides = array<i32>} : memref<4x16x128xi32, #tpu.memory_space<vmem>>, vector<1x1x16xi32>,
          %swap3A_632 = vector.shape_cast %swap3A_631 : vector<1x1x16xi32> to vector<16xi32>
          %swap3A_633 = vector.shape_cast %select_n3A_626 : vector<16xi32> to vector<1x1x16xi32>
          tpu.vector_store %arg8[%swap3A_628, %swap3A_629, %swap3A_630], %swap3A_633 {strides = array<i32>} : memref<4x16x128xi32, #tpu.memory_space<vmem>>, vector<1x1x16xi32>,
          %mul3A_634 = arith.constant 128 : i32
          %mul3A_635 = arith.muli %add3A_330, %mul3A_634 : i32
          %add3A_636 = arith.constant 96 : i32
          %add3A_637 = arith.addi %mul3A_635, %add3A_636 : i32
          %get3A_638 = arith.constant 2 : i32
          %get3A_639 = arith.index_cast %get3A_638 : i32 to index
          %get3A_640 = arith.index_cast %add3A_637 : i32 to index
          %get3A_641 = tpu.vector_load %arg7[%get3A_639, %get3A_640] {strides = array<i32>} : memref<4x2048xf32, #tpu.memory_space<vmem>>, vector<1x16xf32>,
          %get3A_642 = vector.shape_cast %get3A_641 : vector<1x16xf32> to vector<16xf32>
          %jit3A_643 = arith.constant 0.000000e+00 : f32
          %broadcast_in_dim3A_644 = vector.broadcast %jit3A_643 : f32 to vector<16xf32>
          %select_n3A_645 = arith.select %lt3A_622, %get3A_642, %broadcast_in_dim3A_644 : vector<16xi1>, vector<16xf32>
          %mul3A_646 = arith.constant 128 : i32
          %mul3A_647 = arith.muli %add3A_330, %mul3A_646 : i32
          %add3A_648 = arith.constant 96 : i32
          %add3A_649 = arith.addi %mul3A_647, %add3A_648 : i32
          %swap3A_650 = arith.constant 2 : i32
          %swap3A_651 = arith.index_cast %swap3A_650 : i32 to index
          %swap3A_652 = arith.index_cast %add3A_649 : i32 to index
          %swap3A_653 = tpu.vector_load %arg7[%swap3A_651, %swap3A_652] {strides = array<i32>} : memref<4x2048xf32, #tpu.memory_space<vmem>>, vector<1x16xf32>,
          %swap3A_654 = vector.shape_cast %swap3A_653 : vector<1x16xf32> to vector<16xf32>
          %swap3A_655 = vector.shape_cast %select_n3A_645 : vector<16xf32> to vector<1x16xf32>
          tpu.vector_store %arg7[%swap3A_651, %swap3A_652], %swap3A_655 {strides = array<i32>} : memref<4x2048xf32, #tpu.memory_space<vmem>>, vector<1x16xf32>,
          %mul3A_656 = arith.constant 128 : i32
          %mul3A_657 = arith.muli %add3A_330, %mul3A_656 : i32
          %add3A_658 = arith.constant 112 : i32
          %add3A_659 = arith.addi %mul3A_657, %add3A_658 : i32
          %get3A_660 = arith.constant 0 : i32
          %get3A_661 = arith.index_cast %get3A_660 : i32 to index
          %get3A_662 = arith.index_cast %add3A_659 : i32 to index
          %get3A_663 = tpu.vector_load %arg6[%get3A_661, %get3A_662] {strides = array<i32>} : memref<2x2048xi32, #tpu.memory_space<vmem>>, vector<1x16xi32>,
          %get3A_664 = vector.shape_cast %get3A_663 : vector<1x16xi32> to vector<16xi32>
          %sub3A_665 = vector.broadcast %mul3A_13 : i32 to vector<16xi32>
          %sub3A_666 = arith.subi %get3A_664, %sub3A_665 : vector<16xi32>
          %lt3A_667 = arith.constant 1703936 : i32
          %lt3A_668 = vector.broadcast %lt3A_667 : i32 to vector<16xi32>
          %lt3A_669 = arith.cmpi ult, %sub3A_666, %lt3A_668 : vector<16xi32>
          %and3A_670 = arith.constant 1048575 : i32
          %and3A_671 = vector.broadcast %and3A_670 : i32 to vector<16xi32>
          %and3A_672 = arith.andi %sub3A_666, %and3A_671 : vector<16xi32>
          %select_n3A_673 = arith.select %lt3A_669, %sub3A_666, %and3A_672 : vector<16xi1>, vector<16xi32>
          %swap3A_674 = arith.constant 2 : i32
          %swap3A_675 = arith.index_cast %swap3A_674 : i32 to index
          %swap3A_676 = arith.index_cast %add3A_330 : i32 to index
          %swap3A_677 = arith.constant 112 : index
          %swap3A_678 = tpu.vector_load %arg8[%swap3A_675, %swap3A_676, %swap3A_677] {strides = array<i32>} : memref<4x16x128xi32, #tpu.memory_space<vmem>>, vector<1x1x16xi32>,
          %swap3A_679 = vector.shape_cast %swap3A_678 : vector<1x1x16xi32> to vector<16xi32>
          %swap3A_680 = vector.shape_cast %select_n3A_673 : vector<16xi32> to vector<1x1x16xi32>
          tpu.vector_store %arg8[%swap3A_675, %swap3A_676, %swap3A_677], %swap3A_680 {strides = array<i32>} : memref<4x16x128xi32, #tpu.memory_space<vmem>>, vector<1x1x16xi32>,
          %mul3A_681 = arith.constant 128 : i32
          %mul3A_682 = arith.muli %add3A_330, %mul3A_681 : i32
          %add3A_683 = arith.constant 112 : i32
          %add3A_684 = arith.addi %mul3A_682, %add3A_683 : i32
          %get3A_685 = arith.constant 2 : i32
          %get3A_686 = arith.index_cast %get3A_685 : i32 to index
          %get3A_687 = arith.index_cast %add3A_684 : i32 to index
          %get3A_688 = tpu.vector_load %arg7[%get3A_686, %get3A_687] {strides = array<i32>} : memref<4x2048xf32, #tpu.memory_space<vmem>>, vector<1x16xf32>,
          %get3A_689 = vector.shape_cast %get3A_688 : vector<1x16xf32> to vector<16xf32>
          %jit3A_690 = arith.constant 0.000000e+00 : f32
          %broadcast_in_dim3A_691 = vector.broadcast %jit3A_690 : f32 to vector<16xf32>
          %select_n3A_692 = arith.select %lt3A_669, %get3A_689, %broadcast_in_dim3A_691 : vector<16xi1>, vector<16xf32>
          %mul3A_693 = arith.constant 128 : i32
          %mul3A_694 = arith.muli %add3A_330, %mul3A_693 : i32
          %add3A_695 = arith.constant 112 : i32
          %add3A_696 = arith.addi %mul3A_694, %add3A_695 : i32
          %swap3A_697 = arith.constant 2 : i32
          %swap3A_698 = arith.index_cast %swap3A_697 : i32 to index
          %swap3A_699 = arith.index_cast %add3A_696 : i32 to index
          %swap3A_700 = tpu.vector_load %arg7[%swap3A_698, %swap3A_699] {strides = array<i32>} : memref<4x2048xf32, #tpu.memory_space<vmem>>, vector<1x16xf32>,
          %swap3A_701 = vector.shape_cast %swap3A_700 : vector<1x16xf32> to vector<16xf32>
          %swap3A_702 = vector.shape_cast %select_n3A_692 : vector<16xf32> to vector<1x16xf32>
          tpu.vector_store %arg7[%swap3A_698, %swap3A_699], %swap3A_702 {strides = array<i32>} : memref<4x2048xf32, #tpu.memory_space<vmem>>, vector<1x16xf32>,
        }
        %scan3A_250 = arith.constant 16 : i32
        %scan3A_251 = arith.constant 0 : i32
        %scan3A_252 = arith.constant 16 : i32
        %scan3A_253 = arith.addi %scan3A_251, %scan3A_252 : i32
        %scan3A_254 = arith.constant 1 : i32
        scf.for %scan3A_326 = %scan3A_251 to %scan3A_253 step %scan3A_254  : i32 {
          %mul3A_327 = arith.constant 1 : i32
          %mul3A_328 = arith.muli %scan3A_326, %mul3A_327 : i32
          %add3A_329 = arith.constant 0 : i32
          %add3A_330 = arith.addi %add3A_329, %mul3A_328 : i32
          %mul3A_331 = arith.constant 128 : i32
          %mul3A_332 = arith.muli %add3A_330, %mul3A_331 : i32
          %multiple_of3A_333 = tpu.assume_multiple %mul3A_332, 128 : i32
          %dma_start3A_334 = arith.constant 2 : i32
          %dma_start3A_335 = arith.constant 2 : i32
          %dma_start3A_336 = tpu.memref_slice %arg7[%dma_start3A_334, %multiple_of3A_333] : memref<4x2048xf32, #tpu.memory_space<vmem>> -> memref<1x128xf32, #tpu.memory_space<vmem>>
          %dma_start3A_337 = tpu.memref_squeeze %dma_start3A_336 : memref<1x128xf32, #tpu.memory_space<vmem>> -> memref<128xf32, #tpu.memory_space<vmem>>
          %dma_start3A_338 = arith.constant 0 : i32
          %dma_start3A_339 = tpu.memref_slice %arg8[%dma_start3A_335, %add3A_330, %dma_start3A_338] : memref<4x16x128xi32, #tpu.memory_space<vmem>> -> memref<1x1x128xi32, #tpu.memory_space<vmem>>
          %dma_start3A_340 = tpu.memref_squeeze %dma_start3A_339 : memref<1x1x128xi32, #tpu.memory_space<vmem>> -> memref<128xi32, #tpu.memory_space<vmem>>
          %dma_start3A_341 = arith.constant 0 : i32
          %dma_start3A_342 = tpu.memref_slice %arg11[%dma_start3A_341] : memref<1703936xf32, #tpu.memory_space<vmem_shared>> -> memref<1703936xf32, #tpu.memory_space<vmem_shared>>
          tpu.enqueue_indirect_dma source(%dma_start3A_337 : memref<128xf32, #tpu.memory_space<vmem>>) target(%dma_start3A_342 : memref<1703936xf32, #tpu.memory_space<vmem_shared>>) offsets(%dma_start3A_340 : memref<128xi32, #tpu.memory_space<vmem>>) semaphore(%arg20 : memref<!tpu.dma_semaphore, #tpu.memory_space<semaphore_mem>>) {add = true}
        }
        %scan3A_255 = arith.constant 16 : i32
        %dma_wait3A_256 = arith.constant 0 : i32
        %dma_wait3A_257 = arith.constant 0 : i32
        %dma_wait3A_258 = tpu.memref_slice %arg7[%dma_wait3A_256, %dma_wait3A_257] : memref<4x2048xf32, #tpu.memory_space<vmem>> -> memref<1x2048xf32, #tpu.memory_space<vmem>>
        %dma_wait3A_259 = tpu.memref_squeeze %dma_wait3A_258 : memref<1x2048xf32, #tpu.memory_space<vmem>> -> memref<2048xf32, #tpu.memory_space<vmem>>
        %dma_wait3A_260 = arith.constant 0 : i32
        %dma_wait3A_261 = tpu.memref_slice %arg3[%dma_wait3A_260] : memref<5111808xf32, #tpu.memory_space<hbm>> -> memref<2048xf32, #tpu.memory_space<hbm>>
        %dma_wait3A_262 = arith.constant 0 : i32
        %dma_wait3A_263 = tpu.memref_slice %arg7[%dma_wait3A_256, %dma_wait3A_262] : memref<4x2048xf32, #tpu.memory_space<vmem>> -> memref<1x2048xf32, #tpu.memory_space<vmem>>
        %dma_wait3A_264 = tpu.memref_squeeze %dma_wait3A_263 : memref<1x2048xf32, #tpu.memory_space<vmem>> -> memref<2048xf32, #tpu.memory_space<vmem>>
        %dma_wait3A_265 = arith.constant 0 : i32
        %dma_wait3A_266 = tpu.memref_slice %arg3[%dma_wait3A_265] : memref<5111808xf32, #tpu.memory_space<hbm>> -> memref<2048xf32, #tpu.memory_space<hbm>>
        tpu.wait_dma2 semaphore(%arg18 : memref<!tpu.dma_semaphore, #tpu.memory_space<semaphore_mem>>) src(%dma_wait3A_266 : memref<2048xf32, #tpu.memory_space<hbm>>) dst(%dma_wait3A_264 : memref<2048xf32, #tpu.memory_space<vmem>>)
        %add3A_267 = arith.constant 4096 : i32
        %add3A_268 = arith.addi %add3A_223, %add3A_267 : i32
        %lt3A_269 = arith.constant 319488 : i32
        %lt3A_270 = arith.cmpi slt, %add3A_268, %lt3A_269 : i32
        %convert_element_type3A_271 = arith.extui %lt3A_270 : i1 to i32
        %cond3A_272 = arith.constant 0 : i32
        %cond3A_273 = arith.cmpi ne, %convert_element_type3A_271, %cond3A_272 : i32
        scf.if %cond3A_273 {
          %add3A_326 = arith.addi %mul3A_0, %add3A_223 : i32
          %add3A_327 = arith.constant 4096 : i32
          %add3A_328 = arith.addi %add3A_326, %add3A_327 : i32
          %multiple_of3A_329 = tpu.assume_multiple %add3A_328, 128 : i32
          %dma_start3A_330 = arith.constant 0 : i32
          %dma_start3A_331 = arith.constant 0 : i32
          %dma_start3A_332 = tpu.memref_slice %arg6[%dma_start3A_330, %dma_start3A_331] : memref<2x2048xi32, #tpu.memory_space<vmem>> -> memref<1x2048xi32, #tpu.memory_space<vmem>>
          %dma_start3A_333 = tpu.memref_squeeze %dma_start3A_332 : memref<1x2048xi32, #tpu.memory_space<vmem>> -> memref<2048xi32, #tpu.memory_space<vmem>>
          %dma_start3A_334 = tpu.memref_slice %arg2[%multiple_of3A_329] : memref<5111808xi32, #tpu.memory_space<hbm>> -> memref<2048xi32, #tpu.memory_space<hbm>>
          %dma_start3A_335 = arith.constant 0 : i32
          %dma_start3A_336 = tpu.memref_slice %arg6[%dma_start3A_330, %dma_start3A_335] : memref<2x2048xi32, #tpu.memory_space<vmem>> -> memref<1x2048xi32, #tpu.memory_space<vmem>>
          %dma_start3A_337 = tpu.memref_squeeze %dma_start3A_336 : memref<1x2048xi32, #tpu.memory_space<vmem>> -> memref<2048xi32, #tpu.memory_space<vmem>>
          %dma_start3A_338 = tpu.memref_slice %arg2[%multiple_of3A_329] : memref<5111808xi32, #tpu.memory_space<hbm>> -> memref<2048xi32, #tpu.memory_space<hbm>>
          tpu.enqueue_dma source(%dma_start3A_338 : memref<2048xi32, #tpu.memory_space<hbm>>) target(%dma_start3A_337 : memref<2048xi32, #tpu.memory_space<vmem>>) target_semaphore(%arg12 : memref<!tpu.dma_semaphore, #tpu.memory_space<semaphore_mem>>)
          %dma_start3A_339 = arith.constant 0 : i32
          %dma_start3A_340 = arith.constant 0 : i32
          %dma_start3A_341 = tpu.memref_slice %arg7[%dma_start3A_339, %dma_start3A_340] : memref<4x2048xf32, #tpu.memory_space<vmem>> -> memref<1x2048xf32, #tpu.memory_space<vmem>>
          %dma_start3A_342 = tpu.memref_squeeze %dma_start3A_341 : memref<1x2048xf32, #tpu.memory_space<vmem>> -> memref<2048xf32, #tpu.memory_space<vmem>>
          %dma_start3A_343 = tpu.memref_slice %arg3[%multiple_of3A_329] : memref<5111808xf32, #tpu.memory_space<hbm>> -> memref<2048xf32, #tpu.memory_space<hbm>>
          %dma_start3A_344 = arith.constant 0 : i32
          %dma_start3A_345 = tpu.memref_slice %arg7[%dma_start3A_339, %dma_start3A_344] : memref<4x2048xf32, #tpu.memory_space<vmem>> -> memref<1x2048xf32, #tpu.memory_space<vmem>>
          %dma_start3A_346 = tpu.memref_squeeze %dma_start3A_345 : memref<1x2048xf32, #tpu.memory_space<vmem>> -> memref<2048xf32, #tpu.memory_space<vmem>>
          %dma_start3A_347 = tpu.memref_slice %arg3[%multiple_of3A_329] : memref<5111808xf32, #tpu.memory_space<hbm>> -> memref<2048xf32, #tpu.memory_space<hbm>>
          tpu.enqueue_dma source(%dma_start3A_347 : memref<2048xf32, #tpu.memory_space<hbm>>) target(%dma_start3A_346 : memref<2048xf32, #tpu.memory_space<vmem>>) target_semaphore(%arg14 : memref<!tpu.dma_semaphore, #tpu.memory_space<semaphore_mem>>)
        } else {
        }
        %add3A_274 = arith.constant 6144 : i32
        %add3A_275 = arith.addi %add3A_133, %add3A_274 : i32
        %dma_wait3A_276 = arith.constant 1 : i32
        %dma_wait3A_277 = arith.constant 0 : i32
        %dma_wait3A_278 = tpu.memref_slice %arg6[%dma_wait3A_276, %dma_wait3A_277] : memref<2x2048xi32, #tpu.memory_space<vmem>> -> memref<1x2048xi32, #tpu.memory_space<vmem>>
        %dma_wait3A_279 = tpu.memref_squeeze %dma_wait3A_278 : memref<1x2048xi32, #tpu.memory_space<vmem>> -> memref<2048xi32, #tpu.memory_space<vmem>>
        %dma_wait3A_280 = arith.constant 0 : i32
        %dma_wait3A_281 = tpu.memref_slice %arg2[%dma_wait3A_280] : memref<5111808xi32, #tpu.memory_space<hbm>> -> memref<2048xi32, #tpu.memory_space<hbm>>
        %dma_wait3A_282 = arith.constant 0 : i32
        %dma_wait3A_283 = tpu.memref_slice %arg6[%dma_wait3A_276, %dma_wait3A_282] : memref<2x2048xi32, #tpu.memory_space<vmem>> -> memref<1x2048xi32, #tpu.memory_space<vmem>>
        %dma_wait3A_284 = tpu.memref_squeeze %dma_wait3A_283 : memref<1x2048xi32, #tpu.memory_space<vmem>> -> memref<2048xi32, #tpu.memory_space<vmem>>
        %dma_wait3A_285 = arith.constant 0 : i32
        %dma_wait3A_286 = tpu.memref_slice %arg2[%dma_wait3A_285] : memref<5111808xi32, #tpu.memory_space<hbm>> -> memref<2048xi32, #tpu.memory_space<hbm>>
        tpu.wait_dma2 semaphore(%arg13 : memref<!tpu.dma_semaphore, #tpu.memory_space<semaphore_mem>>) src(%dma_wait3A_286 : memref<2048xi32, #tpu.memory_space<hbm>>) dst(%dma_wait3A_284 : memref<2048xi32, #tpu.memory_space<vmem>>)
        %dma_wait3A_287 = arith.constant 3 : i32
        %dma_wait3A_288 = arith.constant 0 : i32
        %dma_wait3A_289 = tpu.memref_slice %arg7[%dma_wait3A_287, %dma_wait3A_288] : memref<4x2048xf32, #tpu.memory_space<vmem>> -> memref<1x2048xf32, #tpu.memory_space<vmem>>
        %dma_wait3A_290 = tpu.memref_squeeze %dma_wait3A_289 : memref<1x2048xf32, #tpu.memory_space<vmem>> -> memref<2048xf32, #tpu.memory_space<vmem>>
        %dma_wait3A_291 = arith.constant 0 : i32
        %dma_wait3A_292 = tpu.memref_slice %arg3[%dma_wait3A_291] : memref<5111808xf32, #tpu.memory_space<hbm>> -> memref<2048xf32, #tpu.memory_space<hbm>>
        %dma_wait3A_293 = arith.constant 0 : i32
        %dma_wait3A_294 = tpu.memref_slice %arg7[%dma_wait3A_287, %dma_wait3A_293] : memref<4x2048xf32, #tpu.memory_space<vmem>> -> memref<1x2048xf32, #tpu.memory_space<vmem>>
        %dma_wait3A_295 = tpu.memref_squeeze %dma_wait3A_294 : memref<1x2048xf32, #tpu.memory_space<vmem>> -> memref<2048xf32, #tpu.memory_space<vmem>>
        %dma_wait3A_296 = arith.constant 0 : i32
        %dma_wait3A_297 = tpu.memref_slice %arg3[%dma_wait3A_296] : memref<5111808xf32, #tpu.memory_space<hbm>> -> memref<2048xf32, #tpu.memory_space<hbm>>
        tpu.wait_dma2 semaphore(%arg17 : memref<!tpu.dma_semaphore, #tpu.memory_space<semaphore_mem>>) src(%dma_wait3A_297 : memref<2048xf32, #tpu.memory_space<hbm>>) dst(%dma_wait3A_295 : memref<2048xf32, #tpu.memory_space<vmem>>)
        %scan3A_298 = arith.constant 0 : i32
        %scan3A_299 = arith.constant 16 : i32
        %scan3A_300 = arith.addi %scan3A_298, %scan3A_299 : i32
        %scan3A_301 = arith.constant 1 : i32
        scf.for %scan3A_326 = %scan3A_298 to %scan3A_300 step %scan3A_301  : i32 {
          %mul3A_327 = arith.constant 1 : i32
          %mul3A_328 = arith.muli %scan3A_326, %mul3A_327 : i32
          %add3A_329 = arith.constant 0 : i32
          %add3A_330 = arith.addi %add3A_329, %mul3A_328 : i32
          %mul3A_331 = arith.constant 128 : i32
          %mul3A_332 = arith.muli %add3A_330, %mul3A_331 : i32
          %add3A_333 = arith.constant 0 : i32
          %add3A_334 = arith.addi %mul3A_332, %add3A_333 : i32
          %get3A = arith.constant 1 : i32
          %get3A_335 = arith.index_cast %get3A : i32 to index
          %get3A_336 = arith.index_cast %add3A_334 : i32 to index
          %get3A_337 = tpu.vector_load %arg6[%get3A_335, %get3A_336] {strides = array<i32>} : memref<2x2048xi32, #tpu.memory_space<vmem>>, vector<1x16xi32>,
          %get3A_338 = vector.shape_cast %get3A_337 : vector<1x16xi32> to vector<16xi32>
          %sub3A_339 = vector.broadcast %mul3A_13 : i32 to vector<16xi32>
          %sub3A_340 = arith.subi %get3A_338, %sub3A_339 : vector<16xi32>
          %lt3A_341 = arith.constant 1703936 : i32
          %lt3A_342 = vector.broadcast %lt3A_341 : i32 to vector<16xi32>
          %lt3A_343 = arith.cmpi ult, %sub3A_340, %lt3A_342 : vector<16xi32>
          %and3A = arith.constant 1048575 : i32
          %and3A_344 = vector.broadcast %and3A : i32 to vector<16xi32>
          %and3A_345 = arith.andi %sub3A_340, %and3A_344 : vector<16xi32>
          %select_n3A_346 = arith.select %lt3A_343, %sub3A_340, %and3A_345 : vector<16xi1>, vector<16xi32>
          %swap3A = arith.constant 3 : i32
          %swap3A_347 = arith.index_cast %swap3A : i32 to index
          %swap3A_348 = arith.index_cast %add3A_330 : i32 to index
          %swap3A_349 = arith.constant 0 : index
          %swap3A_350 = tpu.vector_load %arg8[%swap3A_347, %swap3A_348, %swap3A_349] {strides = array<i32>} : memref<4x16x128xi32, #tpu.memory_space<vmem>>, vector<1x1x16xi32>,
          %swap3A_351 = vector.shape_cast %swap3A_350 : vector<1x1x16xi32> to vector<16xi32>
          %swap3A_352 = vector.shape_cast %select_n3A_346 : vector<16xi32> to vector<1x1x16xi32>
          tpu.vector_store %arg8[%swap3A_347, %swap3A_348, %swap3A_349], %swap3A_352 {strides = array<i32>} : memref<4x16x128xi32, #tpu.memory_space<vmem>>, vector<1x1x16xi32>,
          %mul3A_353 = arith.constant 128 : i32
          %mul3A_354 = arith.muli %add3A_330, %mul3A_353 : i32
          %add3A_355 = arith.constant 0 : i32
          %add3A_356 = arith.addi %mul3A_354, %add3A_355 : i32
          %get3A_357 = arith.constant 3 : i32
          %get3A_358 = arith.index_cast %get3A_357 : i32 to index
          %get3A_359 = arith.index_cast %add3A_356 : i32 to index
          %get3A_360 = tpu.vector_load %arg7[%get3A_358, %get3A_359] {strides = array<i32>} : memref<4x2048xf32, #tpu.memory_space<vmem>>, vector<1x16xf32>,
          %get3A_361 = vector.shape_cast %get3A_360 : vector<1x16xf32> to vector<16xf32>
          %jit3A_362 = arith.constant 0.000000e+00 : f32
          %broadcast_in_dim3A = vector.broadcast %jit3A_362 : f32 to vector<16xf32>
          %select_n3A_363 = arith.select %lt3A_343, %get3A_361, %broadcast_in_dim3A : vector<16xi1>, vector<16xf32>
          %mul3A_364 = arith.constant 128 : i32
          %mul3A_365 = arith.muli %add3A_330, %mul3A_364 : i32
          %add3A_366 = arith.constant 0 : i32
          %add3A_367 = arith.addi %mul3A_365, %add3A_366 : i32
          %swap3A_368 = arith.constant 3 : i32
          %swap3A_369 = arith.index_cast %swap3A_368 : i32 to index
          %swap3A_370 = arith.index_cast %add3A_367 : i32 to index
          %swap3A_371 = tpu.vector_load %arg7[%swap3A_369, %swap3A_370] {strides = array<i32>} : memref<4x2048xf32, #tpu.memory_space<vmem>>, vector<1x16xf32>,
          %swap3A_372 = vector.shape_cast %swap3A_371 : vector<1x16xf32> to vector<16xf32>
          %swap3A_373 = vector.shape_cast %select_n3A_363 : vector<16xf32> to vector<1x16xf32>
          tpu.vector_store %arg7[%swap3A_369, %swap3A_370], %swap3A_373 {strides = array<i32>} : memref<4x2048xf32, #tpu.memory_space<vmem>>, vector<1x16xf32>,
          %mul3A_374 = arith.constant 128 : i32
          %mul3A_375 = arith.muli %add3A_330, %mul3A_374 : i32
          %add3A_376 = arith.constant 16 : i32
          %add3A_377 = arith.addi %mul3A_375, %add3A_376 : i32
          %get3A_378 = arith.constant 1 : i32
          %get3A_379 = arith.index_cast %get3A_378 : i32 to index
          %get3A_380 = arith.index_cast %add3A_377 : i32 to index
          %get3A_381 = tpu.vector_load %arg6[%get3A_379, %get3A_380] {strides = array<i32>} : memref<2x2048xi32, #tpu.memory_space<vmem>>, vector<1x16xi32>,
          %get3A_382 = vector.shape_cast %get3A_381 : vector<1x16xi32> to vector<16xi32>
          %sub3A_383 = vector.broadcast %mul3A_13 : i32 to vector<16xi32>
          %sub3A_384 = arith.subi %get3A_382, %sub3A_383 : vector<16xi32>
          %lt3A_385 = arith.constant 1703936 : i32
          %lt3A_386 = vector.broadcast %lt3A_385 : i32 to vector<16xi32>
          %lt3A_387 = arith.cmpi ult, %sub3A_384, %lt3A_386 : vector<16xi32>
          %and3A_388 = arith.constant 1048575 : i32
          %and3A_389 = vector.broadcast %and3A_388 : i32 to vector<16xi32>
          %and3A_390 = arith.andi %sub3A_384, %and3A_389 : vector<16xi32>
          %select_n3A_391 = arith.select %lt3A_387, %sub3A_384, %and3A_390 : vector<16xi1>, vector<16xi32>
          %swap3A_392 = arith.constant 3 : i32
          %swap3A_393 = arith.index_cast %swap3A_392 : i32 to index
          %swap3A_394 = arith.index_cast %add3A_330 : i32 to index
          %swap3A_395 = arith.constant 16 : index
          %swap3A_396 = tpu.vector_load %arg8[%swap3A_393, %swap3A_394, %swap3A_395] {strides = array<i32>} : memref<4x16x128xi32, #tpu.memory_space<vmem>>, vector<1x1x16xi32>,
          %swap3A_397 = vector.shape_cast %swap3A_396 : vector<1x1x16xi32> to vector<16xi32>
          %swap3A_398 = vector.shape_cast %select_n3A_391 : vector<16xi32> to vector<1x1x16xi32>
          tpu.vector_store %arg8[%swap3A_393, %swap3A_394, %swap3A_395], %swap3A_398 {strides = array<i32>} : memref<4x16x128xi32, #tpu.memory_space<vmem>>, vector<1x1x16xi32>,
          %mul3A_399 = arith.constant 128 : i32
          %mul3A_400 = arith.muli %add3A_330, %mul3A_399 : i32
          %add3A_401 = arith.constant 16 : i32
          %add3A_402 = arith.addi %mul3A_400, %add3A_401 : i32
          %get3A_403 = arith.constant 3 : i32
          %get3A_404 = arith.index_cast %get3A_403 : i32 to index
          %get3A_405 = arith.index_cast %add3A_402 : i32 to index
          %get3A_406 = tpu.vector_load %arg7[%get3A_404, %get3A_405] {strides = array<i32>} : memref<4x2048xf32, #tpu.memory_space<vmem>>, vector<1x16xf32>,
          %get3A_407 = vector.shape_cast %get3A_406 : vector<1x16xf32> to vector<16xf32>
          %jit3A_408 = arith.constant 0.000000e+00 : f32
          %broadcast_in_dim3A_409 = vector.broadcast %jit3A_408 : f32 to vector<16xf32>
          %select_n3A_410 = arith.select %lt3A_387, %get3A_407, %broadcast_in_dim3A_409 : vector<16xi1>, vector<16xf32>
          %mul3A_411 = arith.constant 128 : i32
          %mul3A_412 = arith.muli %add3A_330, %mul3A_411 : i32
          %add3A_413 = arith.constant 16 : i32
          %add3A_414 = arith.addi %mul3A_412, %add3A_413 : i32
          %swap3A_415 = arith.constant 3 : i32
          %swap3A_416 = arith.index_cast %swap3A_415 : i32 to index
          %swap3A_417 = arith.index_cast %add3A_414 : i32 to index
          %swap3A_418 = tpu.vector_load %arg7[%swap3A_416, %swap3A_417] {strides = array<i32>} : memref<4x2048xf32, #tpu.memory_space<vmem>>, vector<1x16xf32>,
          %swap3A_419 = vector.shape_cast %swap3A_418 : vector<1x16xf32> to vector<16xf32>
          %swap3A_420 = vector.shape_cast %select_n3A_410 : vector<16xf32> to vector<1x16xf32>
          tpu.vector_store %arg7[%swap3A_416, %swap3A_417], %swap3A_420 {strides = array<i32>} : memref<4x2048xf32, #tpu.memory_space<vmem>>, vector<1x16xf32>,
          %mul3A_421 = arith.constant 128 : i32
          %mul3A_422 = arith.muli %add3A_330, %mul3A_421 : i32
          %add3A_423 = arith.constant 32 : i32
          %add3A_424 = arith.addi %mul3A_422, %add3A_423 : i32
          %get3A_425 = arith.constant 1 : i32
          %get3A_426 = arith.index_cast %get3A_425 : i32 to index
          %get3A_427 = arith.index_cast %add3A_424 : i32 to index
          %get3A_428 = tpu.vector_load %arg6[%get3A_426, %get3A_427] {strides = array<i32>} : memref<2x2048xi32, #tpu.memory_space<vmem>>, vector<1x16xi32>,
          %get3A_429 = vector.shape_cast %get3A_428 : vector<1x16xi32> to vector<16xi32>
          %sub3A_430 = vector.broadcast %mul3A_13 : i32 to vector<16xi32>
          %sub3A_431 = arith.subi %get3A_429, %sub3A_430 : vector<16xi32>
          %lt3A_432 = arith.constant 1703936 : i32
          %lt3A_433 = vector.broadcast %lt3A_432 : i32 to vector<16xi32>
          %lt3A_434 = arith.cmpi ult, %sub3A_431, %lt3A_433 : vector<16xi32>
          %and3A_435 = arith.constant 1048575 : i32
          %and3A_436 = vector.broadcast %and3A_435 : i32 to vector<16xi32>
          %and3A_437 = arith.andi %sub3A_431, %and3A_436 : vector<16xi32>
          %select_n3A_438 = arith.select %lt3A_434, %sub3A_431, %and3A_437 : vector<16xi1>, vector<16xi32>
          %swap3A_439 = arith.constant 3 : i32
          %swap3A_440 = arith.index_cast %swap3A_439 : i32 to index
          %swap3A_441 = arith.index_cast %add3A_330 : i32 to index
          %swap3A_442 = arith.constant 32 : index
          %swap3A_443 = tpu.vector_load %arg8[%swap3A_440, %swap3A_441, %swap3A_442] {strides = array<i32>} : memref<4x16x128xi32, #tpu.memory_space<vmem>>, vector<1x1x16xi32>,
          %swap3A_444 = vector.shape_cast %swap3A_443 : vector<1x1x16xi32> to vector<16xi32>
          %swap3A_445 = vector.shape_cast %select_n3A_438 : vector<16xi32> to vector<1x1x16xi32>
          tpu.vector_store %arg8[%swap3A_440, %swap3A_441, %swap3A_442], %swap3A_445 {strides = array<i32>} : memref<4x16x128xi32, #tpu.memory_space<vmem>>, vector<1x1x16xi32>,
          %mul3A_446 = arith.constant 128 : i32
          %mul3A_447 = arith.muli %add3A_330, %mul3A_446 : i32
          %add3A_448 = arith.constant 32 : i32
          %add3A_449 = arith.addi %mul3A_447, %add3A_448 : i32
          %get3A_450 = arith.constant 3 : i32
          %get3A_451 = arith.index_cast %get3A_450 : i32 to index
          %get3A_452 = arith.index_cast %add3A_449 : i32 to index
          %get3A_453 = tpu.vector_load %arg7[%get3A_451, %get3A_452] {strides = array<i32>} : memref<4x2048xf32, #tpu.memory_space<vmem>>, vector<1x16xf32>,
          %get3A_454 = vector.shape_cast %get3A_453 : vector<1x16xf32> to vector<16xf32>
          %jit3A_455 = arith.constant 0.000000e+00 : f32
          %broadcast_in_dim3A_456 = vector.broadcast %jit3A_455 : f32 to vector<16xf32>
          %select_n3A_457 = arith.select %lt3A_434, %get3A_454, %broadcast_in_dim3A_456 : vector<16xi1>, vector<16xf32>
          %mul3A_458 = arith.constant 128 : i32
          %mul3A_459 = arith.muli %add3A_330, %mul3A_458 : i32
          %add3A_460 = arith.constant 32 : i32
          %add3A_461 = arith.addi %mul3A_459, %add3A_460 : i32
          %swap3A_462 = arith.constant 3 : i32
          %swap3A_463 = arith.index_cast %swap3A_462 : i32 to index
          %swap3A_464 = arith.index_cast %add3A_461 : i32 to index
          %swap3A_465 = tpu.vector_load %arg7[%swap3A_463, %swap3A_464] {strides = array<i32>} : memref<4x2048xf32, #tpu.memory_space<vmem>>, vector<1x16xf32>,
          %swap3A_466 = vector.shape_cast %swap3A_465 : vector<1x16xf32> to vector<16xf32>
          %swap3A_467 = vector.shape_cast %select_n3A_457 : vector<16xf32> to vector<1x16xf32>
          tpu.vector_store %arg7[%swap3A_463, %swap3A_464], %swap3A_467 {strides = array<i32>} : memref<4x2048xf32, #tpu.memory_space<vmem>>, vector<1x16xf32>,
          %mul3A_468 = arith.constant 128 : i32
          %mul3A_469 = arith.muli %add3A_330, %mul3A_468 : i32
          %add3A_470 = arith.constant 48 : i32
          %add3A_471 = arith.addi %mul3A_469, %add3A_470 : i32
          %get3A_472 = arith.constant 1 : i32
          %get3A_473 = arith.index_cast %get3A_472 : i32 to index
          %get3A_474 = arith.index_cast %add3A_471 : i32 to index
          %get3A_475 = tpu.vector_load %arg6[%get3A_473, %get3A_474] {strides = array<i32>} : memref<2x2048xi32, #tpu.memory_space<vmem>>, vector<1x16xi32>,
          %get3A_476 = vector.shape_cast %get3A_475 : vector<1x16xi32> to vector<16xi32>
          %sub3A_477 = vector.broadcast %mul3A_13 : i32 to vector<16xi32>
          %sub3A_478 = arith.subi %get3A_476, %sub3A_477 : vector<16xi32>
          %lt3A_479 = arith.constant 1703936 : i32
          %lt3A_480 = vector.broadcast %lt3A_479 : i32 to vector<16xi32>
          %lt3A_481 = arith.cmpi ult, %sub3A_478, %lt3A_480 : vector<16xi32>
          %and3A_482 = arith.constant 1048575 : i32
          %and3A_483 = vector.broadcast %and3A_482 : i32 to vector<16xi32>
          %and3A_484 = arith.andi %sub3A_478, %and3A_483 : vector<16xi32>
          %select_n3A_485 = arith.select %lt3A_481, %sub3A_478, %and3A_484 : vector<16xi1>, vector<16xi32>
          %swap3A_486 = arith.constant 3 : i32
          %swap3A_487 = arith.index_cast %swap3A_486 : i32 to index
          %swap3A_488 = arith.index_cast %add3A_330 : i32 to index
          %swap3A_489 = arith.constant 48 : index
          %swap3A_490 = tpu.vector_load %arg8[%swap3A_487, %swap3A_488, %swap3A_489] {strides = array<i32>} : memref<4x16x128xi32, #tpu.memory_space<vmem>>, vector<1x1x16xi32>,
          %swap3A_491 = vector.shape_cast %swap3A_490 : vector<1x1x16xi32> to vector<16xi32>
          %swap3A_492 = vector.shape_cast %select_n3A_485 : vector<16xi32> to vector<1x1x16xi32>
          tpu.vector_store %arg8[%swap3A_487, %swap3A_488, %swap3A_489], %swap3A_492 {strides = array<i32>} : memref<4x16x128xi32, #tpu.memory_space<vmem>>, vector<1x1x16xi32>,
          %mul3A_493 = arith.constant 128 : i32
          %mul3A_494 = arith.muli %add3A_330, %mul3A_493 : i32
          %add3A_495 = arith.constant 48 : i32
          %add3A_496 = arith.addi %mul3A_494, %add3A_495 : i32
          %get3A_497 = arith.constant 3 : i32
          %get3A_498 = arith.index_cast %get3A_497 : i32 to index
          %get3A_499 = arith.index_cast %add3A_496 : i32 to index
          %get3A_500 = tpu.vector_load %arg7[%get3A_498, %get3A_499] {strides = array<i32>} : memref<4x2048xf32, #tpu.memory_space<vmem>>, vector<1x16xf32>,
          %get3A_501 = vector.shape_cast %get3A_500 : vector<1x16xf32> to vector<16xf32>
          %jit3A_502 = arith.constant 0.000000e+00 : f32
          %broadcast_in_dim3A_503 = vector.broadcast %jit3A_502 : f32 to vector<16xf32>
          %select_n3A_504 = arith.select %lt3A_481, %get3A_501, %broadcast_in_dim3A_503 : vector<16xi1>, vector<16xf32>
          %mul3A_505 = arith.constant 128 : i32
          %mul3A_506 = arith.muli %add3A_330, %mul3A_505 : i32
          %add3A_507 = arith.constant 48 : i32
          %add3A_508 = arith.addi %mul3A_506, %add3A_507 : i32
          %swap3A_509 = arith.constant 3 : i32
          %swap3A_510 = arith.index_cast %swap3A_509 : i32 to index
          %swap3A_511 = arith.index_cast %add3A_508 : i32 to index
          %swap3A_512 = tpu.vector_load %arg7[%swap3A_510, %swap3A_511] {strides = array<i32>} : memref<4x2048xf32, #tpu.memory_space<vmem>>, vector<1x16xf32>,
          %swap3A_513 = vector.shape_cast %swap3A_512 : vector<1x16xf32> to vector<16xf32>
          %swap3A_514 = vector.shape_cast %select_n3A_504 : vector<16xf32> to vector<1x16xf32>
          tpu.vector_store %arg7[%swap3A_510, %swap3A_511], %swap3A_514 {strides = array<i32>} : memref<4x2048xf32, #tpu.memory_space<vmem>>, vector<1x16xf32>,
          %mul3A_515 = arith.constant 128 : i32
          %mul3A_516 = arith.muli %add3A_330, %mul3A_515 : i32
          %add3A_517 = arith.constant 64 : i32
          %add3A_518 = arith.addi %mul3A_516, %add3A_517 : i32
          %get3A_519 = arith.constant 1 : i32
          %get3A_520 = arith.index_cast %get3A_519 : i32 to index
          %get3A_521 = arith.index_cast %add3A_518 : i32 to index
          %get3A_522 = tpu.vector_load %arg6[%get3A_520, %get3A_521] {strides = array<i32>} : memref<2x2048xi32, #tpu.memory_space<vmem>>, vector<1x16xi32>,
          %get3A_523 = vector.shape_cast %get3A_522 : vector<1x16xi32> to vector<16xi32>
          %sub3A_524 = vector.broadcast %mul3A_13 : i32 to vector<16xi32>
          %sub3A_525 = arith.subi %get3A_523, %sub3A_524 : vector<16xi32>
          %lt3A_526 = arith.constant 1703936 : i32
          %lt3A_527 = vector.broadcast %lt3A_526 : i32 to vector<16xi32>
          %lt3A_528 = arith.cmpi ult, %sub3A_525, %lt3A_527 : vector<16xi32>
          %and3A_529 = arith.constant 1048575 : i32
          %and3A_530 = vector.broadcast %and3A_529 : i32 to vector<16xi32>
          %and3A_531 = arith.andi %sub3A_525, %and3A_530 : vector<16xi32>
          %select_n3A_532 = arith.select %lt3A_528, %sub3A_525, %and3A_531 : vector<16xi1>, vector<16xi32>
          %swap3A_533 = arith.constant 3 : i32
          %swap3A_534 = arith.index_cast %swap3A_533 : i32 to index
          %swap3A_535 = arith.index_cast %add3A_330 : i32 to index
          %swap3A_536 = arith.constant 64 : index
          %swap3A_537 = tpu.vector_load %arg8[%swap3A_534, %swap3A_535, %swap3A_536] {strides = array<i32>} : memref<4x16x128xi32, #tpu.memory_space<vmem>>, vector<1x1x16xi32>,
          %swap3A_538 = vector.shape_cast %swap3A_537 : vector<1x1x16xi32> to vector<16xi32>
          %swap3A_539 = vector.shape_cast %select_n3A_532 : vector<16xi32> to vector<1x1x16xi32>
          tpu.vector_store %arg8[%swap3A_534, %swap3A_535, %swap3A_536], %swap3A_539 {strides = array<i32>} : memref<4x16x128xi32, #tpu.memory_space<vmem>>, vector<1x1x16xi32>,
          %mul3A_540 = arith.constant 128 : i32
          %mul3A_541 = arith.muli %add3A_330, %mul3A_540 : i32
          %add3A_542 = arith.constant 64 : i32
          %add3A_543 = arith.addi %mul3A_541, %add3A_542 : i32
          %get3A_544 = arith.constant 3 : i32
          %get3A_545 = arith.index_cast %get3A_544 : i32 to index
          %get3A_546 = arith.index_cast %add3A_543 : i32 to index
          %get3A_547 = tpu.vector_load %arg7[%get3A_545, %get3A_546] {strides = array<i32>} : memref<4x2048xf32, #tpu.memory_space<vmem>>, vector<1x16xf32>,
          %get3A_548 = vector.shape_cast %get3A_547 : vector<1x16xf32> to vector<16xf32>
          %jit3A_549 = arith.constant 0.000000e+00 : f32
          %broadcast_in_dim3A_550 = vector.broadcast %jit3A_549 : f32 to vector<16xf32>
          %select_n3A_551 = arith.select %lt3A_528, %get3A_548, %broadcast_in_dim3A_550 : vector<16xi1>, vector<16xf32>
          %mul3A_552 = arith.constant 128 : i32
          %mul3A_553 = arith.muli %add3A_330, %mul3A_552 : i32
          %add3A_554 = arith.constant 64 : i32
          %add3A_555 = arith.addi %mul3A_553, %add3A_554 : i32
          %swap3A_556 = arith.constant 3 : i32
          %swap3A_557 = arith.index_cast %swap3A_556 : i32 to index
          %swap3A_558 = arith.index_cast %add3A_555 : i32 to index
          %swap3A_559 = tpu.vector_load %arg7[%swap3A_557, %swap3A_558] {strides = array<i32>} : memref<4x2048xf32, #tpu.memory_space<vmem>>, vector<1x16xf32>,
          %swap3A_560 = vector.shape_cast %swap3A_559 : vector<1x16xf32> to vector<16xf32>
          %swap3A_561 = vector.shape_cast %select_n3A_551 : vector<16xf32> to vector<1x16xf32>
          tpu.vector_store %arg7[%swap3A_557, %swap3A_558], %swap3A_561 {strides = array<i32>} : memref<4x2048xf32, #tpu.memory_space<vmem>>, vector<1x16xf32>,
          %mul3A_562 = arith.constant 128 : i32
          %mul3A_563 = arith.muli %add3A_330, %mul3A_562 : i32
          %add3A_564 = arith.constant 80 : i32
          %add3A_565 = arith.addi %mul3A_563, %add3A_564 : i32
          %get3A_566 = arith.constant 1 : i32
          %get3A_567 = arith.index_cast %get3A_566 : i32 to index
          %get3A_568 = arith.index_cast %add3A_565 : i32 to index
          %get3A_569 = tpu.vector_load %arg6[%get3A_567, %get3A_568] {strides = array<i32>} : memref<2x2048xi32, #tpu.memory_space<vmem>>, vector<1x16xi32>,
          %get3A_570 = vector.shape_cast %get3A_569 : vector<1x16xi32> to vector<16xi32>
          %sub3A_571 = vector.broadcast %mul3A_13 : i32 to vector<16xi32>
          %sub3A_572 = arith.subi %get3A_570, %sub3A_571 : vector<16xi32>
          %lt3A_573 = arith.constant 1703936 : i32
          %lt3A_574 = vector.broadcast %lt3A_573 : i32 to vector<16xi32>
          %lt3A_575 = arith.cmpi ult, %sub3A_572, %lt3A_574 : vector<16xi32>
          %and3A_576 = arith.constant 1048575 : i32
          %and3A_577 = vector.broadcast %and3A_576 : i32 to vector<16xi32>
          %and3A_578 = arith.andi %sub3A_572, %and3A_577 : vector<16xi32>
          %select_n3A_579 = arith.select %lt3A_575, %sub3A_572, %and3A_578 : vector<16xi1>, vector<16xi32>
          %swap3A_580 = arith.constant 3 : i32
          %swap3A_581 = arith.index_cast %swap3A_580 : i32 to index
          %swap3A_582 = arith.index_cast %add3A_330 : i32 to index
          %swap3A_583 = arith.constant 80 : index
          %swap3A_584 = tpu.vector_load %arg8[%swap3A_581, %swap3A_582, %swap3A_583] {strides = array<i32>} : memref<4x16x128xi32, #tpu.memory_space<vmem>>, vector<1x1x16xi32>,
          %swap3A_585 = vector.shape_cast %swap3A_584 : vector<1x1x16xi32> to vector<16xi32>
          %swap3A_586 = vector.shape_cast %select_n3A_579 : vector<16xi32> to vector<1x1x16xi32>
          tpu.vector_store %arg8[%swap3A_581, %swap3A_582, %swap3A_583], %swap3A_586 {strides = array<i32>} : memref<4x16x128xi32, #tpu.memory_space<vmem>>, vector<1x1x16xi32>,
          %mul3A_587 = arith.constant 128 : i32
          %mul3A_588 = arith.muli %add3A_330, %mul3A_587 : i32
          %add3A_589 = arith.constant 80 : i32
          %add3A_590 = arith.addi %mul3A_588, %add3A_589 : i32
          %get3A_591 = arith.constant 3 : i32
          %get3A_592 = arith.index_cast %get3A_591 : i32 to index
          %get3A_593 = arith.index_cast %add3A_590 : i32 to index
          %get3A_594 = tpu.vector_load %arg7[%get3A_592, %get3A_593] {strides = array<i32>} : memref<4x2048xf32, #tpu.memory_space<vmem>>, vector<1x16xf32>,
          %get3A_595 = vector.shape_cast %get3A_594 : vector<1x16xf32> to vector<16xf32>
          %jit3A_596 = arith.constant 0.000000e+00 : f32
          %broadcast_in_dim3A_597 = vector.broadcast %jit3A_596 : f32 to vector<16xf32>
          %select_n3A_598 = arith.select %lt3A_575, %get3A_595, %broadcast_in_dim3A_597 : vector<16xi1>, vector<16xf32>
          %mul3A_599 = arith.constant 128 : i32
          %mul3A_600 = arith.muli %add3A_330, %mul3A_599 : i32
          %add3A_601 = arith.constant 80 : i32
          %add3A_602 = arith.addi %mul3A_600, %add3A_601 : i32
          %swap3A_603 = arith.constant 3 : i32
          %swap3A_604 = arith.index_cast %swap3A_603 : i32 to index
          %swap3A_605 = arith.index_cast %add3A_602 : i32 to index
          %swap3A_606 = tpu.vector_load %arg7[%swap3A_604, %swap3A_605] {strides = array<i32>} : memref<4x2048xf32, #tpu.memory_space<vmem>>, vector<1x16xf32>,
          %swap3A_607 = vector.shape_cast %swap3A_606 : vector<1x16xf32> to vector<16xf32>
          %swap3A_608 = vector.shape_cast %select_n3A_598 : vector<16xf32> to vector<1x16xf32>
          tpu.vector_store %arg7[%swap3A_604, %swap3A_605], %swap3A_608 {strides = array<i32>} : memref<4x2048xf32, #tpu.memory_space<vmem>>, vector<1x16xf32>,
          %mul3A_609 = arith.constant 128 : i32
          %mul3A_610 = arith.muli %add3A_330, %mul3A_609 : i32
          %add3A_611 = arith.constant 96 : i32
          %add3A_612 = arith.addi %mul3A_610, %add3A_611 : i32
          %get3A_613 = arith.constant 1 : i32
          %get3A_614 = arith.index_cast %get3A_613 : i32 to index
          %get3A_615 = arith.index_cast %add3A_612 : i32 to index
          %get3A_616 = tpu.vector_load %arg6[%get3A_614, %get3A_615] {strides = array<i32>} : memref<2x2048xi32, #tpu.memory_space<vmem>>, vector<1x16xi32>,
          %get3A_617 = vector.shape_cast %get3A_616 : vector<1x16xi32> to vector<16xi32>
          %sub3A_618 = vector.broadcast %mul3A_13 : i32 to vector<16xi32>
          %sub3A_619 = arith.subi %get3A_617, %sub3A_618 : vector<16xi32>
          %lt3A_620 = arith.constant 1703936 : i32
          %lt3A_621 = vector.broadcast %lt3A_620 : i32 to vector<16xi32>
          %lt3A_622 = arith.cmpi ult, %sub3A_619, %lt3A_621 : vector<16xi32>
          %and3A_623 = arith.constant 1048575 : i32
          %and3A_624 = vector.broadcast %and3A_623 : i32 to vector<16xi32>
          %and3A_625 = arith.andi %sub3A_619, %and3A_624 : vector<16xi32>
          %select_n3A_626 = arith.select %lt3A_622, %sub3A_619, %and3A_625 : vector<16xi1>, vector<16xi32>
          %swap3A_627 = arith.constant 3 : i32
          %swap3A_628 = arith.index_cast %swap3A_627 : i32 to index
          %swap3A_629 = arith.index_cast %add3A_330 : i32 to index
          %swap3A_630 = arith.constant 96 : index
          %swap3A_631 = tpu.vector_load %arg8[%swap3A_628, %swap3A_629, %swap3A_630] {strides = array<i32>} : memref<4x16x128xi32, #tpu.memory_space<vmem>>, vector<1x1x16xi32>,
          %swap3A_632 = vector.shape_cast %swap3A_631 : vector<1x1x16xi32> to vector<16xi32>
          %swap3A_633 = vector.shape_cast %select_n3A_626 : vector<16xi32> to vector<1x1x16xi32>
          tpu.vector_store %arg8[%swap3A_628, %swap3A_629, %swap3A_630], %swap3A_633 {strides = array<i32>} : memref<4x16x128xi32, #tpu.memory_space<vmem>>, vector<1x1x16xi32>,
          %mul3A_634 = arith.constant 128 : i32
          %mul3A_635 = arith.muli %add3A_330, %mul3A_634 : i32
          %add3A_636 = arith.constant 96 : i32
          %add3A_637 = arith.addi %mul3A_635, %add3A_636 : i32
          %get3A_638 = arith.constant 3 : i32
          %get3A_639 = arith.index_cast %get3A_638 : i32 to index
          %get3A_640 = arith.index_cast %add3A_637 : i32 to index
          %get3A_641 = tpu.vector_load %arg7[%get3A_639, %get3A_640] {strides = array<i32>} : memref<4x2048xf32, #tpu.memory_space<vmem>>, vector<1x16xf32>,
          %get3A_642 = vector.shape_cast %get3A_641 : vector<1x16xf32> to vector<16xf32>
          %jit3A_643 = arith.constant 0.000000e+00 : f32
          %broadcast_in_dim3A_644 = vector.broadcast %jit3A_643 : f32 to vector<16xf32>
          %select_n3A_645 = arith.select %lt3A_622, %get3A_642, %broadcast_in_dim3A_644 : vector<16xi1>, vector<16xf32>
          %mul3A_646 = arith.constant 128 : i32
          %mul3A_647 = arith.muli %add3A_330, %mul3A_646 : i32
          %add3A_648 = arith.constant 96 : i32
          %add3A_649 = arith.addi %mul3A_647, %add3A_648 : i32
          %swap3A_650 = arith.constant 3 : i32
          %swap3A_651 = arith.index_cast %swap3A_650 : i32 to index
          %swap3A_652 = arith.index_cast %add3A_649 : i32 to index
          %swap3A_653 = tpu.vector_load %arg7[%swap3A_651, %swap3A_652] {strides = array<i32>} : memref<4x2048xf32, #tpu.memory_space<vmem>>, vector<1x16xf32>,
          %swap3A_654 = vector.shape_cast %swap3A_653 : vector<1x16xf32> to vector<16xf32>
          %swap3A_655 = vector.shape_cast %select_n3A_645 : vector<16xf32> to vector<1x16xf32>
          tpu.vector_store %arg7[%swap3A_651, %swap3A_652], %swap3A_655 {strides = array<i32>} : memref<4x2048xf32, #tpu.memory_space<vmem>>, vector<1x16xf32>,
          %mul3A_656 = arith.constant 128 : i32
          %mul3A_657 = arith.muli %add3A_330, %mul3A_656 : i32
          %add3A_658 = arith.constant 112 : i32
          %add3A_659 = arith.addi %mul3A_657, %add3A_658 : i32
          %get3A_660 = arith.constant 1 : i32
          %get3A_661 = arith.index_cast %get3A_660 : i32 to index
          %get3A_662 = arith.index_cast %add3A_659 : i32 to index
          %get3A_663 = tpu.vector_load %arg6[%get3A_661, %get3A_662] {strides = array<i32>} : memref<2x2048xi32, #tpu.memory_space<vmem>>, vector<1x16xi32>,
          %get3A_664 = vector.shape_cast %get3A_663 : vector<1x16xi32> to vector<16xi32>
          %sub3A_665 = vector.broadcast %mul3A_13 : i32 to vector<16xi32>
          %sub3A_666 = arith.subi %get3A_664, %sub3A_665 : vector<16xi32>
          %lt3A_667 = arith.constant 1703936 : i32
          %lt3A_668 = vector.broadcast %lt3A_667 : i32 to vector<16xi32>
          %lt3A_669 = arith.cmpi ult, %sub3A_666, %lt3A_668 : vector<16xi32>
          %and3A_670 = arith.constant 1048575 : i32
          %and3A_671 = vector.broadcast %and3A_670 : i32 to vector<16xi32>
          %and3A_672 = arith.andi %sub3A_666, %and3A_671 : vector<16xi32>
          %select_n3A_673 = arith.select %lt3A_669, %sub3A_666, %and3A_672 : vector<16xi1>, vector<16xi32>
          %swap3A_674 = arith.constant 3 : i32
          %swap3A_675 = arith.index_cast %swap3A_674 : i32 to index
          %swap3A_676 = arith.index_cast %add3A_330 : i32 to index
          %swap3A_677 = arith.constant 112 : index
          %swap3A_678 = tpu.vector_load %arg8[%swap3A_675, %swap3A_676, %swap3A_677] {strides = array<i32>} : memref<4x16x128xi32, #tpu.memory_space<vmem>>, vector<1x1x16xi32>,
          %swap3A_679 = vector.shape_cast %swap3A_678 : vector<1x1x16xi32> to vector<16xi32>
          %swap3A_680 = vector.shape_cast %select_n3A_673 : vector<16xi32> to vector<1x1x16xi32>
          tpu.vector_store %arg8[%swap3A_675, %swap3A_676, %swap3A_677], %swap3A_680 {strides = array<i32>} : memref<4x16x128xi32, #tpu.memory_space<vmem>>, vector<1x1x16xi32>,
          %mul3A_681 = arith.constant 128 : i32
          %mul3A_682 = arith.muli %add3A_330, %mul3A_681 : i32
          %add3A_683 = arith.constant 112 : i32
          %add3A_684 = arith.addi %mul3A_682, %add3A_683 : i32
          %get3A_685 = arith.constant 3 : i32
          %get3A_686 = arith.index_cast %get3A_685 : i32 to index
          %get3A_687 = arith.index_cast %add3A_684 : i32 to index
          %get3A_688 = tpu.vector_load %arg7[%get3A_686, %get3A_687] {strides = array<i32>} : memref<4x2048xf32, #tpu.memory_space<vmem>>, vector<1x16xf32>,
          %get3A_689 = vector.shape_cast %get3A_688 : vector<1x16xf32> to vector<16xf32>
          %jit3A_690 = arith.constant 0.000000e+00 : f32
          %broadcast_in_dim3A_691 = vector.broadcast %jit3A_690 : f32 to vector<16xf32>
          %select_n3A_692 = arith.select %lt3A_669, %get3A_689, %broadcast_in_dim3A_691 : vector<16xi1>, vector<16xf32>
          %mul3A_693 = arith.constant 128 : i32
          %mul3A_694 = arith.muli %add3A_330, %mul3A_693 : i32
          %add3A_695 = arith.constant 112 : i32
          %add3A_696 = arith.addi %mul3A_694, %add3A_695 : i32
          %swap3A_697 = arith.constant 3 : i32
          %swap3A_698 = arith.index_cast %swap3A_697 : i32 to index
          %swap3A_699 = arith.index_cast %add3A_696 : i32 to index
          %swap3A_700 = tpu.vector_load %arg7[%swap3A_698, %swap3A_699] {strides = array<i32>} : memref<4x2048xf32, #tpu.memory_space<vmem>>, vector<1x16xf32>,
          %swap3A_701 = vector.shape_cast %swap3A_700 : vector<1x16xf32> to vector<16xf32>
          %swap3A_702 = vector.shape_cast %select_n3A_692 : vector<16xf32> to vector<1x16xf32>
          tpu.vector_store %arg7[%swap3A_698, %swap3A_699], %swap3A_702 {strides = array<i32>} : memref<4x2048xf32, #tpu.memory_space<vmem>>, vector<1x16xf32>,
        }
        %scan3A_302 = arith.constant 16 : i32
        %scan3A_303 = arith.constant 0 : i32
        %scan3A_304 = arith.constant 16 : i32
        %scan3A_305 = arith.addi %scan3A_303, %scan3A_304 : i32
        %scan3A_306 = arith.constant 1 : i32
        scf.for %scan3A_326 = %scan3A_303 to %scan3A_305 step %scan3A_306  : i32 {
          %mul3A_327 = arith.constant 1 : i32
          %mul3A_328 = arith.muli %scan3A_326, %mul3A_327 : i32
          %add3A_329 = arith.constant 0 : i32
          %add3A_330 = arith.addi %add3A_329, %mul3A_328 : i32
          %mul3A_331 = arith.constant 128 : i32
          %mul3A_332 = arith.muli %add3A_330, %mul3A_331 : i32
          %multiple_of3A_333 = tpu.assume_multiple %mul3A_332, 128 : i32
          %dma_start3A_334 = arith.constant 3 : i32
          %dma_start3A_335 = arith.constant 3 : i32
          %dma_start3A_336 = tpu.memref_slice %arg7[%dma_start3A_334, %multiple_of3A_333] : memref<4x2048xf32, #tpu.memory_space<vmem>> -> memref<1x128xf32, #tpu.memory_space<vmem>>
          %dma_start3A_337 = tpu.memref_squeeze %dma_start3A_336 : memref<1x128xf32, #tpu.memory_space<vmem>> -> memref<128xf32, #tpu.memory_space<vmem>>
          %dma_start3A_338 = arith.constant 0 : i32
          %dma_start3A_339 = tpu.memref_slice %arg8[%dma_start3A_335, %add3A_330, %dma_start3A_338] : memref<4x16x128xi32, #tpu.memory_space<vmem>> -> memref<1x1x128xi32, #tpu.memory_space<vmem>>
          %dma_start3A_340 = tpu.memref_squeeze %dma_start3A_339 : memref<1x1x128xi32, #tpu.memory_space<vmem>> -> memref<128xi32, #tpu.memory_space<vmem>>
          %dma_start3A_341 = arith.constant 0 : i32
          %dma_start3A_342 = tpu.memref_slice %arg11[%dma_start3A_341] : memref<1703936xf32, #tpu.memory_space<vmem_shared>> -> memref<1703936xf32, #tpu.memory_space<vmem_shared>>
          tpu.enqueue_indirect_dma source(%dma_start3A_337 : memref<128xf32, #tpu.memory_space<vmem>>) target(%dma_start3A_342 : memref<1703936xf32, #tpu.memory_space<vmem_shared>>) offsets(%dma_start3A_340 : memref<128xi32, #tpu.memory_space<vmem>>) semaphore(%arg21 : memref<!tpu.dma_semaphore, #tpu.memory_space<semaphore_mem>>) {add = true}
        }
        %scan3A_307 = arith.constant 16 : i32
        %dma_wait3A_308 = arith.constant 1 : i32
        %dma_wait3A_309 = arith.constant 0 : i32
        %dma_wait3A_310 = tpu.memref_slice %arg7[%dma_wait3A_308, %dma_wait3A_309] : memref<4x2048xf32, #tpu.memory_space<vmem>> -> memref<1x2048xf32, #tpu.memory_space<vmem>>
        %dma_wait3A_311 = tpu.memref_squeeze %dma_wait3A_310 : memref<1x2048xf32, #tpu.memory_space<vmem>> -> memref<2048xf32, #tpu.memory_space<vmem>>
        %dma_wait3A_312 = arith.constant 0 : i32
        %dma_wait3A_313 = tpu.memref_slice %arg3[%dma_wait3A_312] : memref<5111808xf32, #tpu.memory_space<hbm>> -> memref<2048xf32, #tpu.memory_space<hbm>>
        %dma_wait3A_314 = arith.constant 0 : i32
        %dma_wait3A_315 = tpu.memref_slice %arg7[%dma_wait3A_308, %dma_wait3A_314] : memref<4x2048xf32, #tpu.memory_space<vmem>> -> memref<1x2048xf32, #tpu.memory_space<vmem>>
        %dma_wait3A_316 = tpu.memref_squeeze %dma_wait3A_315 : memref<1x2048xf32, #tpu.memory_space<vmem>> -> memref<2048xf32, #tpu.memory_space<vmem>>
        %dma_wait3A_317 = arith.constant 0 : i32
        %dma_wait3A_318 = tpu.memref_slice %arg3[%dma_wait3A_317] : memref<5111808xf32, #tpu.memory_space<hbm>> -> memref<2048xf32, #tpu.memory_space<hbm>>
        tpu.wait_dma2 semaphore(%arg19 : memref<!tpu.dma_semaphore, #tpu.memory_space<semaphore_mem>>) src(%dma_wait3A_318 : memref<2048xf32, #tpu.memory_space<hbm>>) dst(%dma_wait3A_316 : memref<2048xf32, #tpu.memory_space<vmem>>)
        %add3A_319 = arith.constant 4096 : i32
        %add3A_320 = arith.addi %add3A_275, %add3A_319 : i32
        %lt3A_321 = arith.constant 319488 : i32
        %lt3A_322 = arith.cmpi slt, %add3A_320, %lt3A_321 : i32
        %convert_element_type3A_323 = arith.extui %lt3A_322 : i1 to i32
        %cond3A_324 = arith.constant 0 : i32
        %cond3A_325 = arith.cmpi ne, %convert_element_type3A_323, %cond3A_324 : i32
        scf.if %cond3A_325 {
          %add3A_326 = arith.addi %mul3A_0, %add3A_275 : i32
          %add3A_327 = arith.constant 4096 : i32
          %add3A_328 = arith.addi %add3A_326, %add3A_327 : i32
          %multiple_of3A_329 = tpu.assume_multiple %add3A_328, 128 : i32
          %dma_start3A_330 = arith.constant 1 : i32
          %dma_start3A_331 = arith.constant 0 : i32
          %dma_start3A_332 = tpu.memref_slice %arg6[%dma_start3A_330, %dma_start3A_331] : memref<2x2048xi32, #tpu.memory_space<vmem>> -> memref<1x2048xi32, #tpu.memory_space<vmem>>
          %dma_start3A_333 = tpu.memref_squeeze %dma_start3A_332 : memref<1x2048xi32, #tpu.memory_space<vmem>> -> memref<2048xi32, #tpu.memory_space<vmem>>
          %dma_start3A_334 = tpu.memref_slice %arg2[%multiple_of3A_329] : memref<5111808xi32, #tpu.memory_space<hbm>> -> memref<2048xi32, #tpu.memory_space<hbm>>
          %dma_start3A_335 = arith.constant 0 : i32
          %dma_start3A_336 = tpu.memref_slice %arg6[%dma_start3A_330, %dma_start3A_335] : memref<2x2048xi32, #tpu.memory_space<vmem>> -> memref<1x2048xi32, #tpu.memory_space<vmem>>
          %dma_start3A_337 = tpu.memref_squeeze %dma_start3A_336 : memref<1x2048xi32, #tpu.memory_space<vmem>> -> memref<2048xi32, #tpu.memory_space<vmem>>
          %dma_start3A_338 = tpu.memref_slice %arg2[%multiple_of3A_329] : memref<5111808xi32, #tpu.memory_space<hbm>> -> memref<2048xi32, #tpu.memory_space<hbm>>
          tpu.enqueue_dma source(%dma_start3A_338 : memref<2048xi32, #tpu.memory_space<hbm>>) target(%dma_start3A_337 : memref<2048xi32, #tpu.memory_space<vmem>>) target_semaphore(%arg13 : memref<!tpu.dma_semaphore, #tpu.memory_space<semaphore_mem>>)
          %dma_start3A_339 = arith.constant 1 : i32
          %dma_start3A_340 = arith.constant 0 : i32
          %dma_start3A_341 = tpu.memref_slice %arg7[%dma_start3A_339, %dma_start3A_340] : memref<4x2048xf32, #tpu.memory_space<vmem>> -> memref<1x2048xf32, #tpu.memory_space<vmem>>
          %dma_start3A_342 = tpu.memref_squeeze %dma_start3A_341 : memref<1x2048xf32, #tpu.memory_space<vmem>> -> memref<2048xf32, #tpu.memory_space<vmem>>
          %dma_start3A_343 = tpu.memref_slice %arg3[%multiple_of3A_329] : memref<5111808xf32, #tpu.memory_space<hbm>> -> memref<2048xf32, #tpu.memory_space<hbm>>
          %dma_start3A_344 = arith.constant 0 : i32
          %dma_start3A_345 = tpu.memref_slice %arg7[%dma_start3A_339, %dma_start3A_344] : memref<4x2048xf32, #tpu.memory_space<vmem>> -> memref<1x2048xf32, #tpu.memory_space<vmem>>
          %dma_start3A_346 = tpu.memref_squeeze %dma_start3A_345 : memref<1x2048xf32, #tpu.memory_space<vmem>> -> memref<2048xf32, #tpu.memory_space<vmem>>
          %dma_start3A_347 = tpu.memref_slice %arg3[%multiple_of3A_329] : memref<5111808xf32, #tpu.memory_space<hbm>> -> memref<2048xf32, #tpu.memory_space<hbm>>
          tpu.enqueue_dma source(%dma_start3A_347 : memref<2048xf32, #tpu.memory_space<hbm>>) target(%dma_start3A_346 : memref<2048xf32, #tpu.memory_space<vmem>>) target_semaphore(%arg15 : memref<!tpu.dma_semaphore, #tpu.memory_space<semaphore_mem>>)
        } else {
        }
      }
      %scan3A_68 = arith.constant 39 : i32
      %dma_wait3A = arith.constant 2 : i32
      %dma_wait3A_69 = arith.constant 0 : i32
      %dma_wait3A_70 = tpu.memref_slice %arg7[%dma_wait3A, %dma_wait3A_69] : memref<4x2048xf32, #tpu.memory_space<vmem>> -> memref<1x2048xf32, #tpu.memory_space<vmem>>
      %dma_wait3A_71 = tpu.memref_squeeze %dma_wait3A_70 : memref<1x2048xf32, #tpu.memory_space<vmem>> -> memref<2048xf32, #tpu.memory_space<vmem>>
      %dma_wait3A_72 = arith.constant 0 : i32
      %dma_wait3A_73 = tpu.memref_slice %arg3[%dma_wait3A_72] : memref<5111808xf32, #tpu.memory_space<hbm>> -> memref<2048xf32, #tpu.memory_space<hbm>>
      %dma_wait3A_74 = arith.constant 0 : i32
      %dma_wait3A_75 = tpu.memref_slice %arg7[%dma_wait3A, %dma_wait3A_74] : memref<4x2048xf32, #tpu.memory_space<vmem>> -> memref<1x2048xf32, #tpu.memory_space<vmem>>
      %dma_wait3A_76 = tpu.memref_squeeze %dma_wait3A_75 : memref<1x2048xf32, #tpu.memory_space<vmem>> -> memref<2048xf32, #tpu.memory_space<vmem>>
      %dma_wait3A_77 = arith.constant 0 : i32
      %dma_wait3A_78 = tpu.memref_slice %arg3[%dma_wait3A_77] : memref<5111808xf32, #tpu.memory_space<hbm>> -> memref<2048xf32, #tpu.memory_space<hbm>>
      tpu.wait_dma2 semaphore(%arg20 : memref<!tpu.dma_semaphore, #tpu.memory_space<semaphore_mem>>) src(%dma_wait3A_78 : memref<2048xf32, #tpu.memory_space<hbm>>) dst(%dma_wait3A_76 : memref<2048xf32, #tpu.memory_space<vmem>>)
      %dma_wait3A_79 = arith.constant 3 : i32
      %dma_wait3A_80 = arith.constant 0 : i32
      %dma_wait3A_81 = tpu.memref_slice %arg7[%dma_wait3A_79, %dma_wait3A_80] : memref<4x2048xf32, #tpu.memory_space<vmem>> -> memref<1x2048xf32, #tpu.memory_space<vmem>>
      %dma_wait3A_82 = tpu.memref_squeeze %dma_wait3A_81 : memref<1x2048xf32, #tpu.memory_space<vmem>> -> memref<2048xf32, #tpu.memory_space<vmem>>
      %dma_wait3A_83 = arith.constant 0 : i32
      %dma_wait3A_84 = tpu.memref_slice %arg3[%dma_wait3A_83] : memref<5111808xf32, #tpu.memory_space<hbm>> -> memref<2048xf32, #tpu.memory_space<hbm>>
      %dma_wait3A_85 = arith.constant 0 : i32
      %dma_wait3A_86 = tpu.memref_slice %arg7[%dma_wait3A_79, %dma_wait3A_85] : memref<4x2048xf32, #tpu.memory_space<vmem>> -> memref<1x2048xf32, #tpu.memory_space<vmem>>
      %dma_wait3A_87 = tpu.memref_squeeze %dma_wait3A_86 : memref<1x2048xf32, #tpu.memory_space<vmem>> -> memref<2048xf32, #tpu.memory_space<vmem>>
      %dma_wait3A_88 = arith.constant 0 : i32
      %dma_wait3A_89 = tpu.memref_slice %arg3[%dma_wait3A_88] : memref<5111808xf32, #tpu.memory_space<hbm>> -> memref<2048xf32, #tpu.memory_space<hbm>>
      tpu.wait_dma2 semaphore(%arg21 : memref<!tpu.dma_semaphore, #tpu.memory_space<semaphore_mem>>) src(%dma_wait3A_89 : memref<2048xf32, #tpu.memory_space<hbm>>) dst(%dma_wait3A_87 : memref<2048xf32, #tpu.memory_space<vmem>>)
      %barrier3A_90 = arith.constant 0 : index
      tpu.barrier barrier_id(%barrier3A_90)
      %sub3A = arith.constant 0 : i32
      %sub3A_91 = arith.subi %select_n3A, %sub3A : i32
      %sub3A_92 = arith.constant 2048 : i32
      %sub3A_93 = arith.constant 1 : i32
      %sub3A_94 = arith.subi %sub3A_92, %sub3A_93 : i32
      %add3A_95 = arith.addi %sub3A_91, %sub3A_94 : i32
      %div3A = arith.constant 2048 : i32
      %div3A_96 = arith.divsi %add3A_95, %div3A : i32
      %while3A = arith.constant 2048 : i32
      %while3A_97 = arith.constant 0 : i32
      %while3A_98 = arith.constant 0 : i32
      %while3A_99 = arith.subi %div3A_96, %while3A_98 : i32
      %while3A_100 = arith.addi %while3A_98, %while3A_99 : i32
      %while3A_101 = arith.constant 1 : i32
      %while3A_102 = arith.divsi %while3A_99, %while3A_101 : i32
      %while3A_103 = arith.muli %while3A_102, %while3A_101 : i32
      %while3A_104 = arith.addi %while3A_98, %while3A_103 : i32
      %while3A_105 = arith.constant 1 : i32
      scf.for %while3A_129 = %while3A_98 to %while3A_104 step %while3A_105  : i32 {
        %mul3A_130 = arith.muli %while3A_129, %while3A : i32
        %add3A_131 = arith.addi %while3A_97, %mul3A_130 : i32
        %add3A_132 = arith.constant 0 : i32
        %add3A_133 = arith.addi %add3A_131, %add3A_132 : i32
        %multiple_of3A_134 = tpu.assume_multiple %add3A_133, 8 : i32
        %ge3A = arith.constant 2048 : i32
        %ge3A_135 = arith.cmpi sge, %multiple_of3A_134, %ge3A : i32
        %convert_element_type3A = arith.extui %ge3A_135 : i1 to i32
        %cond3A = arith.constant 0 : i32
        %cond3A_136 = arith.cmpi ne, %convert_element_type3A, %cond3A : i32
        scf.if %cond3A_136 {
          %dma_wait3A_209 = arith.constant 0 : i32
          %dma_wait3A_210 = arith.constant 0 : i32
          %dma_wait3A_211 = tpu.memref_slice %arg10[%dma_wait3A_209, %dma_wait3A_210] : memref<2x1024xf32, #tpu.memory_space<vmem>> -> memref<1x1024xf32, #tpu.memory_space<vmem>>
          %dma_wait3A_212 = tpu.memref_squeeze %dma_wait3A_211 : memref<1x1024xf32, #tpu.memory_space<vmem>> -> memref<1024xf32, #tpu.memory_space<vmem>>
          %dma_wait3A_213 = arith.constant 0 : i32
          %dma_wait3A_214 = tpu.memref_slice %arg5[%dma_wait3A_213] : memref<16777216xf32, #tpu.memory_space<hbm>> -> memref<1024xf32, #tpu.memory_space<hbm>>
          %dma_wait3A_215 = arith.constant 0 : i32
          %dma_wait3A_216 = tpu.memref_slice %arg5[%dma_wait3A_215] : memref<16777216xf32, #tpu.memory_space<hbm>> -> memref<1024xf32, #tpu.memory_space<hbm>>
          %dma_wait3A_217 = arith.constant 0 : i32
          %dma_wait3A_218 = tpu.memref_slice %arg10[%dma_wait3A_209, %dma_wait3A_217] : memref<2x1024xf32, #tpu.memory_space<vmem>> -> memref<1x1024xf32, #tpu.memory_space<vmem>>
          %dma_wait3A_219 = tpu.memref_squeeze %dma_wait3A_218 : memref<1x1024xf32, #tpu.memory_space<vmem>> -> memref<1024xf32, #tpu.memory_space<vmem>>
          tpu.wait_dma2 semaphore(%arg23 : memref<!tpu.dma_semaphore, #tpu.memory_space<semaphore_mem>>) src(%dma_wait3A_219 : memref<1024xf32, #tpu.memory_space<vmem>>) dst(%dma_wait3A_216 : memref<1024xf32, #tpu.memory_space<hbm>>)
        } else {
        }
        %mul3A_137 = arith.muli %arg1, %select_n3A : i32
        %add3A_138 = arith.addi %mul3A_137, %multiple_of3A_134 : i32
        %multiple_of3A_139 = tpu.assume_multiple %add3A_138, 8 : i32
        %dma_start3A_140 = arith.constant 0 : i32
        %dma_start3A_141 = arith.constant 0 : i32
        %dma_start3A_142 = tpu.memref_slice %arg10[%dma_start3A_140, %dma_start3A_141] : memref<2x1024xf32, #tpu.memory_space<vmem>> -> memref<1x1024xf32, #tpu.memory_space<vmem>>
        %dma_start3A_143 = tpu.memref_squeeze %dma_start3A_142 : memref<1x1024xf32, #tpu.memory_space<vmem>> -> memref<1024xf32, #tpu.memory_space<vmem>>
        %dma_start3A_144 = tpu.memref_slice %arg11[%multiple_of3A_139] : memref<1703936xf32, #tpu.memory_space<vmem_shared>> -> memref<1024xf32, #tpu.memory_space<vmem_shared>>
        %dma_start3A_145 = arith.constant 0 : i32
        %dma_start3A_146 = tpu.memref_slice %arg10[%dma_start3A_140, %dma_start3A_145] : memref<2x1024xf32, #tpu.memory_space<vmem>> -> memref<1x1024xf32, #tpu.memory_space<vmem>>
        %dma_start3A_147 = tpu.memref_squeeze %dma_start3A_146 : memref<1x1024xf32, #tpu.memory_space<vmem>> -> memref<1024xf32, #tpu.memory_space<vmem>>
        %dma_start3A_148 = tpu.memref_slice %arg11[%multiple_of3A_139] : memref<1703936xf32, #tpu.memory_space<vmem_shared>> -> memref<1024xf32, #tpu.memory_space<vmem_shared>>
        tpu.enqueue_dma source(%dma_start3A_148 : memref<1024xf32, #tpu.memory_space<vmem_shared>>) target(%dma_start3A_147 : memref<1024xf32, #tpu.memory_space<vmem>>) target_semaphore(%arg22 : memref<!tpu.dma_semaphore, #tpu.memory_space<semaphore_mem>>)
        %dma_wait3A_149 = arith.constant 0 : i32
        %dma_wait3A_150 = arith.constant 0 : i32
        %dma_wait3A_151 = tpu.memref_slice %arg10[%dma_wait3A_149, %dma_wait3A_150] : memref<2x1024xf32, #tpu.memory_space<vmem>> -> memref<1x1024xf32, #tpu.memory_space<vmem>>
        %dma_wait3A_152 = tpu.memref_squeeze %dma_wait3A_151 : memref<1x1024xf32, #tpu.memory_space<vmem>> -> memref<1024xf32, #tpu.memory_space<vmem>>
        %dma_wait3A_153 = arith.constant 0 : i32
        %dma_wait3A_154 = tpu.memref_slice %arg10[%dma_wait3A_149, %dma_wait3A_153] : memref<2x1024xf32, #tpu.memory_space<vmem>> -> memref<1x1024xf32, #tpu.memory_space<vmem>>
        %dma_wait3A_155 = tpu.memref_squeeze %dma_wait3A_154 : memref<1x1024xf32, #tpu.memory_space<vmem>> -> memref<1024xf32, #tpu.memory_space<vmem>>
        tpu.wait_dma2 semaphore(%arg22 : memref<!tpu.dma_semaphore, #tpu.memory_space<semaphore_mem>>) src(%arg4 : memref<1024xf32, #tpu.memory_space<hbm>>) dst(%dma_wait3A_155 : memref<1024xf32, #tpu.memory_space<vmem>>)
        %mul3A_156 = arith.muli %arg1, %select_n3A : i32
        %add3A_157 = arith.addi %mul3A_156, %multiple_of3A_134 : i32
        %add3A_158 = arith.addi %mul3A_13, %add3A_157 : i32
        %multiple_of3A_159 = tpu.assume_multiple %add3A_158, 8 : i32
        %dma_start3A_160 = arith.constant 0 : i32
        %dma_start3A_161 = arith.constant 0 : i32
        %dma_start3A_162 = tpu.memref_slice %arg10[%dma_start3A_160, %dma_start3A_161] : memref<2x1024xf32, #tpu.memory_space<vmem>> -> memref<1x1024xf32, #tpu.memory_space<vmem>>
        %dma_start3A_163 = tpu.memref_squeeze %dma_start3A_162 : memref<1x1024xf32, #tpu.memory_space<vmem>> -> memref<1024xf32, #tpu.memory_space<vmem>>
        %dma_start3A_164 = tpu.memref_slice %arg5[%multiple_of3A_159] : memref<16777216xf32, #tpu.memory_space<hbm>> -> memref<1024xf32, #tpu.memory_space<hbm>>
        %dma_start3A_165 = tpu.memref_slice %arg5[%multiple_of3A_159] : memref<16777216xf32, #tpu.memory_space<hbm>> -> memref<1024xf32, #tpu.memory_space<hbm>>
        %dma_start3A_166 = arith.constant 0 : i32
        %dma_start3A_167 = tpu.memref_slice %arg10[%dma_start3A_160, %dma_start3A_166] : memref<2x1024xf32, #tpu.memory_space<vmem>> -> memref<1x1024xf32, #tpu.memory_space<vmem>>
        %dma_start3A_168 = tpu.memref_squeeze %dma_start3A_167 : memref<1x1024xf32, #tpu.memory_space<vmem>> -> memref<1024xf32, #tpu.memory_space<vmem>>
        tpu.enqueue_dma source(%dma_start3A_168 : memref<1024xf32, #tpu.memory_space<vmem>>) target(%dma_start3A_165 : memref<1024xf32, #tpu.memory_space<hbm>>) target_semaphore(%arg23 : memref<!tpu.dma_semaphore, #tpu.memory_space<semaphore_mem>>)
        %add3A_169 = arith.constant 1024 : i32
        %add3A_170 = arith.addi %add3A_131, %add3A_169 : i32
        %multiple_of3A_171 = tpu.assume_multiple %add3A_170, 8 : i32
        %ge3A_172 = arith.constant 2048 : i32
        %ge3A_173 = arith.cmpi sge, %multiple_of3A_171, %ge3A_172 : i32
        %convert_element_type3A_174 = arith.extui %ge3A_173 : i1 to i32
        %cond3A_175 = arith.constant 0 : i32
        %cond3A_176 = arith.cmpi ne, %convert_element_type3A_174, %cond3A_175 : i32
        scf.if %cond3A_176 {
          %dma_wait3A_209 = arith.constant 1 : i32
          %dma_wait3A_210 = arith.constant 0 : i32
          %dma_wait3A_211 = tpu.memref_slice %arg10[%dma_wait3A_209, %dma_wait3A_210] : memref<2x1024xf32, #tpu.memory_space<vmem>> -> memref<1x1024xf32, #tpu.memory_space<vmem>>
          %dma_wait3A_212 = tpu.memref_squeeze %dma_wait3A_211 : memref<1x1024xf32, #tpu.memory_space<vmem>> -> memref<1024xf32, #tpu.memory_space<vmem>>
          %dma_wait3A_213 = arith.constant 0 : i32
          %dma_wait3A_214 = tpu.memref_slice %arg5[%dma_wait3A_213] : memref<16777216xf32, #tpu.memory_space<hbm>> -> memref<1024xf32, #tpu.memory_space<hbm>>
          %dma_wait3A_215 = arith.constant 0 : i32
          %dma_wait3A_216 = tpu.memref_slice %arg5[%dma_wait3A_215] : memref<16777216xf32, #tpu.memory_space<hbm>> -> memref<1024xf32, #tpu.memory_space<hbm>>
          %dma_wait3A_217 = arith.constant 0 : i32
          %dma_wait3A_218 = tpu.memref_slice %arg10[%dma_wait3A_209, %dma_wait3A_217] : memref<2x1024xf32, #tpu.memory_space<vmem>> -> memref<1x1024xf32, #tpu.memory_space<vmem>>
          %dma_wait3A_219 = tpu.memref_squeeze %dma_wait3A_218 : memref<1x1024xf32, #tpu.memory_space<vmem>> -> memref<1024xf32, #tpu.memory_space<vmem>>
          tpu.wait_dma2 semaphore(%arg23 : memref<!tpu.dma_semaphore, #tpu.memory_space<semaphore_mem>>) src(%dma_wait3A_219 : memref<1024xf32, #tpu.memory_space<vmem>>) dst(%dma_wait3A_216 : memref<1024xf32, #tpu.memory_space<hbm>>)
        } else {
        }
        %mul3A_177 = arith.muli %arg1, %select_n3A : i32
        %add3A_178 = arith.addi %mul3A_177, %multiple_of3A_171 : i32
        %multiple_of3A_179 = tpu.assume_multiple %add3A_178, 8 : i32
        %dma_start3A_180 = arith.constant 1 : i32
        %dma_start3A_181 = arith.constant 0 : i32
        %dma_start3A_182 = tpu.memref_slice %arg10[%dma_start3A_180, %dma_start3A_181] : memref<2x1024xf32, #tpu.memory_space<vmem>> -> memref<1x1024xf32, #tpu.memory_space<vmem>>
        %dma_start3A_183 = tpu.memref_squeeze %dma_start3A_182 : memref<1x1024xf32, #tpu.memory_space<vmem>> -> memref<1024xf32, #tpu.memory_space<vmem>>
        %dma_start3A_184 = tpu.memref_slice %arg11[%multiple_of3A_179] : memref<1703936xf32, #tpu.memory_space<vmem_shared>> -> memref<1024xf32, #tpu.memory_space<vmem_shared>>
        %dma_start3A_185 = arith.constant 0 : i32
        %dma_start3A_186 = tpu.memref_slice %arg10[%dma_start3A_180, %dma_start3A_185] : memref<2x1024xf32, #tpu.memory_space<vmem>> -> memref<1x1024xf32, #tpu.memory_space<vmem>>
        %dma_start3A_187 = tpu.memref_squeeze %dma_start3A_186 : memref<1x1024xf32, #tpu.memory_space<vmem>> -> memref<1024xf32, #tpu.memory_space<vmem>>
        %dma_start3A_188 = tpu.memref_slice %arg11[%multiple_of3A_179] : memref<1703936xf32, #tpu.memory_space<vmem_shared>> -> memref<1024xf32, #tpu.memory_space<vmem_shared>>
        tpu.enqueue_dma source(%dma_start3A_188 : memref<1024xf32, #tpu.memory_space<vmem_shared>>) target(%dma_start3A_187 : memref<1024xf32, #tpu.memory_space<vmem>>) target_semaphore(%arg22 : memref<!tpu.dma_semaphore, #tpu.memory_space<semaphore_mem>>)
        %dma_wait3A_189 = arith.constant 1 : i32
        %dma_wait3A_190 = arith.constant 0 : i32
        %dma_wait3A_191 = tpu.memref_slice %arg10[%dma_wait3A_189, %dma_wait3A_190] : memref<2x1024xf32, #tpu.memory_space<vmem>> -> memref<1x1024xf32, #tpu.memory_space<vmem>>
        %dma_wait3A_192 = tpu.memref_squeeze %dma_wait3A_191 : memref<1x1024xf32, #tpu.memory_space<vmem>> -> memref<1024xf32, #tpu.memory_space<vmem>>
        %dma_wait3A_193 = arith.constant 0 : i32
        %dma_wait3A_194 = tpu.memref_slice %arg10[%dma_wait3A_189, %dma_wait3A_193] : memref<2x1024xf32, #tpu.memory_space<vmem>> -> memref<1x1024xf32, #tpu.memory_space<vmem>>
        %dma_wait3A_195 = tpu.memref_squeeze %dma_wait3A_194 : memref<1x1024xf32, #tpu.memory_space<vmem>> -> memref<1024xf32, #tpu.memory_space<vmem>>
        tpu.wait_dma2 semaphore(%arg22 : memref<!tpu.dma_semaphore, #tpu.memory_space<semaphore_mem>>) src(%arg4 : memref<1024xf32, #tpu.memory_space<hbm>>) dst(%dma_wait3A_195 : memref<1024xf32, #tpu.memory_space<vmem>>)
        %mul3A_196 = arith.muli %arg1, %select_n3A : i32
        %add3A_197 = arith.addi %mul3A_196, %multiple_of3A_171 : i32
        %add3A_198 = arith.addi %mul3A_13, %add3A_197 : i32
        %multiple_of3A_199 = tpu.assume_multiple %add3A_198, 8 : i32
        %dma_start3A_200 = arith.constant 1 : i32
        %dma_start3A_201 = arith.constant 0 : i32
        %dma_start3A_202 = tpu.memref_slice %arg10[%dma_start3A_200, %dma_start3A_201] : memref<2x1024xf32, #tpu.memory_space<vmem>> -> memref<1x1024xf32, #tpu.memory_space<vmem>>
        %dma_start3A_203 = tpu.memref_squeeze %dma_start3A_202 : memref<1x1024xf32, #tpu.memory_space<vmem>> -> memref<1024xf32, #tpu.memory_space<vmem>>
        %dma_start3A_204 = tpu.memref_slice %arg5[%multiple_of3A_199] : memref<16777216xf32, #tpu.memory_space<hbm>> -> memref<1024xf32, #tpu.memory_space<hbm>>
        %dma_start3A_205 = tpu.memref_slice %arg5[%multiple_of3A_199] : memref<16777216xf32, #tpu.memory_space<hbm>> -> memref<1024xf32, #tpu.memory_space<hbm>>
        %dma_start3A_206 = arith.constant 0 : i32
        %dma_start3A_207 = tpu.memref_slice %arg10[%dma_start3A_200, %dma_start3A_206] : memref<2x1024xf32, #tpu.memory_space<vmem>> -> memref<1x1024xf32, #tpu.memory_space<vmem>>
        %dma_start3A_208 = tpu.memref_squeeze %dma_start3A_207 : memref<1x1024xf32, #tpu.memory_space<vmem>> -> memref<1024xf32, #tpu.memory_space<vmem>>
        tpu.enqueue_dma source(%dma_start3A_208 : memref<1024xf32, #tpu.memory_space<vmem>>) target(%dma_start3A_205 : memref<1024xf32, #tpu.memory_space<hbm>>) target_semaphore(%arg23 : memref<!tpu.dma_semaphore, #tpu.memory_space<semaphore_mem>>)
      }
      %while3A_106 = arith.constant 1 : i32
      scf.for %while3A_129 = %while3A_104 to %while3A_100 step %while3A_106  : i32 {
        %mul3A_130 = arith.muli %while3A_129, %while3A : i32
        %add3A_131 = arith.addi %while3A_97, %mul3A_130 : i32
        %add3A_132 = arith.constant 0 : i32
        %add3A_133 = arith.addi %add3A_131, %add3A_132 : i32
        %multiple_of3A_134 = tpu.assume_multiple %add3A_133, 8 : i32
        %ge3A = arith.constant 2048 : i32
        %ge3A_135 = arith.cmpi sge, %multiple_of3A_134, %ge3A : i32
        %convert_element_type3A = arith.extui %ge3A_135 : i1 to i32
        %cond3A = arith.constant 0 : i32
        %cond3A_136 = arith.cmpi ne, %convert_element_type3A, %cond3A : i32
        scf.if %cond3A_136 {
          %dma_wait3A_209 = arith.constant 0 : i32
          %dma_wait3A_210 = arith.constant 0 : i32
          %dma_wait3A_211 = tpu.memref_slice %arg10[%dma_wait3A_209, %dma_wait3A_210] : memref<2x1024xf32, #tpu.memory_space<vmem>> -> memref<1x1024xf32, #tpu.memory_space<vmem>>
          %dma_wait3A_212 = tpu.memref_squeeze %dma_wait3A_211 : memref<1x1024xf32, #tpu.memory_space<vmem>> -> memref<1024xf32, #tpu.memory_space<vmem>>
          %dma_wait3A_213 = arith.constant 0 : i32
          %dma_wait3A_214 = tpu.memref_slice %arg5[%dma_wait3A_213] : memref<16777216xf32, #tpu.memory_space<hbm>> -> memref<1024xf32, #tpu.memory_space<hbm>>
          %dma_wait3A_215 = arith.constant 0 : i32
          %dma_wait3A_216 = tpu.memref_slice %arg5[%dma_wait3A_215] : memref<16777216xf32, #tpu.memory_space<hbm>> -> memref<1024xf32, #tpu.memory_space<hbm>>
          %dma_wait3A_217 = arith.constant 0 : i32
          %dma_wait3A_218 = tpu.memref_slice %arg10[%dma_wait3A_209, %dma_wait3A_217] : memref<2x1024xf32, #tpu.memory_space<vmem>> -> memref<1x1024xf32, #tpu.memory_space<vmem>>
          %dma_wait3A_219 = tpu.memref_squeeze %dma_wait3A_218 : memref<1x1024xf32, #tpu.memory_space<vmem>> -> memref<1024xf32, #tpu.memory_space<vmem>>
          tpu.wait_dma2 semaphore(%arg23 : memref<!tpu.dma_semaphore, #tpu.memory_space<semaphore_mem>>) src(%dma_wait3A_219 : memref<1024xf32, #tpu.memory_space<vmem>>) dst(%dma_wait3A_216 : memref<1024xf32, #tpu.memory_space<hbm>>)
        } else {
        }
        %mul3A_137 = arith.muli %arg1, %select_n3A : i32
        %add3A_138 = arith.addi %mul3A_137, %multiple_of3A_134 : i32
        %multiple_of3A_139 = tpu.assume_multiple %add3A_138, 8 : i32
        %dma_start3A_140 = arith.constant 0 : i32
        %dma_start3A_141 = arith.constant 0 : i32
        %dma_start3A_142 = tpu.memref_slice %arg10[%dma_start3A_140, %dma_start3A_141] : memref<2x1024xf32, #tpu.memory_space<vmem>> -> memref<1x1024xf32, #tpu.memory_space<vmem>>
        %dma_start3A_143 = tpu.memref_squeeze %dma_start3A_142 : memref<1x1024xf32, #tpu.memory_space<vmem>> -> memref<1024xf32, #tpu.memory_space<vmem>>
        %dma_start3A_144 = tpu.memref_slice %arg11[%multiple_of3A_139] : memref<1703936xf32, #tpu.memory_space<vmem_shared>> -> memref<1024xf32, #tpu.memory_space<vmem_shared>>
        %dma_start3A_145 = arith.constant 0 : i32
        %dma_start3A_146 = tpu.memref_slice %arg10[%dma_start3A_140, %dma_start3A_145] : memref<2x1024xf32, #tpu.memory_space<vmem>> -> memref<1x1024xf32, #tpu.memory_space<vmem>>
        %dma_start3A_147 = tpu.memref_squeeze %dma_start3A_146 : memref<1x1024xf32, #tpu.memory_space<vmem>> -> memref<1024xf32, #tpu.memory_space<vmem>>
        %dma_start3A_148 = tpu.memref_slice %arg11[%multiple_of3A_139] : memref<1703936xf32, #tpu.memory_space<vmem_shared>> -> memref<1024xf32, #tpu.memory_space<vmem_shared>>
        tpu.enqueue_dma source(%dma_start3A_148 : memref<1024xf32, #tpu.memory_space<vmem_shared>>) target(%dma_start3A_147 : memref<1024xf32, #tpu.memory_space<vmem>>) target_semaphore(%arg22 : memref<!tpu.dma_semaphore, #tpu.memory_space<semaphore_mem>>)
        %dma_wait3A_149 = arith.constant 0 : i32
        %dma_wait3A_150 = arith.constant 0 : i32
        %dma_wait3A_151 = tpu.memref_slice %arg10[%dma_wait3A_149, %dma_wait3A_150] : memref<2x1024xf32, #tpu.memory_space<vmem>> -> memref<1x1024xf32, #tpu.memory_space<vmem>>
        %dma_wait3A_152 = tpu.memref_squeeze %dma_wait3A_151 : memref<1x1024xf32, #tpu.memory_space<vmem>> -> memref<1024xf32, #tpu.memory_space<vmem>>
        %dma_wait3A_153 = arith.constant 0 : i32
        %dma_wait3A_154 = tpu.memref_slice %arg10[%dma_wait3A_149, %dma_wait3A_153] : memref<2x1024xf32, #tpu.memory_space<vmem>> -> memref<1x1024xf32, #tpu.memory_space<vmem>>
        %dma_wait3A_155 = tpu.memref_squeeze %dma_wait3A_154 : memref<1x1024xf32, #tpu.memory_space<vmem>> -> memref<1024xf32, #tpu.memory_space<vmem>>
        tpu.wait_dma2 semaphore(%arg22 : memref<!tpu.dma_semaphore, #tpu.memory_space<semaphore_mem>>) src(%arg4 : memref<1024xf32, #tpu.memory_space<hbm>>) dst(%dma_wait3A_155 : memref<1024xf32, #tpu.memory_space<vmem>>)
        %mul3A_156 = arith.muli %arg1, %select_n3A : i32
        %add3A_157 = arith.addi %mul3A_156, %multiple_of3A_134 : i32
        %add3A_158 = arith.addi %mul3A_13, %add3A_157 : i32
        %multiple_of3A_159 = tpu.assume_multiple %add3A_158, 8 : i32
        %dma_start3A_160 = arith.constant 0 : i32
        %dma_start3A_161 = arith.constant 0 : i32
        %dma_start3A_162 = tpu.memref_slice %arg10[%dma_start3A_160, %dma_start3A_161] : memref<2x1024xf32, #tpu.memory_space<vmem>> -> memref<1x1024xf32, #tpu.memory_space<vmem>>
        %dma_start3A_163 = tpu.memref_squeeze %dma_start3A_162 : memref<1x1024xf32, #tpu.memory_space<vmem>> -> memref<1024xf32, #tpu.memory_space<vmem>>
        %dma_start3A_164 = tpu.memref_slice %arg5[%multiple_of3A_159] : memref<16777216xf32, #tpu.memory_space<hbm>> -> memref<1024xf32, #tpu.memory_space<hbm>>
        %dma_start3A_165 = tpu.memref_slice %arg5[%multiple_of3A_159] : memref<16777216xf32, #tpu.memory_space<hbm>> -> memref<1024xf32, #tpu.memory_space<hbm>>
        %dma_start3A_166 = arith.constant 0 : i32
        %dma_start3A_167 = tpu.memref_slice %arg10[%dma_start3A_160, %dma_start3A_166] : memref<2x1024xf32, #tpu.memory_space<vmem>> -> memref<1x1024xf32, #tpu.memory_space<vmem>>
        %dma_start3A_168 = tpu.memref_squeeze %dma_start3A_167 : memref<1x1024xf32, #tpu.memory_space<vmem>> -> memref<1024xf32, #tpu.memory_space<vmem>>
        tpu.enqueue_dma source(%dma_start3A_168 : memref<1024xf32, #tpu.memory_space<vmem>>) target(%dma_start3A_165 : memref<1024xf32, #tpu.memory_space<hbm>>) target_semaphore(%arg23 : memref<!tpu.dma_semaphore, #tpu.memory_space<semaphore_mem>>)
        %add3A_169 = arith.constant 1024 : i32
        %add3A_170 = arith.addi %add3A_131, %add3A_169 : i32
        %multiple_of3A_171 = tpu.assume_multiple %add3A_170, 8 : i32
        %ge3A_172 = arith.constant 2048 : i32
        %ge3A_173 = arith.cmpi sge, %multiple_of3A_171, %ge3A_172 : i32
        %convert_element_type3A_174 = arith.extui %ge3A_173 : i1 to i32
        %cond3A_175 = arith.constant 0 : i32
        %cond3A_176 = arith.cmpi ne, %convert_element_type3A_174, %cond3A_175 : i32
        scf.if %cond3A_176 {
          %dma_wait3A_209 = arith.constant 1 : i32
          %dma_wait3A_210 = arith.constant 0 : i32
          %dma_wait3A_211 = tpu.memref_slice %arg10[%dma_wait3A_209, %dma_wait3A_210] : memref<2x1024xf32, #tpu.memory_space<vmem>> -> memref<1x1024xf32, #tpu.memory_space<vmem>>
          %dma_wait3A_212 = tpu.memref_squeeze %dma_wait3A_211 : memref<1x1024xf32, #tpu.memory_space<vmem>> -> memref<1024xf32, #tpu.memory_space<vmem>>
          %dma_wait3A_213 = arith.constant 0 : i32
          %dma_wait3A_214 = tpu.memref_slice %arg5[%dma_wait3A_213] : memref<16777216xf32, #tpu.memory_space<hbm>> -> memref<1024xf32, #tpu.memory_space<hbm>>
          %dma_wait3A_215 = arith.constant 0 : i32
          %dma_wait3A_216 = tpu.memref_slice %arg5[%dma_wait3A_215] : memref<16777216xf32, #tpu.memory_space<hbm>> -> memref<1024xf32, #tpu.memory_space<hbm>>
          %dma_wait3A_217 = arith.constant 0 : i32
          %dma_wait3A_218 = tpu.memref_slice %arg10[%dma_wait3A_209, %dma_wait3A_217] : memref<2x1024xf32, #tpu.memory_space<vmem>> -> memref<1x1024xf32, #tpu.memory_space<vmem>>
          %dma_wait3A_219 = tpu.memref_squeeze %dma_wait3A_218 : memref<1x1024xf32, #tpu.memory_space<vmem>> -> memref<1024xf32, #tpu.memory_space<vmem>>
          tpu.wait_dma2 semaphore(%arg23 : memref<!tpu.dma_semaphore, #tpu.memory_space<semaphore_mem>>) src(%dma_wait3A_219 : memref<1024xf32, #tpu.memory_space<vmem>>) dst(%dma_wait3A_216 : memref<1024xf32, #tpu.memory_space<hbm>>)
        } else {
        }
        %mul3A_177 = arith.muli %arg1, %select_n3A : i32
        %add3A_178 = arith.addi %mul3A_177, %multiple_of3A_171 : i32
        %multiple_of3A_179 = tpu.assume_multiple %add3A_178, 8 : i32
        %dma_start3A_180 = arith.constant 1 : i32
        %dma_start3A_181 = arith.constant 0 : i32
        %dma_start3A_182 = tpu.memref_slice %arg10[%dma_start3A_180, %dma_start3A_181] : memref<2x1024xf32, #tpu.memory_space<vmem>> -> memref<1x1024xf32, #tpu.memory_space<vmem>>
        %dma_start3A_183 = tpu.memref_squeeze %dma_start3A_182 : memref<1x1024xf32, #tpu.memory_space<vmem>> -> memref<1024xf32, #tpu.memory_space<vmem>>
        %dma_start3A_184 = tpu.memref_slice %arg11[%multiple_of3A_179] : memref<1703936xf32, #tpu.memory_space<vmem_shared>> -> memref<1024xf32, #tpu.memory_space<vmem_shared>>
        %dma_start3A_185 = arith.constant 0 : i32
        %dma_start3A_186 = tpu.memref_slice %arg10[%dma_start3A_180, %dma_start3A_185] : memref<2x1024xf32, #tpu.memory_space<vmem>> -> memref<1x1024xf32, #tpu.memory_space<vmem>>
        %dma_start3A_187 = tpu.memref_squeeze %dma_start3A_186 : memref<1x1024xf32, #tpu.memory_space<vmem>> -> memref<1024xf32, #tpu.memory_space<vmem>>
        %dma_start3A_188 = tpu.memref_slice %arg11[%multiple_of3A_179] : memref<1703936xf32, #tpu.memory_space<vmem_shared>> -> memref<1024xf32, #tpu.memory_space<vmem_shared>>
        tpu.enqueue_dma source(%dma_start3A_188 : memref<1024xf32, #tpu.memory_space<vmem_shared>>) target(%dma_start3A_187 : memref<1024xf32, #tpu.memory_space<vmem>>) target_semaphore(%arg22 : memref<!tpu.dma_semaphore, #tpu.memory_space<semaphore_mem>>)
        %dma_wait3A_189 = arith.constant 1 : i32
        %dma_wait3A_190 = arith.constant 0 : i32
        %dma_wait3A_191 = tpu.memref_slice %arg10[%dma_wait3A_189, %dma_wait3A_190] : memref<2x1024xf32, #tpu.memory_space<vmem>> -> memref<1x1024xf32, #tpu.memory_space<vmem>>
        %dma_wait3A_192 = tpu.memref_squeeze %dma_wait3A_191 : memref<1x1024xf32, #tpu.memory_space<vmem>> -> memref<1024xf32, #tpu.memory_space<vmem>>
        %dma_wait3A_193 = arith.constant 0 : i32
        %dma_wait3A_194 = tpu.memref_slice %arg10[%dma_wait3A_189, %dma_wait3A_193] : memref<2x1024xf32, #tpu.memory_space<vmem>> -> memref<1x1024xf32, #tpu.memory_space<vmem>>
        %dma_wait3A_195 = tpu.memref_squeeze %dma_wait3A_194 : memref<1x1024xf32, #tpu.memory_space<vmem>> -> memref<1024xf32, #tpu.memory_space<vmem>>
        tpu.wait_dma2 semaphore(%arg22 : memref<!tpu.dma_semaphore, #tpu.memory_space<semaphore_mem>>) src(%arg4 : memref<1024xf32, #tpu.memory_space<hbm>>) dst(%dma_wait3A_195 : memref<1024xf32, #tpu.memory_space<vmem>>)
        %mul3A_196 = arith.muli %arg1, %select_n3A : i32
        %add3A_197 = arith.addi %mul3A_196, %multiple_of3A_171 : i32
        %add3A_198 = arith.addi %mul3A_13, %add3A_197 : i32
        %multiple_of3A_199 = tpu.assume_multiple %add3A_198, 8 : i32
        %dma_start3A_200 = arith.constant 1 : i32
        %dma_start3A_201 = arith.constant 0 : i32
        %dma_start3A_202 = tpu.memref_slice %arg10[%dma_start3A_200, %dma_start3A_201] : memref<2x1024xf32, #tpu.memory_space<vmem>> -> memref<1x1024xf32, #tpu.memory_space<vmem>>
        %dma_start3A_203 = tpu.memref_squeeze %dma_start3A_202 : memref<1x1024xf32, #tpu.memory_space<vmem>> -> memref<1024xf32, #tpu.memory_space<vmem>>
        %dma_start3A_204 = tpu.memref_slice %arg5[%multiple_of3A_199] : memref<16777216xf32, #tpu.memory_space<hbm>> -> memref<1024xf32, #tpu.memory_space<hbm>>
        %dma_start3A_205 = tpu.memref_slice %arg5[%multiple_of3A_199] : memref<16777216xf32, #tpu.memory_space<hbm>> -> memref<1024xf32, #tpu.memory_space<hbm>>
        %dma_start3A_206 = arith.constant 0 : i32
        %dma_start3A_207 = tpu.memref_slice %arg10[%dma_start3A_200, %dma_start3A_206] : memref<2x1024xf32, #tpu.memory_space<vmem>> -> memref<1x1024xf32, #tpu.memory_space<vmem>>
        %dma_start3A_208 = tpu.memref_squeeze %dma_start3A_207 : memref<1x1024xf32, #tpu.memory_space<vmem>> -> memref<1024xf32, #tpu.memory_space<vmem>>
        tpu.enqueue_dma source(%dma_start3A_208 : memref<1024xf32, #tpu.memory_space<vmem>>) target(%dma_start3A_205 : memref<1024xf32, #tpu.memory_space<hbm>>) target_semaphore(%arg23 : memref<!tpu.dma_semaphore, #tpu.memory_space<semaphore_mem>>)
      }
      %dma_wait3A_107 = arith.constant 0 : i32
      %dma_wait3A_108 = arith.constant 0 : i32
      %dma_wait3A_109 = tpu.memref_slice %arg10[%dma_wait3A_107, %dma_wait3A_108] : memref<2x1024xf32, #tpu.memory_space<vmem>> -> memref<1x1024xf32, #tpu.memory_space<vmem>>
      %dma_wait3A_110 = tpu.memref_squeeze %dma_wait3A_109 : memref<1x1024xf32, #tpu.memory_space<vmem>> -> memref<1024xf32, #tpu.memory_space<vmem>>
      %dma_wait3A_111 = arith.constant 0 : i32
      %dma_wait3A_112 = tpu.memref_slice %arg5[%dma_wait3A_111] : memref<16777216xf32, #tpu.memory_space<hbm>> -> memref<1024xf32, #tpu.memory_space<hbm>>
      %dma_wait3A_113 = arith.constant 0 : i32
      %dma_wait3A_114 = tpu.memref_slice %arg5[%dma_wait3A_113] : memref<16777216xf32, #tpu.memory_space<hbm>> -> memref<1024xf32, #tpu.memory_space<hbm>>
      %dma_wait3A_115 = arith.constant 0 : i32
      %dma_wait3A_116 = tpu.memref_slice %arg10[%dma_wait3A_107, %dma_wait3A_115] : memref<2x1024xf32, #tpu.memory_space<vmem>> -> memref<1x1024xf32, #tpu.memory_space<vmem>>
      %dma_wait3A_117 = tpu.memref_squeeze %dma_wait3A_116 : memref<1x1024xf32, #tpu.memory_space<vmem>> -> memref<1024xf32, #tpu.memory_space<vmem>>
      tpu.wait_dma2 semaphore(%arg23 : memref<!tpu.dma_semaphore, #tpu.memory_space<semaphore_mem>>) src(%dma_wait3A_117 : memref<1024xf32, #tpu.memory_space<vmem>>) dst(%dma_wait3A_114 : memref<1024xf32, #tpu.memory_space<hbm>>)
      %dma_wait3A_118 = arith.constant 1 : i32
      %dma_wait3A_119 = arith.constant 0 : i32
      %dma_wait3A_120 = tpu.memref_slice %arg10[%dma_wait3A_118, %dma_wait3A_119] : memref<2x1024xf32, #tpu.memory_space<vmem>> -> memref<1x1024xf32, #tpu.memory_space<vmem>>
      %dma_wait3A_121 = tpu.memref_squeeze %dma_wait3A_120 : memref<1x1024xf32, #tpu.memory_space<vmem>> -> memref<1024xf32, #tpu.memory_space<vmem>>
      %dma_wait3A_122 = arith.constant 0 : i32
      %dma_wait3A_123 = tpu.memref_slice %arg5[%dma_wait3A_122] : memref<16777216xf32, #tpu.memory_space<hbm>> -> memref<1024xf32, #tpu.memory_space<hbm>>
      %dma_wait3A_124 = arith.constant 0 : i32
      %dma_wait3A_125 = tpu.memref_slice %arg5[%dma_wait3A_124] : memref<16777216xf32, #tpu.memory_space<hbm>> -> memref<1024xf32, #tpu.memory_space<hbm>>
      %dma_wait3A_126 = arith.constant 0 : i32
      %dma_wait3A_127 = tpu.memref_slice %arg10[%dma_wait3A_118, %dma_wait3A_126] : memref<2x1024xf32, #tpu.memory_space<vmem>> -> memref<1x1024xf32, #tpu.memory_space<vmem>>
      %dma_wait3A_128 = tpu.memref_squeeze %dma_wait3A_127 : memref<1x1024xf32, #tpu.memory_space<vmem>> -> memref<1024xf32, #tpu.memory_space<vmem>>
      tpu.wait_dma2 semaphore(%arg23 : memref<!tpu.dma_semaphore, #tpu.memory_space<semaphore_mem>>) src(%dma_wait3A_128 : memref<1024xf32, #tpu.memory_space<vmem>>) dst(%dma_wait3A_125 : memref<1024xf32, #tpu.memory_space<hbm>>)
    }
    %scan3A_4 = arith.constant 5 : i32
    return
  }
}

module attributes {stable_mosaic.version = 14 : i64} {
  func.func @_prep_body(%arg0: i32, %arg1: i32, %arg2: memref<32768xi32, #tpu.memory_space<vmem>>, %arg3: memref<32768xi32, #tpu.memory_space<vmem>>, %arg4: memref<32768xf32, #tpu.memory_space<vmem>>, %arg5: memref<32768xi32, #tpu.memory_space<vmem>>, %arg6: memref<32768xi32, #tpu.memory_space<vmem>>, %arg7: memref<32768xf32, #tpu.memory_space<vmem>>, %arg8: memref<32768xi32, #tpu.memory_space<vmem>>, %arg9: memref<32768xi32, #tpu.memory_space<vmem>>, %arg10: memref<32768xf32, #tpu.memory_space<vmem>>, %arg11: memref<32768xi32, #tpu.memory_space<vmem>>, %arg12: memref<32768xi32, #tpu.memory_space<vmem>>, %arg13: memref<32768xf32, #tpu.memory_space<vmem>>) attributes {dimension_semantics = [#tpu.dimension_semantics<arbitrary>, #tpu.dimension_semantics<arbitrary>], iteration_bounds = array<i64: 3, 52>, scalar_prefetch = 0 : i64, scratch_operands = 0 : i64, tpu.core_type = #tpu.core_type<tc>, window_params = [{transform_indices = @transform_0, window_bounds = array<i64: 32768>}, {transform_indices = @transform_1, window_bounds = array<i64: 32768>}, {transform_indices = @transform_2, window_bounds = array<i64: 32768>}, {transform_indices = @transform_3, window_bounds = array<i64: 32768>}, {transform_indices = @transform_4, window_bounds = array<i64: 32768>}, {transform_indices = @transform_5, window_bounds = array<i64: 32768>}, {transform_indices = @transform_6, window_bounds = array<i64: 32768>}, {transform_indices = @transform_7, window_bounds = array<i64: 32768>}, {transform_indices = @transform_8, window_bounds = array<i64: 32768>}, {pipeline_mode = #tpu.pipeline_mode<synchronous>, transform_indices = @transform_9, window_bounds = array<i64: 32768>}, {transform_indices = @transform_10, window_bounds = array<i64: 32768>}, {transform_indices = @transform_11, window_bounds = array<i64: 32768>}]} {
    %eq3A = arith.constant 0 : i32
    %eq3A_0 = arith.cmpi eq, %arg0, %eq3A : i32
    %get3A = arith.constant 0 : index
    %get3A_1 = vector.load %arg2[%get3A] : memref<32768xi32, #tpu.memory_space<vmem>>, vector<32768xi32>
    %eq3A_2 = arith.constant 1 : i32
    %eq3A_3 = arith.cmpi eq, %arg0, %eq3A_2 : i32
    %get3A_4 = arith.constant 0 : index
    %get3A_5 = vector.load %arg5[%get3A_4] : memref<32768xi32, #tpu.memory_space<vmem>>, vector<32768xi32>
    %get3A_6 = arith.constant 0 : index
    %get3A_7 = vector.load %arg8[%get3A_6] : memref<32768xi32, #tpu.memory_space<vmem>>, vector<32768xi32>
    %select_n3A = arith.select %eq3A_3, %get3A_5, %get3A_7 : vector<32768xi32>
    %select_n3A_8 = arith.select %eq3A_0, %get3A_1, %select_n3A : vector<32768xi32>
    %eq3A_9 = arith.constant 0 : i32
    %eq3A_10 = arith.cmpi eq, %arg0, %eq3A_9 : i32
    %get3A_11 = arith.constant 0 : index
    %get3A_12 = vector.load %arg3[%get3A_11] : memref<32768xi32, #tpu.memory_space<vmem>>, vector<32768xi32>
    %eq3A_13 = arith.constant 1 : i32
    %eq3A_14 = arith.cmpi eq, %arg0, %eq3A_13 : i32
    %get3A_15 = arith.constant 0 : index
    %get3A_16 = vector.load %arg6[%get3A_15] : memref<32768xi32, #tpu.memory_space<vmem>>, vector<32768xi32>
    %get3A_17 = arith.constant 0 : index
    %get3A_18 = vector.load %arg9[%get3A_17] : memref<32768xi32, #tpu.memory_space<vmem>>, vector<32768xi32>
    %select_n3A_19 = arith.select %eq3A_14, %get3A_16, %get3A_18 : vector<32768xi32>
    %select_n3A_20 = arith.select %eq3A_10, %get3A_12, %select_n3A_19 : vector<32768xi32>
    %eq3A_21 = arith.constant 0 : i32
    %eq3A_22 = arith.cmpi eq, %arg0, %eq3A_21 : i32
    %get3A_23 = arith.constant 0 : index
    %get3A_24 = vector.load %arg4[%get3A_23] : memref<32768xf32, #tpu.memory_space<vmem>>, vector<32768xf32>
    %eq3A_25 = arith.constant 1 : i32
    %eq3A_26 = arith.cmpi eq, %arg0, %eq3A_25 : i32
    %get3A_27 = arith.constant 0 : index
    %get3A_28 = vector.load %arg7[%get3A_27] : memref<32768xf32, #tpu.memory_space<vmem>>, vector<32768xf32>
    %get3A_29 = arith.constant 0 : index
    %get3A_30 = vector.load %arg10[%get3A_29] : memref<32768xf32, #tpu.memory_space<vmem>>, vector<32768xf32>
    %select_n3A_31 = arith.select %eq3A_26, %get3A_28, %get3A_30 : vector<32768xf32>
    %select_n3A_32 = arith.select %eq3A_22, %get3A_24, %select_n3A_31 : vector<32768xf32>
    %mul3A = arith.constant 32768 : i32
    %mul3A_33 = arith.muli %arg1, %mul3A : i32
    %get3A_34 = arith.constant 0 : index
    %get3A_35 = vector.load %arg11[%get3A_34] : memref<32768xi32, #tpu.memory_space<vmem>>, vector<32768xi32>
    %add3A = vector.broadcast %mul3A_33 : i32 to vector<32768xi32>
    %add3A_36 = arith.addi %add3A, %get3A_35 : vector<32768xi32>
    %lt3A = arith.constant 1677721 : i32
    %lt3A_37 = vector.broadcast %lt3A : i32 to vector<32768xi32>
    %lt3A_38 = arith.cmpi slt, %add3A_36, %lt3A_37 : vector<32768xi32>
    %shift_left3A = arith.constant 12 : i32
    %shift_left3A_39 = vector.broadcast %shift_left3A : i32 to vector<32768xi32>
    %shift_left3A_40 = arith.shli %select_n3A_8, %shift_left3A_39 : vector<32768xi32>
    %or3A = arith.ori %shift_left3A_40, %select_n3A_20 : vector<32768xi32>
    %select_n3A_41 = arith.select %lt3A_38, %or3A, %add3A_36 : vector<32768xi1>, vector<32768xi32>
    %swap3A = arith.constant 0 : index
    %swap3A_42 = vector.load %arg12[%swap3A] : memref<32768xi32, #tpu.memory_space<vmem>>, vector<32768xi32>
    tpu.vector_store %arg12[%swap3A], %select_n3A_41 {strides = array<i32>} : memref<32768xi32, #tpu.memory_space<vmem>>, vector<32768xi32>,
    %jit3A = arith.constant 0.000000e+00 : f32
    %broadcast_in_dim3A = vector.broadcast %jit3A : f32 to vector<32768xf32>
    %select_n3A_43 = arith.select %lt3A_38, %select_n3A_32, %broadcast_in_dim3A : vector<32768xi1>, vector<32768xf32>
    %swap3A_44 = arith.constant 0 : index
    %swap3A_45 = vector.load %arg13[%swap3A_44] : memref<32768xf32, #tpu.memory_space<vmem>>, vector<32768xf32>
    tpu.vector_store %arg13[%swap3A_44], %select_n3A_43 {strides = array<i32>} : memref<32768xf32, #tpu.memory_space<vmem>>, vector<32768xf32>,
    return
  }
  func.func @transform_0(%arg0: i32, %arg1: i32) -> i32 {
    %eq3A = arith.constant 0 : i32
    %eq3A_0 = arith.cmpi eq, %arg0, %eq3A : i32
    %jit3A = arith.constant 0 : i32
    %select_n3A = arith.select %eq3A_0, %arg1, %jit3A : i32
    %c0_i32 = arith.constant 0 : i32
    return %select_n3A : i32
  }
  func.func @transform_1(%arg0: i32, %arg1: i32) -> i32 {
    %eq3A = arith.constant 0 : i32
    %eq3A_0 = arith.cmpi eq, %arg0, %eq3A : i32
    %jit3A = arith.constant 0 : i32
    %select_n3A = arith.select %eq3A_0, %arg1, %jit3A : i32
    %c0_i32 = arith.constant 0 : i32
    return %select_n3A : i32
  }
  func.func @transform_2(%arg0: i32, %arg1: i32) -> i32 {
    %eq3A = arith.constant 0 : i32
    %eq3A_0 = arith.cmpi eq, %arg0, %eq3A : i32
    %jit3A = arith.constant 0 : i32
    %select_n3A = arith.select %eq3A_0, %arg1, %jit3A : i32
    %c0_i32 = arith.constant 0 : i32
    return %select_n3A : i32
  }
  func.func @transform_3(%arg0: i32, %arg1: i32) -> i32 {
    %eq3A = arith.constant 1 : i32
    %eq3A_0 = arith.cmpi eq, %arg0, %eq3A : i32
    %jit3A = arith.constant 0 : i32
    %select_n3A = arith.select %eq3A_0, %arg1, %jit3A : i32
    %c0_i32 = arith.constant 0 : i32
    return %select_n3A : i32
  }
  func.func @transform_4(%arg0: i32, %arg1: i32) -> i32 {
    %eq3A = arith.constant 1 : i32
    %eq3A_0 = arith.cmpi eq, %arg0, %eq3A : i32
    %jit3A = arith.constant 0 : i32
    %select_n3A = arith.select %eq3A_0, %arg1, %jit3A : i32
    %c0_i32 = arith.constant 0 : i32
    return %select_n3A : i32
  }
  func.func @transform_5(%arg0: i32, %arg1: i32) -> i32 {
    %eq3A = arith.constant 1 : i32
    %eq3A_0 = arith.cmpi eq, %arg0, %eq3A : i32
    %jit3A = arith.constant 0 : i32
    %select_n3A = arith.select %eq3A_0, %arg1, %jit3A : i32
    %c0_i32 = arith.constant 0 : i32
    return %select_n3A : i32
  }
  func.func @transform_6(%arg0: i32, %arg1: i32) -> i32 {
    %eq3A = arith.constant 2 : i32
    %eq3A_0 = arith.cmpi eq, %arg0, %eq3A : i32
    %jit3A = arith.constant 0 : i32
    %select_n3A = arith.select %eq3A_0, %arg1, %jit3A : i32
    %c0_i32 = arith.constant 0 : i32
    return %select_n3A : i32
  }
  func.func @transform_7(%arg0: i32, %arg1: i32) -> i32 {
    %eq3A = arith.constant 2 : i32
    %eq3A_0 = arith.cmpi eq, %arg0, %eq3A : i32
    %jit3A = arith.constant 0 : i32
    %select_n3A = arith.select %eq3A_0, %arg1, %jit3A : i32
    %c0_i32 = arith.constant 0 : i32
    return %select_n3A : i32
  }
  func.func @transform_8(%arg0: i32, %arg1: i32) -> i32 {
    %eq3A = arith.constant 2 : i32
    %eq3A_0 = arith.cmpi eq, %arg0, %eq3A : i32
    %jit3A = arith.constant 0 : i32
    %select_n3A = arith.select %eq3A_0, %arg1, %jit3A : i32
    %c0_i32 = arith.constant 0 : i32
    return %select_n3A : i32
  }
  func.func @transform_9(%arg0: i32, %arg1: i32) -> i32 {
    %c0_i32 = arith.constant 0 : i32
    %c0_i32_0 = arith.constant 0 : i32
    return %c0_i32 : i32
  }
  func.func @transform_10(%arg0: i32, %arg1: i32) -> i32 {
    %mul3A = arith.constant 52 : i32
    %mul3A_0 = arith.muli %arg0, %mul3A : i32
    %add3A = arith.addi %mul3A_0, %arg1 : i32
    %c0_i32 = arith.constant 0 : i32
    return %add3A : i32
  }
  func.func @transform_11(%arg0: i32, %arg1: i32) -> i32 {
    %mul3A = arith.constant 52 : i32
    %mul3A_0 = arith.muli %arg0, %mul3A : i32
    %add3A = arith.addi %mul3A_0, %arg1 : i32
    %c0_i32 = arith.constant 0 : i32
    return %add3A : i32
  }
}

</mosaic_0001>

<sc_bundles>
// kernel: kernel.4.cloned.1.call-start
scs
__scs_entry_jumppad:
0x0: {  	(pc) =	sbr.rel $0x88, $3  }
0x1: {  	(tag) =	ssettag $0x0;
	lr =	simm.s32 $0x1  }
0x2: {  	[smem:$0x3F98] =	sst lr;
	_ =	strace $0xD0000000  }
0x3: {  	_ = 	snop  }
0x4: {  	_ = 	snop  }
0x5: {  	_ = 	snop  }
0x6: {  	_ = 	snop  }
0x7: {  	_ = 	snop  }
__scs_overlays_trampoline_lowered:
0x8: {  	[smem:$0x3FA7] =	sst s0  }
0x9: {  	[smem:$0x3FA8] =	sst s1  }
0xa: {  	[smem:$0x3FA9] =	sst s2  }
0xb: {  	[smem:$0x3FAA] =	sst s3  }
0xc: {  	[smem:$0x3FAB] =	sst s4  }
0xd: {  	[smem:$0x3FAC] =	sst s5  }
0xe: {  	[smem:$0x3FAD] =	sst s6  }
0xf: {  	[smem:$0x3FAE] =	sst s7  }
0x10: {  	[smem:$0x3FAF] =	sst s8  }
0x11: {  	[smem:$0x3FB0] =	sst s9;
	s0 =	simm.s32 @!p0 $0x0  }
0x12: {  	s1 =	sld [smem:$0x3F96];
	s0 =	simm.s32 @p0 $0x1  }
0x13: {  	[smem:$0x3FB1] =	sst s0;
	s0 =	simm.s32 @!p1 $0x0  }
0x14: {  	s2 =	sld [smem:$0x3F95];
	s0 =	simm.s32 @p1 $0x1  }
0x15: {  	[smem:$0x3FB2] =	sst s0;
	s0 =	simm.s32 @!p2 $0x0  }
0x16: {  	s3 =	sld [smem:$0x3FDB];
	s0 =	simm.s32 @p2 $0x1  }
0x17: {  	s4 =	simm.s32 $0x1BF5;
	[smem:$0x3FB4] =	sst s0  }
0x18: {  	s0 =	sld [smem:$0x3F97];
	_ =	swait.ge [sflag:s4], $0x0  }
0x19: {  	s7 =	sld [smem:$0x3F98]  }
0x1a: {  	s8 =	sadd.s32 $0xFFFFE003, lr  }
0x1b: {  	s9 =	sadd.s32 $0xFFFFFEF7, lr;
	s5 =	simm.s32 $0xFFFFFFFF;
	p2 =	slt.u32 s8, $0xFFFFF086  }
0x1c: {  	p1 =	slt.u32 s9, $0xF7A;
	s5 =	simm.s32 @!p2 $0x0  }
0x1d: {  	s5 =	simm.s32 @p1 $0x1;
	p0 =	seq.s32 s7, s2  }
0x1e: {  	s7 =	smul.u32 @!p0 $0xF7A, s2;
	p2 =	seq.s32 @!p0 s5, $0x0  }
0x1f: {  	s9 =	smul.u32 $0xF7A, s1;
	s8 =	simm.s32 @!p0 $0x1BF5;
	p2 =	por !p2, p0  }
0x20: {  	[sflag:s8] =	ssyncset.s32 @!p0 $0xFFFFF086;
	s6 =	sadd.s32 @!p0 s3, s7;
	s7 =	simm.s32 @!p0 $0x108  }
0x21: {  	s3 =	sadd.s32 s3, s9;
	s6 =	sadd.s32 @!p0 $0x88, s6;
	s7 =	simm.s32 @p2 $0x1082  }
0x22: {  	[simem:s7], [sflag:s8] =	dma.local @!p0 [hbm:s6], $0xF7A  }
0x23: {  	s9 =	sor.u32 $0xD0000000, s2;
	s6 =	simm.s32 $0x108;
	_ =	swait.ge @!p0 [sflag:s8], $0x0  }
0x24: {  	s3 =	sadd.s32 $0x88, s3;
	s6 =	simm.s32 @!p1 $0x1082;
	[sflag:s4] =	ssyncset.s32 $0xFFFFF086  }
0x25: {  	[simem:s6], [sflag:s4] =	dma.local [hbm:s3], $0xF7A  }
0x26: {  	[smem:$0x3F98] =	sst s1;
	(tag) =	ssettag s2;
	_ =	strace s9  }
0x27: {  	s1 =	sld [smem:$0x3FA8]  }
0x28: {  	s2 =	sld [smem:$0x3FA9]  }
0x29: {  	s4 =	sld [smem:$0x3FAB]  }
0x2a: {  	p0 =	seq.s32 s5, $0x0;
	s5 =	sld [smem:$0x3FAC]  }
0x2b: {  	s6 =	sld [smem:$0x3FAD]  }
0x2c: {  	s7 =	sld [smem:$0x3FAE]  }
0x2d: {  	s3 =	simm.s32 $0x108;
	s8 =	sld [smem:$0x3FAF]  }
0x2e: {  	s3 =	simm.s32 @!p0 $0x1082;
	s9 =	sld [smem:$0x3FB0]  }
0x2f: {  	lr =	sadd.s32 s0, s3;
	s0 =	sld [smem:$0x3FA7]  }
0x30: {  	s3 =	sld [smem:$0x3FAA]  }
0x31: {  	[smem:$0x3FB3] =	sst s10  }
0x32: {  	s10 =	sld [smem:$0x3FB1];
	_ =	sdelay $0x3  }
0x33: {  	p0 =	seq.s32 s10, $0x1;
	s10 =	sld [smem:$0x3FB3];
	_ =	sdelay $0x3  }
0x34: {  	[smem:$0x3FB3] =	sst s10  }
0x35: {  	s10 =	sld [smem:$0x3FB2];
	_ =	sdelay $0x3  }
0x36: {  	p1 =	seq.s32 s10, $0x1;
	s10 =	sld [smem:$0x3FB3];
	_ =	sdelay $0x3  }
0x37: {  	[smem:$0x3FB3] =	sst s10  }
0x38: {  	s10 =	sld [smem:$0x3FB4]  }
0x39: {  	_ = 	snop;
	(pc) =	sbr.ind lr, $3  }
0x3a: {  	_ = 	snop  }
0x3b: {  	_ = 	snop  }
0x3c: {  	p2 =	seq.s32 s10, $0x1;
	s10 =	sld [smem:$0x3FB3]  }
0x3d: {  	_ =	shalt  }
0x3e: {  	_ =	shalt  }
0x3f: {  	_ =	shalt  }
0x40: {  	_ =	shalt  }
0x41: {  	_ =	shalt  }
0x42: {  	_ =	shalt  }
0x43: {  	_ =	shalt  }
0x44: {  	_ =	shalt  }
0x45: {  	_ =	shalt  }
0x46: {  	_ =	shalt  }
0x47: {  	_ =	shalt  }
0x48: {  	_ =	shalt  }
0x49: {  	_ =	shalt  }
0x4a: {  	_ =	shalt  }
0x4b: {  	_ =	shalt  }
0x4c: {  	_ =	shalt  }
0x4d: {  	_ =	shalt  }
0x4e: {  	_ =	shalt  }
0x4f: {  	_ =	shalt  }
0x50: {  	_ =	shalt  }
0x51: {  	_ =	shalt  }
0x52: {  	_ =	shalt  }
0x53: {  	_ =	shalt  }
0x54: {  	_ =	shalt  }
0x55: {  	_ =	shalt  }
0x56: {  	_ =	shalt  }
0x57: {  	_ =	shalt  }
0x58: {  	_ =	shalt  }
0x59: {  	_ =	shalt  }
0x5a: {  	_ =	shalt  }
0x5b: {  	_ =	shalt  }
0x5c: {  	_ =	shalt  }
0x5d: {  	_ =	shalt  }
0x5e: {  	_ =	shalt  }
0x5f: {  	_ =	shalt  }
0x60: {  	_ =	shalt  }
0x61: {  	_ =	shalt  }
0x62: {  	_ =	shalt  }
0x63: {  	_ =	shalt  }
0x64: {  	_ =	shalt  }
0x65: {  	_ =	shalt  }
0x66: {  	_ =	shalt  }
0x67: {  	_ =	shalt  }
0x68: {  	_ =	shalt  }
0x69: {  	_ =	shalt  }
0x6a: {  	_ =	shalt  }
0x6b: {  	_ =	shalt  }
0x6c: {  	_ =	shalt  }
0x6d: {  	_ =	shalt  }
0x6e: {  	_ =	shalt  }
0x6f: {  	_ =	shalt  }
0x70: {  	_ =	shalt  }
0x71: {  	_ =	shalt  }
0x72: {  	_ =	shalt  }
0x73: {  	_ =	shalt  }
0x74: {  	_ =	shalt  }
0x75: {  	_ =	shalt  }
0x76: {  	_ =	shalt  }
0x77: {  	_ =	shalt  }
0x78: {  	_ =	shalt  }
0x79: {  	_ =	shalt  }
0x7a: {  	_ =	shalt  }
0x7b: {  	_ =	shalt  }
0x7c: {  	_ =	shalt  }
0x7d: {  	_ =	shalt  }
0x7e: {  	_ =	shalt  }
0x7f: {  	_ =	shalt  }
0x80: {  	_ =	shalt  }
0x81: {  	_ =	shalt  }
0x82: {  	_ =	shalt  }
0x83: {  	_ =	shalt  }
0x84: {  	_ =	shalt  }
0x85: {  	_ =	shalt  }
0x86: {  	_ =	shalt  }
0x87: {  	_ =	shalt  }
.Lfunc_end0:
.L_simem_size_0:
called_computation_lowered:
.L_overlay_start_0:
0x88: {  	s2 =	sld [smem:$0x3FD9]  }
0x89: {  	s3 =	sld [smem:$0x3FFE];
	_ =	sdelay $0x1  }
0x8a: {  	s1 =	srdreg.scid  }
0x8b: {  	s0 =	sand.u32 $0x1, s1  }
0x8c: {  	s17 =	sshll.u32 s0, $0xA;
	s2 =	sadd.s32 s3, s2  }
0x8d: {  	s2 =	sadd.s32 s2, s17  }
0x8e: {  	[smem:$0x3FBF] =	sst s2  }
0x8f: {  	_ = 	snop  }
0x90: {  	s2 =	sld [smem:$0x3FD0];
	(tm) =	ssettm $0x1  }
0x91: {  	s18 =	sld [smem:$0x3FFB];
	_ =	sdelay $0x3  }
0x92: {  	_ =	strace s18  }
0x93: {  	s3 =	sld [smem:$0x3FFC];
	_ =	sdelay $0x3  }
0x94: {  	_ =	strace s3  }
0x95: {  	s3 =	sld [smem:$0x3FFD];
	_ =	sdelay $0x3  }
0x96: {  	_ =	strace s3  }
0x97: {  	_ =	strace $0x8FFFFFFF  }
0x98: {  	s19 =	sld [smem:$0x3FDB];
	_ =	sdelay $0x1  }
0x99: {  	s4 =	simm.s32 $_scs_section_size  }
0x9a: {  	s5 =	simm.s32 $_size__tile_overlayer_lowered;
	s6 =	simm.s32 $_tile_overlayer_lowered  }
0x9b: {  	s22 =	simm.s32 $0x1BFF;
	s21 =	sshll.u32 s6, $0x1;
	s3 =	sadd.s32 s4, s19  }
0x9c: {  	s7 =	simm.s32 $0x0;
	s20 =	sshll.u32 s5, $0x1;
	s5 =	sadd.s32 s21, s3  }
0x9d: {  	[timem:s7], [sflag:s22] =	dma.local [hbm:s5], s20  }
0x9e: {  	_ =	swait.ge [sflag:s22], s20  }
0x9f: {  	s4 =	ssub.s32 $0x0, s20;
	[sflag:s22] =	ssyncset.done $0x0  }
0xa0: {  	[sflag:s22] =	ssyncadd.s32 s4;
	_ =	sdelay $0x1  }
0xa1: {  	s23 =	simm.s32 $0x1B8B  }
0xa2: {  	_ =	swait.ge [sflag:s23], $0x1  }
0xa3: {  	[sflag:s23] =	ssyncset.done $0x0  }
0xa4: {  	s25 =	simm.s32 $0x1B8E;
	s24 =	sld [smem:$0x3FFE];
	[sflag:s23] =	ssyncadd.s32 $0xFFFFFFFF  }
0xa5: {  	s26 =	simm.s32 $execute0_lowered;
	[smem:$0x3FD2] =	sst s25  }
0xa6: {  	s5 =	sshll.u32 s26, $0x1;
	_ =	strace $0x80000046;
	[dreg:$0x1] =	wrdreg $0xFFFFFFFF  }
0xa7: {  	s28 =	simm.s32 $_size_execute0_lowered;
	s3 =	sadd.s32 s3, s5;
	[dreg:$0x0] =	wrdreg $0x0  }
0xa8: {  	s5 =	sshll.u32 s28, $0x1;
	[dreg:$0x2] =	wrdreg s3  }
0xa9: {  	[dreg:$0x3] =	wrdreg s5  }
0xaa: {  	[dreg:$0x4] =	wrdreg $0xC0  }
0xab: {  	_ =	task [dreg:s7], $0x5FFFF  }
0xac: {  	[dreg:$0x1] =	wrdreg $0xFFFFFFFF  }
0xad: {  	[dreg:$0x0] =	wrdreg $0x60  }
0xae: {  	[dreg:$0x2] =	wrdreg s2  }
0xaf: {  	[dreg:$0x3] =	wrdreg s24  }
0xb0: {  	[dreg:$0x4] =	wrdreg $0x5C000  }
0xb1: {  	[dreg:$0x5] =	wrdreg $0x9  }
0xb2: {  	_ =	task.clear_ibuf [dreg:s7], $0x6FFFF;
	_ =	strace $0x90000046  }
0xb3: {  	s29 =	simm.s32 $0x9;
	_ =	strace $0x80000048  }
0xb4: {  	_ =	swait.ge [sflag:s29], $0x1  }
0xb5: {  	[sflag:s29] =	ssyncadd.s32 $0xFFFFFFFF  }
0xb6: {  	_ =	strace $0x90000048  }
0xb7: {  	_ =	sfence  }
0xb8: {  	s30 =	sld [smem:$0x0];
	_ =	sdelay $0x2  }
0xb9: {  	s31 =	sshll.u32 s1, $0xD;
	s1 =	sshrl.u32 s1, $0x2  }
0xba: {  	s3 =	sand.u32 $0x4000, s31;
	s1 =	sadd.s32 s1, s30  }
0xbb: {  	s0 =	sor.u32 s3, s0;
	s1 =	sshll.u32 s1, $0x11  }
0xbc: {  	s0 =	sor.u32 s1, s0  }
0xbd: {  	s0 =	sadd.s32 $0x8F2B, s0  }
0xbe: {  	[sflag:s0] =	ssyncadd.remote.s32 $0x1  }
0xbf: {  	_ =	sfence.sel $0xFFFF  }
0xc0: {  	[dreg:$0x0] =	wrdreg $0xFFFFFFFF;
	(pc) =	sbr.abs _section_cstart, $3  }
0xc1: {  	[dreg:$0x1] =	wrdreg $0xFFFFFFFF  }
0xc2: {  	_ =	task.clear_ibuf [dreg:s7], $0x2FFFF;
	_ =	strace $0x9FFFFFFF  }
0xc3: {  	(tm) =	ssettm $0x7FFFFFFF  }
tec
execute0_lowered:
.L_overlay_start_1:
0x0: {  	(tag) =	ssettag $0x1  }
0x1: {  	s7 =	rddreg [dreg:$0x0]  }
0x2: {  	s0 =	rddreg [dreg:$0x1]  }
0x3: {  	s2 =	rddreg [dreg:$0x2];
	s4 =	simm.s32 $0x0;
	s1 =	srdreg.scid  }
0x4: {  	s8 =	stileid.u32;
	s13 =	simm.s32 $0x5A00;
	s28 =	simm.s32 $0x5880  }
0x5: {  	s29 =	simm.s32 $0x5980;
	s30 =	simm.s32 $0x5A80;
	s31 =	simm.s32 $0x5B80  }
0x6: {  	[smem:$0x7FF] =	sst s4;
	s1 =	sand.u32 $0x1, s1;
	s9 =	smul.u32 $0x4E000, s8  }
0x7: {  	s6 =	sadd.s32 $0xC00, s0;
	s5 =	smul.u32 $0x68000, s8;
	s10 =	sadd.s32 $0x9CC00, s0  }
0x8: {  	s0 =	sadd.s32 $0x9CE00, s0;
	s25 =	sshll.u32 s8, $0x2;
	s8 =	simm.s32 $0x5900  }
0x9: {  	_ =	strace $0x80000047;
	[dreg:$0x6] =	wrdreg s10;
	s17 =	smul.u32 $0x5, s1  }
0xa: {  	s3 =	ssub.s32 $0x2, s1;
	[dreg:$0x7] =	wrdreg s0;
	s1 =	smul.u32 $0x820000, s1  }
0xb: {  	[dreg:$0x13] =	wrdreg s25;
	s10 =	simm.s32 $0x5400;
	s25 =	simm.s32 $0x5680  }
0xc: {  	s14 =	sshrl.u32 s3, $0x1;
	s15 =	sshrl.u32 s5, $0x2;
	[dreg:$0x5] =	wrdreg s9  }
0xd: {  	s16 =	sshrl.u32 s9, $0x3;
	s22 =	sor.u32 $0x800, s9;
	[dreg:$0x8] =	wrdreg s17  }
0xe: {  	s23 =	sadd.s32 $0x2000, s9;
	s24 =	sadd.s32 $0x2800, s9;
	[dreg:$0xe] =	wrdreg s22  }
0xf: {  	s9 =	simm.s32 $0x5700;
	s0 =	ssub.s32 s3, s14;
	[dreg:$0x10] =	wrdreg s23  }
0x10: {  	s19 =	sadd.s32 s15, s2;
	s18 =	sor.u32 $0x100, s16;
	[dreg:$0x11] =	wrdreg s24  }
0x11: {  	s20 =	sadd.s32 s7, s16;
	s5 =	sadd.s32 s6, s16;
	[dreg:$0xf] =	wrdreg s1  }
0x12: {  	s26 =	sor.u32 $0x400, s1;
	s24 =	simm.s32 $0xB;
	s15 =	simm.s32 $0x2  }
0x13: {  	s23 =	simm.s32 $0x5500;
	s14 =	simm.s32 $0x5B00;
	[dreg:$0xa] =	wrdreg s20  }
0x14: {  	s17 =	simm.s32 $0x5480;
	s22 =	simm.s32 $0x5580;
	[dreg:$0xb] =	wrdreg s5  }
.Ltmp0:
0x15: {  	s1 =	simm.s32 $0x0;
	[dreg:$0x14] =	wrdreg s26;
	(pc) =	sbr.rel .LBB2_1-.Ltmp0, $4  }
0x16: {  	s21 =	sadd.s32 s7, s18;
	s3 =	sadd.s32 s6, s18;
	[dreg:$0x9] =	wrdreg s19  }
0x17: {  	s0 =	smax.u32 s0, $0x1;
	s5 =	simm.s32 $0x5000;
	[dreg:$0xc] =	wrdreg s21  }
0x18: {  	s20 =	simm.s32 $0x5800;
	s26 =	simm.s32 $0x5780;
	[dreg:$0xd] =	wrdreg s3  }
0x19: {  	[dreg:$0x12] =	wrdreg s0;
	s21 =	simm.s32 $0x80;
	s3 =	simm.s32 $0x5600  }
.LBB2_26:
0x1a: {  	s1 =	rddreg [dreg:$0x15]  }
0x1b: {  	s0 =	rddreg [dreg:$0x12];
	s1 =	sadd.s32 $0x1, s1  }
0x1c: {  	p0 =	sne.s32 s1, s0  }
.Ltmp1:
0x1d: {  	_ = 	snop;
	(pc) =	sbr.rel @!p0 .LBB2_27-.Ltmp1, $1  }
0x1e: {  	_ =	sdelay $0x3  }
.LBB2_1:
0x1f: {  	[dreg:$0x15] =	wrdreg s1  }
0x20: {  	s0 =	rddreg [dreg:$0x6];
	s12 =	simm.s32 $0xD  }
0x21: {  	[tilespmem:s5], [sflag:$0xD] =	stream.linear.gather [hbm4b:s0+s4], $0x400, $0x38;
	[tilespmem:$0x1FC00] =	vst v63  }
0x22: {  	_ =	swait.ge [sflag:s12], $0x400  }
0x23: {  	s16 =	rddreg [dreg:$0xf]  }
0x24: {  	s18 =	rddreg [dreg:$0x14]  }
0x25: {  	[sflag:s12] =	ssyncset.done $0x0;
	[dreg:$0x16] =	wrdreg s16  }
0x26: {  	s11 =	simm.s32 $0x0;
	[sflag:s12] =	ssyncadd.s32 $0xFFFFFC00;
	[dreg:$0x17] =	wrdreg s18  }
.LBB2_2:
0x27: {  	s0 =	simm.s32 $0x0  }
.LBB2_3:
0x28: {  	p0 =	sne.s32 s0, $0x67000  }
.Ltmp2:
0x29: {  	_ = 	snop;
	(pc) =	sbr.rel @p0 .LBB2_3-.Ltmp2, $4  }
0x2a: {  	_ = 	snop  }
0x2b: {  	s1 =	sshra.s32 s0, $0x2  }
0x2c: {  	s0 =	sadd.s32 $0x1000, s0;
	s1 =	sadd.s32 s1, s19  }
0x2d: {  	[spmem:s1] =	stream.linear.scatter [tilespmem:s5], [sflag:$0xB], $0x400, $0x38;
	[tilespmem:$0x1FC00] =	vst v63  }
0x2e: {  	_ =	swait.ge [sflag:s24], $0x400  }
0x2f: {  	s0 =	simm.s32 $0x67;
	[sflag:s24] =	ssyncset.done $0x0  }
.LBB2_5:
0x30: {  	p0 =	sne.s32 s0, $0x1;
	s0 =	sadd.s32 $0xFFFFFFFF, s0;
	[sflag:s24] =	ssyncadd.s32 $0xFFFFFC00  }
.Ltmp3:
0x31: {  	(pc) =	sbr.rel @p0 .LBB2_5-.Ltmp3, $3  }
0x32: {  	_ =	sdelay $0x1  }
0x33: {  	_ =	swait.ge [sflag:s24], $0x400  }
0x34: {  	[sflag:s24] =	ssyncset.done $0x0  }
0x35: {  	[sflag:s24] =	ssyncadd.s32 $0xFFFFFC00  }
0x36: {  	[bflag:$0x0] =	sbarrier.arrive $0xFFFF  }
0x37: {  	s0 =	simm.s32 $0x0;
	s5 =	rddreg [dreg:$0xa]  }
0x38: {  	[tilespmem:s0], [sflag:$0x1] =	stream.linear.gather [hbm4b:s5+s0], $0x80, $0x38;
	[tilespmem:$0x1FC00] =	vst v63  }
0x39: {  	s7 =	simm.s32 $0x100;
	s1 =	sadd.s32 $0x10, s5  }
0x3a: {  	[tilespmem:s7], [sflag:$0x1] =	stream.linear.gather [hbm4b:s1+s0], $0x80, $0x38;
	[tilespmem:$0x1FC00] =	vst v63  }
0x3b: {  	s16 =	simm.s32 $0x200;
	s12 =	sadd.s32 $0x20, s5  }
0x3c: {  	[tilespmem:s16], [sflag:$0x1] =	stream.linear.gather [hbm4b:s12+s0], $0x80, $0x38;
	[tilespmem:$0x1FC00] =	vst v63  }
0x3d: {  	s19 =	simm.s32 $0x300;
	s18 =	sadd.s32 $0x30, s5  }
0x3e: {  	[tilespmem:s19], [sflag:$0x1] =	stream.linear.gather [hbm4b:s18+s0], $0x80, $0x38;
	[tilespmem:$0x1FC00] =	vst v63  }
0x3f: {  	s12 =	sadd.s32 $0x40, s5;
	s16 =	simm.s32 $0x400  }
0x40: {  	[tilespmem:s16], [sflag:$0x1] =	stream.linear.gather [hbm4b:s12+s0], $0x80, $0x38;
	[tilespmem:$0x1FC00] =	vst v63  }
0x41: {  	s18 =	sadd.s32 $0x50, s5;
	s19 =	simm.s32 $0x500  }
0x42: {  	[tilespmem:s19], [sflag:$0x1] =	stream.linear.gather [hbm4b:s18+s0], $0x80, $0x38;
	[tilespmem:$0x1FC00] =	vst v63  }
0x43: {  	s12 =	sadd.s32 $0x60, s5;
	s16 =	simm.s32 $0x600  }
0x44: {  	[tilespmem:s16], [sflag:$0x1] =	stream.linear.gather [hbm4b:s12+s0], $0x80, $0x38;
	[tilespmem:$0x1FC00] =	vst v63  }
0x45: {  	s18 =	sadd.s32 $0x70, s5;
	s19 =	simm.s32 $0x700  }
0x46: {  	[tilespmem:s19], [sflag:$0x1] =	stream.linear.gather [hbm4b:s18+s0], $0x80, $0x38;
	[tilespmem:$0x1FC00] =	vst v63  }
0x47: {  	s12 =	sadd.s32 $0x80, s5;
	s16 =	simm.s32 $0x800  }
0x48: {  	[tilespmem:s16], [sflag:$0x1] =	stream.linear.gather [hbm4b:s12+s0], $0x80, $0x38;
	[tilespmem:$0x1FC00] =	vst v63  }
0x49: {  	s18 =	sadd.s32 $0x90, s5;
	s19 =	simm.s32 $0x900  }
0x4a: {  	[tilespmem:s19], [sflag:$0x1] =	stream.linear.gather [hbm4b:s18+s0], $0x80, $0x38;
	[tilespmem:$0x1FC00] =	vst v63  }
0x4b: {  	s12 =	sadd.s32 $0xA0, s5;
	s16 =	simm.s32 $0xA00  }
0x4c: {  	[tilespmem:s16], [sflag:$0x1] =	stream.linear.gather [hbm4b:s12+s0], $0x80, $0x38;
	[tilespmem:$0x1FC00] =	vst v63  }
0x4d: {  	s18 =	sadd.s32 $0xB0, s5;
	s19 =	simm.s32 $0xB00  }
0x4e: {  	[tilespmem:s19], [sflag:$0x1] =	stream.linear.gather [hbm4b:s18+s0], $0x80, $0x38;
	[tilespmem:$0x1FC00] =	vst v63  }
0x4f: {  	s12 =	sadd.s32 $0xC0, s5;
	s16 =	simm.s32 $0xC00  }
0x50: {  	[tilespmem:s16], [sflag:$0x1] =	stream.linear.gather [hbm4b:s12+s0], $0x80, $0x38;
	[tilespmem:$0x1FC00] =	vst v63  }
0x51: {  	s18 =	sadd.s32 $0xD0, s5;
	s19 =	simm.s32 $0xD00  }
0x52: {  	[tilespmem:s19], [sflag:$0x1] =	stream.linear.gather [hbm4b:s18+s0], $0x80, $0x38;
	[tilespmem:$0x1FC00] =	vst v63  }
0x53: {  	s12 =	sadd.s32 $0xE0, s5;
	s16 =	simm.s32 $0xE00  }
0x54: {  	[tilespmem:s16], [sflag:$0x1] =	stream.linear.gather [hbm4b:s12+s0], $0x80, $0x38;
	[tilespmem:$0x1FC00] =	vst v63  }
0x55: {  	s18 =	sadd.s32 $0xF0, s5;
	s19 =	simm.s32 $0xF00  }
0x56: {  	[tilespmem:s19], [sflag:$0x1] =	stream.linear.gather [hbm4b:s18+s0], $0x80, $0x38;
	[tilespmem:$0x1FC00] =	vst v63  }
0x57: {  	s7 =	simm.s32 $0x1000;
	s5 =	rddreg [dreg:$0xb]  }
0x58: {  	[tilespmem:s7], [sflag:$0x3] =	stream.linear.gather [hbm4b:s5+s0], $0x80, $0x38;
	[tilespmem:$0x1FC00] =	vst v63  }
0x59: {  	s12 =	sadd.s32 $0x10, s5;
	s16 =	simm.s32 $0x1200  }
0x5a: {  	[tilespmem:s16], [sflag:$0x3] =	stream.linear.gather [hbm4b:s12+s0], $0x80, $0x38;
	[tilespmem:$0x1FC00] =	vst v63  }
0x5b: {  	s18 =	sadd.s32 $0x20, s5;
	s19 =	simm.s32 $0x1400  }
0x5c: {  	[tilespmem:s19], [sflag:$0x3] =	stream.linear.gather [hbm4b:s18+s0], $0x80, $0x38;
	[tilespmem:$0x1FC00] =	vst v63  }
0x5d: {  	s12 =	sadd.s32 $0x30, s5;
	s16 =	simm.s32 $0x1600  }
0x5e: {  	[tilespmem:s16], [sflag:$0x3] =	stream.linear.gather [hbm4b:s12+s0], $0x80, $0x38;
	[tilespmem:$0x1FC00] =	vst v63  }
0x5f: {  	s18 =	sadd.s32 $0x40, s5;
	s19 =	simm.s32 $0x1800  }
0x60: {  	[tilespmem:s19], [sflag:$0x3] =	stream.linear.gather [hbm4b:s18+s0], $0x80, $0x38;
	[tilespmem:$0x1FC00] =	vst v63  }
0x61: {  	s12 =	sadd.s32 $0x50, s5;
	s16 =	simm.s32 $0x1A00  }
0x62: {  	[tilespmem:s16], [sflag:$0x3] =	stream.linear.gather [hbm4b:s12+s0], $0x80, $0x38;
	[tilespmem:$0x1FC00] =	vst v63  }
0x63: {  	s18 =	sadd.s32 $0x60, s5;
	s19 =	simm.s32 $0x1C00  }
0x64: {  	[tilespmem:s19], [sflag:$0x3] =	stream.linear.gather [hbm4b:s18+s0], $0x80, $0x38;
	[tilespmem:$0x1FC00] =	vst v63  }
0x65: {  	s12 =	sadd.s32 $0x70, s5;
	s16 =	simm.s32 $0x1E00  }
0x66: {  	[tilespmem:s16], [sflag:$0x3] =	stream.linear.gather [hbm4b:s12+s0], $0x80, $0x38;
	[tilespmem:$0x1FC00] =	vst v63  }
0x67: {  	s18 =	sadd.s32 $0x80, s5;
	s19 =	simm.s32 $0x2000  }
0x68: {  	[tilespmem:s19], [sflag:$0x3] =	stream.linear.gather [hbm4b:s18+s0], $0x80, $0x38;
	[tilespmem:$0x1FC00] =	vst v63  }
0x69: {  	s12 =	sadd.s32 $0x90, s5;
	s16 =	simm.s32 $0x2200  }
0x6a: {  	[tilespmem:s16], [sflag:$0x3] =	stream.linear.gather [hbm4b:s12+s0], $0x80, $0x38;
	[tilespmem:$0x1FC00] =	vst v63  }
0x6b: {  	s18 =	sadd.s32 $0xA0, s5;
	s19 =	simm.s32 $0x2400  }
0x6c: {  	[tilespmem:s19], [sflag:$0x3] =	stream.linear.gather [hbm4b:s18+s0], $0x80, $0x38;
	[tilespmem:$0x1FC00] =	vst v63  }
0x6d: {  	s12 =	sadd.s32 $0xB0, s5;
	s16 =	simm.s32 $0x2600  }
0x6e: {  	[tilespmem:s16], [sflag:$0x3] =	stream.linear.gather [hbm4b:s12+s0], $0x80, $0x38;
	[tilespmem:$0x1FC00] =	vst v63  }
0x6f: {  	s18 =	sadd.s32 $0xC0, s5;
	s19 =	simm.s32 $0x2800  }
0x70: {  	[tilespmem:s19], [sflag:$0x3] =	stream.linear.gather [hbm4b:s18+s0], $0x80, $0x38;
	[tilespmem:$0x1FC00] =	vst v63  }
0x71: {  	s12 =	sadd.s32 $0xD0, s5;
	s16 =	simm.s32 $0x2A00  }
0x72: {  	[tilespmem:s16], [sflag:$0x3] =	stream.linear.gather [hbm4b:s12+s0], $0x80, $0x38;
	[tilespmem:$0x1FC00] =	vst v63  }
0x73: {  	s18 =	sadd.s32 $0xE0, s5;
	s19 =	simm.s32 $0x2C00  }
0x74: {  	[tilespmem:s19], [sflag:$0x3] =	stream.linear.gather [hbm4b:s18+s0], $0x80, $0x38;
	[tilespmem:$0x1FC00] =	vst v63  }
0x75: {  	s7 =	simm.s32 $0x2E00;
	s5 =	sadd.s32 $0xF0, s5  }
0x76: {  	[tilespmem:s7], [sflag:$0x3] =	stream.linear.gather [hbm4b:s5+s0], $0x80, $0x38;
	[tilespmem:$0x1FC00] =	vst v63  }
0x77: {  	s5 =	rddreg [dreg:$0xc]  }
0x78: {  	[tilespmem:s21], [sflag:$0x2] =	stream.linear.gather [hbm4b:s5+s0], $0x80, $0x38;
	[tilespmem:$0x1FC00] =	vst v63  }
0x79: {  	s16 =	simm.s32 $0x180;
	s12 =	sadd.s32 $0x10, s5  }
0x7a: {  	[tilespmem:s16], [sflag:$0x2] =	stream.linear.gather [hbm4b:s12+s0], $0x80, $0x38;
	[tilespmem:$0x1FC00] =	vst v63  }
0x7b: {  	s19 =	simm.s32 $0x280;
	s18 =	sadd.s32 $0x20, s5  }
0x7c: {  	[tilespmem:s19], [sflag:$0x2] =	stream.linear.gather [hbm4b:s18+s0], $0x80, $0x38;
	[tilespmem:$0x1FC00] =	vst v63  }
0x7d: {  	s12 =	sadd.s32 $0x30, s5;
	s16 =	simm.s32 $0x380  }
0x7e: {  	[tilespmem:s16], [sflag:$0x2] =	stream.linear.gather [hbm4b:s12+s0], $0x80, $0x38;
	[tilespmem:$0x1FC00] =	vst v63  }
0x7f: {  	s18 =	sadd.s32 $0x40, s5;
	s19 =	simm.s32 $0x480  }
0x80: {  	[tilespmem:s19], [sflag:$0x2] =	stream.linear.gather [hbm4b:s18+s0], $0x80, $0x38;
	[tilespmem:$0x1FC00] =	vst v63  }
0x81: {  	s12 =	sadd.s32 $0x50, s5;
	s16 =	simm.s32 $0x580  }
0x82: {  	[tilespmem:s16], [sflag:$0x2] =	stream.linear.gather [hbm4b:s12+s0], $0x80, $0x38;
	[tilespmem:$0x1FC00] =	vst v63  }
0x83: {  	s18 =	sadd.s32 $0x60, s5;
	s19 =	simm.s32 $0x680  }
0x84: {  	[tilespmem:s19], [sflag:$0x2] =	stream.linear.gather [hbm4b:s18+s0], $0x80, $0x38;
	[tilespmem:$0x1FC00] =	vst v63  }
0x85: {  	s12 =	sadd.s32 $0x70, s5;
	s16 =	simm.s32 $0x780  }
0x86: {  	[tilespmem:s16], [sflag:$0x2] =	stream.linear.gather [hbm4b:s12+s0], $0x80, $0x38;
	[tilespmem:$0x1FC00] =	vst v63  }
0x87: {  	s18 =	sadd.s32 $0x80, s5;
	s19 =	simm.s32 $0x880  }
0x88: {  	[tilespmem:s19], [sflag:$0x2] =	stream.linear.gather [hbm4b:s18+s0], $0x80, $0x38;
	[tilespmem:$0x1FC00] =	vst v63  }
0x89: {  	s12 =	sadd.s32 $0x90, s5;
	s16 =	simm.s32 $0x980  }
0x8a: {  	[tilespmem:s16], [sflag:$0x2] =	stream.linear.gather [hbm4b:s12+s0], $0x80, $0x38;
	[tilespmem:$0x1FC00] =	vst v63  }
0x8b: {  	s18 =	sadd.s32 $0xA0, s5;
	s19 =	simm.s32 $0xA80  }
0x8c: {  	[tilespmem:s19], [sflag:$0x2] =	stream.linear.gather [hbm4b:s18+s0], $0x80, $0x38;
	[tilespmem:$0x1FC00] =	vst v63  }
0x8d: {  	s12 =	sadd.s32 $0xB0, s5;
	s16 =	simm.s32 $0xB80  }
0x8e: {  	[tilespmem:s16], [sflag:$0x2] =	stream.linear.gather [hbm4b:s12+s0], $0x80, $0x38;
	[tilespmem:$0x1FC00] =	vst v63  }
0x8f: {  	s18 =	sadd.s32 $0xC0, s5;
	s19 =	simm.s32 $0xC80  }
0x90: {  	[tilespmem:s19], [sflag:$0x2] =	stream.linear.gather [hbm4b:s18+s0], $0x80, $0x38;
	[tilespmem:$0x1FC00] =	vst v63  }
0x91: {  	s12 =	sadd.s32 $0xD0, s5;
	s16 =	simm.s32 $0xD80  }
0x92: {  	[tilespmem:s16], [sflag:$0x2] =	stream.linear.gather [hbm4b:s12+s0], $0x80, $0x38;
	[tilespmem:$0x1FC00] =	vst v63  }
0x93: {  	s18 =	sadd.s32 $0xE0, s5;
	s19 =	simm.s32 $0xE80  }
0x94: {  	[tilespmem:s19], [sflag:$0x2] =	stream.linear.gather [hbm4b:s18+s0], $0x80, $0x38;
	[tilespmem:$0x1FC00] =	vst v63  }
0x95: {  	s7 =	sadd.s32 $0xF0, s5;
	s12 =	simm.s32 $0xF80  }
0x96: {  	[tilespmem:s12], [sflag:$0x2] =	stream.linear.gather [hbm4b:s7+s0], $0x80, $0x38;
	[tilespmem:$0x1FC00] =	vst v63  }
0x97: {  	s5 =	rddreg [dreg:$0xd];
	s16 =	simm.s32 $0x1080  }
0x98: {  	[tilespmem:s16], [sflag:$0x4] =	stream.linear.gather [hbm4b:s5+s0], $0x80, $0x38;
	[tilespmem:$0x1FC00] =	vst v63  }
0x99: {  	s18 =	sadd.s32 $0x10, s5;
	s19 =	simm.s32 $0x1280  }
0x9a: {  	[tilespmem:s19], [sflag:$0x4] =	stream.linear.gather [hbm4b:s18+s0], $0x80, $0x38;
	[tilespmem:$0x1FC00] =	vst v63  }
0x9b: {  	s12 =	sadd.s32 $0x20, s5;
	s16 =	simm.s32 $0x1480  }
0x9c: {  	[tilespmem:s16], [sflag:$0x4] =	stream.linear.gather [hbm4b:s12+s0], $0x80, $0x38;
	[tilespmem:$0x1FC00] =	vst v63  }
0x9d: {  	s18 =	sadd.s32 $0x30, s5;
	s19 =	simm.s32 $0x1680  }
0x9e: {  	[tilespmem:s19], [sflag:$0x4] =	stream.linear.gather [hbm4b:s18+s0], $0x80, $0x38;
	[tilespmem:$0x1FC00] =	vst v63  }
0x9f: {  	s12 =	sadd.s32 $0x40, s5;
	s16 =	simm.s32 $0x1880  }
0xa0: {  	[tilespmem:s16], [sflag:$0x4] =	stream.linear.gather [hbm4b:s12+s0], $0x80, $0x38;
	[tilespmem:$0x1FC00] =	vst v63  }
0xa1: {  	s18 =	sadd.s32 $0x50, s5;
	s19 =	simm.s32 $0x1A80  }
0xa2: {  	[tilespmem:s19], [sflag:$0x4] =	stream.linear.gather [hbm4b:s18+s0], $0x80, $0x38;
	[tilespmem:$0x1FC00] =	vst v63  }
0xa3: {  	s12 =	sadd.s32 $0x60, s5;
	s16 =	simm.s32 $0x1C80  }
0xa4: {  	[tilespmem:s16], [sflag:$0x4] =	stream.linear.gather [hbm4b:s12+s0], $0x80, $0x38;
	[tilespmem:$0x1FC00] =	vst v63  }
0xa5: {  	s18 =	sadd.s32 $0x70, s5;
	s19 =	simm.s32 $0x1E80  }
0xa6: {  	[tilespmem:s19], [sflag:$0x4] =	stream.linear.gather [hbm4b:s18+s0], $0x80, $0x38;
	[tilespmem:$0x1FC00] =	vst v63  }
0xa7: {  	s12 =	sadd.s32 $0x80, s5;
	s16 =	simm.s32 $0x2080  }
0xa8: {  	[tilespmem:s16], [sflag:$0x4] =	stream.linear.gather [hbm4b:s12+s0], $0x80, $0x38;
	[tilespmem:$0x1FC00] =	vst v63  }
0xa9: {  	s18 =	sadd.s32 $0x90, s5;
	s19 =	simm.s32 $0x2280  }
0xaa: {  	[tilespmem:s19], [sflag:$0x4] =	stream.linear.gather [hbm4b:s18+s0], $0x80, $0x38;
	[tilespmem:$0x1FC00] =	vst v63  }
0xab: {  	s12 =	sadd.s32 $0xA0, s5;
	s16 =	simm.s32 $0x2480  }
0xac: {  	[tilespmem:s16], [sflag:$0x4] =	stream.linear.gather [hbm4b:s12+s0], $0x80, $0x38;
	[tilespmem:$0x1FC00] =	vst v63  }
0xad: {  	s18 =	sadd.s32 $0xB0, s5;
	s19 =	simm.s32 $0x2680  }
0xae: {  	[tilespmem:s19], [sflag:$0x4] =	stream.linear.gather [hbm4b:s18+s0], $0x80, $0x38;
	[tilespmem:$0x1FC00] =	vst v63  }
0xaf: {  	s12 =	sadd.s32 $0xC0, s5;
	s16 =	simm.s32 $0x2880  }
0xb0: {  	[tilespmem:s16], [sflag:$0x4] =	stream.linear.gather [hbm4b:s12+s0], $0x80, $0x38;
	[tilespmem:$0x1FC00] =	vst v63  }
0xb1: {  	s18 =	sadd.s32 $0xD0, s5;
	s19 =	simm.s32 $0x2A80  }
0xb2: {  	[tilespmem:s19], [sflag:$0x4] =	stream.linear.gather [hbm4b:s18+s0], $0x80, $0x38;
	[tilespmem:$0x1FC00] =	vst v63  }
0xb3: {  	s19 =	rddreg [dreg:$0x8]  }
0xb4: {  	s7 =	sadd.s32 $0xE0, s5;
	s12 =	simm.s32 $0x2C80;
	s1 =	sadd.s32 s19, s11  }
0xb5: {  	[tilespmem:s12], [sflag:$0x4] =	stream.linear.gather [hbm4b:s7+s0], $0x80, $0x38;
	[tilespmem:$0x1FC00] =	vst v63  }
0xb6: {  	[dreg:$0x19] =	wrdreg s1;
	s1 =	smul.u32 $0x1A0000, s1  }
0xb7: {  	[dreg:$0x18] =	wrdreg s11;
	s16 =	sadd.s32 $0xF0, s5;
	s18 =	simm.s32 $0x2E80  }
0xb8: {  	[tilespmem:s18], [sflag:$0x4] =	stream.linear.gather [hbm4b:s16+s0], $0x80, $0x38;
	v0 =	vmov s1;
	[tilespmem:$0x1FC00] =	vst v63  }
.LBB2_7:
0xb9: {  	s1 =	simm.s32 $0x1  }
0xba: {  	_ =	swait.ge [sflag:s1], $0x800  }
0xbb: {  	[sflag:s1] =	ssyncset.done $0x0  }
0xbc: {  	s18 =	simm.s32 $0x3;
	[sflag:s1] =	ssyncadd.s32 $0xFFFFF800  }
0xbd: {  	_ =	swait.ge [sflag:s18], $0x800  }
0xbe: {  	[sflag:s18] =	ssyncset.done $0x0  }
0xbf: {  	s19 =	simm.s32 $0x0;
	[sflag:s18] =	ssyncadd.s32 $0xFFFFF800  }
0xc0: {  	v1 =	vld [tilespmem:s19+$0x0];
	_ =	sdelay $0x4  }
0xc1: {  	v1 =	vsub.s32 v1, v0  }
0xc2: {  	vm0 =	vlt.u32 v1, $0x1A0000;
	v2 =	vand.u32 $0xFFFFF, v1  }
0xc3: {  	s12 =	simm.s32 $0x3040;
	v1 =	vsel vm0, v1, v2  }
0xc4: {  	s7 =	simm.s32 $0x1040;
	[tilespmem:s12+$0xFFFFFFC0] =	vst v1  }
0xc5: {  	v1 =	vld [tilespmem:s7+$0xFFFFFFC0];
	_ =	sdelay $0x4  }
0xc6: {  	v1 =	vnsel vm0, $0x0, v1  }
0xc7: {  	[tilespmem:s7+$0xFFFFFFC0] =	vst v1  }
0xc8: {  	v1 =	vld [tilespmem:s19+$0x10];
	_ =	sdelay $0x4  }
0xc9: {  	v1 =	vsub.s32 v1, v0  }
0xca: {  	vm9 =	vlt.u32 v1, $0x1A0000;
	v2 =	vand.u32 $0xFFFFF, v1  }
0xcb: {  	v1 =	vsel vm9, v1, v2  }
0xcc: {  	[tilespmem:s12+$0xFFFFFFD0] =	vst v1  }
0xcd: {  	v1 =	vld [tilespmem:s7+$0xFFFFFFD0];
	_ =	sdelay $0x4  }
0xce: {  	v1 =	vnsel vm9, $0x0, v1  }
0xcf: {  	[tilespmem:s7+$0xFFFFFFD0] =	vst v1  }
0xd0: {  	v1 =	vld [tilespmem:s19+$0x20];
	_ =	sdelay $0x4  }
0xd1: {  	v1 =	vsub.s32 v1, v0  }
0xd2: {  	vm10 =	vlt.u32 v1, $0x1A0000;
	v2 =	vand.u32 $0xFFFFF, v1  }
0xd3: {  	v1 =	vsel vm10, v1, v2  }
0xd4: {  	[tilespmem:s12+$0xFFFFFFE0] =	vst v1  }
0xd5: {  	v1 =	vld [tilespmem:s7+$0xFFFFFFE0];
	_ =	sdelay $0x4  }
0xd6: {  	v1 =	vnsel vm10, $0x0, v1  }
0xd7: {  	[tilespmem:s7+$0xFFFFFFE0] =	vst v1  }
0xd8: {  	v1 =	vld [tilespmem:s19+$0x30];
	_ =	sdelay $0x4  }
0xd9: {  	v1 =	vsub.s32 v1, v0  }
0xda: {  	vm11 =	vlt.u32 v1, $0x1A0000;
	v2 =	vand.u32 $0xFFFFF, v1  }
0xdb: {  	v1 =	vsel vm11, v1, v2  }
0xdc: {  	[tilespmem:s12+$0xFFFFFFF0] =	vst v1  }
0xdd: {  	v1 =	vld [tilespmem:s7+$0xFFFFFFF0];
	_ =	sdelay $0x4  }
0xde: {  	v1 =	vnsel vm11, $0x0, v1  }
0xdf: {  	[tilespmem:s7+$0xFFFFFFF0] =	vst v1  }
0xe0: {  	v1 =	vld [tilespmem:s19+$0x40];
	_ =	sdelay $0x4  }
0xe1: {  	v1 =	vsub.s32 v1, v0  }
0xe2: {  	vm12 =	vlt.u32 v1, $0x1A0000;
	v2 =	vand.u32 $0xFFFFF, v1  }
0xe3: {  	v1 =	vsel vm12, v1, v2  }
0xe4: {  	[tilespmem:s12+$0x0] =	vst v1  }
0xe5: {  	v1 =	vld [tilespmem:s7+$0x0];
	_ =	sdelay $0x4  }
0xe6: {  	v1 =	vnsel vm12, $0x0, v1  }
0xe7: {  	[tilespmem:s7+$0x0] =	vst v1  }
0xe8: {  	v1 =	vld [tilespmem:s19+$0x50];
	_ =	sdelay $0x4  }
0xe9: {  	v1 =	vsub.s32 v1, v0  }
0xea: {  	vm13 =	vlt.u32 v1, $0x1A0000;
	v2 =	vand.u32 $0xFFFFF, v1  }
0xeb: {  	v1 =	vsel vm13, v1, v2  }
0xec: {  	[tilespmem:s12+$0x10] =	vst v1  }
0xed: {  	v1 =	vld [tilespmem:s7+$0x10];
	_ =	sdelay $0x4  }
0xee: {  	v1 =	vnsel vm13, $0x0, v1  }
0xef: {  	[tilespmem:s7+$0x10] =	vst v1  }
0xf0: {  	v1 =	vld [tilespmem:s19+$0x60];
	_ =	sdelay $0x4  }
0xf1: {  	v1 =	vsub.s32 v1, v0  }
0xf2: {  	vm14 =	vlt.u32 v1, $0x1A0000;
	v2 =	vand.u32 $0xFFFFF, v1  }
0xf3: {  	v1 =	vsel vm14, v1, v2  }
0xf4: {  	[tilespmem:s12+$0x20] =	vst v1  }
0xf5: {  	v1 =	vld [tilespmem:s7+$0x20];
	_ =	sdelay $0x4  }
0xf6: {  	v1 =	vnsel vm14, $0x0, v1  }
0xf7: {  	[tilespmem:s7+$0x20] =	vst v1  }
0xf8: {  	v1 =	vld [tilespmem:s19+$0x70];
	_ =	sdelay $0x4  }
0xf9: {  	v1 =	vsub.s32 v1, v0  }
0xfa: {  	vm15 =	vlt.u32 v1, $0x1A0000;
	v2 =	vand.u32 $0xFFFFF, v1  }
0xfb: {  	v1 =	vsel vm15, v1, v2  }
0xfc: {  	[tilespmem:s12+$0x30] =	vst v1  }
0xfd: {  	v1 =	vld [tilespmem:s7+$0x30];
	_ =	sdelay $0x4  }
0xfe: {  	s16 =	simm.s32 $0x1240;
	s1 =	simm.s32 $0x800;
	s18 =	simm.s32 $0x400;
	v1 =	vnsel vm15, $0x0, v1  }
.LBB2_8:
0xff: {  	s5 =	sshra.s32 s18, $0x2;
	s12 =	sadd.s32 $0x80, s12  }
0x100: {  	[tilespmem:s7+$0x30] =	vst v1;
	s18 =	smov.u32 s1;
	s19 =	sadd.s32 $0x400, s1;
	s7 =	smov.u32 s16  }
0x101: {  	p0 =	sne.s32 s1, $0x3C00;
	v1 =	vld [tilespmem:s5+$0x0];
	_ =	sdelay $0x4  }
0x102: {  	v1 =	vsub.s32 v1, v0  }
0x103: {  	vm0 =	vlt.u32 v1, $0x1A0000;
	v2 =	vand.u32 $0xFFFFF, v1  }
0x104: {  	v1 =	vsel vm0, v1, v2  }
0x105: {  	[tilespmem:s12+$0xFFFFFFC0] =	vst v1  }
0x106: {  	v1 =	vld [tilespmem:s16+$0xFFFFFFC0];
	_ =	sdelay $0x4  }
0x107: {  	v1 =	vnsel vm0, $0x0, v1  }
0x108: {  	[tilespmem:s16+$0xFFFFFFC0] =	vst v1  }
0x109: {  	v1 =	vld [tilespmem:s5+$0x10];
	_ =	sdelay $0x4  }
0x10a: {  	v1 =	vsub.s32 v1, v0  }
0x10b: {  	vm0 =	vlt.u32 v1, $0x1A0000;
	v2 =	vand.u32 $0xFFFFF, v1  }
0x10c: {  	v1 =	vsel vm0, v1, v2  }
0x10d: {  	[tilespmem:s12+$0xFFFFFFD0] =	vst v1  }
0x10e: {  	v1 =	vld [tilespmem:s16+$0xFFFFFFD0];
	_ =	sdelay $0x4  }
0x10f: {  	v1 =	vnsel vm0, $0x0, v1  }
0x110: {  	[tilespmem:s16+$0xFFFFFFD0] =	vst v1  }
0x111: {  	v1 =	vld [tilespmem:s5+$0x20];
	_ =	sdelay $0x4  }
0x112: {  	v1 =	vsub.s32 v1, v0  }
0x113: {  	vm0 =	vlt.u32 v1, $0x1A0000;
	v2 =	vand.u32 $0xFFFFF, v1  }
0x114: {  	v1 =	vsel vm0, v1, v2  }
0x115: {  	[tilespmem:s12+$0xFFFFFFE0] =	vst v1  }
0x116: {  	v1 =	vld [tilespmem:s16+$0xFFFFFFE0];
	_ =	sdelay $0x4  }
0x117: {  	v1 =	vnsel vm0, $0x0, v1  }
0x118: {  	[tilespmem:s16+$0xFFFFFFE0] =	vst v1  }
0x119: {  	v1 =	vld [tilespmem:s5+$0x30];
	_ =	sdelay $0x4  }
0x11a: {  	v1 =	vsub.s32 v1, v0  }
0x11b: {  	vm0 =	vlt.u32 v1, $0x1A0000;
	v2 =	vand.u32 $0xFFFFF, v1  }
0x11c: {  	v1 =	vsel vm0, v1, v2  }
0x11d: {  	[tilespmem:s12+$0xFFFFFFF0] =	vst v1  }
0x11e: {  	v1 =	vld [tilespmem:s16+$0xFFFFFFF0];
	_ =	sdelay $0x4  }
0x11f: {  	v1 =	vnsel vm0, $0x0, v1  }
0x120: {  	[tilespmem:s16+$0xFFFFFFF0] =	vst v1  }
0x121: {  	v1 =	vld [tilespmem:s5+$0x40];
	_ =	sdelay $0x4  }
0x122: {  	v1 =	vsub.s32 v1, v0  }
0x123: {  	vm0 =	vlt.u32 v1, $0x1A0000;
	v2 =	vand.u32 $0xFFFFF, v1  }
0x124: {  	v1 =	vsel vm0, v1, v2  }
0x125: {  	[tilespmem:s12+$0x0] =	vst v1  }
0x126: {  	v1 =	vld [tilespmem:s16+$0x0];
	_ =	sdelay $0x4  }
0x127: {  	v1 =	vnsel vm0, $0x0, v1  }
0x128: {  	[tilespmem:s16+$0x0] =	vst v1  }
0x129: {  	v1 =	vld [tilespmem:s5+$0x50];
	_ =	sdelay $0x4  }
0x12a: {  	v1 =	vsub.s32 v1, v0  }
0x12b: {  	vm0 =	vlt.u32 v1, $0x1A0000;
	v2 =	vand.u32 $0xFFFFF, v1  }
0x12c: {  	v1 =	vsel vm0, v1, v2  }
0x12d: {  	[tilespmem:s12+$0x10] =	vst v1  }
0x12e: {  	v1 =	vld [tilespmem:s16+$0x10];
	_ =	sdelay $0x4  }
0x12f: {  	v1 =	vnsel vm0, $0x0, v1  }
0x130: {  	[tilespmem:s16+$0x10] =	vst v1  }
0x131: {  	v1 =	vld [tilespmem:s5+$0x60];
	_ =	sdelay $0x4  }
0x132: {  	v1 =	vsub.s32 v1, v0  }
0x133: {  	vm0 =	vlt.u32 v1, $0x1A0000;
	v2 =	vand.u32 $0xFFFFF, v1  }
0x134: {  	v1 =	vsel vm0, v1, v2  }
0x135: {  	[tilespmem:s12+$0x20] =	vst v1  }
0x136: {  	v1 =	vld [tilespmem:s16+$0x20];
	_ =	sdelay $0x4  }
0x137: {  	v1 =	vnsel vm0, $0x0, v1  }
0x138: {  	[tilespmem:s16+$0x20] =	vst v1  }
0x139: {  	v1 =	vld [tilespmem:s5+$0x70];
	_ =	sdelay $0x4  }
0x13a: {  	v1 =	vsub.s32 v1, v0  }
0x13b: {  	vm0 =	vlt.u32 v1, $0x1A0000;
	v2 =	vand.u32 $0xFFFFF, v1  }
0x13c: {  	v1 =	vsel vm0, v1, v2  }
0x13d: {  	[tilespmem:s12+$0x30] =	vst v1  }
0x13e: {  	v1 =	vld [tilespmem:s16+$0x30]  }
.Ltmp4:
0x13f: {  	(pc) =	sbr.rel @p0 .LBB2_8-.Ltmp4, $2  }
0x140: {  	_ =	sdelay $0x2  }
0x141: {  	s1 =	smov.u32 s19;
	s16 =	sadd.s32 $0x200, s16;
	v1 =	vnsel vm0, $0x0, v1  }
0x142: {  	s1 =	sshra.s32 s18, $0x2;
	[tilespmem:s7+$0x30] =	vst v1  }
0x143: {  	v1 =	vld [tilespmem:s1+$0x0];
	_ =	sdelay $0x4  }
0x144: {  	v1 =	vsub.s32 v1, v0  }
0x145: {  	vm0 =	vlt.u32 v1, $0x1A0000;
	v2 =	vand.u32 $0xFFFFF, v1  }
0x146: {  	s5 =	sadd.s32 $0x80, s12;
	v1 =	vsel vm0, v1, v2  }
0x147: {  	[tilespmem:s5+$0xFFFFFFC0] =	vst v1  }
0x148: {  	v1 =	vld [tilespmem:s16+$0xFFFFFFC0];
	_ =	sdelay $0x4  }
0x149: {  	v1 =	vnsel vm0, $0x0, v1  }
0x14a: {  	[tilespmem:s16+$0xFFFFFFC0] =	vst v1  }
0x14b: {  	v1 =	vld [tilespmem:s1+$0x10];
	_ =	sdelay $0x4  }
0x14c: {  	v1 =	vsub.s32 v1, v0  }
0x14d: {  	vm13 =	vlt.u32 v1, $0x1A0000;
	v2 =	vand.u32 $0xFFFFF, v1  }
0x14e: {  	v1 =	vsel vm13, v1, v2  }
0x14f: {  	[tilespmem:s5+$0xFFFFFFD0] =	vst v1  }
0x150: {  	v1 =	vld [tilespmem:s16+$0xFFFFFFD0];
	_ =	sdelay $0x4  }
0x151: {  	v1 =	vnsel vm13, $0x0, v1  }
0x152: {  	[tilespmem:s16+$0xFFFFFFD0] =	vst v1  }
0x153: {  	v1 =	vld [tilespmem:s1+$0x20];
	_ =	sdelay $0x4  }
0x154: {  	v1 =	vsub.s32 v1, v0  }
0x155: {  	vm14 =	vlt.u32 v1, $0x1A0000;
	v2 =	vand.u32 $0xFFFFF, v1  }
0x156: {  	v1 =	vsel vm14, v1, v2  }
0x157: {  	[tilespmem:s5+$0xFFFFFFE0] =	vst v1  }
0x158: {  	v1 =	vld [tilespmem:s16+$0xFFFFFFE0];
	_ =	sdelay $0x4  }
0x159: {  	v1 =	vnsel vm14, $0x0, v1  }
0x15a: {  	[tilespmem:s16+$0xFFFFFFE0] =	vst v1  }
0x15b: {  	v1 =	vld [tilespmem:s1+$0x30];
	_ =	sdelay $0x4  }
0x15c: {  	v1 =	vsub.s32 v1, v0  }
0x15d: {  	vm15 =	vlt.u32 v1, $0x1A0000;
	v2 =	vand.u32 $0xFFFFF, v1  }
0x15e: {  	v1 =	vsel vm15, v1, v2  }
0x15f: {  	[tilespmem:s5+$0xFFFFFFF0] =	vst v1  }
0x160: {  	v1 =	vld [tilespmem:s16+$0xFFFFFFF0];
	_ =	sdelay $0x4  }
0x161: {  	v1 =	vnsel vm15, $0x0, v1  }
0x162: {  	[tilespmem:s16+$0xFFFFFFF0] =	vst v1  }
0x163: {  	v1 =	vld [tilespmem:s1+$0x40];
	_ =	sdelay $0x4  }
0x164: {  	v1 =	vsub.s32 v1, v0  }
0x165: {  	vm4 =	vlt.u32 v1, $0x1A0000;
	v2 =	vand.u32 $0xFFFFF, v1  }
0x166: {  	v1 =	vsel vm4, v1, v2  }
0x167: {  	[tilespmem:s5+$0x0] =	vst v1  }
0x168: {  	v1 =	vld [tilespmem:s16+$0x0];
	_ =	sdelay $0x4  }
0x169: {  	v1 =	vnsel vm4, $0x0, v1  }
0x16a: {  	[tilespmem:s16+$0x0] =	vst v1  }
0x16b: {  	v1 =	vld [tilespmem:s1+$0x50];
	_ =	sdelay $0x4  }
0x16c: {  	v1 =	vsub.s32 v1, v0  }
0x16d: {  	vm5 =	vlt.u32 v1, $0x1A0000;
	v2 =	vand.u32 $0xFFFFF, v1  }
0x16e: {  	v1 =	vsel vm5, v1, v2  }
0x16f: {  	[tilespmem:s5+$0x10] =	vst v1  }
0x170: {  	v1 =	vld [tilespmem:s16+$0x10];
	_ =	sdelay $0x4  }
0x171: {  	v1 =	vnsel vm5, $0x0, v1  }
0x172: {  	[tilespmem:s16+$0x10] =	vst v1  }
0x173: {  	v1 =	vld [tilespmem:s1+$0x60];
	_ =	sdelay $0x4  }
0x174: {  	v1 =	vsub.s32 v1, v0  }
0x175: {  	vm6 =	vlt.u32 v1, $0x1A0000;
	v2 =	vand.u32 $0xFFFFF, v1  }
0x176: {  	v1 =	vsel vm6, v1, v2  }
0x177: {  	[tilespmem:s5+$0x20] =	vst v1  }
0x178: {  	v1 =	vld [tilespmem:s16+$0x20];
	_ =	sdelay $0x4  }
0x179: {  	v1 =	vnsel vm6, $0x0, v1  }
0x17a: {  	[tilespmem:s16+$0x20] =	vst v1  }
0x17b: {  	v1 =	vld [tilespmem:s1+$0x70];
	_ =	sdelay $0x4  }
0x17c: {  	v1 =	vsub.s32 v1, v0  }
0x17d: {  	vm7 =	vlt.u32 v1, $0x1A0000;
	v2 =	vand.u32 $0xFFFFF, v1  }
0x17e: {  	v1 =	vsel vm7, v1, v2  }
0x17f: {  	[tilespmem:s5+$0x30] =	vst v1  }
0x180: {  	v1 =	vld [tilespmem:s16+$0x30];
	_ =	sdelay $0x4  }
0x181: {  	v1 =	vnsel vm7, $0x0, v1  }
0x182: {  	s12 =	simm.s32 $0x1000;
	[tilespmem:s16+$0x30] =	vst v1;
	s16 =	simm.s32 $0x3000  }
0x183: {  	[spmem:s2] =	stream.indirect.scatter.add.f32 [tilespmem:s12], [sflag:$0x7], $0x1, s16, s21, $0xb8;
	[tilespmem:$0x1FC00] =	vst v63  }
0x184: {  	s18 =	simm.s32 $0x1200;
	s19 =	simm.s32 $0x3080  }
0x185: {  	[spmem:s2] =	stream.indirect.scatter.add.f32 [tilespmem:s18], [sflag:$0x7], $0x1, s19, s21, $0xb8;
	[tilespmem:$0x1FC00] =	vst v63  }
0x186: {  	s7 =	simm.s32 $0x1400;
	s11 =	simm.s32 $0x3100  }
0x187: {  	[spmem:s2] =	stream.indirect.scatter.add.f32 [tilespmem:s7], [sflag:$0x7], $0x1, s11, s21, $0xb8;
	[tilespmem:$0x1FC00] =	vst v63  }
0x188: {  	s12 =	simm.s32 $0x1600;
	s16 =	simm.s32 $0x3180  }
0x189: {  	[spmem:s2] =	stream.indirect.scatter.add.f32 [tilespmem:s12], [sflag:$0x7], $0x1, s16, s21, $0xb8;
	[tilespmem:$0x1FC00] =	vst v63  }
0x18a: {  	s18 =	simm.s32 $0x1800;
	s19 =	simm.s32 $0x3200  }
0x18b: {  	[spmem:s2] =	stream.indirect.scatter.add.f32 [tilespmem:s18], [sflag:$0x7], $0x1, s19, s21, $0xb8;
	[tilespmem:$0x1FC00] =	vst v63  }
0x18c: {  	s7 =	simm.s32 $0x1A00;
	s11 =	simm.s32 $0x3280  }
0x18d: {  	[spmem:s2] =	stream.indirect.scatter.add.f32 [tilespmem:s7], [sflag:$0x7], $0x1, s11, s21, $0xb8;
	[tilespmem:$0x1FC00] =	vst v63  }
0x18e: {  	s12 =	simm.s32 $0x1C00;
	s16 =	simm.s32 $0x3300  }
0x18f: {  	[spmem:s2] =	stream.indirect.scatter.add.f32 [tilespmem:s12], [sflag:$0x7], $0x1, s16, s21, $0xb8;
	[tilespmem:$0x1FC00] =	vst v63  }
0x190: {  	s18 =	simm.s32 $0x1E00;
	s19 =	simm.s32 $0x3380  }
0x191: {  	[spmem:s2] =	stream.indirect.scatter.add.f32 [tilespmem:s18], [sflag:$0x7], $0x1, s19, s21, $0xb8;
	[tilespmem:$0x1FC00] =	vst v63  }
0x192: {  	s7 =	simm.s32 $0x2000;
	s11 =	simm.s32 $0x3400  }
0x193: {  	[spmem:s2] =	stream.indirect.scatter.add.f32 [tilespmem:s7], [sflag:$0x7], $0x1, s11, s21, $0xb8;
	[tilespmem:$0x1FC00] =	vst v63  }
0x194: {  	s12 =	simm.s32 $0x2200;
	s16 =	simm.s32 $0x3480  }
0x195: {  	[spmem:s2] =	stream.indirect.scatter.add.f32 [tilespmem:s12], [sflag:$0x7], $0x1, s16, s21, $0xb8;
	[tilespmem:$0x1FC00] =	vst v63  }
0x196: {  	s18 =	simm.s32 $0x2400;
	s19 =	simm.s32 $0x3500  }
0x197: {  	[spmem:s2] =	stream.indirect.scatter.add.f32 [tilespmem:s18], [sflag:$0x7], $0x1, s19, s21, $0xb8;
	[tilespmem:$0x1FC00] =	vst v63  }
0x198: {  	s7 =	simm.s32 $0x2600;
	s11 =	simm.s32 $0x3580  }
0x199: {  	[spmem:s2] =	stream.indirect.scatter.add.f32 [tilespmem:s7], [sflag:$0x7], $0x1, s11, s21, $0xb8;
	[tilespmem:$0x1FC00] =	vst v63  }
0x19a: {  	s12 =	simm.s32 $0x2800;
	s16 =	simm.s32 $0x3600  }
0x19b: {  	[spmem:s2] =	stream.indirect.scatter.add.f32 [tilespmem:s12], [sflag:$0x7], $0x1, s16, s21, $0xb8;
	[tilespmem:$0x1FC00] =	vst v63  }
0x19c: {  	s18 =	simm.s32 $0x2A00;
	s19 =	simm.s32 $0x3680  }
0x19d: {  	[spmem:s2] =	stream.indirect.scatter.add.f32 [tilespmem:s18], [sflag:$0x7], $0x1, s19, s21, $0xb8;
	[tilespmem:$0x1FC00] =	vst v63  }
0x19e: {  	p0 =	seq.s32 s0, $0x0;
	s7 =	simm.s32 $0x2C00;
	s11 =	simm.s32 $0x3700  }
0x19f: {  	[spmem:s2] =	stream.indirect.scatter.add.f32 [tilespmem:s7], [sflag:$0x7], $0x1, s11, s21, $0xb8;
	[tilespmem:$0x1FC00] =	vst v63  }
0x1a0: {  	s1 =	simm.s32 @!p0 $0x9;
	s12 =	simm.s32 $0x2E00;
	s16 =	simm.s32 $0x3780  }
0x1a1: {  	[spmem:s2] =	stream.indirect.scatter.add.f32 [tilespmem:s12], [sflag:$0x7], $0x1, s16, s21, $0xb8;
	[tilespmem:$0x1FC00] =	vst v63  }
0x1a2: {  	s18 =	rddreg [dreg:$0x5];
	s12 =	sshll.u32 s0, $0xD;
	_ =	swait.ge @!p0 [sflag:s1], $0x800  }
0x1a3: {  	s5 =	sadd.s32 s18, s12;
	[sflag:s1] =	ssyncset.done @!p0 $0x0  }
0x1a4: {  	s5 =	sshrl.u32 s5, $0x3;
	[sflag:s1] =	ssyncadd.s32 @!p0 $0xFFFFF800  }
0x1a5: {  	s5 =	sor.u32 $0x200, s5;
	s1 =	rddreg [dreg:$0x0]  }
0x1a6: {  	s7 =	sadd.s32 s1, s5;
	s1 =	simm.s32 $0x0  }
0x1a7: {  	[tilespmem:s1], [sflag:$0x1] =	stream.linear.gather [hbm4b:s7+s1], $0x80, $0x38;
	[tilespmem:$0x1FC00] =	vst v63  }
0x1a8: {  	s19 =	simm.s32 $0x100;
	s11 =	sadd.s32 $0x10, s7  }
0x1a9: {  	[tilespmem:s19], [sflag:$0x1] =	stream.linear.gather [hbm4b:s11+s1], $0x80, $0x38;
	[tilespmem:$0x1FC00] =	vst v63  }
0x1aa: {  	s18 =	sadd.s32 $0x20, s7;
	s19 =	simm.s32 $0x200  }
0x1ab: {  	[tilespmem:s19], [sflag:$0x1] =	stream.linear.gather [hbm4b:s18+s1], $0x80, $0x38;
	[tilespmem:$0x1FC00] =	vst v63  }
0x1ac: {  	s18 =	sadd.s32 $0x30, s7;
	s19 =	simm.s32 $0x300  }
0x1ad: {  	[tilespmem:s19], [sflag:$0x1] =	stream.linear.gather [hbm4b:s18+s1], $0x80, $0x38;
	[tilespmem:$0x1FC00] =	vst v63  }
0x1ae: {  	s18 =	sadd.s32 $0x40, s7;
	s19 =	simm.s32 $0x400  }
0x1af: {  	[tilespmem:s19], [sflag:$0x1] =	stream.linear.gather [hbm4b:s18+s1], $0x80, $0x38;
	[tilespmem:$0x1FC00] =	vst v63  }
0x1b0: {  	s18 =	sadd.s32 $0x50, s7;
	s19 =	simm.s32 $0x500  }
0x1b1: {  	[tilespmem:s19], [sflag:$0x1] =	stream.linear.gather [hbm4b:s18+s1], $0x80, $0x38;
	[tilespmem:$0x1FC00] =	vst v63  }
0x1b2: {  	s18 =	sadd.s32 $0x60, s7;
	s19 =	simm.s32 $0x600  }
0x1b3: {  	[tilespmem:s19], [sflag:$0x1] =	stream.linear.gather [hbm4b:s18+s1], $0x80, $0x38;
	[tilespmem:$0x1FC00] =	vst v63  }
0x1b4: {  	s18 =	sadd.s32 $0x70, s7;
	s19 =	simm.s32 $0x700  }
0x1b5: {  	[tilespmem:s19], [sflag:$0x1] =	stream.linear.gather [hbm4b:s18+s1], $0x80, $0x38;
	[tilespmem:$0x1FC00] =	vst v63  }
0x1b6: {  	s18 =	sadd.s32 $0x80, s7;
	s19 =	simm.s32 $0x800  }
0x1b7: {  	[tilespmem:s19], [sflag:$0x1] =	stream.linear.gather [hbm4b:s18+s1], $0x80, $0x38;
	[tilespmem:$0x1FC00] =	vst v63  }
0x1b8: {  	s18 =	sadd.s32 $0x90, s7;
	s19 =	simm.s32 $0x900  }
0x1b9: {  	[tilespmem:s19], [sflag:$0x1] =	stream.linear.gather [hbm4b:s18+s1], $0x80, $0x38;
	[tilespmem:$0x1FC00] =	vst v63  }
0x1ba: {  	s18 =	sadd.s32 $0xA0, s7;
	s19 =	simm.s32 $0xA00  }
0x1bb: {  	[tilespmem:s19], [sflag:$0x1] =	stream.linear.gather [hbm4b:s18+s1], $0x80, $0x38;
	[tilespmem:$0x1FC00] =	vst v63  }
0x1bc: {  	s18 =	sadd.s32 $0xB0, s7;
	s19 =	simm.s32 $0xB00  }
0x1bd: {  	[tilespmem:s19], [sflag:$0x1] =	stream.linear.gather [hbm4b:s18+s1], $0x80, $0x38;
	[tilespmem:$0x1FC00] =	vst v63  }
0x1be: {  	s18 =	sadd.s32 $0xC0, s7;
	s19 =	simm.s32 $0xC00  }
0x1bf: {  	[tilespmem:s19], [sflag:$0x1] =	stream.linear.gather [hbm4b:s18+s1], $0x80, $0x38;
	[tilespmem:$0x1FC00] =	vst v63  }
0x1c0: {  	s18 =	sadd.s32 $0xD0, s7;
	s19 =	simm.s32 $0xD00  }
0x1c1: {  	[tilespmem:s19], [sflag:$0x1] =	stream.linear.gather [hbm4b:s18+s1], $0x80, $0x38;
	[tilespmem:$0x1FC00] =	vst v63  }
0x1c2: {  	s18 =	sadd.s32 $0xE0, s7;
	s19 =	simm.s32 $0xE00  }
0x1c3: {  	[tilespmem:s19], [sflag:$0x1] =	stream.linear.gather [hbm4b:s18+s1], $0x80, $0x38;
	[tilespmem:$0x1FC00] =	vst v63  }
0x1c4: {  	s7 =	sadd.s32 $0xF0, s7;
	s18 =	simm.s32 $0xF00  }
0x1c5: {  	[tilespmem:s18], [sflag:$0x1] =	stream.linear.gather [hbm4b:s7+s1], $0x80, $0x38;
	[tilespmem:$0x1FC00] =	vst v63  }
0x1c6: {  	s5 =	sadd.s32 s6, s5;
	s19 =	simm.s32 $0x1100  }
0x1c7: {  	[tilespmem:s19], [sflag:$0x5] =	stream.linear.gather [hbm4b:s5+s1], $0x80, $0x38;
	[tilespmem:$0x1FC00] =	vst v63  }
0x1c8: {  	s16 =	simm.s32 $0x1300;
	s11 =	sadd.s32 $0x10, s5  }
0x1c9: {  	[tilespmem:s16], [sflag:$0x5] =	stream.linear.gather [hbm4b:s11+s1], $0x80, $0x38;
	[tilespmem:$0x1FC00] =	vst v63  }
0x1ca: {  	s18 =	sadd.s32 $0x20, s5;
	s19 =	simm.s32 $0x1500  }
0x1cb: {  	[tilespmem:s19], [sflag:$0x5] =	stream.linear.gather [hbm4b:s18+s1], $0x80, $0x38;
	[tilespmem:$0x1FC00] =	vst v63  }
0x1cc: {  	s11 =	sadd.s32 $0x30, s5;
	s16 =	simm.s32 $0x1700  }
0x1cd: {  	[tilespmem:s16], [sflag:$0x5] =	stream.linear.gather [hbm4b:s11+s1], $0x80, $0x38;
	[tilespmem:$0x1FC00] =	vst v63  }
0x1ce: {  	s18 =	sadd.s32 $0x40, s5;
	s19 =	simm.s32 $0x1900  }
0x1cf: {  	[tilespmem:s19], [sflag:$0x5] =	stream.linear.gather [hbm4b:s18+s1], $0x80, $0x38;
	[tilespmem:$0x1FC00] =	vst v63  }
0x1d0: {  	s11 =	sadd.s32 $0x50, s5;
	s16 =	simm.s32 $0x1B00  }
0x1d1: {  	[tilespmem:s16], [sflag:$0x5] =	stream.linear.gather [hbm4b:s11+s1], $0x80, $0x38;
	[tilespmem:$0x1FC00] =	vst v63  }
0x1d2: {  	s18 =	sadd.s32 $0x60, s5;
	s19 =	simm.s32 $0x1D00  }
0x1d3: {  	[tilespmem:s19], [sflag:$0x5] =	stream.linear.gather [hbm4b:s18+s1], $0x80, $0x38;
	[tilespmem:$0x1FC00] =	vst v63  }
0x1d4: {  	s11 =	sadd.s32 $0x70, s5;
	s16 =	simm.s32 $0x1F00  }
0x1d5: {  	[tilespmem:s16], [sflag:$0x5] =	stream.linear.gather [hbm4b:s11+s1], $0x80, $0x38;
	[tilespmem:$0x1FC00] =	vst v63  }
0x1d6: {  	s18 =	sadd.s32 $0x80, s5;
	s19 =	simm.s32 $0x2100  }
0x1d7: {  	[tilespmem:s19], [sflag:$0x5] =	stream.linear.gather [hbm4b:s18+s1], $0x80, $0x38;
	[tilespmem:$0x1FC00] =	vst v63  }
0x1d8: {  	s11 =	sadd.s32 $0x90, s5;
	s16 =	simm.s32 $0x2300  }
0x1d9: {  	[tilespmem:s16], [sflag:$0x5] =	stream.linear.gather [hbm4b:s11+s1], $0x80, $0x38;
	[tilespmem:$0x1FC00] =	vst v63  }
0x1da: {  	s18 =	sadd.s32 $0xA0, s5;
	s19 =	simm.s32 $0x2500  }
0x1db: {  	[tilespmem:s19], [sflag:$0x5] =	stream.linear.gather [hbm4b:s18+s1], $0x80, $0x38;
	[tilespmem:$0x1FC00] =	vst v63  }
0x1dc: {  	s11 =	sadd.s32 $0xB0, s5;
	s16 =	simm.s32 $0x2700  }
0x1dd: {  	[tilespmem:s16], [sflag:$0x5] =	stream.linear.gather [hbm4b:s11+s1], $0x80, $0x38;
	[tilespmem:$0x1FC00] =	vst v63  }
0x1de: {  	s18 =	sadd.s32 $0xC0, s5;
	s19 =	simm.s32 $0x2900  }
0x1df: {  	[tilespmem:s19], [sflag:$0x5] =	stream.linear.gather [hbm4b:s18+s1], $0x80, $0x38;
	[tilespmem:$0x1FC00] =	vst v63  }
0x1e0: {  	s11 =	sadd.s32 $0xD0, s5;
	s16 =	simm.s32 $0x2B00  }
0x1e1: {  	[tilespmem:s16], [sflag:$0x5] =	stream.linear.gather [hbm4b:s11+s1], $0x80, $0x38;
	[tilespmem:$0x1FC00] =	vst v63  }
0x1e2: {  	s18 =	sadd.s32 $0xE0, s5;
	s19 =	simm.s32 $0x2D00  }
0x1e3: {  	[tilespmem:s19], [sflag:$0x5] =	stream.linear.gather [hbm4b:s18+s1], $0x80, $0x38;
	[tilespmem:$0x1FC00] =	vst v63  }
0x1e4: {  	s5 =	sadd.s32 $0xF0, s5;
	s11 =	simm.s32 $0x2F00  }
0x1e5: {  	[tilespmem:s11], [sflag:$0x5] =	stream.linear.gather [hbm4b:s5+s1], $0x80, $0x38;
	[tilespmem:$0x1FC00] =	vst v63  }
0x1e6: {  	_ =	swait.ge [sflag:s15], $0x800  }
0x1e7: {  	[sflag:s15] =	ssyncset.done $0x0  }
0x1e8: {  	s16 =	simm.s32 $0x4;
	[sflag:s15] =	ssyncadd.s32 $0xFFFFF800  }
0x1e9: {  	_ =	swait.ge [sflag:s16], $0x800  }
0x1ea: {  	[sflag:s16] =	ssyncset.done $0x0  }
0x1eb: {  	s18 =	simm.s32 $0x0;
	[sflag:s16] =	ssyncadd.s32 $0xFFFFF800  }
0x1ec: {  	v1 =	vld [tilespmem:s18+$0x80];
	_ =	sdelay $0x4  }
0x1ed: {  	v1 =	vsub.s32 v1, v0  }
0x1ee: {  	vm8 =	vlt.u32 v1, $0x1A0000;
	v2 =	vand.u32 $0xFFFFF, v1  }
0x1ef: {  	s16 =	simm.s32 $0x3870;
	v1 =	vsel vm8, v1, v2  }
0x1f0: {  	s19 =	simm.s32 $0x10F0;
	[tilespmem:s16+$0xFFFFFF90] =	vst v1  }
0x1f1: {  	v1 =	vld [tilespmem:s19+$0xFFFFFF90];
	_ =	sdelay $0x4  }
0x1f2: {  	v1 =	vnsel vm8, $0x0, v1  }
0x1f3: {  	[tilespmem:s19+$0xFFFFFF90] =	vst v1  }
0x1f4: {  	v1 =	vld [tilespmem:s18+$0x90];
	_ =	sdelay $0x4  }
0x1f5: {  	v1 =	vsub.s32 v1, v0  }
0x1f6: {  	vm9 =	vlt.u32 v1, $0x1A0000;
	v2 =	vand.u32 $0xFFFFF, v1  }
0x1f7: {  	v1 =	vsel vm9, v1, v2  }
0x1f8: {  	[tilespmem:s16+$0xFFFFFFA0] =	vst v1  }
0x1f9: {  	v1 =	vld [tilespmem:s19+$0xFFFFFFA0];
	_ =	sdelay $0x4  }
0x1fa: {  	v1 =	vnsel vm9, $0x0, v1  }
0x1fb: {  	[tilespmem:s19+$0xFFFFFFA0] =	vst v1  }
0x1fc: {  	v1 =	vld [tilespmem:s18+$0xA0];
	_ =	sdelay $0x4  }
0x1fd: {  	v1 =	vsub.s32 v1, v0  }
0x1fe: {  	vm10 =	vlt.u32 v1, $0x1A0000;
	v2 =	vand.u32 $0xFFFFF, v1  }
0x1ff: {  	v1 =	vsel vm10, v1, v2  }
0x200: {  	[tilespmem:s16+$0xFFFFFFB0] =	vst v1  }
0x201: {  	v1 =	vld [tilespmem:s19+$0xFFFFFFB0];
	_ =	sdelay $0x4  }
0x202: {  	v1 =	vnsel vm10, $0x0, v1  }
0x203: {  	[tilespmem:s19+$0xFFFFFFB0] =	vst v1  }
0x204: {  	v1 =	vld [tilespmem:s18+$0xB0];
	_ =	sdelay $0x4  }
0x205: {  	v1 =	vsub.s32 v1, v0  }
0x206: {  	vm11 =	vlt.u32 v1, $0x1A0000;
	v2 =	vand.u32 $0xFFFFF, v1  }
0x207: {  	v1 =	vsel vm11, v1, v2  }
0x208: {  	[tilespmem:s16+$0xFFFFFFC0] =	vst v1  }
0x209: {  	v1 =	vld [tilespmem:s19+$0xFFFFFFC0];
	_ =	sdelay $0x4  }
0x20a: {  	v1 =	vnsel vm11, $0x0, v1  }
0x20b: {  	[tilespmem:s19+$0xFFFFFFC0] =	vst v1  }
0x20c: {  	v1 =	vld [tilespmem:s18+$0xC0];
	_ =	sdelay $0x4  }
0x20d: {  	v1 =	vsub.s32 v1, v0  }
0x20e: {  	vm12 =	vlt.u32 v1, $0x1A0000;
	v2 =	vand.u32 $0xFFFFF, v1  }
0x20f: {  	v1 =	vsel vm12, v1, v2  }
0x210: {  	[tilespmem:s16+$0xFFFFFFD0] =	vst v1  }
0x211: {  	v1 =	vld [tilespmem:s19+$0xFFFFFFD0];
	_ =	sdelay $0x4  }
0x212: {  	v1 =	vnsel vm12, $0x0, v1  }
0x213: {  	[tilespmem:s19+$0xFFFFFFD0] =	vst v1  }
0x214: {  	v1 =	vld [tilespmem:s18+$0xD0];
	_ =	sdelay $0x4  }
0x215: {  	v1 =	vsub.s32 v1, v0  }
0x216: {  	vm13 =	vlt.u32 v1, $0x1A0000;
	v2 =	vand.u32 $0xFFFFF, v1  }
0x217: {  	v1 =	vsel vm13, v1, v2  }
0x218: {  	[tilespmem:s16+$0xFFFFFFE0] =	vst v1  }
0x219: {  	v1 =	vld [tilespmem:s19+$0xFFFFFFE0];
	_ =	sdelay $0x4  }
0x21a: {  	v1 =	vnsel vm13, $0x0, v1  }
0x21b: {  	[tilespmem:s19+$0xFFFFFFE0] =	vst v1  }
0x21c: {  	v1 =	vld [tilespmem:s18+$0xE0];
	_ =	sdelay $0x4  }
0x21d: {  	v1 =	vsub.s32 v1, v0  }
0x21e: {  	vm14 =	vlt.u32 v1, $0x1A0000;
	v2 =	vand.u32 $0xFFFFF, v1  }
0x21f: {  	v1 =	vsel vm14, v1, v2  }
0x220: {  	[tilespmem:s16+$0xFFFFFFF0] =	vst v1  }
0x221: {  	v1 =	vld [tilespmem:s19+$0xFFFFFFF0];
	_ =	sdelay $0x4  }
0x222: {  	v1 =	vnsel vm14, $0x0, v1  }
0x223: {  	[tilespmem:s19+$0xFFFFFFF0] =	vst v1  }
0x224: {  	v1 =	vld [tilespmem:s18+$0xF0];
	_ =	sdelay $0x4  }
0x225: {  	v1 =	vsub.s32 v1, v0  }
0x226: {  	vm15 =	vlt.u32 v1, $0x1A0000;
	v2 =	vand.u32 $0xFFFFF, v1  }
0x227: {  	v1 =	vsel vm15, v1, v2  }
0x228: {  	[tilespmem:s16+$0x0] =	vst v1  }
0x229: {  	v1 =	vld [tilespmem:s19+$0x0];
	_ =	sdelay $0x4  }
0x22a: {  	s7 =	simm.s32 $0x12F0;
	s5 =	simm.s32 $0x800;
	s18 =	simm.s32 $0x400;
	v1 =	vnsel vm15, $0x0, v1  }
.LBB2_10:
0x22b: {  	s1 =	sshra.s32 s18, $0x2;
	s16 =	sadd.s32 $0x80, s16  }
0x22c: {  	[tilespmem:s19+$0x0] =	vst v1;
	s18 =	smov.u32 s5;
	s11 =	sadd.s32 $0x400, s5;
	s19 =	smov.u32 s7  }
0x22d: {  	p1 =	sne.s32 s5, $0x3C00;
	v1 =	vld [tilespmem:s1+$0x80];
	_ =	sdelay $0x4  }
0x22e: {  	v1 =	vsub.s32 v1, v0  }
0x22f: {  	vm0 =	vlt.u32 v1, $0x1A0000;
	v2 =	vand.u32 $0xFFFFF, v1  }
0x230: {  	v1 =	vsel vm0, v1, v2  }
0x231: {  	[tilespmem:s16+$0xFFFFFF90] =	vst v1  }
0x232: {  	v1 =	vld [tilespmem:s7+$0xFFFFFF90];
	_ =	sdelay $0x4  }
0x233: {  	v1 =	vnsel vm0, $0x0, v1  }
0x234: {  	[tilespmem:s7+$0xFFFFFF90] =	vst v1  }
0x235: {  	v1 =	vld [tilespmem:s1+$0x90];
	_ =	sdelay $0x4  }
0x236: {  	v1 =	vsub.s32 v1, v0  }
0x237: {  	vm0 =	vlt.u32 v1, $0x1A0000;
	v2 =	vand.u32 $0xFFFFF, v1  }
0x238: {  	v1 =	vsel vm0, v1, v2  }
0x239: {  	[tilespmem:s16+$0xFFFFFFA0] =	vst v1  }
0x23a: {  	v1 =	vld [tilespmem:s7+$0xFFFFFFA0];
	_ =	sdelay $0x4  }
0x23b: {  	v1 =	vnsel vm0, $0x0, v1  }
0x23c: {  	[tilespmem:s7+$0xFFFFFFA0] =	vst v1  }
0x23d: {  	v1 =	vld [tilespmem:s1+$0xA0];
	_ =	sdelay $0x4  }
0x23e: {  	v1 =	vsub.s32 v1, v0  }
0x23f: {  	vm0 =	vlt.u32 v1, $0x1A0000;
	v2 =	vand.u32 $0xFFFFF, v1  }
0x240: {  	v1 =	vsel vm0, v1, v2  }
0x241: {  	[tilespmem:s16+$0xFFFFFFB0] =	vst v1  }
0x242: {  	v1 =	vld [tilespmem:s7+$0xFFFFFFB0];
	_ =	sdelay $0x4  }
0x243: {  	v1 =	vnsel vm0, $0x0, v1  }
0x244: {  	[tilespmem:s7+$0xFFFFFFB0] =	vst v1  }
0x245: {  	v1 =	vld [tilespmem:s1+$0xB0];
	_ =	sdelay $0x4  }
0x246: {  	v1 =	vsub.s32 v1, v0  }
0x247: {  	vm0 =	vlt.u32 v1, $0x1A0000;
	v2 =	vand.u32 $0xFFFFF, v1  }
0x248: {  	v1 =	vsel vm0, v1, v2  }
0x249: {  	[tilespmem:s16+$0xFFFFFFC0] =	vst v1  }
0x24a: {  	v1 =	vld [tilespmem:s7+$0xFFFFFFC0];
	_ =	sdelay $0x4  }
0x24b: {  	v1 =	vnsel vm0, $0x0, v1  }
0x24c: {  	[tilespmem:s7+$0xFFFFFFC0] =	vst v1  }
0x24d: {  	v1 =	vld [tilespmem:s1+$0xC0];
	_ =	sdelay $0x4  }
0x24e: {  	v1 =	vsub.s32 v1, v0  }
0x24f: {  	vm0 =	vlt.u32 v1, $0x1A0000;
	v2 =	vand.u32 $0xFFFFF, v1  }
0x250: {  	v1 =	vsel vm0, v1, v2  }
0x251: {  	[tilespmem:s16+$0xFFFFFFD0] =	vst v1  }
0x252: {  	v1 =	vld [tilespmem:s7+$0xFFFFFFD0];
	_ =	sdelay $0x4  }
0x253: {  	v1 =	vnsel vm0, $0x0, v1  }
0x254: {  	[tilespmem:s7+$0xFFFFFFD0] =	vst v1  }
0x255: {  	v1 =	vld [tilespmem:s1+$0xD0];
	_ =	sdelay $0x4  }
0x256: {  	v1 =	vsub.s32 v1, v0  }
0x257: {  	vm0 =	vlt.u32 v1, $0x1A0000;
	v2 =	vand.u32 $0xFFFFF, v1  }
0x258: {  	v1 =	vsel vm0, v1, v2  }
0x259: {  	[tilespmem:s16+$0xFFFFFFE0] =	vst v1  }
0x25a: {  	v1 =	vld [tilespmem:s7+$0xFFFFFFE0];
	_ =	sdelay $0x4  }
0x25b: {  	v1 =	vnsel vm0, $0x0, v1  }
0x25c: {  	[tilespmem:s7+$0xFFFFFFE0] =	vst v1  }
0x25d: {  	v1 =	vld [tilespmem:s1+$0xE0];
	_ =	sdelay $0x4  }
0x25e: {  	v1 =	vsub.s32 v1, v0  }
0x25f: {  	vm0 =	vlt.u32 v1, $0x1A0000;
	v2 =	vand.u32 $0xFFFFF, v1  }
0x260: {  	v1 =	vsel vm0, v1, v2  }
0x261: {  	[tilespmem:s16+$0xFFFFFFF0] =	vst v1  }
0x262: {  	v1 =	vld [tilespmem:s7+$0xFFFFFFF0];
	_ =	sdelay $0x4  }
0x263: {  	v1 =	vnsel vm0, $0x0, v1  }
0x264: {  	[tilespmem:s7+$0xFFFFFFF0] =	vst v1  }
0x265: {  	v1 =	vld [tilespmem:s1+$0xF0];
	_ =	sdelay $0x4  }
0x266: {  	v1 =	vsub.s32 v1, v0  }
0x267: {  	vm0 =	vlt.u32 v1, $0x1A0000;
	v2 =	vand.u32 $0xFFFFF, v1  }
0x268: {  	v1 =	vsel vm0, v1, v2  }
0x269: {  	[tilespmem:s16+$0x0] =	vst v1  }
0x26a: {  	v1 =	vld [tilespmem:s7+$0x0]  }
.Ltmp5:
0x26b: {  	(pc) =	sbr.rel @p1 .LBB2_10-.Ltmp5, $2  }
0x26c: {  	_ =	sdelay $0x2  }
0x26d: {  	s5 =	smov.u32 s11;
	s7 =	sadd.s32 $0x200, s7;
	v1 =	vnsel vm0, $0x0, v1  }
0x26e: {  	s1 =	sshra.s32 s18, $0x2;
	[tilespmem:s19+$0x0] =	vst v1  }
0x26f: {  	v1 =	vld [tilespmem:s1+$0x80];
	_ =	sdelay $0x4  }
0x270: {  	v1 =	vsub.s32 v1, v0  }
0x271: {  	vm0 =	vlt.u32 v1, $0x1A0000;
	v2 =	vand.u32 $0xFFFFF, v1  }
0x272: {  	s5 =	sadd.s32 $0x80, s16;
	v1 =	vsel vm0, v1, v2  }
0x273: {  	[tilespmem:s5+$0xFFFFFF90] =	vst v1  }
0x274: {  	v1 =	vld [tilespmem:s7+$0xFFFFFF90];
	_ =	sdelay $0x4  }
0x275: {  	v1 =	vnsel vm0, $0x0, v1  }
0x276: {  	[tilespmem:s7+$0xFFFFFF90] =	vst v1  }
0x277: {  	v1 =	vld [tilespmem:s1+$0x90];
	_ =	sdelay $0x4  }
0x278: {  	v1 =	vsub.s32 v1, v0  }
0x279: {  	vm13 =	vlt.u32 v1, $0x1A0000;
	v2 =	vand.u32 $0xFFFFF, v1  }
0x27a: {  	v1 =	vsel vm13, v1, v2  }
0x27b: {  	[tilespmem:s5+$0xFFFFFFA0] =	vst v1  }
0x27c: {  	v1 =	vld [tilespmem:s7+$0xFFFFFFA0];
	_ =	sdelay $0x4  }
0x27d: {  	v1 =	vnsel vm13, $0x0, v1  }
0x27e: {  	[tilespmem:s7+$0xFFFFFFA0] =	vst v1  }
0x27f: {  	v1 =	vld [tilespmem:s1+$0xA0];
	_ =	sdelay $0x4  }
0x280: {  	v1 =	vsub.s32 v1, v0  }
0x281: {  	vm14 =	vlt.u32 v1, $0x1A0000;
	v2 =	vand.u32 $0xFFFFF, v1  }
0x282: {  	v1 =	vsel vm14, v1, v2  }
0x283: {  	[tilespmem:s5+$0xFFFFFFB0] =	vst v1  }
0x284: {  	v1 =	vld [tilespmem:s7+$0xFFFFFFB0];
	_ =	sdelay $0x4  }
0x285: {  	v1 =	vnsel vm14, $0x0, v1  }
0x286: {  	[tilespmem:s7+$0xFFFFFFB0] =	vst v1  }
0x287: {  	v1 =	vld [tilespmem:s1+$0xB0];
	_ =	sdelay $0x4  }
0x288: {  	v1 =	vsub.s32 v1, v0  }
0x289: {  	vm15 =	vlt.u32 v1, $0x1A0000;
	v2 =	vand.u32 $0xFFFFF, v1  }
0x28a: {  	v1 =	vsel vm15, v1, v2  }
0x28b: {  	[tilespmem:s5+$0xFFFFFFC0] =	vst v1  }
0x28c: {  	v1 =	vld [tilespmem:s7+$0xFFFFFFC0];
	_ =	sdelay $0x4  }
0x28d: {  	v1 =	vnsel vm15, $0x0, v1  }
0x28e: {  	[tilespmem:s7+$0xFFFFFFC0] =	vst v1  }
0x28f: {  	v1 =	vld [tilespmem:s1+$0xC0];
	_ =	sdelay $0x4  }
0x290: {  	v1 =	vsub.s32 v1, v0  }
0x291: {  	vm4 =	vlt.u32 v1, $0x1A0000;
	v2 =	vand.u32 $0xFFFFF, v1  }
0x292: {  	v1 =	vsel vm4, v1, v2  }
0x293: {  	[tilespmem:s5+$0xFFFFFFD0] =	vst v1  }
0x294: {  	v1 =	vld [tilespmem:s7+$0xFFFFFFD0];
	_ =	sdelay $0x4  }
0x295: {  	v1 =	vnsel vm4, $0x0, v1  }
0x296: {  	[tilespmem:s7+$0xFFFFFFD0] =	vst v1  }
0x297: {  	v1 =	vld [tilespmem:s1+$0xD0];
	_ =	sdelay $0x4  }
0x298: {  	v1 =	vsub.s32 v1, v0  }
0x299: {  	vm5 =	vlt.u32 v1, $0x1A0000;
	v2 =	vand.u32 $0xFFFFF, v1  }
0x29a: {  	v1 =	vsel vm5, v1, v2  }
0x29b: {  	[tilespmem:s5+$0xFFFFFFE0] =	vst v1  }
0x29c: {  	v1 =	vld [tilespmem:s7+$0xFFFFFFE0];
	_ =	sdelay $0x4  }
0x29d: {  	v1 =	vnsel vm5, $0x0, v1  }
0x29e: {  	[tilespmem:s7+$0xFFFFFFE0] =	vst v1  }
0x29f: {  	v1 =	vld [tilespmem:s1+$0xE0];
	_ =	sdelay $0x4  }
0x2a0: {  	v1 =	vsub.s32 v1, v0  }
0x2a1: {  	vm6 =	vlt.u32 v1, $0x1A0000;
	v2 =	vand.u32 $0xFFFFF, v1  }
0x2a2: {  	v1 =	vsel vm6, v1, v2  }
0x2a3: {  	[tilespmem:s5+$0xFFFFFFF0] =	vst v1  }
0x2a4: {  	v1 =	vld [tilespmem:s7+$0xFFFFFFF0];
	_ =	sdelay $0x4  }
0x2a5: {  	v1 =	vnsel vm6, $0x0, v1  }
0x2a6: {  	[tilespmem:s7+$0xFFFFFFF0] =	vst v1  }
0x2a7: {  	v1 =	vld [tilespmem:s1+$0xF0];
	_ =	sdelay $0x4  }
0x2a8: {  	v1 =	vsub.s32 v1, v0  }
0x2a9: {  	vm7 =	vlt.u32 v1, $0x1A0000;
	v2 =	vand.u32 $0xFFFFF, v1  }
0x2aa: {  	v1 =	vsel vm7, v1, v2  }
0x2ab: {  	[tilespmem:s5+$0x0] =	vst v1  }
0x2ac: {  	v1 =	vld [tilespmem:s7+$0x0];
	_ =	sdelay $0x4  }
0x2ad: {  	v1 =	vnsel vm7, $0x0, v1  }
0x2ae: {  	s11 =	simm.s32 $0x1080;
	s16 =	simm.s32 $0x3800;
	[tilespmem:s7+$0x0] =	vst v1  }
0x2af: {  	[spmem:s2] =	stream.indirect.scatter.add.f32 [tilespmem:s11], [sflag:$0x8], $0x1, s16, s21, $0xb8;
	[tilespmem:$0x1FC00] =	vst v63  }
0x2b0: {  	s18 =	simm.s32 $0x1280;
	s19 =	simm.s32 $0x3880  }
0x2b1: {  	[spmem:s2] =	stream.indirect.scatter.add.f32 [tilespmem:s18], [sflag:$0x8], $0x1, s19, s21, $0xb8;
	[tilespmem:$0x1FC00] =	vst v63  }
0x2b2: {  	s5 =	simm.s32 $0x1480;
	s7 =	simm.s32 $0x3900  }
0x2b3: {  	[spmem:s2] =	stream.indirect.scatter.add.f32 [tilespmem:s5], [sflag:$0x8], $0x1, s7, s21, $0xb8;
	[tilespmem:$0x1FC00] =	vst v63  }
0x2b4: {  	s11 =	simm.s32 $0x1680;
	s16 =	simm.s32 $0x3980  }
0x2b5: {  	[spmem:s2] =	stream.indirect.scatter.add.f32 [tilespmem:s11], [sflag:$0x8], $0x1, s16, s21, $0xb8;
	[tilespmem:$0x1FC00] =	vst v63  }
0x2b6: {  	s18 =	simm.s32 $0x1880;
	s19 =	simm.s32 $0x3A00  }
0x2b7: {  	[spmem:s2] =	stream.indirect.scatter.add.f32 [tilespmem:s18], [sflag:$0x8], $0x1, s19, s21, $0xb8;
	[tilespmem:$0x1FC00] =	vst v63  }
0x2b8: {  	s5 =	simm.s32 $0x1A80;
	s7 =	simm.s32 $0x3A80  }
0x2b9: {  	[spmem:s2] =	stream.indirect.scatter.add.f32 [tilespmem:s5], [sflag:$0x8], $0x1, s7, s21, $0xb8;
	[tilespmem:$0x1FC00] =	vst v63  }
0x2ba: {  	s11 =	simm.s32 $0x1C80;
	s16 =	simm.s32 $0x3B00  }
0x2bb: {  	[spmem:s2] =	stream.indirect.scatter.add.f32 [tilespmem:s11], [sflag:$0x8], $0x1, s16, s21, $0xb8;
	[tilespmem:$0x1FC00] =	vst v63  }
0x2bc: {  	s18 =	simm.s32 $0x1E80;
	s19 =	simm.s32 $0x3B80  }
0x2bd: {  	[spmem:s2] =	stream.indirect.scatter.add.f32 [tilespmem:s18], [sflag:$0x8], $0x1, s19, s21, $0xb8;
	[tilespmem:$0x1FC00] =	vst v63  }
0x2be: {  	s5 =	simm.s32 $0x2080;
	s7 =	simm.s32 $0x3C00  }
0x2bf: {  	[spmem:s2] =	stream.indirect.scatter.add.f32 [tilespmem:s5], [sflag:$0x8], $0x1, s7, s21, $0xb8;
	[tilespmem:$0x1FC00] =	vst v63  }
0x2c0: {  	s11 =	simm.s32 $0x2280;
	s16 =	simm.s32 $0x3C80  }
0x2c1: {  	[spmem:s2] =	stream.indirect.scatter.add.f32 [tilespmem:s11], [sflag:$0x8], $0x1, s16, s21, $0xb8;
	[tilespmem:$0x1FC00] =	vst v63  }
0x2c2: {  	s18 =	simm.s32 $0x2480;
	s19 =	simm.s32 $0x3D00  }
0x2c3: {  	[spmem:s2] =	stream.indirect.scatter.add.f32 [tilespmem:s18], [sflag:$0x8], $0x1, s19, s21, $0xb8;
	[tilespmem:$0x1FC00] =	vst v63  }
0x2c4: {  	s5 =	simm.s32 $0x2680;
	s7 =	simm.s32 $0x3D80  }
0x2c5: {  	[spmem:s2] =	stream.indirect.scatter.add.f32 [tilespmem:s5], [sflag:$0x8], $0x1, s7, s21, $0xb8;
	[tilespmem:$0x1FC00] =	vst v63  }
0x2c6: {  	s11 =	simm.s32 $0x2880;
	s16 =	simm.s32 $0x3E00  }
0x2c7: {  	[spmem:s2] =	stream.indirect.scatter.add.f32 [tilespmem:s11], [sflag:$0x8], $0x1, s16, s21, $0xb8;
	[tilespmem:$0x1FC00] =	vst v63  }
0x2c8: {  	s18 =	simm.s32 $0x2A80;
	s19 =	simm.s32 $0x3E80  }
0x2c9: {  	[spmem:s2] =	stream.indirect.scatter.add.f32 [tilespmem:s18], [sflag:$0x8], $0x1, s19, s21, $0xb8;
	[tilespmem:$0x1FC00] =	vst v63  }
0x2ca: {  	s5 =	simm.s32 $0x2C80;
	s7 =	simm.s32 $0x3F00  }
0x2cb: {  	[spmem:s2] =	stream.indirect.scatter.add.f32 [tilespmem:s5], [sflag:$0x8], $0x1, s7, s21, $0xb8;
	[tilespmem:$0x1FC00] =	vst v63  }
0x2cc: {  	s1 =	simm.s32 @!p0 $0xA;
	s11 =	simm.s32 $0x2E80;
	s16 =	simm.s32 $0x3F80  }
0x2cd: {  	[spmem:s2] =	stream.indirect.scatter.add.f32 [tilespmem:s11], [sflag:$0x8], $0x1, s16, s21, $0xb8;
	[tilespmem:$0x1FC00] =	vst v63  }
0x2ce: {  	s18 =	rddreg [dreg:$0xe];
	_ =	swait.ge @!p0 [sflag:s1], $0x800  }
0x2cf: {  	s5 =	sadd.s32 s12, s18;
	[sflag:s1] =	ssyncset.done @!p0 $0x0  }
0x2d0: {  	s5 =	sshrl.u32 s5, $0x3;
	[sflag:s1] =	ssyncadd.s32 @!p0 $0xFFFFF800  }
0x2d1: {  	s5 =	sor.u32 $0x200, s5;
	s1 =	rddreg [dreg:$0x0]  }
0x2d2: {  	s7 =	sadd.s32 s1, s5;
	s1 =	simm.s32 $0x0  }
0x2d3: {  	[tilespmem:s21], [sflag:$0x2] =	stream.linear.gather [hbm4b:s7+s1], $0x80, $0x38;
	[tilespmem:$0x1FC00] =	vst v63  }
0x2d4: {  	s19 =	simm.s32 $0x180;
	s11 =	sadd.s32 $0x10, s7  }
0x2d5: {  	[tilespmem:s19], [sflag:$0x2] =	stream.linear.gather [hbm4b:s11+s1], $0x80, $0x38;
	[tilespmem:$0x1FC00] =	vst v63  }
0x2d6: {  	s18 =	sadd.s32 $0x20, s7;
	s19 =	simm.s32 $0x280  }
0x2d7: {  	[tilespmem:s19], [sflag:$0x2] =	stream.linear.gather [hbm4b:s18+s1], $0x80, $0x38;
	[tilespmem:$0x1FC00] =	vst v63  }
0x2d8: {  	s18 =	sadd.s32 $0x30, s7;
	s19 =	simm.s32 $0x380  }
0x2d9: {  	[tilespmem:s19], [sflag:$0x2] =	stream.linear.gather [hbm4b:s18+s1], $0x80, $0x38;
	[tilespmem:$0x1FC00] =	vst v63  }
0x2da: {  	s18 =	sadd.s32 $0x40, s7;
	s19 =	simm.s32 $0x480  }
0x2db: {  	[tilespmem:s19], [sflag:$0x2] =	stream.linear.gather [hbm4b:s18+s1], $0x80, $0x38;
	[tilespmem:$0x1FC00] =	vst v63  }
0x2dc: {  	s18 =	sadd.s32 $0x50, s7;
	s19 =	simm.s32 $0x580  }
0x2dd: {  	[tilespmem:s19], [sflag:$0x2] =	stream.linear.gather [hbm4b:s18+s1], $0x80, $0x38;
	[tilespmem:$0x1FC00] =	vst v63  }
0x2de: {  	s18 =	sadd.s32 $0x60, s7;
	s19 =	simm.s32 $0x680  }
0x2df: {  	[tilespmem:s19], [sflag:$0x2] =	stream.linear.gather [hbm4b:s18+s1], $0x80, $0x38;
	[tilespmem:$0x1FC00] =	vst v63  }
0x2e0: {  	s18 =	sadd.s32 $0x70, s7;
	s19 =	simm.s32 $0x780  }
0x2e1: {  	[tilespmem:s19], [sflag:$0x2] =	stream.linear.gather [hbm4b:s18+s1], $0x80, $0x38;
	[tilespmem:$0x1FC00] =	vst v63  }
0x2e2: {  	s18 =	sadd.s32 $0x80, s7;
	s19 =	simm.s32 $0x880  }
0x2e3: {  	[tilespmem:s19], [sflag:$0x2] =	stream.linear.gather [hbm4b:s18+s1], $0x80, $0x38;
	[tilespmem:$0x1FC00] =	vst v63  }
0x2e4: {  	s18 =	sadd.s32 $0x90, s7;
	s19 =	simm.s32 $0x980  }
0x2e5: {  	[tilespmem:s19], [sflag:$0x2] =	stream.linear.gather [hbm4b:s18+s1], $0x80, $0x38;
	[tilespmem:$0x1FC00] =	vst v63  }
0x2e6: {  	s18 =	sadd.s32 $0xA0, s7;
	s19 =	simm.s32 $0xA80  }
0x2e7: {  	[tilespmem:s19], [sflag:$0x2] =	stream.linear.gather [hbm4b:s18+s1], $0x80, $0x38;
	[tilespmem:$0x1FC00] =	vst v63  }
0x2e8: {  	s18 =	sadd.s32 $0xB0, s7;
	s19 =	simm.s32 $0xB80  }
0x2e9: {  	[tilespmem:s19], [sflag:$0x2] =	stream.linear.gather [hbm4b:s18+s1], $0x80, $0x38;
	[tilespmem:$0x1FC00] =	vst v63  }
0x2ea: {  	s18 =	sadd.s32 $0xC0, s7;
	s19 =	simm.s32 $0xC80  }
0x2eb: {  	[tilespmem:s19], [sflag:$0x2] =	stream.linear.gather [hbm4b:s18+s1], $0x80, $0x38;
	[tilespmem:$0x1FC00] =	vst v63  }
0x2ec: {  	s18 =	sadd.s32 $0xD0, s7;
	s19 =	simm.s32 $0xD80  }
0x2ed: {  	[tilespmem:s19], [sflag:$0x2] =	stream.linear.gather [hbm4b:s18+s1], $0x80, $0x38;
	[tilespmem:$0x1FC00] =	vst v63  }
0x2ee: {  	s18 =	sadd.s32 $0xE0, s7;
	s19 =	simm.s32 $0xE80  }
0x2ef: {  	[tilespmem:s19], [sflag:$0x2] =	stream.linear.gather [hbm4b:s18+s1], $0x80, $0x38;
	[tilespmem:$0x1FC00] =	vst v63  }
0x2f0: {  	s7 =	sadd.s32 $0xF0, s7;
	s18 =	simm.s32 $0xF80  }
0x2f1: {  	[tilespmem:s18], [sflag:$0x2] =	stream.linear.gather [hbm4b:s7+s1], $0x80, $0x38;
	[tilespmem:$0x1FC00] =	vst v63  }
0x2f2: {  	s5 =	sadd.s32 s6, s5;
	s19 =	simm.s32 $0x1180  }
0x2f3: {  	[tilespmem:s19], [sflag:$0x6] =	stream.linear.gather [hbm4b:s5+s1], $0x80, $0x38;
	[tilespmem:$0x1FC00] =	vst v63  }
0x2f4: {  	s16 =	simm.s32 $0x1380;
	s11 =	sadd.s32 $0x10, s5  }
0x2f5: {  	[tilespmem:s16], [sflag:$0x6] =	stream.linear.gather [hbm4b:s11+s1], $0x80, $0x38;
	[tilespmem:$0x1FC00] =	vst v63  }
0x2f6: {  	s18 =	sadd.s32 $0x20, s5;
	s19 =	simm.s32 $0x1580  }
0x2f7: {  	[tilespmem:s19], [sflag:$0x6] =	stream.linear.gather [hbm4b:s18+s1], $0x80, $0x38;
	[tilespmem:$0x1FC00] =	vst v63  }
0x2f8: {  	s11 =	sadd.s32 $0x30, s5;
	s16 =	simm.s32 $0x1780  }
0x2f9: {  	[tilespmem:s16], [sflag:$0x6] =	stream.linear.gather [hbm4b:s11+s1], $0x80, $0x38;
	[tilespmem:$0x1FC00] =	vst v63  }
0x2fa: {  	s18 =	sadd.s32 $0x40, s5;
	s19 =	simm.s32 $0x1980  }
0x2fb: {  	[tilespmem:s19], [sflag:$0x6] =	stream.linear.gather [hbm4b:s18+s1], $0x80, $0x38;
	[tilespmem:$0x1FC00] =	vst v63  }
0x2fc: {  	s11 =	sadd.s32 $0x50, s5;
	s16 =	simm.s32 $0x1B80  }
0x2fd: {  	[tilespmem:s16], [sflag:$0x6] =	stream.linear.gather [hbm4b:s11+s1], $0x80, $0x38;
	[tilespmem:$0x1FC00] =	vst v63  }
0x2fe: {  	s18 =	sadd.s32 $0x60, s5;
	s19 =	simm.s32 $0x1D80  }
0x2ff: {  	[tilespmem:s19], [sflag:$0x6] =	stream.linear.gather [hbm4b:s18+s1], $0x80, $0x38;
	[tilespmem:$0x1FC00] =	vst v63  }
0x300: {  	s11 =	sadd.s32 $0x70, s5;
	s16 =	simm.s32 $0x1F80  }
0x301: {  	[tilespmem:s16], [sflag:$0x6] =	stream.linear.gather [hbm4b:s11+s1], $0x80, $0x38;
	[tilespmem:$0x1FC00] =	vst v63  }
0x302: {  	s18 =	sadd.s32 $0x80, s5;
	s19 =	simm.s32 $0x2180  }
0x303: {  	[tilespmem:s19], [sflag:$0x6] =	stream.linear.gather [hbm4b:s18+s1], $0x80, $0x38;
	[tilespmem:$0x1FC00] =	vst v63  }
0x304: {  	s11 =	sadd.s32 $0x90, s5;
	s16 =	simm.s32 $0x2380  }
0x305: {  	[tilespmem:s16], [sflag:$0x6] =	stream.linear.gather [hbm4b:s11+s1], $0x80, $0x38;
	[tilespmem:$0x1FC00] =	vst v63  }
0x306: {  	s18 =	sadd.s32 $0xA0, s5;
	s19 =	simm.s32 $0x2580  }
0x307: {  	[tilespmem:s19], [sflag:$0x6] =	stream.linear.gather [hbm4b:s18+s1], $0x80, $0x38;
	[tilespmem:$0x1FC00] =	vst v63  }
0x308: {  	s11 =	sadd.s32 $0xB0, s5;
	s16 =	simm.s32 $0x2780  }
0x309: {  	[tilespmem:s16], [sflag:$0x6] =	stream.linear.gather [hbm4b:s11+s1], $0x80, $0x38;
	[tilespmem:$0x1FC00] =	vst v63  }
0x30a: {  	s18 =	sadd.s32 $0xC0, s5;
	s19 =	simm.s32 $0x2980  }
0x30b: {  	[tilespmem:s19], [sflag:$0x6] =	stream.linear.gather [hbm4b:s18+s1], $0x80, $0x38;
	[tilespmem:$0x1FC00] =	vst v63  }
0x30c: {  	s11 =	sadd.s32 $0xD0, s5;
	s16 =	simm.s32 $0x2B80  }
0x30d: {  	[tilespmem:s16], [sflag:$0x6] =	stream.linear.gather [hbm4b:s11+s1], $0x80, $0x38;
	[tilespmem:$0x1FC00] =	vst v63  }
0x30e: {  	s18 =	sadd.s32 $0xE0, s5;
	s19 =	simm.s32 $0x2D80  }
0x30f: {  	[tilespmem:s19], [sflag:$0x6] =	stream.linear.gather [hbm4b:s18+s1], $0x80, $0x38;
	[tilespmem:$0x1FC00] =	vst v63  }
0x310: {  	s5 =	sadd.s32 $0xF0, s5;
	s11 =	simm.s32 $0x2F80;
	s16 =	simm.s32 $0x1  }
0x311: {  	[tilespmem:s11], [sflag:$0x6] =	stream.linear.gather [hbm4b:s5+s1], $0x80, $0x38;
	[tilespmem:$0x1FC00] =	vst v63  }
0x312: {  	_ =	swait.ge [sflag:s16], $0x800  }
0x313: {  	[sflag:s16] =	ssyncset.done $0x0  }
0x314: {  	s18 =	simm.s32 $0x5;
	[sflag:s16] =	ssyncadd.s32 $0xFFFFF800  }
0x315: {  	_ =	swait.ge [sflag:s18], $0x800  }
0x316: {  	[sflag:s18] =	ssyncset.done $0x0  }
0x317: {  	s7 =	simm.s32 $0x40;
	[sflag:s18] =	ssyncadd.s32 $0xFFFFF800  }
0x318: {  	v1 =	vld [tilespmem:s7+$0xFFFFFFC0];
	_ =	sdelay $0x4  }
0x319: {  	v1 =	vsub.s32 v1, v0  }
0x31a: {  	vm8 =	vlt.u32 v1, $0x1A0000;
	v2 =	vand.u32 $0xFFFFF, v1  }
0x31b: {  	s19 =	simm.s32 $0x0;
	v1 =	vsel vm8, v1, v2  }
0x31c: {  	s16 =	simm.s32 $0x1170;
	[tilespmem:s19+$0x4000] =	vst v1  }
0x31d: {  	v1 =	vld [tilespmem:s16+$0xFFFFFF90];
	_ =	sdelay $0x4  }
0x31e: {  	v1 =	vnsel vm8, $0x0, v1  }
0x31f: {  	[tilespmem:s16+$0xFFFFFF90] =	vst v1  }
0x320: {  	v1 =	vld [tilespmem:s7+$0xFFFFFFD0];
	_ =	sdelay $0x4  }
0x321: {  	v1 =	vsub.s32 v1, v0  }
0x322: {  	vm9 =	vlt.u32 v1, $0x1A0000;
	v2 =	vand.u32 $0xFFFFF, v1  }
0x323: {  	v1 =	vsel vm9, v1, v2  }
0x324: {  	[tilespmem:s19+$0x4010] =	vst v1  }
0x325: {  	v1 =	vld [tilespmem:s16+$0xFFFFFFA0];
	_ =	sdelay $0x4  }
0x326: {  	v1 =	vnsel vm9, $0x0, v1  }
0x327: {  	[tilespmem:s16+$0xFFFFFFA0] =	vst v1  }
0x328: {  	v1 =	vld [tilespmem:s7+$0xFFFFFFE0];
	_ =	sdelay $0x4  }
0x329: {  	v1 =	vsub.s32 v1, v0  }
0x32a: {  	vm10 =	vlt.u32 v1, $0x1A0000;
	v2 =	vand.u32 $0xFFFFF, v1  }
0x32b: {  	v1 =	vsel vm10, v1, v2  }
0x32c: {  	[tilespmem:s19+$0x4020] =	vst v1  }
0x32d: {  	v1 =	vld [tilespmem:s16+$0xFFFFFFB0];
	_ =	sdelay $0x4  }
0x32e: {  	v1 =	vnsel vm10, $0x0, v1  }
0x32f: {  	[tilespmem:s16+$0xFFFFFFB0] =	vst v1  }
0x330: {  	v1 =	vld [tilespmem:s7+$0xFFFFFFF0];
	_ =	sdelay $0x4  }
0x331: {  	v1 =	vsub.s32 v1, v0  }
0x332: {  	vm11 =	vlt.u32 v1, $0x1A0000;
	v2 =	vand.u32 $0xFFFFF, v1  }
0x333: {  	v1 =	vsel vm11, v1, v2  }
0x334: {  	[tilespmem:s19+$0x4030] =	vst v1  }
0x335: {  	v1 =	vld [tilespmem:s16+$0xFFFFFFC0];
	_ =	sdelay $0x4  }
0x336: {  	v1 =	vnsel vm11, $0x0, v1  }
0x337: {  	[tilespmem:s16+$0xFFFFFFC0] =	vst v1  }
0x338: {  	v1 =	vld [tilespmem:s7+$0x0];
	_ =	sdelay $0x4  }
0x339: {  	v1 =	vsub.s32 v1, v0  }
0x33a: {  	vm12 =	vlt.u32 v1, $0x1A0000;
	v2 =	vand.u32 $0xFFFFF, v1  }
0x33b: {  	v1 =	vsel vm12, v1, v2  }
0x33c: {  	[tilespmem:s19+$0x4040] =	vst v1  }
0x33d: {  	v1 =	vld [tilespmem:s16+$0xFFFFFFD0];
	_ =	sdelay $0x4  }
0x33e: {  	v1 =	vnsel vm12, $0x0, v1  }
0x33f: {  	[tilespmem:s16+$0xFFFFFFD0] =	vst v1  }
0x340: {  	v1 =	vld [tilespmem:s7+$0x10];
	_ =	sdelay $0x4  }
0x341: {  	v1 =	vsub.s32 v1, v0  }
0x342: {  	vm13 =	vlt.u32 v1, $0x1A0000;
	v2 =	vand.u32 $0xFFFFF, v1  }
0x343: {  	v1 =	vsel vm13, v1, v2  }
0x344: {  	[tilespmem:s19+$0x4050] =	vst v1  }
0x345: {  	v1 =	vld [tilespmem:s16+$0xFFFFFFE0];
	_ =	sdelay $0x4  }
0x346: {  	v1 =	vnsel vm13, $0x0, v1  }
0x347: {  	[tilespmem:s16+$0xFFFFFFE0] =	vst v1  }
0x348: {  	v1 =	vld [tilespmem:s7+$0x20];
	_ =	sdelay $0x4  }
0x349: {  	v1 =	vsub.s32 v1, v0  }
0x34a: {  	vm14 =	vlt.u32 v1, $0x1A0000;
	v2 =	vand.u32 $0xFFFFF, v1  }
0x34b: {  	v1 =	vsel vm14, v1, v2  }
0x34c: {  	[tilespmem:s19+$0x4060] =	vst v1  }
0x34d: {  	v1 =	vld [tilespmem:s16+$0xFFFFFFF0];
	_ =	sdelay $0x4  }
0x34e: {  	v1 =	vnsel vm14, $0x0, v1  }
0x34f: {  	[tilespmem:s16+$0xFFFFFFF0] =	vst v1  }
0x350: {  	v1 =	vld [tilespmem:s7+$0x30];
	_ =	sdelay $0x4  }
0x351: {  	v1 =	vsub.s32 v1, v0  }
0x352: {  	vm15 =	vlt.u32 v1, $0x1A0000;
	v2 =	vand.u32 $0xFFFFF, v1  }
0x353: {  	v1 =	vsel vm15, v1, v2  }
0x354: {  	[tilespmem:s19+$0x4070] =	vst v1  }
0x355: {  	v1 =	vld [tilespmem:s16+$0x0];
	_ =	sdelay $0x4  }
0x356: {  	s18 =	simm.s32 $0x200;
	v1 =	vnsel vm15, $0x0, v1  }
.LBB2_12:
0x357: {  	p0 =	sne.s32 s18, $0x1E00;
	[tilespmem:s16+$0x0] =	vst v1;
	s7 =	sadd.s32 $0x100, s7;
	s16 =	sadd.s32 $0x200, s16  }
0x358: {  	s1 =	smov.u32 s18;
	s18 =	sadd.s32 $0x200, s18;
	v1 =	vld [tilespmem:s7+$0xFFFFFFC0];
	_ =	sdelay $0x4  }
0x359: {  	v1 =	vsub.s32 v1, v0  }
0x35a: {  	vm0 =	vlt.u32 v1, $0x1A0000;
	v2 =	vand.u32 $0xFFFFF, v1  }
0x35b: {  	s1 =	sshra.s32 s1, $0x2;
	v1 =	vsel vm0, v1, v2  }
0x35c: {  	[tilespmem:s1+$0x4000] =	vst v1  }
0x35d: {  	v1 =	vld [tilespmem:s16+$0xFFFFFF90];
	_ =	sdelay $0x4  }
0x35e: {  	v1 =	vnsel vm0, $0x0, v1  }
0x35f: {  	[tilespmem:s16+$0xFFFFFF90] =	vst v1  }
0x360: {  	v1 =	vld [tilespmem:s7+$0xFFFFFFD0];
	_ =	sdelay $0x4  }
0x361: {  	v1 =	vsub.s32 v1, v0  }
0x362: {  	vm0 =	vlt.u32 v1, $0x1A0000;
	v2 =	vand.u32 $0xFFFFF, v1  }
0x363: {  	v1 =	vsel vm0, v1, v2  }
0x364: {  	[tilespmem:s1+$0x4010] =	vst v1  }
0x365: {  	v1 =	vld [tilespmem:s16+$0xFFFFFFA0];
	_ =	sdelay $0x4  }
0x366: {  	v1 =	vnsel vm0, $0x0, v1  }
0x367: {  	[tilespmem:s16+$0xFFFFFFA0] =	vst v1  }
0x368: {  	v1 =	vld [tilespmem:s7+$0xFFFFFFE0];
	_ =	sdelay $0x4  }
0x369: {  	v1 =	vsub.s32 v1, v0  }
0x36a: {  	vm0 =	vlt.u32 v1, $0x1A0000;
	v2 =	vand.u32 $0xFFFFF, v1  }
0x36b: {  	v1 =	vsel vm0, v1, v2  }
0x36c: {  	[tilespmem:s1+$0x4020] =	vst v1  }
0x36d: {  	v1 =	vld [tilespmem:s16+$0xFFFFFFB0];
	_ =	sdelay $0x4  }
0x36e: {  	v1 =	vnsel vm0, $0x0, v1  }
0x36f: {  	[tilespmem:s16+$0xFFFFFFB0] =	vst v1  }
0x370: {  	v1 =	vld [tilespmem:s7+$0xFFFFFFF0];
	_ =	sdelay $0x4  }
0x371: {  	v1 =	vsub.s32 v1, v0  }
0x372: {  	vm0 =	vlt.u32 v1, $0x1A0000;
	v2 =	vand.u32 $0xFFFFF, v1  }
0x373: {  	v1 =	vsel vm0, v1, v2  }
0x374: {  	[tilespmem:s1+$0x4030] =	vst v1  }
0x375: {  	v1 =	vld [tilespmem:s16+$0xFFFFFFC0];
	_ =	sdelay $0x4  }
0x376: {  	v1 =	vnsel vm0, $0x0, v1  }
0x377: {  	[tilespmem:s16+$0xFFFFFFC0] =	vst v1  }
0x378: {  	v1 =	vld [tilespmem:s7+$0x0];
	_ =	sdelay $0x4  }
0x379: {  	v1 =	vsub.s32 v1, v0  }
0x37a: {  	vm0 =	vlt.u32 v1, $0x1A0000;
	v2 =	vand.u32 $0xFFFFF, v1  }
0x37b: {  	v1 =	vsel vm0, v1, v2  }
0x37c: {  	[tilespmem:s1+$0x4040] =	vst v1  }
0x37d: {  	v1 =	vld [tilespmem:s16+$0xFFFFFFD0];
	_ =	sdelay $0x4  }
0x37e: {  	v1 =	vnsel vm0, $0x0, v1  }
0x37f: {  	[tilespmem:s16+$0xFFFFFFD0] =	vst v1  }
0x380: {  	v1 =	vld [tilespmem:s7+$0x10];
	_ =	sdelay $0x4  }
0x381: {  	v1 =	vsub.s32 v1, v0  }
0x382: {  	vm0 =	vlt.u32 v1, $0x1A0000;
	v2 =	vand.u32 $0xFFFFF, v1  }
0x383: {  	v1 =	vsel vm0, v1, v2  }
0x384: {  	[tilespmem:s1+$0x4050] =	vst v1  }
0x385: {  	v1 =	vld [tilespmem:s16+$0xFFFFFFE0];
	_ =	sdelay $0x4  }
0x386: {  	v1 =	vnsel vm0, $0x0, v1  }
0x387: {  	[tilespmem:s16+$0xFFFFFFE0] =	vst v1  }
0x388: {  	v1 =	vld [tilespmem:s7+$0x20];
	_ =	sdelay $0x4  }
0x389: {  	v1 =	vsub.s32 v1, v0  }
0x38a: {  	vm0 =	vlt.u32 v1, $0x1A0000;
	v2 =	vand.u32 $0xFFFFF, v1  }
0x38b: {  	v1 =	vsel vm0, v1, v2  }
0x38c: {  	[tilespmem:s1+$0x4060] =	vst v1  }
0x38d: {  	v1 =	vld [tilespmem:s16+$0xFFFFFFF0];
	_ =	sdelay $0x4  }
0x38e: {  	v1 =	vnsel vm0, $0x0, v1  }
0x38f: {  	[tilespmem:s16+$0xFFFFFFF0] =	vst v1  }
0x390: {  	v1 =	vld [tilespmem:s7+$0x30];
	_ =	sdelay $0x4  }
0x391: {  	v1 =	vsub.s32 v1, v0  }
0x392: {  	vm0 =	vlt.u32 v1, $0x1A0000;
	v2 =	vand.u32 $0xFFFFF, v1  }
0x393: {  	v1 =	vsel vm0, v1, v2  }
0x394: {  	[tilespmem:s1+$0x4070] =	vst v1  }
0x395: {  	v1 =	vld [tilespmem:s16+$0x0]  }
.Ltmp6:
0x396: {  	(pc) =	sbr.rel @p0 .LBB2_12-.Ltmp6, $2  }
0x397: {  	_ =	sdelay $0x2  }
0x398: {  	v1 =	vnsel vm0, $0x0, v1  }
0x399: {  	[tilespmem:s16+$0x0] =	vst v1;
	s1 =	simm.s32 $0x1100;
	s5 =	simm.s32 $0x4000  }
0x39a: {  	[spmem:s2] =	stream.indirect.scatter.add.f32 [tilespmem:s1], [sflag:$0x9], $0x1, s5, s21, $0xb8;
	[tilespmem:$0x1FC00] =	vst v63  }
0x39b: {  	s18 =	simm.s32 $0x1300;
	s19 =	simm.s32 $0x4080  }
0x39c: {  	[spmem:s2] =	stream.indirect.scatter.add.f32 [tilespmem:s18], [sflag:$0x9], $0x1, s19, s21, $0xb8;
	[tilespmem:$0x1FC00] =	vst v63  }
0x39d: {  	s7 =	simm.s32 $0x4100;
	s5 =	simm.s32 $0x1500  }
0x39e: {  	[spmem:s2] =	stream.indirect.scatter.add.f32 [tilespmem:s5], [sflag:$0x9], $0x1, s7, s21, $0xb8;
	[tilespmem:$0x1FC00] =	vst v63  }
0x39f: {  	s11 =	simm.s32 $0x1700;
	s16 =	simm.s32 $0x4180  }
0x3a0: {  	[spmem:s2] =	stream.indirect.scatter.add.f32 [tilespmem:s11], [sflag:$0x9], $0x1, s16, s21, $0xb8;
	[tilespmem:$0x1FC00] =	vst v63  }
0x3a1: {  	s18 =	simm.s32 $0x1900;
	s19 =	simm.s32 $0x4200  }
0x3a2: {  	[spmem:s2] =	stream.indirect.scatter.add.f32 [tilespmem:s18], [sflag:$0x9], $0x1, s19, s21, $0xb8;
	[tilespmem:$0x1FC00] =	vst v63  }
0x3a3: {  	s5 =	simm.s32 $0x1B00;
	s7 =	simm.s32 $0x4280  }
0x3a4: {  	[spmem:s2] =	stream.indirect.scatter.add.f32 [tilespmem:s5], [sflag:$0x9], $0x1, s7, s21, $0xb8;
	[tilespmem:$0x1FC00] =	vst v63  }
0x3a5: {  	s11 =	simm.s32 $0x1D00;
	s16 =	simm.s32 $0x4300  }
0x3a6: {  	[spmem:s2] =	stream.indirect.scatter.add.f32 [tilespmem:s11], [sflag:$0x9], $0x1, s16, s21, $0xb8;
	[tilespmem:$0x1FC00] =	vst v63  }
0x3a7: {  	s18 =	simm.s32 $0x1F00;
	s19 =	simm.s32 $0x4380  }
0x3a8: {  	[spmem:s2] =	stream.indirect.scatter.add.f32 [tilespmem:s18], [sflag:$0x9], $0x1, s19, s21, $0xb8;
	[tilespmem:$0x1FC00] =	vst v63  }
0x3a9: {  	s5 =	simm.s32 $0x2100;
	s7 =	simm.s32 $0x4400  }
0x3aa: {  	[spmem:s2] =	stream.indirect.scatter.add.f32 [tilespmem:s5], [sflag:$0x9], $0x1, s7, s21, $0xb8;
	[tilespmem:$0x1FC00] =	vst v63  }
0x3ab: {  	s11 =	simm.s32 $0x2300;
	s16 =	simm.s32 $0x4480  }
0x3ac: {  	[spmem:s2] =	stream.indirect.scatter.add.f32 [tilespmem:s11], [sflag:$0x9], $0x1, s16, s21, $0xb8;
	[tilespmem:$0x1FC00] =	vst v63  }
0x3ad: {  	s18 =	simm.s32 $0x2500;
	s19 =	simm.s32 $0x4500  }
0x3ae: {  	[spmem:s2] =	stream.indirect.scatter.add.f32 [tilespmem:s18], [sflag:$0x9], $0x1, s19, s21, $0xb8;
	[tilespmem:$0x1FC00] =	vst v63  }
0x3af: {  	s5 =	simm.s32 $0x2700;
	s7 =	simm.s32 $0x4580  }
0x3b0: {  	[spmem:s2] =	stream.indirect.scatter.add.f32 [tilespmem:s5], [sflag:$0x9], $0x1, s7, s21, $0xb8;
	[tilespmem:$0x1FC00] =	vst v63  }
0x3b1: {  	s11 =	simm.s32 $0x2900;
	s16 =	simm.s32 $0x4600  }
0x3b2: {  	[spmem:s2] =	stream.indirect.scatter.add.f32 [tilespmem:s11], [sflag:$0x9], $0x1, s16, s21, $0xb8;
	[tilespmem:$0x1FC00] =	vst v63  }
0x3b3: {  	p0 =	seq.s32 s0, $0x26;
	s18 =	simm.s32 $0x2B00;
	s19 =	simm.s32 $0x4680  }
0x3b4: {  	[spmem:s2] =	stream.indirect.scatter.add.f32 [tilespmem:s18], [sflag:$0x9], $0x1, s19, s21, $0xb8;
	[tilespmem:$0x1FC00] =	vst v63  }
0x3b5: {  	s7 =	simm.s32 $0x2D00;
	s11 =	simm.s32 $0x4700;
	s16 =	simm.s32 $0x2F00  }
0x3b6: {  	[spmem:s2] =	stream.indirect.scatter.add.f32 [tilespmem:s7], [sflag:$0x9], $0x1, s11, s21, $0xb8;
	[tilespmem:$0x1FC00] =	vst v63  }
.Ltmp7:
0x3b7: {  	s18 =	simm.s32 $0x4780;
	s19 =	simm.s32 $0x7;
	(pc) =	sbr.rel @p0 .LBB2_15-.Ltmp7, $4  }
0x3b8: {  	[spmem:s2] =	stream.indirect.scatter.add.f32 [tilespmem:s16], [sflag:$0x9], $0x1, s18, s21, $0xb8;
	[tilespmem:$0x1FC00] =	vst v63  }
0x3b9: {  	_ =	swait.ge [sflag:s19], $0x800  }
0x3ba: {  	[sflag:s19] =	ssyncset.done $0x0  }
0x3bb: {  	[sflag:s19] =	ssyncadd.s32 $0xFFFFF800  }
0x3bc: {  	s1 =	rddreg [dreg:$0x10]  }
0x3bd: {  	s1 =	sadd.s32 s12, s1  }
0x3be: {  	s5 =	rddreg [dreg:$0x0];
	s1 =	sshrl.u32 s1, $0x3  }
0x3bf: {  	s5 =	sadd.s32 s5, s1  }
0x3c0: {  	[tilespmem:s4], [sflag:$0x1] =	stream.linear.gather [hbm4b:s5+s4], $0x80, $0x38;
	[tilespmem:$0x1FC00] =	vst v63  }
0x3c1: {  	s11 =	simm.s32 $0x100;
	s7 =	sadd.s32 $0x10, s5  }
0x3c2: {  	[tilespmem:s11], [sflag:$0x1] =	stream.linear.gather [hbm4b:s7+s4], $0x80, $0x38;
	[tilespmem:$0x1FC00] =	vst v63  }
0x3c3: {  	s16 =	simm.s32 $0x200;
	s11 =	sadd.s32 $0x20, s5  }
0x3c4: {  	[tilespmem:s16], [sflag:$0x1] =	stream.linear.gather [hbm4b:s11+s4], $0x80, $0x38;
	[tilespmem:$0x1FC00] =	vst v63  }
0x3c5: {  	s19 =	simm.s32 $0x300;
	s18 =	sadd.s32 $0x30, s5  }
0x3c6: {  	[tilespmem:s19], [sflag:$0x1] =	stream.linear.gather [hbm4b:s18+s4], $0x80, $0x38;
	[tilespmem:$0x1FC00] =	vst v63  }
0x3c7: {  	s11 =	sadd.s32 $0x40, s5;
	s16 =	simm.s32 $0x400  }
0x3c8: {  	[tilespmem:s16], [sflag:$0x1] =	stream.linear.gather [hbm4b:s11+s4], $0x80, $0x38;
	[tilespmem:$0x1FC00] =	vst v63  }
0x3c9: {  	s18 =	sadd.s32 $0x50, s5;
	s19 =	simm.s32 $0x500  }
0x3ca: {  	[tilespmem:s19], [sflag:$0x1] =	stream.linear.gather [hbm4b:s18+s4], $0x80, $0x38;
	[tilespmem:$0x1FC00] =	vst v63  }
0x3cb: {  	s11 =	sadd.s32 $0x60, s5;
	s16 =	simm.s32 $0x600  }
0x3cc: {  	[tilespmem:s16], [sflag:$0x1] =	stream.linear.gather [hbm4b:s11+s4], $0x80, $0x38;
	[tilespmem:$0x1FC00] =	vst v63  }
0x3cd: {  	s18 =	sadd.s32 $0x70, s5;
	s19 =	simm.s32 $0x700  }
0x3ce: {  	[tilespmem:s19], [sflag:$0x1] =	stream.linear.gather [hbm4b:s18+s4], $0x80, $0x38;
	[tilespmem:$0x1FC00] =	vst v63  }
0x3cf: {  	s11 =	sadd.s32 $0x80, s5;
	s16 =	simm.s32 $0x800  }
0x3d0: {  	[tilespmem:s16], [sflag:$0x1] =	stream.linear.gather [hbm4b:s11+s4], $0x80, $0x38;
	[tilespmem:$0x1FC00] =	vst v63  }
0x3d1: {  	s18 =	sadd.s32 $0x90, s5;
	s19 =	simm.s32 $0x900  }
0x3d2: {  	[tilespmem:s19], [sflag:$0x1] =	stream.linear.gather [hbm4b:s18+s4], $0x80, $0x38;
	[tilespmem:$0x1FC00] =	vst v63  }
0x3d3: {  	s11 =	sadd.s32 $0xA0, s5;
	s16 =	simm.s32 $0xA00  }
0x3d4: {  	[tilespmem:s16], [sflag:$0x1] =	stream.linear.gather [hbm4b:s11+s4], $0x80, $0x38;
	[tilespmem:$0x1FC00] =	vst v63  }
0x3d5: {  	s18 =	sadd.s32 $0xB0, s5;
	s19 =	simm.s32 $0xB00  }
0x3d6: {  	[tilespmem:s19], [sflag:$0x1] =	stream.linear.gather [hbm4b:s18+s4], $0x80, $0x38;
	[tilespmem:$0x1FC00] =	vst v63  }
0x3d7: {  	s11 =	sadd.s32 $0xC0, s5;
	s16 =	simm.s32 $0xC00  }
0x3d8: {  	[tilespmem:s16], [sflag:$0x1] =	stream.linear.gather [hbm4b:s11+s4], $0x80, $0x38;
	[tilespmem:$0x1FC00] =	vst v63  }
0x3d9: {  	s18 =	sadd.s32 $0xD0, s5;
	s19 =	simm.s32 $0xD00  }
0x3da: {  	[tilespmem:s19], [sflag:$0x1] =	stream.linear.gather [hbm4b:s18+s4], $0x80, $0x38;
	[tilespmem:$0x1FC00] =	vst v63  }
0x3db: {  	s16 =	sadd.s32 $0xE0, s5;
	s18 =	simm.s32 $0xE00  }
0x3dc: {  	[tilespmem:s18], [sflag:$0x1] =	stream.linear.gather [hbm4b:s16+s4], $0x80, $0x38;
	[tilespmem:$0x1FC00] =	vst v63  }
0x3dd: {  	s5 =	sadd.s32 $0xF0, s5;
	s19 =	simm.s32 $0xF00  }
0x3de: {  	[tilespmem:s19], [sflag:$0x1] =	stream.linear.gather [hbm4b:s5+s4], $0x80, $0x38;
	[tilespmem:$0x1FC00] =	vst v63  }
0x3df: {  	s1 =	sadd.s32 s6, s1;
	s7 =	simm.s32 $0x1000  }
0x3e0: {  	[tilespmem:s7], [sflag:$0x3] =	stream.linear.gather [hbm4b:s1+s4], $0x80, $0x38;
	[tilespmem:$0x1FC00] =	vst v63  }
0x3e1: {  	s11 =	sadd.s32 $0x10, s1;
	s16 =	simm.s32 $0x1200  }
0x3e2: {  	[tilespmem:s16], [sflag:$0x3] =	stream.linear.gather [hbm4b:s11+s4], $0x80, $0x38;
	[tilespmem:$0x1FC00] =	vst v63  }
0x3e3: {  	s18 =	sadd.s32 $0x20, s1;
	s19 =	simm.s32 $0x1400  }
0x3e4: {  	[tilespmem:s19], [sflag:$0x3] =	stream.linear.gather [hbm4b:s18+s4], $0x80, $0x38;
	[tilespmem:$0x1FC00] =	vst v63  }
0x3e5: {  	s11 =	sadd.s32 $0x30, s1;
	s16 =	simm.s32 $0x1600  }
0x3e6: {  	[tilespmem:s16], [sflag:$0x3] =	stream.linear.gather [hbm4b:s11+s4], $0x80, $0x38;
	[tilespmem:$0x1FC00] =	vst v63  }
0x3e7: {  	s18 =	sadd.s32 $0x40, s1;
	s19 =	simm.s32 $0x1800  }
0x3e8: {  	[tilespmem:s19], [sflag:$0x3] =	stream.linear.gather [hbm4b:s18+s4], $0x80, $0x38;
	[tilespmem:$0x1FC00] =	vst v63  }
0x3e9: {  	s11 =	sadd.s32 $0x50, s1;
	s16 =	simm.s32 $0x1A00  }
0x3ea: {  	[tilespmem:s16], [sflag:$0x3] =	stream.linear.gather [hbm4b:s11+s4], $0x80, $0x38;
	[tilespmem:$0x1FC00] =	vst v63  }
0x3eb: {  	s18 =	sadd.s32 $0x60, s1;
	s19 =	simm.s32 $0x1C00  }
0x3ec: {  	[tilespmem:s19], [sflag:$0x3] =	stream.linear.gather [hbm4b:s18+s4], $0x80, $0x38;
	[tilespmem:$0x1FC00] =	vst v63  }
0x3ed: {  	s11 =	sadd.s32 $0x70, s1;
	s16 =	simm.s32 $0x1E00  }
0x3ee: {  	[tilespmem:s16], [sflag:$0x3] =	stream.linear.gather [hbm4b:s11+s4], $0x80, $0x38;
	[tilespmem:$0x1FC00] =	vst v63  }
0x3ef: {  	s18 =	sadd.s32 $0x80, s1;
	s19 =	simm.s32 $0x2000  }
0x3f0: {  	[tilespmem:s19], [sflag:$0x3] =	stream.linear.gather [hbm4b:s18+s4], $0x80, $0x38;
	[tilespmem:$0x1FC00] =	vst v63  }
0x3f1: {  	s11 =	sadd.s32 $0x90, s1;
	s16 =	simm.s32 $0x2200  }
0x3f2: {  	[tilespmem:s16], [sflag:$0x3] =	stream.linear.gather [hbm4b:s11+s4], $0x80, $0x38;
	[tilespmem:$0x1FC00] =	vst v63  }
0x3f3: {  	s18 =	sadd.s32 $0xA0, s1;
	s19 =	simm.s32 $0x2400  }
0x3f4: {  	[tilespmem:s19], [sflag:$0x3] =	stream.linear.gather [hbm4b:s18+s4], $0x80, $0x38;
	[tilespmem:$0x1FC00] =	vst v63  }
0x3f5: {  	s11 =	sadd.s32 $0xB0, s1;
	s16 =	simm.s32 $0x2600  }
0x3f6: {  	[tilespmem:s16], [sflag:$0x3] =	stream.linear.gather [hbm4b:s11+s4], $0x80, $0x38;
	[tilespmem:$0x1FC00] =	vst v63  }
0x3f7: {  	s18 =	sadd.s32 $0xC0, s1;
	s19 =	simm.s32 $0x2800  }
0x3f8: {  	[tilespmem:s19], [sflag:$0x3] =	stream.linear.gather [hbm4b:s18+s4], $0x80, $0x38;
	[tilespmem:$0x1FC00] =	vst v63  }
0x3f9: {  	s7 =	sadd.s32 $0xD0, s1;
	s11 =	simm.s32 $0x2A00  }
0x3fa: {  	[tilespmem:s11], [sflag:$0x3] =	stream.linear.gather [hbm4b:s7+s4], $0x80, $0x38;
	[tilespmem:$0x1FC00] =	vst v63  }
0x3fb: {  	s16 =	sadd.s32 $0xE0, s1;
	s18 =	simm.s32 $0x2C00  }
0x3fc: {  	[tilespmem:s18], [sflag:$0x3] =	stream.linear.gather [hbm4b:s16+s4], $0x80, $0x38;
	[tilespmem:$0x1FC00] =	vst v63  }
0x3fd: {  	s1 =	sadd.s32 $0xF0, s1;
	s19 =	simm.s32 $0x2E00  }
0x3fe: {  	[tilespmem:s19], [sflag:$0x3] =	stream.linear.gather [hbm4b:s1+s4], $0x80, $0x38;
	[tilespmem:$0x1FC00] =	vst v63  }
.LBB2_15:
0x3ff: {  	_ =	swait.ge [sflag:s15], $0x800  }
0x400: {  	[sflag:s15] =	ssyncset.done $0x0  }
0x401: {  	s1 =	simm.s32 $0x6;
	[sflag:s15] =	ssyncadd.s32 $0xFFFFF800  }
0x402: {  	_ =	swait.ge [sflag:s1], $0x800  }
0x403: {  	[sflag:s1] =	ssyncset.done $0x0  }
0x404: {  	s18 =	simm.s32 $0x0;
	[sflag:s1] =	ssyncadd.s32 $0xFFFFF800  }
0x405: {  	v1 =	vld [tilespmem:s18+$0x80];
	_ =	sdelay $0x4  }
0x406: {  	v1 =	vsub.s32 v1, v0  }
0x407: {  	vm0 =	vlt.u32 v1, $0x1A0000;
	v2 =	vand.u32 $0xFFFFF, v1  }
0x408: {  	s16 =	simm.s32 $0x4870;
	v1 =	vsel vm0, v1, v2  }
0x409: {  	s19 =	simm.s32 $0x11F0;
	[tilespmem:s16+$0xFFFFFF90] =	vst v1  }
0x40a: {  	v1 =	vld [tilespmem:s19+$0xFFFFFF90];
	_ =	sdelay $0x4  }
0x40b: {  	v1 =	vnsel vm0, $0x0, v1  }
0x40c: {  	[tilespmem:s19+$0xFFFFFF90] =	vst v1  }
0x40d: {  	v1 =	vld [tilespmem:s18+$0x90];
	_ =	sdelay $0x4  }
0x40e: {  	v1 =	vsub.s32 v1, v0  }
0x40f: {  	vm9 =	vlt.u32 v1, $0x1A0000;
	v2 =	vand.u32 $0xFFFFF, v1  }
0x410: {  	v1 =	vsel vm9, v1, v2  }
0x411: {  	[tilespmem:s16+$0xFFFFFFA0] =	vst v1  }
0x412: {  	v1 =	vld [tilespmem:s19+$0xFFFFFFA0];
	_ =	sdelay $0x4  }
0x413: {  	v1 =	vnsel vm9, $0x0, v1  }
0x414: {  	[tilespmem:s19+$0xFFFFFFA0] =	vst v1  }
0x415: {  	v1 =	vld [tilespmem:s18+$0xA0];
	_ =	sdelay $0x4  }
0x416: {  	v1 =	vsub.s32 v1, v0  }
0x417: {  	vm10 =	vlt.u32 v1, $0x1A0000;
	v2 =	vand.u32 $0xFFFFF, v1  }
0x418: {  	v1 =	vsel vm10, v1, v2  }
0x419: {  	[tilespmem:s16+$0xFFFFFFB0] =	vst v1  }
0x41a: {  	v1 =	vld [tilespmem:s19+$0xFFFFFFB0];
	_ =	sdelay $0x4  }
0x41b: {  	v1 =	vnsel vm10, $0x0, v1  }
0x41c: {  	[tilespmem:s19+$0xFFFFFFB0] =	vst v1  }
0x41d: {  	v1 =	vld [tilespmem:s18+$0xB0];
	_ =	sdelay $0x4  }
0x41e: {  	v1 =	vsub.s32 v1, v0  }
0x41f: {  	vm11 =	vlt.u32 v1, $0x1A0000;
	v2 =	vand.u32 $0xFFFFF, v1  }
0x420: {  	v1 =	vsel vm11, v1, v2  }
0x421: {  	[tilespmem:s16+$0xFFFFFFC0] =	vst v1  }
0x422: {  	v1 =	vld [tilespmem:s19+$0xFFFFFFC0];
	_ =	sdelay $0x4  }
0x423: {  	v1 =	vnsel vm11, $0x0, v1  }
0x424: {  	[tilespmem:s19+$0xFFFFFFC0] =	vst v1  }
0x425: {  	v1 =	vld [tilespmem:s18+$0xC0];
	_ =	sdelay $0x4  }
0x426: {  	v1 =	vsub.s32 v1, v0  }
0x427: {  	vm12 =	vlt.u32 v1, $0x1A0000;
	v2 =	vand.u32 $0xFFFFF, v1  }
0x428: {  	v1 =	vsel vm12, v1, v2  }
0x429: {  	[tilespmem:s16+$0xFFFFFFD0] =	vst v1  }
0x42a: {  	v1 =	vld [tilespmem:s19+$0xFFFFFFD0];
	_ =	sdelay $0x4  }
0x42b: {  	v1 =	vnsel vm12, $0x0, v1  }
0x42c: {  	[tilespmem:s19+$0xFFFFFFD0] =	vst v1  }
0x42d: {  	v1 =	vld [tilespmem:s18+$0xD0];
	_ =	sdelay $0x4  }
0x42e: {  	v1 =	vsub.s32 v1, v0  }
0x42f: {  	vm13 =	vlt.u32 v1, $0x1A0000;
	v2 =	vand.u32 $0xFFFFF, v1  }
0x430: {  	v1 =	vsel vm13, v1, v2  }
0x431: {  	[tilespmem:s16+$0xFFFFFFE0] =	vst v1  }
0x432: {  	v1 =	vld [tilespmem:s19+$0xFFFFFFE0];
	_ =	sdelay $0x4  }
0x433: {  	v1 =	vnsel vm13, $0x0, v1  }
0x434: {  	[tilespmem:s19+$0xFFFFFFE0] =	vst v1  }
0x435: {  	v1 =	vld [tilespmem:s18+$0xE0];
	_ =	sdelay $0x4  }
0x436: {  	v1 =	vsub.s32 v1, v0  }
0x437: {  	vm14 =	vlt.u32 v1, $0x1A0000;
	v2 =	vand.u32 $0xFFFFF, v1  }
0x438: {  	v1 =	vsel vm14, v1, v2  }
0x439: {  	[tilespmem:s16+$0xFFFFFFF0] =	vst v1  }
0x43a: {  	v1 =	vld [tilespmem:s19+$0xFFFFFFF0];
	_ =	sdelay $0x4  }
0x43b: {  	v1 =	vnsel vm14, $0x0, v1  }
0x43c: {  	[tilespmem:s19+$0xFFFFFFF0] =	vst v1  }
0x43d: {  	v1 =	vld [tilespmem:s18+$0xF0];
	_ =	sdelay $0x4  }
0x43e: {  	v1 =	vsub.s32 v1, v0  }
0x43f: {  	vm15 =	vlt.u32 v1, $0x1A0000;
	v2 =	vand.u32 $0xFFFFF, v1  }
0x440: {  	v1 =	vsel vm15, v1, v2  }
0x441: {  	[tilespmem:s16+$0x0] =	vst v1  }
0x442: {  	v1 =	vld [tilespmem:s19+$0x0];
	_ =	sdelay $0x4  }
0x443: {  	s11 =	simm.s32 $0x800;
	s7 =	simm.s32 $0x13F0;
	s18 =	simm.s32 $0x400;
	v1 =	vnsel vm15, $0x0, v1  }
.LBB2_16:
0x444: {  	s1 =	sshra.s32 s18, $0x2;
	s16 =	sadd.s32 $0x80, s16  }
0x445: {  	[tilespmem:s19+$0x0] =	vst v1;
	s18 =	smov.u32 s11;
	s5 =	sadd.s32 $0x400, s11;
	s19 =	smov.u32 s7  }
0x446: {  	p1 =	sne.s32 s11, $0x3C00;
	v1 =	vld [tilespmem:s1+$0x80];
	_ =	sdelay $0x4  }
0x447: {  	v1 =	vsub.s32 v1, v0  }
0x448: {  	vm0 =	vlt.u32 v1, $0x1A0000;
	v2 =	vand.u32 $0xFFFFF, v1  }
0x449: {  	v1 =	vsel vm0, v1, v2  }
0x44a: {  	[tilespmem:s16+$0xFFFFFF90] =	vst v1  }
0x44b: {  	v1 =	vld [tilespmem:s7+$0xFFFFFF90];
	_ =	sdelay $0x4  }
0x44c: {  	v1 =	vnsel vm0, $0x0, v1  }
0x44d: {  	[tilespmem:s7+$0xFFFFFF90] =	vst v1  }
0x44e: {  	v1 =	vld [tilespmem:s1+$0x90];
	_ =	sdelay $0x4  }
0x44f: {  	v1 =	vsub.s32 v1, v0  }
0x450: {  	vm0 =	vlt.u32 v1, $0x1A0000;
	v2 =	vand.u32 $0xFFFFF, v1  }
0x451: {  	v1 =	vsel vm0, v1, v2  }
0x452: {  	[tilespmem:s16+$0xFFFFFFA0] =	vst v1  }
0x453: {  	v1 =	vld [tilespmem:s7+$0xFFFFFFA0];
	_ =	sdelay $0x4  }
0x454: {  	v1 =	vnsel vm0, $0x0, v1  }
0x455: {  	[tilespmem:s7+$0xFFFFFFA0] =	vst v1  }
0x456: {  	v1 =	vld [tilespmem:s1+$0xA0];
	_ =	sdelay $0x4  }
0x457: {  	v1 =	vsub.s32 v1, v0  }
0x458: {  	vm0 =	vlt.u32 v1, $0x1A0000;
	v2 =	vand.u32 $0xFFFFF, v1  }
0x459: {  	v1 =	vsel vm0, v1, v2  }
0x45a: {  	[tilespmem:s16+$0xFFFFFFB0] =	vst v1  }
0x45b: {  	v1 =	vld [tilespmem:s7+$0xFFFFFFB0];
	_ =	sdelay $0x4  }
0x45c: {  	v1 =	vnsel vm0, $0x0, v1  }
0x45d: {  	[tilespmem:s7+$0xFFFFFFB0] =	vst v1  }
0x45e: {  	v1 =	vld [tilespmem:s1+$0xB0];
	_ =	sdelay $0x4  }
0x45f: {  	v1 =	vsub.s32 v1, v0  }
0x460: {  	vm0 =	vlt.u32 v1, $0x1A0000;
	v2 =	vand.u32 $0xFFFFF, v1  }
0x461: {  	v1 =	vsel vm0, v1, v2  }
0x462: {  	[tilespmem:s16+$0xFFFFFFC0] =	vst v1  }
0x463: {  	v1 =	vld [tilespmem:s7+$0xFFFFFFC0];
	_ =	sdelay $0x4  }
0x464: {  	v1 =	vnsel vm0, $0x0, v1  }
0x465: {  	[tilespmem:s7+$0xFFFFFFC0] =	vst v1  }
0x466: {  	v1 =	vld [tilespmem:s1+$0xC0];
	_ =	sdelay $0x4  }
0x467: {  	v1 =	vsub.s32 v1, v0  }
0x468: {  	vm0 =	vlt.u32 v1, $0x1A0000;
	v2 =	vand.u32 $0xFFFFF, v1  }
0x469: {  	v1 =	vsel vm0, v1, v2  }
0x46a: {  	[tilespmem:s16+$0xFFFFFFD0] =	vst v1  }
0x46b: {  	v1 =	vld [tilespmem:s7+$0xFFFFFFD0];
	_ =	sdelay $0x4  }
0x46c: {  	v1 =	vnsel vm0, $0x0, v1  }
0x46d: {  	[tilespmem:s7+$0xFFFFFFD0] =	vst v1  }
0x46e: {  	v1 =	vld [tilespmem:s1+$0xD0];
	_ =	sdelay $0x4  }
0x46f: {  	v1 =	vsub.s32 v1, v0  }
0x470: {  	vm0 =	vlt.u32 v1, $0x1A0000;
	v2 =	vand.u32 $0xFFFFF, v1  }
0x471: {  	v1 =	vsel vm0, v1, v2  }
0x472: {  	[tilespmem:s16+$0xFFFFFFE0] =	vst v1  }
0x473: {  	v1 =	vld [tilespmem:s7+$0xFFFFFFE0];
	_ =	sdelay $0x4  }
0x474: {  	v1 =	vnsel vm0, $0x0, v1  }
0x475: {  	[tilespmem:s7+$0xFFFFFFE0] =	vst v1  }
0x476: {  	v1 =	vld [tilespmem:s1+$0xE0];
	_ =	sdelay $0x4  }
0x477: {  	v1 =	vsub.s32 v1, v0  }
0x478: {  	vm0 =	vlt.u32 v1, $0x1A0000;
	v2 =	vand.u32 $0xFFFFF, v1  }
0x479: {  	v1 =	vsel vm0, v1, v2  }
0x47a: {  	[tilespmem:s16+$0xFFFFFFF0] =	vst v1  }
0x47b: {  	v1 =	vld [tilespmem:s7+$0xFFFFFFF0];
	_ =	sdelay $0x4  }
0x47c: {  	v1 =	vnsel vm0, $0x0, v1  }
0x47d: {  	[tilespmem:s7+$0xFFFFFFF0] =	vst v1  }
0x47e: {  	v1 =	vld [tilespmem:s1+$0xF0];
	_ =	sdelay $0x4  }
0x47f: {  	v1 =	vsub.s32 v1, v0  }
0x480: {  	vm0 =	vlt.u32 v1, $0x1A0000;
	v2 =	vand.u32 $0xFFFFF, v1  }
0x481: {  	v1 =	vsel vm0, v1, v2  }
0x482: {  	[tilespmem:s16+$0x0] =	vst v1  }
0x483: {  	v1 =	vld [tilespmem:s7+$0x0]  }
.Ltmp8:
0x484: {  	(pc) =	sbr.rel @p1 .LBB2_16-.Ltmp8, $2  }
0x485: {  	_ =	sdelay $0x2  }
0x486: {  	s11 =	smov.u32 s5;
	s7 =	sadd.s32 $0x200, s7;
	v1 =	vnsel vm0, $0x0, v1  }
0x487: {  	[tilespmem:s19+$0x0] =	vst v1;
	s1 =	sshra.s32 s18, $0x2  }
0x488: {  	v1 =	vld [tilespmem:s1+$0x80];
	_ =	sdelay $0x4  }
0x489: {  	v1 =	vsub.s32 v1, v0  }
0x48a: {  	vm0 =	vlt.u32 v1, $0x1A0000;
	v2 =	vand.u32 $0xFFFFF, v1  }
0x48b: {  	s5 =	sadd.s32 $0x80, s16;
	v1 =	vsel vm0, v1, v2  }
0x48c: {  	[tilespmem:s5+$0xFFFFFF90] =	vst v1  }
0x48d: {  	v1 =	vld [tilespmem:s7+$0xFFFFFF90];
	_ =	sdelay $0x4  }
0x48e: {  	v1 =	vnsel vm0, $0x0, v1  }
0x48f: {  	[tilespmem:s7+$0xFFFFFF90] =	vst v1  }
0x490: {  	v1 =	vld [tilespmem:s1+$0x90];
	_ =	sdelay $0x4  }
0x491: {  	v1 =	vsub.s32 v1, v0  }
0x492: {  	vm9 =	vlt.u32 v1, $0x1A0000;
	v2 =	vand.u32 $0xFFFFF, v1  }
0x493: {  	v1 =	vsel vm9, v1, v2  }
0x494: {  	[tilespmem:s5+$0xFFFFFFA0] =	vst v1  }
0x495: {  	v1 =	vld [tilespmem:s7+$0xFFFFFFA0];
	_ =	sdelay $0x4  }
0x496: {  	v1 =	vnsel vm9, $0x0, v1  }
0x497: {  	[tilespmem:s7+$0xFFFFFFA0] =	vst v1  }
0x498: {  	v1 =	vld [tilespmem:s1+$0xA0];
	_ =	sdelay $0x4  }
0x499: {  	v1 =	vsub.s32 v1, v0  }
0x49a: {  	vm10 =	vlt.u32 v1, $0x1A0000;
	v2 =	vand.u32 $0xFFFFF, v1  }
0x49b: {  	v1 =	vsel vm10, v1, v2  }
0x49c: {  	[tilespmem:s5+$0xFFFFFFB0] =	vst v1  }
0x49d: {  	v1 =	vld [tilespmem:s7+$0xFFFFFFB0];
	_ =	sdelay $0x4  }
0x49e: {  	v1 =	vnsel vm10, $0x0, v1  }
0x49f: {  	[tilespmem:s7+$0xFFFFFFB0] =	vst v1  }
0x4a0: {  	v1 =	vld [tilespmem:s1+$0xB0];
	_ =	sdelay $0x4  }
0x4a1: {  	v1 =	vsub.s32 v1, v0  }
0x4a2: {  	vm11 =	vlt.u32 v1, $0x1A0000;
	v2 =	vand.u32 $0xFFFFF, v1  }
0x4a3: {  	v1 =	vsel vm11, v1, v2  }
0x4a4: {  	[tilespmem:s5+$0xFFFFFFC0] =	vst v1  }
0x4a5: {  	v1 =	vld [tilespmem:s7+$0xFFFFFFC0];
	_ =	sdelay $0x4  }
0x4a6: {  	v1 =	vnsel vm11, $0x0, v1  }
0x4a7: {  	[tilespmem:s7+$0xFFFFFFC0] =	vst v1  }
0x4a8: {  	v1 =	vld [tilespmem:s1+$0xC0];
	_ =	sdelay $0x4  }
0x4a9: {  	v1 =	vsub.s32 v1, v0  }
0x4aa: {  	vm12 =	vlt.u32 v1, $0x1A0000;
	v2 =	vand.u32 $0xFFFFF, v1  }
0x4ab: {  	v1 =	vsel vm12, v1, v2  }
0x4ac: {  	[tilespmem:s5+$0xFFFFFFD0] =	vst v1  }
0x4ad: {  	v1 =	vld [tilespmem:s7+$0xFFFFFFD0];
	_ =	sdelay $0x4  }
0x4ae: {  	v1 =	vnsel vm12, $0x0, v1  }
0x4af: {  	[tilespmem:s7+$0xFFFFFFD0] =	vst v1  }
0x4b0: {  	v1 =	vld [tilespmem:s1+$0xD0];
	_ =	sdelay $0x4  }
0x4b1: {  	v1 =	vsub.s32 v1, v0  }
0x4b2: {  	vm13 =	vlt.u32 v1, $0x1A0000;
	v2 =	vand.u32 $0xFFFFF, v1  }
0x4b3: {  	v1 =	vsel vm13, v1, v2  }
0x4b4: {  	[tilespmem:s5+$0xFFFFFFE0] =	vst v1  }
0x4b5: {  	v1 =	vld [tilespmem:s7+$0xFFFFFFE0];
	_ =	sdelay $0x4  }
0x4b6: {  	v1 =	vnsel vm13, $0x0, v1  }
0x4b7: {  	[tilespmem:s7+$0xFFFFFFE0] =	vst v1  }
0x4b8: {  	v1 =	vld [tilespmem:s1+$0xE0];
	_ =	sdelay $0x4  }
0x4b9: {  	v1 =	vsub.s32 v1, v0  }
0x4ba: {  	vm14 =	vlt.u32 v1, $0x1A0000;
	v2 =	vand.u32 $0xFFFFF, v1  }
0x4bb: {  	v1 =	vsel vm14, v1, v2  }
0x4bc: {  	[tilespmem:s5+$0xFFFFFFF0] =	vst v1  }
0x4bd: {  	v1 =	vld [tilespmem:s7+$0xFFFFFFF0];
	_ =	sdelay $0x4  }
0x4be: {  	v1 =	vnsel vm14, $0x0, v1  }
0x4bf: {  	[tilespmem:s7+$0xFFFFFFF0] =	vst v1  }
0x4c0: {  	v1 =	vld [tilespmem:s1+$0xF0];
	_ =	sdelay $0x4  }
0x4c1: {  	v1 =	vsub.s32 v1, v0  }
0x4c2: {  	vm15 =	vlt.u32 v1, $0x1A0000;
	v2 =	vand.u32 $0xFFFFF, v1  }
0x4c3: {  	v1 =	vsel vm15, v1, v2  }
0x4c4: {  	[tilespmem:s5+$0x0] =	vst v1  }
0x4c5: {  	v1 =	vld [tilespmem:s7+$0x0];
	_ =	sdelay $0x4  }
0x4c6: {  	v1 =	vnsel vm15, $0x0, v1  }
0x4c7: {  	s11 =	simm.s32 $0x1180;
	s16 =	simm.s32 $0x4800;
	[tilespmem:s7+$0x0] =	vst v1  }
0x4c8: {  	[spmem:s2] =	stream.indirect.scatter.add.f32 [tilespmem:s11], [sflag:$0xA], $0x1, s16, s21, $0xb8;
	[tilespmem:$0x1FC00] =	vst v63  }
0x4c9: {  	s18 =	simm.s32 $0x1380;
	s19 =	simm.s32 $0x4880  }
0x4ca: {  	[spmem:s2] =	stream.indirect.scatter.add.f32 [tilespmem:s18], [sflag:$0xA], $0x1, s19, s21, $0xb8;
	[tilespmem:$0x1FC00] =	vst v63  }
0x4cb: {  	s5 =	simm.s32 $0x1580;
	s7 =	simm.s32 $0x4900  }
0x4cc: {  	[spmem:s2] =	stream.indirect.scatter.add.f32 [tilespmem:s5], [sflag:$0xA], $0x1, s7, s21, $0xb8;
	[tilespmem:$0x1FC00] =	vst v63  }
0x4cd: {  	s11 =	simm.s32 $0x1780;
	s16 =	simm.s32 $0x4980  }
0x4ce: {  	[spmem:s2] =	stream.indirect.scatter.add.f32 [tilespmem:s11], [sflag:$0xA], $0x1, s16, s21, $0xb8;
	[tilespmem:$0x1FC00] =	vst v63  }
0x4cf: {  	s18 =	simm.s32 $0x1980;
	s19 =	simm.s32 $0x4A00  }
0x4d0: {  	[spmem:s2] =	stream.indirect.scatter.add.f32 [tilespmem:s18], [sflag:$0xA], $0x1, s19, s21, $0xb8;
	[tilespmem:$0x1FC00] =	vst v63  }
0x4d1: {  	s5 =	simm.s32 $0x1B80;
	s7 =	simm.s32 $0x4A80  }
0x4d2: {  	[spmem:s2] =	stream.indirect.scatter.add.f32 [tilespmem:s5], [sflag:$0xA], $0x1, s7, s21, $0xb8;
	[tilespmem:$0x1FC00] =	vst v63  }
0x4d3: {  	s11 =	simm.s32 $0x1D80;
	s16 =	simm.s32 $0x4B00  }
0x4d4: {  	[spmem:s2] =	stream.indirect.scatter.add.f32 [tilespmem:s11], [sflag:$0xA], $0x1, s16, s21, $0xb8;
	[tilespmem:$0x1FC00] =	vst v63  }
0x4d5: {  	s18 =	simm.s32 $0x1F80;
	s19 =	simm.s32 $0x4B80  }
0x4d6: {  	[spmem:s2] =	stream.indirect.scatter.add.f32 [tilespmem:s18], [sflag:$0xA], $0x1, s19, s21, $0xb8;
	[tilespmem:$0x1FC00] =	vst v63  }
0x4d7: {  	s5 =	simm.s32 $0x2180;
	s7 =	simm.s32 $0x4C00  }
0x4d8: {  	[spmem:s2] =	stream.indirect.scatter.add.f32 [tilespmem:s5], [sflag:$0xA], $0x1, s7, s21, $0xb8;
	[tilespmem:$0x1FC00] =	vst v63  }
0x4d9: {  	s11 =	simm.s32 $0x2380;
	s16 =	simm.s32 $0x4C80  }
0x4da: {  	[spmem:s2] =	stream.indirect.scatter.add.f32 [tilespmem:s11], [sflag:$0xA], $0x1, s16, s21, $0xb8;
	[tilespmem:$0x1FC00] =	vst v63  }
0x4db: {  	s18 =	simm.s32 $0x2580;
	s19 =	simm.s32 $0x4D00  }
0x4dc: {  	[spmem:s2] =	stream.indirect.scatter.add.f32 [tilespmem:s18], [sflag:$0xA], $0x1, s19, s21, $0xb8;
	[tilespmem:$0x1FC00] =	vst v63  }
0x4dd: {  	s5 =	simm.s32 $0x2780;
	s7 =	simm.s32 $0x4D80  }
0x4de: {  	[spmem:s2] =	stream.indirect.scatter.add.f32 [tilespmem:s5], [sflag:$0xA], $0x1, s7, s21, $0xb8;
	[tilespmem:$0x1FC00] =	vst v63  }
0x4df: {  	s11 =	simm.s32 $0x2980;
	s16 =	simm.s32 $0x4E00  }
0x4e0: {  	[spmem:s2] =	stream.indirect.scatter.add.f32 [tilespmem:s11], [sflag:$0xA], $0x1, s16, s21, $0xb8;
	[tilespmem:$0x1FC00] =	vst v63  }
0x4e1: {  	s18 =	simm.s32 $0x2B80;
	s19 =	simm.s32 $0x4E80  }
0x4e2: {  	[spmem:s2] =	stream.indirect.scatter.add.f32 [tilespmem:s18], [sflag:$0xA], $0x1, s19, s21, $0xb8;
	[tilespmem:$0x1FC00] =	vst v63  }
0x4e3: {  	s7 =	simm.s32 $0x2D80;
	s11 =	simm.s32 $0x4F00;
	s16 =	simm.s32 $0x2F80  }
0x4e4: {  	[spmem:s2] =	stream.indirect.scatter.add.f32 [tilespmem:s7], [sflag:$0xA], $0x1, s11, s21, $0xb8;
	[tilespmem:$0x1FC00] =	vst v63  }
.Ltmp9:
0x4e5: {  	s18 =	simm.s32 $0x4F80;
	s19 =	simm.s32 $0x8;
	(pc) =	sbr.rel @p0 .LBB2_19-.Ltmp9, $4  }
0x4e6: {  	[spmem:s2] =	stream.indirect.scatter.add.f32 [tilespmem:s16], [sflag:$0xA], $0x1, s18, s21, $0xb8;
	[tilespmem:$0x1FC00] =	vst v63  }
0x4e7: {  	_ =	swait.ge [sflag:s19], $0x800  }
0x4e8: {  	[sflag:s19] =	ssyncset.done $0x0  }
0x4e9: {  	[sflag:s19] =	ssyncadd.s32 $0xFFFFF800  }
0x4ea: {  	s1 =	rddreg [dreg:$0x11]  }
0x4eb: {  	s1 =	sadd.s32 s12, s1  }
0x4ec: {  	s5 =	rddreg [dreg:$0x0];
	s1 =	sshrl.u32 s1, $0x3  }
0x4ed: {  	s5 =	sadd.s32 s5, s1  }
0x4ee: {  	[tilespmem:s21], [sflag:$0x2] =	stream.linear.gather [hbm4b:s5+s4], $0x80, $0x38;
	[tilespmem:$0x1FC00] =	vst v63  }
0x4ef: {  	s11 =	simm.s32 $0x180;
	s7 =	sadd.s32 $0x10, s5  }
0x4f0: {  	[tilespmem:s11], [sflag:$0x2] =	stream.linear.gather [hbm4b:s7+s4], $0x80, $0x38;
	[tilespmem:$0x1FC00] =	vst v63  }
0x4f1: {  	s16 =	simm.s32 $0x280;
	s12 =	sadd.s32 $0x20, s5  }
0x4f2: {  	[tilespmem:s16], [sflag:$0x2] =	stream.linear.gather [hbm4b:s12+s4], $0x80, $0x38;
	[tilespmem:$0x1FC00] =	vst v63  }
0x4f3: {  	s19 =	simm.s32 $0x380;
	s18 =	sadd.s32 $0x30, s5  }
0x4f4: {  	[tilespmem:s19], [sflag:$0x2] =	stream.linear.gather [hbm4b:s18+s4], $0x80, $0x38;
	[tilespmem:$0x1FC00] =	vst v63  }
0x4f5: {  	s12 =	sadd.s32 $0x40, s5;
	s16 =	simm.s32 $0x480  }
0x4f6: {  	[tilespmem:s16], [sflag:$0x2] =	stream.linear.gather [hbm4b:s12+s4], $0x80, $0x38;
	[tilespmem:$0x1FC00] =	vst v63  }
0x4f7: {  	s18 =	sadd.s32 $0x50, s5;
	s19 =	simm.s32 $0x580  }
0x4f8: {  	[tilespmem:s19], [sflag:$0x2] =	stream.linear.gather [hbm4b:s18+s4], $0x80, $0x38;
	[tilespmem:$0x1FC00] =	vst v63  }
0x4f9: {  	s12 =	sadd.s32 $0x60, s5;
	s16 =	simm.s32 $0x680  }
0x4fa: {  	[tilespmem:s16], [sflag:$0x2] =	stream.linear.gather [hbm4b:s12+s4], $0x80, $0x38;
	[tilespmem:$0x1FC00] =	vst v63  }
0x4fb: {  	s18 =	sadd.s32 $0x70, s5;
	s19 =	simm.s32 $0x780  }
0x4fc: {  	[tilespmem:s19], [sflag:$0x2] =	stream.linear.gather [hbm4b:s18+s4], $0x80, $0x38;
	[tilespmem:$0x1FC00] =	vst v63  }
0x4fd: {  	s12 =	sadd.s32 $0x80, s5;
	s16 =	simm.s32 $0x880  }
0x4fe: {  	[tilespmem:s16], [sflag:$0x2] =	stream.linear.gather [hbm4b:s12+s4], $0x80, $0x38;
	[tilespmem:$0x1FC00] =	vst v63  }
0x4ff: {  	s18 =	sadd.s32 $0x90, s5;
	s19 =	simm.s32 $0x980  }
0x500: {  	[tilespmem:s19], [sflag:$0x2] =	stream.linear.gather [hbm4b:s18+s4], $0x80, $0x38;
	[tilespmem:$0x1FC00] =	vst v63  }
0x501: {  	s12 =	sadd.s32 $0xA0, s5;
	s16 =	simm.s32 $0xA80  }
0x502: {  	[tilespmem:s16], [sflag:$0x2] =	stream.linear.gather [hbm4b:s12+s4], $0x80, $0x38;
	[tilespmem:$0x1FC00] =	vst v63  }
0x503: {  	s18 =	sadd.s32 $0xB0, s5;
	s19 =	simm.s32 $0xB80  }
0x504: {  	[tilespmem:s19], [sflag:$0x2] =	stream.linear.gather [hbm4b:s18+s4], $0x80, $0x38;
	[tilespmem:$0x1FC00] =	vst v63  }
0x505: {  	s12 =	sadd.s32 $0xC0, s5;
	s16 =	simm.s32 $0xC80  }
0x506: {  	[tilespmem:s16], [sflag:$0x2] =	stream.linear.gather [hbm4b:s12+s4], $0x80, $0x38;
	[tilespmem:$0x1FC00] =	vst v63  }
0x507: {  	s18 =	sadd.s32 $0xD0, s5;
	s19 =	simm.s32 $0xD80  }
0x508: {  	[tilespmem:s19], [sflag:$0x2] =	stream.linear.gather [hbm4b:s18+s4], $0x80, $0x38;
	[tilespmem:$0x1FC00] =	vst v63  }
0x509: {  	s12 =	sadd.s32 $0xE0, s5;
	s16 =	simm.s32 $0xE80  }
0x50a: {  	[tilespmem:s16], [sflag:$0x2] =	stream.linear.gather [hbm4b:s12+s4], $0x80, $0x38;
	[tilespmem:$0x1FC00] =	vst v63  }
0x50b: {  	s5 =	sadd.s32 $0xF0, s5;
	s18 =	simm.s32 $0xF80  }
0x50c: {  	[tilespmem:s18], [sflag:$0x2] =	stream.linear.gather [hbm4b:s5+s4], $0x80, $0x38;
	[tilespmem:$0x1FC00] =	vst v63  }
0x50d: {  	s1 =	sadd.s32 s6, s1;
	s19 =	simm.s32 $0x1080  }
0x50e: {  	[tilespmem:s19], [sflag:$0x4] =	stream.linear.gather [hbm4b:s1+s4], $0x80, $0x38;
	[tilespmem:$0x1FC00] =	vst v63  }
0x50f: {  	s7 =	sadd.s32 $0x10, s1;
	s11 =	simm.s32 $0x1280  }
0x510: {  	[tilespmem:s11], [sflag:$0x4] =	stream.linear.gather [hbm4b:s7+s4], $0x80, $0x38;
	[tilespmem:$0x1FC00] =	vst v63  }
0x511: {  	s12 =	sadd.s32 $0x20, s1;
	s16 =	simm.s32 $0x1480  }
0x512: {  	[tilespmem:s16], [sflag:$0x4] =	stream.linear.gather [hbm4b:s12+s4], $0x80, $0x38;
	[tilespmem:$0x1FC00] =	vst v63  }
0x513: {  	s18 =	sadd.s32 $0x30, s1;
	s19 =	simm.s32 $0x1680  }
0x514: {  	[tilespmem:s19], [sflag:$0x4] =	stream.linear.gather [hbm4b:s18+s4], $0x80, $0x38;
	[tilespmem:$0x1FC00] =	vst v63  }
0x515: {  	s7 =	sadd.s32 $0x40, s1;
	s11 =	simm.s32 $0x1880  }
0x516: {  	[tilespmem:s11], [sflag:$0x4] =	stream.linear.gather [hbm4b:s7+s4], $0x80, $0x38;
	[tilespmem:$0x1FC00] =	vst v63  }
0x517: {  	s12 =	sadd.s32 $0x50, s1;
	s16 =	simm.s32 $0x1A80  }
0x518: {  	[tilespmem:s16], [sflag:$0x4] =	stream.linear.gather [hbm4b:s12+s4], $0x80, $0x38;
	[tilespmem:$0x1FC00] =	vst v63  }
0x519: {  	s18 =	sadd.s32 $0x60, s1;
	s19 =	simm.s32 $0x1C80  }
0x51a: {  	[tilespmem:s19], [sflag:$0x4] =	stream.linear.gather [hbm4b:s18+s4], $0x80, $0x38;
	[tilespmem:$0x1FC00] =	vst v63  }
0x51b: {  	s7 =	sadd.s32 $0x70, s1;
	s11 =	simm.s32 $0x1E80  }
0x51c: {  	[tilespmem:s11], [sflag:$0x4] =	stream.linear.gather [hbm4b:s7+s4], $0x80, $0x38;
	[tilespmem:$0x1FC00] =	vst v63  }
0x51d: {  	s12 =	sadd.s32 $0x80, s1;
	s16 =	simm.s32 $0x2080  }
0x51e: {  	[tilespmem:s16], [sflag:$0x4] =	stream.linear.gather [hbm4b:s12+s4], $0x80, $0x38;
	[tilespmem:$0x1FC00] =	vst v63  }
0x51f: {  	s18 =	sadd.s32 $0x90, s1;
	s19 =	simm.s32 $0x2280  }
0x520: {  	[tilespmem:s19], [sflag:$0x4] =	stream.linear.gather [hbm4b:s18+s4], $0x80, $0x38;
	[tilespmem:$0x1FC00] =	vst v63  }
0x521: {  	s7 =	sadd.s32 $0xA0, s1;
	s11 =	simm.s32 $0x2480  }
0x522: {  	[tilespmem:s11], [sflag:$0x4] =	stream.linear.gather [hbm4b:s7+s4], $0x80, $0x38;
	[tilespmem:$0x1FC00] =	vst v63  }
0x523: {  	s12 =	sadd.s32 $0xB0, s1;
	s16 =	simm.s32 $0x2680  }
0x524: {  	[tilespmem:s16], [sflag:$0x4] =	stream.linear.gather [hbm4b:s12+s4], $0x80, $0x38;
	[tilespmem:$0x1FC00] =	vst v63  }
0x525: {  	s18 =	sadd.s32 $0xC0, s1;
	s19 =	simm.s32 $0x2880  }
0x526: {  	[tilespmem:s19], [sflag:$0x4] =	stream.linear.gather [hbm4b:s18+s4], $0x80, $0x38;
	[tilespmem:$0x1FC00] =	vst v63  }
0x527: {  	s11 =	sadd.s32 $0xD0, s1;
	s12 =	simm.s32 $0x2A80  }
0x528: {  	[tilespmem:s12], [sflag:$0x4] =	stream.linear.gather [hbm4b:s11+s4], $0x80, $0x38;
	[tilespmem:$0x1FC00] =	vst v63  }
.Ltmp10:
0x529: {  	_ = 	snop;
	(pc) =	sbr.rel .LBB2_7-.Ltmp10, $4  }
0x52a: {  	s16 =	sadd.s32 $0xE0, s1;
	s18 =	simm.s32 $0x2C80  }
0x52b: {  	[tilespmem:s18], [sflag:$0x4] =	stream.linear.gather [hbm4b:s16+s4], $0x80, $0x38;
	[tilespmem:$0x1FC00] =	vst v63  }
0x52c: {  	s0 =	sadd.s32 $0x1, s0;
	s1 =	sadd.s32 $0xF0, s1;
	s19 =	simm.s32 $0x2E80  }
0x52d: {  	[tilespmem:s19], [sflag:$0x4] =	stream.linear.gather [hbm4b:s1+s4], $0x80, $0x38;
	[tilespmem:$0x1FC00] =	vst v63  }
.LBB2_19:
0x52e: {  	s1 =	simm.s32 $0x9  }
0x52f: {  	_ =	swait.ge [sflag:s1], $0x800  }
0x530: {  	[sflag:s1] =	ssyncset.done $0x0  }
0x531: {  	s5 =	simm.s32 $0xA;
	s0 =	rddreg [dreg:$0x19];
	[sflag:s1] =	ssyncadd.s32 $0xFFFFF800  }
0x532: {  	p0 =	seq.s32 s0, $0x9;
	s0 =	simm.s32 $0x16000;
	_ =	swait.ge [sflag:s5], $0x800  }
0x533: {  	s0 =	simm.s32 @!p0 $0x1A000;
	[sflag:s5] =	ssyncset.done $0x0;
	s19 =	rddreg [dreg:$0x13]  }
0x534: {  	s7 =	stileid.u32;
	s1 =	smul.u32 s0, s19;
	[sflag:s5] =	ssyncadd.s32 $0xFFFFF800  }
0x535: {  	s5 =	smul.u32 s7, s0;
	[bflag:$0x0] =	sbarrier.arrive $0xFFFF  }
0x536: {  	s12 =	rddreg [dreg:$0x17]  }
0x537: {  	s7 =	sshrl.u32 s0, $0xB;
	s11 =	sshrl.u32 s1, $0x2;
	s1 =	sadd.s32 s5, s12  }
0x538: {  	s16 =	sshrl.u32 s1, $0x3;
	s1 =	sadd.s32 $0xFFFFFFFF, s7  }
0x539: {  	p2 =	sne.s32 s1, $0x0  }
.Ltmp11:
0x53a: {  	p6 =	por $0x1, $0x1;
	(pc) =	sbr.rel @!p2 .LBB2_20-.Ltmp11, $4  }
0x53b: {  	p1 =	por $0x0, $0x0;
	s0 =	sadd.s32 s11, s2;
	s11 =	rddreg [dreg:$0x16]  }
0x53c: {  	p0 =	por p6, p6;
	s19 =	rddreg [dreg:$0x7];
	s5 =	sadd.s32 s5, s11  }
0x53d: {  	[dreg:$0x4] =	wrdreg s0;
	s7 =	simm.s32 $0x2000;
	s18 =	sshrl.u32 s5, $0x3  }
0x53e: {  	s0 =	sadd.s32 s16, s19;
	s5 =	simm.s32 $0x0;
	s12 =	sadd.s32 s18, s19  }
0x53f: {  	s5 =	simm.s32 @!p0 $0xC  }
0x540: {  	_ =	swait.ge @!p0 [sflag:s5], $0x400  }
0x541: {  	s11 =	rddreg [dreg:$0x4];
	[sflag:s5] =	ssyncset.done @!p0 $0x0  }
0x542: {  	[sflag:s5] =	ssyncadd.s32 @!p0 $0xFFFFFC00;
	s11 =	sadd.s32 $0x0, s11  }
0x543: {  	[tilespmem:s10], [sflag:$0xB] =	stream.linear.gather [spmem:s11], $0x80, $0x38;
	[tilespmem:$0x1FC00] =	vst v63  }
0x544: {  	s16 =	sadd.s32 $0x80, s11  }
0x545: {  	[tilespmem:s23], [sflag:$0xB] =	stream.linear.gather [spmem:s16], $0x80, $0x38;
	[tilespmem:$0x1FC00] =	vst v63  }
0x546: {  	s18 =	sadd.s32 $0x100, s11  }
0x547: {  	[tilespmem:s3], [sflag:$0xB] =	stream.linear.gather [spmem:s18], $0x80, $0x38;
	[tilespmem:$0x1FC00] =	vst v63  }
0x548: {  	s19 =	sadd.s32 $0x180, s11  }
0x549: {  	[tilespmem:s9], [sflag:$0xB] =	stream.linear.gather [spmem:s19], $0x80, $0x38;
	[tilespmem:$0x1FC00] =	vst v63  }
0x54a: {  	s18 =	sadd.s32 $0x200, s11  }
0x54b: {  	[tilespmem:s20], [sflag:$0xB] =	stream.linear.gather [spmem:s18], $0x80, $0x38;
	[tilespmem:$0x1FC00] =	vst v63  }
0x54c: {  	s19 =	sadd.s32 $0x280, s11  }
0x54d: {  	[tilespmem:s8], [sflag:$0xB] =	stream.linear.gather [spmem:s19], $0x80, $0x38;
	[tilespmem:$0x1FC00] =	vst v63  }
0x54e: {  	s18 =	sadd.s32 $0x300, s11  }
0x54f: {  	[tilespmem:s13], [sflag:$0xB] =	stream.linear.gather [spmem:s18], $0x80, $0x38;
	[tilespmem:$0x1FC00] =	vst v63  }
0x550: {  	s19 =	sadd.s32 $0x380, s11  }
0x551: {  	[tilespmem:s14], [sflag:$0xB] =	stream.linear.gather [spmem:s19], $0x80, $0x38;
	[tilespmem:$0x1FC00] =	vst v63  }
0x552: {  	_ =	swait.ge [sflag:s24], $0x400  }
0x553: {  	[sflag:s24] =	ssyncset.done $0x0  }
0x554: {  	[sflag:s24] =	ssyncadd.s32 $0xFFFFFC00  }
0x555: {  	[hbm4b:s12+s4] =	stream.linear.scatter [tilespmem:s10], [sflag:$0xC], $0x80, $0x38;
	[tilespmem:$0x1FC00] =	vst v63  }
0x556: {  	s18 =	sadd.s32 $0x10, s12  }
0x557: {  	[hbm4b:s18+s4] =	stream.linear.scatter [tilespmem:s23], [sflag:$0xC], $0x80, $0x38;
	[tilespmem:$0x1FC00] =	vst v63  }
0x558: {  	s19 =	sadd.s32 $0x20, s12  }
0x559: {  	[hbm4b:s19+s4] =	stream.linear.scatter [tilespmem:s3], [sflag:$0xC], $0x80, $0x38;
	[tilespmem:$0x1FC00] =	vst v63  }
0x55a: {  	s18 =	sadd.s32 $0x30, s12  }
0x55b: {  	[hbm4b:s18+s4] =	stream.linear.scatter [tilespmem:s9], [sflag:$0xC], $0x80, $0x38;
	[tilespmem:$0x1FC00] =	vst v63  }
0x55c: {  	s19 =	sadd.s32 $0x40, s12  }
0x55d: {  	[hbm4b:s19+s4] =	stream.linear.scatter [tilespmem:s20], [sflag:$0xC], $0x80, $0x38;
	[tilespmem:$0x1FC00] =	vst v63  }
0x55e: {  	s18 =	sadd.s32 $0x50, s12  }
0x55f: {  	[hbm4b:s18+s4] =	stream.linear.scatter [tilespmem:s8], [sflag:$0xC], $0x80, $0x38;
	[tilespmem:$0x1FC00] =	vst v63  }
0x560: {  	s19 =	sadd.s32 $0x60, s12  }
0x561: {  	[hbm4b:s19+s4] =	stream.linear.scatter [tilespmem:s13], [sflag:$0xC], $0x80, $0x38;
	[tilespmem:$0x1FC00] =	vst v63  }
0x562: {  	s18 =	sadd.s32 $0x70, s12  }
0x563: {  	[hbm4b:s18+s4] =	stream.linear.scatter [tilespmem:s14], [sflag:$0xC], $0x80, $0x38;
	[tilespmem:$0x1FC00] =	vst v63  }
0x564: {  	_ =	swait.ge @!p0 [sflag:s5], $0x400  }
0x565: {  	[sflag:s5] =	ssyncset.done @!p0 $0x0  }
0x566: {  	s19 =	sadd.s32 $0x400, s11;
	[sflag:s5] =	ssyncadd.s32 @!p0 $0xFFFFFC00  }
0x567: {  	[tilespmem:s17], [sflag:$0xB] =	stream.linear.gather [spmem:s19], $0x80, $0x38;
	[tilespmem:$0x1FC00] =	vst v63  }
0x568: {  	s16 =	sadd.s32 $0x480, s11  }
0x569: {  	[tilespmem:s22], [sflag:$0xB] =	stream.linear.gather [spmem:s16], $0x80, $0x38;
	[tilespmem:$0x1FC00] =	vst v63  }
0x56a: {  	s18 =	sadd.s32 $0x500, s11  }
0x56b: {  	[tilespmem:s25], [sflag:$0xB] =	stream.linear.gather [spmem:s18], $0x80, $0x38;
	[tilespmem:$0x1FC00] =	vst v63  }
0x56c: {  	s19 =	sadd.s32 $0x580, s11  }
0x56d: {  	[tilespmem:s26], [sflag:$0xB] =	stream.linear.gather [spmem:s19], $0x80, $0x38;
	[tilespmem:$0x1FC00] =	vst v63  }
0x56e: {  	s16 =	sadd.s32 $0x600, s11  }
0x56f: {  	[tilespmem:s28], [sflag:$0xB] =	stream.linear.gather [spmem:s16], $0x80, $0x38;
	[tilespmem:$0x1FC00] =	vst v63  }
0x570: {  	s18 =	sadd.s32 $0x680, s11  }
0x571: {  	[tilespmem:s29], [sflag:$0xB] =	stream.linear.gather [spmem:s18], $0x80, $0x38;
	[tilespmem:$0x1FC00] =	vst v63  }
0x572: {  	s19 =	sadd.s32 $0x700, s11  }
0x573: {  	[tilespmem:s30], [sflag:$0xB] =	stream.linear.gather [spmem:s19], $0x80, $0x38;
	[tilespmem:$0x1FC00] =	vst v63  }
0x574: {  	s16 =	sadd.s32 $0x780, s11  }
0x575: {  	[tilespmem:s31], [sflag:$0xB] =	stream.linear.gather [spmem:s16], $0x80, $0x38;
	[tilespmem:$0x1FC00] =	vst v63  }
0x576: {  	_ =	swait.ge [sflag:s24], $0x400  }
0x577: {  	[sflag:s24] =	ssyncset.done $0x0  }
0x578: {  	[sflag:s24] =	ssyncadd.s32 $0xFFFFFC00  }
0x579: {  	[hbm4b:s0+s4] =	stream.linear.scatter [tilespmem:s17], [sflag:$0xC], $0x80, $0x38;
	[tilespmem:$0x1FC00] =	vst v63  }
0x57a: {  	s18 =	sadd.s32 $0x10, s0  }
0x57b: {  	[hbm4b:s18+s4] =	stream.linear.scatter [tilespmem:s22], [sflag:$0xC], $0x80, $0x38;
	[tilespmem:$0x1FC00] =	vst v63  }
0x57c: {  	s19 =	sadd.s32 $0x20, s0  }
0x57d: {  	[hbm4b:s19+s4] =	stream.linear.scatter [tilespmem:s25], [sflag:$0xC], $0x80, $0x38;
	[tilespmem:$0x1FC00] =	vst v63  }
0x57e: {  	s1 =	sadd.s32 $0xFFFFFFFF, s1;
	p6 =	por $0x0, $0x0;
	s11 =	sadd.s32 $0x30, s0  }
0x57f: {  	[hbm4b:s11+s4] =	stream.linear.scatter [tilespmem:s26], [sflag:$0xC], $0x80, $0x38;
	[tilespmem:$0x1FC00] =	vst v63  }
0x580: {  	p1 =	por $0x1, $0x1;
	p2 =	sne.s32 s1, $0x0;
	s16 =	sadd.s32 $0x40, s0  }
0x581: {  	[hbm4b:s16+s4] =	stream.linear.scatter [tilespmem:s28], [sflag:$0xC], $0x80, $0x38;
	[tilespmem:$0x1FC00] =	vst v63  }
.Ltmp12:
0x582: {  	s12 =	sadd.s32 $0x100, s12;
	s18 =	sadd.s32 $0x50, s0;
	(pc) =	sbr.rel @!p2 .LBB2_22-.Ltmp12, $4  }
0x583: {  	[hbm4b:s18+s4] =	stream.linear.scatter [tilespmem:s29], [sflag:$0xC], $0x80, $0x38;
	[tilespmem:$0x1FC00] =	vst v63  }
0x584: {  	p0 =	por p6, p6;
	s5 =	simm.s32 $0x4000;
	s19 =	sadd.s32 $0x60, s0  }
0x585: {  	[hbm4b:s19+s4] =	stream.linear.scatter [tilespmem:s30], [sflag:$0xC], $0x80, $0x38;
	[tilespmem:$0x1FC00] =	vst v63  }
0x586: {  	s16 =	sadd.s32 $0x70, s0;
	s0 =	sadd.s32 $0x100, s0;
	s19 =	rddreg [dreg:$0x9]  }
.LBB2_23:
0x587: {  	[hbm4b:s16+s4] =	stream.linear.scatter [tilespmem:s31], [sflag:$0xC], $0x80, $0x38;
	[tilespmem:$0x1FC00] =	vst v63  }
0x588: {  	s18 =	simm.s32 @!p0 $0xC  }
0x589: {  	_ =	swait.ge @!p0 [sflag:s18], $0x400  }
0x58a: {  	s16 =	sshra.s32 s7, $0x2;
	s11 =	rddreg [dreg:$0x4];
	[sflag:s18] =	ssyncset.done @!p0 $0x0  }
0x58b: {  	[sflag:s18] =	ssyncadd.s32 @!p0 $0xFFFFFC00;
	s16 =	sadd.s32 s16, s11  }
0x58c: {  	[tilespmem:s10], [sflag:$0xB] =	stream.linear.gather [spmem:s16], $0x80, $0x38;
	[tilespmem:$0x1FC00] =	vst v63  }
0x58d: {  	s11 =	sadd.s32 $0x80, s16  }
0x58e: {  	[tilespmem:s23], [sflag:$0xB] =	stream.linear.gather [spmem:s11], $0x80, $0x38;
	[tilespmem:$0x1FC00] =	vst v63  }
0x58f: {  	s11 =	sadd.s32 $0x100, s16  }
0x590: {  	[tilespmem:s3], [sflag:$0xB] =	stream.linear.gather [spmem:s11], $0x80, $0x38;
	[tilespmem:$0x1FC00] =	vst v63  }
0x591: {  	s11 =	sadd.s32 $0x180, s16  }
0x592: {  	[tilespmem:s9], [sflag:$0xB] =	stream.linear.gather [spmem:s11], $0x80, $0x38;
	[tilespmem:$0x1FC00] =	vst v63  }
0x593: {  	s11 =	sadd.s32 $0x200, s16  }
0x594: {  	[tilespmem:s20], [sflag:$0xB] =	stream.linear.gather [spmem:s11], $0x80, $0x38;
	[tilespmem:$0x1FC00] =	vst v63  }
0x595: {  	s11 =	sadd.s32 $0x280, s16  }
0x596: {  	[tilespmem:s8], [sflag:$0xB] =	stream.linear.gather [spmem:s11], $0x80, $0x38;
	[tilespmem:$0x1FC00] =	vst v63  }
0x597: {  	s11 =	sadd.s32 $0x300, s16  }
0x598: {  	[tilespmem:s13], [sflag:$0xB] =	stream.linear.gather [spmem:s11], $0x80, $0x38;
	[tilespmem:$0x1FC00] =	vst v63  }
0x599: {  	s11 =	sadd.s32 $0x380, s16  }
0x59a: {  	[tilespmem:s14], [sflag:$0xB] =	stream.linear.gather [spmem:s11], $0x80, $0x38;
	[tilespmem:$0x1FC00] =	vst v63  }
0x59b: {  	_ =	swait.ge [sflag:s24], $0x400  }
0x59c: {  	[sflag:s24] =	ssyncset.done $0x0  }
0x59d: {  	[sflag:s24] =	ssyncadd.s32 $0xFFFFFC00  }
0x59e: {  	[hbm4b:s12+s4] =	stream.linear.scatter [tilespmem:s10], [sflag:$0xC], $0x80, $0x38;
	[tilespmem:$0x1FC00] =	vst v63  }
0x59f: {  	s11 =	sadd.s32 $0x10, s12  }
0x5a0: {  	[hbm4b:s11+s4] =	stream.linear.scatter [tilespmem:s23], [sflag:$0xC], $0x80, $0x38;
	[tilespmem:$0x1FC00] =	vst v63  }
0x5a1: {  	s11 =	sadd.s32 $0x20, s12  }
0x5a2: {  	[hbm4b:s11+s4] =	stream.linear.scatter [tilespmem:s3], [sflag:$0xC], $0x80, $0x38;
	[tilespmem:$0x1FC00] =	vst v63  }
0x5a3: {  	s11 =	sadd.s32 $0x30, s12  }
0x5a4: {  	[hbm4b:s11+s4] =	stream.linear.scatter [tilespmem:s9], [sflag:$0xC], $0x80, $0x38;
	[tilespmem:$0x1FC00] =	vst v63  }
0x5a5: {  	s11 =	sadd.s32 $0x40, s12  }
0x5a6: {  	[hbm4b:s11+s4] =	stream.linear.scatter [tilespmem:s20], [sflag:$0xC], $0x80, $0x38;
	[tilespmem:$0x1FC00] =	vst v63  }
0x5a7: {  	s11 =	sadd.s32 $0x50, s12  }
0x5a8: {  	[hbm4b:s11+s4] =	stream.linear.scatter [tilespmem:s8], [sflag:$0xC], $0x80, $0x38;
	[tilespmem:$0x1FC00] =	vst v63  }
0x5a9: {  	s11 =	sadd.s32 $0x60, s12  }
0x5aa: {  	[hbm4b:s11+s4] =	stream.linear.scatter [tilespmem:s13], [sflag:$0xC], $0x80, $0x38;
	[tilespmem:$0x1FC00] =	vst v63  }
0x5ab: {  	s11 =	sadd.s32 $0x70, s12  }
0x5ac: {  	[hbm4b:s11+s4] =	stream.linear.scatter [tilespmem:s14], [sflag:$0xC], $0x80, $0x38;
	[tilespmem:$0x1FC00] =	vst v63  }
0x5ad: {  	_ =	swait.ge @!p0 [sflag:s18], $0x400  }
0x5ae: {  	[sflag:s18] =	ssyncset.done @!p0 $0x0  }
0x5af: {  	[sflag:s18] =	ssyncadd.s32 @!p0 $0xFFFFFC00;
	s18 =	sadd.s32 $0x400, s16  }
0x5b0: {  	[tilespmem:s17], [sflag:$0xB] =	stream.linear.gather [spmem:s18], $0x80, $0x38;
	[tilespmem:$0x1FC00] =	vst v63  }
0x5b1: {  	s18 =	sadd.s32 $0x480, s16  }
0x5b2: {  	[tilespmem:s22], [sflag:$0xB] =	stream.linear.gather [spmem:s18], $0x80, $0x38;
	[tilespmem:$0x1FC00] =	vst v63  }
0x5b3: {  	s18 =	sadd.s32 $0x500, s16  }
0x5b4: {  	[tilespmem:s25], [sflag:$0xB] =	stream.linear.gather [spmem:s18], $0x80, $0x38;
	[tilespmem:$0x1FC00] =	vst v63  }
0x5b5: {  	s18 =	sadd.s32 $0x580, s16  }
0x5b6: {  	[tilespmem:s26], [sflag:$0xB] =	stream.linear.gather [spmem:s18], $0x80, $0x38;
	[tilespmem:$0x1FC00] =	vst v63  }
0x5b7: {  	s18 =	sadd.s32 $0x600, s16  }
0x5b8: {  	[tilespmem:s28], [sflag:$0xB] =	stream.linear.gather [spmem:s18], $0x80, $0x38;
	[tilespmem:$0x1FC00] =	vst v63  }
0x5b9: {  	s18 =	sadd.s32 $0x680, s16  }
0x5ba: {  	[tilespmem:s29], [sflag:$0xB] =	stream.linear.gather [spmem:s18], $0x80, $0x38;
	[tilespmem:$0x1FC00] =	vst v63  }
0x5bb: {  	s18 =	sadd.s32 $0x700, s16  }
0x5bc: {  	[tilespmem:s30], [sflag:$0xB] =	stream.linear.gather [spmem:s18], $0x80, $0x38;
	[tilespmem:$0x1FC00] =	vst v63  }
0x5bd: {  	s18 =	sadd.s32 $0x780, s16  }
0x5be: {  	[tilespmem:s31], [sflag:$0xB] =	stream.linear.gather [spmem:s18], $0x80, $0x38;
	[tilespmem:$0x1FC00] =	vst v63  }
0x5bf: {  	_ =	swait.ge [sflag:s24], $0x400  }
0x5c0: {  	[sflag:s24] =	ssyncset.done $0x0  }
0x5c1: {  	[sflag:s24] =	ssyncadd.s32 $0xFFFFFC00  }
0x5c2: {  	[hbm4b:s0+s4] =	stream.linear.scatter [tilespmem:s17], [sflag:$0xC], $0x80, $0x38;
	[tilespmem:$0x1FC00] =	vst v63  }
0x5c3: {  	s16 =	sadd.s32 $0x10, s0  }
0x5c4: {  	[hbm4b:s16+s4] =	stream.linear.scatter [tilespmem:s22], [sflag:$0xC], $0x80, $0x38;
	[tilespmem:$0x1FC00] =	vst v63  }
0x5c5: {  	s18 =	sadd.s32 $0x20, s0  }
0x5c6: {  	[hbm4b:s18+s4] =	stream.linear.scatter [tilespmem:s25], [sflag:$0xC], $0x80, $0x38;
	[tilespmem:$0x1FC00] =	vst v63  }
0x5c7: {  	s1 =	sadd.s32 $0xFFFFFFFF, s1;
	s16 =	sadd.s32 $0x30, s0  }
0x5c8: {  	[hbm4b:s16+s4] =	stream.linear.scatter [tilespmem:s26], [sflag:$0xC], $0x80, $0x38;
	[tilespmem:$0x1FC00] =	vst v63  }
0x5c9: {  	p3 =	seq.s32 s5, $0x0;
	p2 =	sne.s32 s1, $0x0;
	s18 =	sadd.s32 $0x40, s0  }
0x5ca: {  	[hbm4b:s18+s4] =	stream.linear.scatter [tilespmem:s28], [sflag:$0xC], $0x80, $0x38;
	[tilespmem:$0x1FC00] =	vst v63  }
.Ltmp13:
0x5cb: {  	s7 =	smov.u32 s5;
	s5 =	sadd.s32 $0x2000, s5;
	(pc) =	sbr.rel @p2 .LBB2_23-.Ltmp13, $4  }
0x5cc: {  	s12 =	sadd.s32 $0x100, s12;
	p0 =	por p3, p3;
	s16 =	sadd.s32 $0x50, s0  }
0x5cd: {  	[hbm4b:s16+s4] =	stream.linear.scatter [tilespmem:s29], [sflag:$0xC], $0x80, $0x38;
	[tilespmem:$0x1FC00] =	vst v63  }
0x5ce: {  	s18 =	sadd.s32 $0x60, s0;
	s16 =	sadd.s32 $0x70, s0;
	s0 =	sadd.s32 $0x100, s0  }
0x5cf: {  	[hbm4b:s18+s4] =	stream.linear.scatter [tilespmem:s30], [sflag:$0xC], $0x80, $0x38;
	[tilespmem:$0x1FC00] =	vst v63  }
0x5d0: {  	s5 =	smov.u32 s7  }
.LBB2_25:
0x5d1: {  	[hbm4b:s16+s4] =	stream.linear.scatter @p1 [tilespmem:s31], [sflag:$0xC], $0x80, $0x38;
	[tilespmem:$0x1FC00] =	vst v63  }
0x5d2: {  	s1 =	simm.s32 @!p0 $0xC  }
0x5d3: {  	_ =	swait.ge @!p0 [sflag:s1], $0x400  }
0x5d4: {  	s5 =	sshra.s32 s5, $0x2;
	s7 =	rddreg [dreg:$0x4];
	[sflag:s1] =	ssyncset.done @!p0 $0x0  }
0x5d5: {  	[sflag:s1] =	ssyncadd.s32 @!p0 $0xFFFFFC00;
	s5 =	sadd.s32 s5, s7  }
0x5d6: {  	[tilespmem:s10], [sflag:$0xB] =	stream.linear.gather [spmem:s5], $0x80, $0x38;
	[tilespmem:$0x1FC00] =	vst v63  }
0x5d7: {  	s7 =	sadd.s32 $0x80, s5  }
0x5d8: {  	[tilespmem:s23], [sflag:$0xB] =	stream.linear.gather [spmem:s7], $0x80, $0x38;
	[tilespmem:$0x1FC00] =	vst v63  }
0x5d9: {  	s16 =	sadd.s32 $0x100, s5  }
0x5da: {  	[tilespmem:s3], [sflag:$0xB] =	stream.linear.gather [spmem:s16], $0x80, $0x38;
	[tilespmem:$0x1FC00] =	vst v63  }
0x5db: {  	s18 =	sadd.s32 $0x180, s5  }
0x5dc: {  	[tilespmem:s9], [sflag:$0xB] =	stream.linear.gather [spmem:s18], $0x80, $0x38;
	[tilespmem:$0x1FC00] =	vst v63  }
0x5dd: {  	s11 =	sadd.s32 $0x200, s5  }
0x5de: {  	[tilespmem:s20], [sflag:$0xB] =	stream.linear.gather [spmem:s11], $0x80, $0x38;
	[tilespmem:$0x1FC00] =	vst v63  }
0x5df: {  	s16 =	sadd.s32 $0x280, s5  }
0x5e0: {  	[tilespmem:s8], [sflag:$0xB] =	stream.linear.gather [spmem:s16], $0x80, $0x38;
	[tilespmem:$0x1FC00] =	vst v63  }
0x5e1: {  	s18 =	sadd.s32 $0x300, s5  }
0x5e2: {  	[tilespmem:s13], [sflag:$0xB] =	stream.linear.gather [spmem:s18], $0x80, $0x38;
	[tilespmem:$0x1FC00] =	vst v63  }
0x5e3: {  	s11 =	sadd.s32 $0x380, s5  }
0x5e4: {  	[tilespmem:s14], [sflag:$0xB] =	stream.linear.gather [spmem:s11], $0x80, $0x38;
	[tilespmem:$0x1FC00] =	vst v63  }
0x5e5: {  	_ =	swait.ge [sflag:s24], $0x400  }
0x5e6: {  	[sflag:s24] =	ssyncset.done $0x0  }
0x5e7: {  	[sflag:s24] =	ssyncadd.s32 $0xFFFFFC00  }
0x5e8: {  	[hbm4b:s12+s4] =	stream.linear.scatter [tilespmem:s10], [sflag:$0xC], $0x80, $0x38;
	[tilespmem:$0x1FC00] =	vst v63  }
0x5e9: {  	s16 =	sadd.s32 $0x10, s12  }
0x5ea: {  	[hbm4b:s16+s4] =	stream.linear.scatter [tilespmem:s23], [sflag:$0xC], $0x80, $0x38;
	[tilespmem:$0x1FC00] =	vst v63  }
0x5eb: {  	s18 =	sadd.s32 $0x20, s12  }
0x5ec: {  	[hbm4b:s18+s4] =	stream.linear.scatter [tilespmem:s3], [sflag:$0xC], $0x80, $0x38;
	[tilespmem:$0x1FC00] =	vst v63  }
0x5ed: {  	s11 =	sadd.s32 $0x30, s12  }
0x5ee: {  	[hbm4b:s11+s4] =	stream.linear.scatter [tilespmem:s9], [sflag:$0xC], $0x80, $0x38;
	[tilespmem:$0x1FC00] =	vst v63  }
0x5ef: {  	s16 =	sadd.s32 $0x40, s12  }
0x5f0: {  	[hbm4b:s16+s4] =	stream.linear.scatter [tilespmem:s20], [sflag:$0xC], $0x80, $0x38;
	[tilespmem:$0x1FC00] =	vst v63  }
0x5f1: {  	s18 =	sadd.s32 $0x50, s12  }
0x5f2: {  	[hbm4b:s18+s4] =	stream.linear.scatter [tilespmem:s8], [sflag:$0xC], $0x80, $0x38;
	[tilespmem:$0x1FC00] =	vst v63  }
0x5f3: {  	s11 =	sadd.s32 $0x60, s12  }
0x5f4: {  	[hbm4b:s11+s4] =	stream.linear.scatter [tilespmem:s13], [sflag:$0xC], $0x80, $0x38;
	[tilespmem:$0x1FC00] =	vst v63  }
0x5f5: {  	s12 =	sadd.s32 $0x70, s12  }
0x5f6: {  	[hbm4b:s12+s4] =	stream.linear.scatter [tilespmem:s14], [sflag:$0xC], $0x80, $0x38;
	[tilespmem:$0x1FC00] =	vst v63  }
0x5f7: {  	_ =	swait.ge @!p0 [sflag:s1], $0x400  }
0x5f8: {  	[sflag:s1] =	ssyncset.done @!p0 $0x0  }
0x5f9: {  	s16 =	sadd.s32 $0x400, s5;
	[sflag:s1] =	ssyncadd.s32 @!p0 $0xFFFFFC00  }
0x5fa: {  	[tilespmem:s17], [sflag:$0xB] =	stream.linear.gather [spmem:s16], $0x80, $0x38;
	[tilespmem:$0x1FC00] =	vst v63  }
0x5fb: {  	s18 =	sadd.s32 $0x480, s5  }
0x5fc: {  	[tilespmem:s22], [sflag:$0xB] =	stream.linear.gather [spmem:s18], $0x80, $0x38;
	[tilespmem:$0x1FC00] =	vst v63  }
0x5fd: {  	s7 =	sadd.s32 $0x500, s5  }
0x5fe: {  	[tilespmem:s25], [sflag:$0xB] =	stream.linear.gather [spmem:s7], $0x80, $0x38;
	[tilespmem:$0x1FC00] =	vst v63  }
0x5ff: {  	s11 =	sadd.s32 $0x580, s5  }
0x600: {  	[tilespmem:s26], [sflag:$0xB] =	stream.linear.gather [spmem:s11], $0x80, $0x38;
	[tilespmem:$0x1FC00] =	vst v63  }
0x601: {  	s12 =	sadd.s32 $0x600, s5  }
0x602: {  	[tilespmem:s28], [sflag:$0xB] =	stream.linear.gather [spmem:s12], $0x80, $0x38;
	[tilespmem:$0x1FC00] =	vst v63  }
0x603: {  	s16 =	sadd.s32 $0x680, s5  }
0x604: {  	[tilespmem:s29], [sflag:$0xB] =	stream.linear.gather [spmem:s16], $0x80, $0x38;
	[tilespmem:$0x1FC00] =	vst v63  }
0x605: {  	s18 =	sadd.s32 $0x700, s5  }
0x606: {  	[tilespmem:s30], [sflag:$0xB] =	stream.linear.gather [spmem:s18], $0x80, $0x38;
	[tilespmem:$0x1FC00] =	vst v63  }
0x607: {  	s7 =	sadd.s32 $0x780, s5  }
0x608: {  	[tilespmem:s31], [sflag:$0xB] =	stream.linear.gather [spmem:s7], $0x80, $0x38;
	[tilespmem:$0x1FC00] =	vst v63  }
0x609: {  	_ =	swait.ge [sflag:s24], $0x400  }
0x60a: {  	[sflag:s24] =	ssyncset.done $0x0  }
0x60b: {  	[sflag:s24] =	ssyncadd.s32 $0xFFFFFC00  }
0x60c: {  	[hbm4b:s0+s4] =	stream.linear.scatter [tilespmem:s17], [sflag:$0xC], $0x80, $0x38;
	[tilespmem:$0x1FC00] =	vst v63  }
0x60d: {  	s11 =	sadd.s32 $0x10, s0  }
0x60e: {  	[hbm4b:s11+s4] =	stream.linear.scatter [tilespmem:s22], [sflag:$0xC], $0x80, $0x38;
	[tilespmem:$0x1FC00] =	vst v63  }
0x60f: {  	s12 =	sadd.s32 $0x20, s0  }
0x610: {  	[hbm4b:s12+s4] =	stream.linear.scatter [tilespmem:s25], [sflag:$0xC], $0x80, $0x38;
	[tilespmem:$0x1FC00] =	vst v63  }
0x611: {  	s16 =	sadd.s32 $0x30, s0  }
0x612: {  	[hbm4b:s16+s4] =	stream.linear.scatter [tilespmem:s26], [sflag:$0xC], $0x80, $0x38;
	[tilespmem:$0x1FC00] =	vst v63  }
0x613: {  	s18 =	sadd.s32 $0x40, s0  }
0x614: {  	[hbm4b:s18+s4] =	stream.linear.scatter [tilespmem:s28], [sflag:$0xC], $0x80, $0x38;
	[tilespmem:$0x1FC00] =	vst v63  }
0x615: {  	s5 =	sadd.s32 $0x50, s0  }
0x616: {  	[hbm4b:s5+s4] =	stream.linear.scatter [tilespmem:s29], [sflag:$0xC], $0x80, $0x38;
	[tilespmem:$0x1FC00] =	vst v63  }
0x617: {  	s7 =	sadd.s32 $0x60, s0  }
0x618: {  	[hbm4b:s7+s4] =	stream.linear.scatter [tilespmem:s30], [sflag:$0xC], $0x80, $0x38;
	[tilespmem:$0x1FC00] =	vst v63  }
0x619: {  	s11 =	sadd.s32 $0x70, s0;
	s12 =	simm.s32 $0xC  }
0x61a: {  	[hbm4b:s11+s4] =	stream.linear.scatter [tilespmem:s31], [sflag:$0xC], $0x80, $0x38;
	[tilespmem:$0x1FC00] =	vst v63  }
0x61b: {  	_ =	swait.ge [sflag:s12], $0x400  }
0x61c: {  	[sflag:s12] =	ssyncset.done $0x0  }
0x61d: {  	[sflag:s12] =	ssyncadd.s32 $0xFFFFFC00  }
0x61e: {  	_ =	swait.ge [sflag:s12], $0x400  }
0x61f: {  	s11 =	rddreg [dreg:$0x18]  }
0x620: {  	s11 =	sadd.s32 $0x1, s11  }
0x621: {  	p0 =	sne.s32 s11, $0x5  }
.Ltmp14:
0x622: {  	_ = 	snop;
	(pc) =	sbr.rel @p0 .LBB2_2-.Ltmp14, $4  }
.Ltmp15:
0x623: {  	s16 =	rddreg [dreg:$0x17];
	(pc) =	sbr.rel @!p0 .LBB2_26-.Ltmp15, $4  }
0x624: {  	s18 =	rddreg [dreg:$0x16];
	s0 =	sadd.s32 $0x1A0000, s16  }
0x625: {  	[sflag:s12] =	ssyncset.done $0x0;
	[dreg:$0x17] =	wrdreg s0;
	s0 =	sadd.s32 $0x1A0000, s18  }
0x626: {  	s5 =	simm.s32 $0x5000;
	[sflag:s12] =	ssyncadd.s32 $0xFFFFFC00;
	[dreg:$0x16] =	wrdreg s0  }
0x627: {  	_ = 	snop  }
.LBB2_20:
.Ltmp16:
0x628: {  	(pc) =	sbr.rel .LBB2_25-.Ltmp16, $2  }
0x629: {  	_ =	sdelay $0x2  }
0x62a: {  	s19 =	rddreg [dreg:$0x9]  }
.LBB2_22:
.Ltmp17:
0x62b: {  	(pc) =	sbr.rel .LBB2_25-.Ltmp17, $2  }
0x62c: {  	_ =	sdelay $0x2  }
0x62d: {  	s5 =	simm.s32 $0x2000  }
.LBB2_27:
0x62e: {  	_ =	sfence.sel $0x180000  }
0x62f: {  	[bflag:$0x0] =	sbarrier.arrive $0xFFFF  }
0x630: {  	_ =	strace $0x90000047  }
0x631: {  	s0 =	stileid.u32;
	[bflag:$0x2] =	sbarrier.arrive $0xFFFF  }
0x632: {  	p0 =	sne.s32 s0, $0x0;
	s0 =	rddreg [dreg:$0x3]  }
0x633: {  	s0 =	sadd.s32 @!p0 $0x100000, s0  }
0x634: {  	[sflag:s0] =	ssyncadd.tile.s32 @!p0 $0x1;
	_ =	shalt  }
.Lfunc_end2:
_tile_overlayer_lowered:
.L_overlay_start_2:
0x635: {  	(tag) =	ssettag $0x2  }
0x636: {  	s0 =	rddreg [dreg:$0x0];
	s2 =	stileid.u32  }
0x637: {  	s1 =	rddreg [dreg:$0x1];
	p0 =	sne.s32 s2, $0x0  }
0x638: {  	s3 =	rddreg [dreg:$0x2];
	[bflag:$0x3] =	sbarrier.arrive $0xFFFF;
	s2 =	simm.s32 @!p0 $0x1C0D  }
0x639: {  	[timem:s3], [sflag:s2] =	dma.local @!p0 [hbm:s0], s1  }
0x63a: {  	s0 =	simm.s32 @!p0 $0xD  }
0x63b: {  	_ =	swait.ge @!p0 [sflag:s0], s1  }
0x63c: {  	s1 =	ssub.s32 @!p0 $0x0, s1;
	[sflag:s0] =	ssyncset.done @!p0 $0x0  }
0x63d: {  	[sflag:s0] =	ssyncadd.s32 @!p0 s1  }
0x63e: {  	[bflag:$0x3] =	sbarrier.arrive $0xFFFF  }
0x63f: {  	_ =	shalt  }

</sc_bundles>
